<compile_context>
chip_gen: v7x
topology: tpu7x:2x2x1
jax: 0.10.2.dev20260603
libtpu: 0.0.44.dev20260713+nightly
codegen_flags: <defaults>
</compile_context>

<pallas_src>
import jax
import jax.numpy as jnp
from jax import lax
from jax.experimental import pallas as pl
from jax.experimental.pallas import tpu as pltpu
from jax.experimental.pallas import tpu_sc as plsc

N_U = 5000
N_I = 5000
N = N_U + N_I
NPAD = 10240
D = 128
E = 320000
NW = 32
EB = 80
NB = 126
EPT = EB * NB
E_PAD = NW * EPT
L = 8192
LPT = L // NW
PAD_NODE = NPAD - 1
RB = 2048



def _sc_deg_body(col_hbm, degp_hbm, colv, onesv, zv, sem, deg_sp):
    c = lax.axis_index("c")
    s = lax.axis_index("s")
    wid = c * 16 + s
    for k in range(EB // 16):
        onesv[pl.ds(k * 16, 16)] = jnp.full((16,), 1.0, jnp.float32)
    for k in range(40):
        zv[pl.ds(k * 16, 16)] = jnp.zeros((16,), jnp.float32)
    pltpu.sync_copy(col_hbm.at[wid], colv)
    pltpu.sync_copy(zv, deg_sp.at[pl.ds(s * 640, 640)])
    plsc.subcore_barrier()

    def chunk(q, carry):
        def fire(j, cc):
            pltpu.async_copy(onesv, deg_sp.at[colv.at[q * 6 + j]], sem,
                             add=True)
            return cc
        lax.fori_loop(0, 6, fire, 0)

        def drain(j, cc):
            pltpu.make_async_copy(onesv, deg_sp.at[colv.at[q * 6 + j]],
                                  sem).wait()
            return cc
        lax.fori_loop(0, 6, drain, 0)
        return carry

    lax.fori_loop(0, NB // 6, chunk, 0)
    plsc.subcore_barrier()
    pltpu.sync_copy(deg_sp.at[pl.ds(s * 640, 640)],
                    degp_hbm.at[c, pl.ds(s * 640, 640)])


def _sc_layer_body(u_hbm, pk_hbm, part_hbm,
                   pkv, ri0, ci0, ri1, ci1, ri2, ci2,
                   rows0, rows1, rows2, zb,
                   sg0, sg1, sg2, ss0, ss1, ss2, acc_sp):
    c = lax.axis_index("c")
    s = lax.axis_index("s")
    wid = c * 16 + s
    pltpu.sync_copy(pk_hbm.at[wid], pkv)

    def zbody(i, carry):
        for k in range(8):
            zb[i, pl.ds(k * 16, 16)] = jnp.zeros((16,), jnp.float32)
        return carry

    lax.fori_loop(0, 8, zbody, 0)

    def zchunk(q, carry):
        for t in range(8):
            pltpu.async_copy(
                zb, acc_sp.at[pl.ds(s * 640 + (q * 8 + t) * 8, 8)], ss0)
        for t in range(8):
            pltpu.make_async_copy(
                zb, acc_sp.at[pl.ds(s * 640 + (q * 8 + t) * 8, 8)],
                ss0).wait()
        return carry

    lax.fori_loop(0, 10, zchunk, 0)
    plsc.subcore_barrier()

    def unpack(j, rib, cib):
        for k in range(EB // 16):
            v = pkv[j, pl.ds(k * 16, 16)]
            rib[pl.ds(k * 16, 16)] = lax.shift_right_logical(v, 14)
            cib[pl.ds(k * 16, 16)] = lax.bitwise_and(v, 16383)

    def _gather(rib, buf, sem):
        pltpu.async_copy(u_hbm.at[rib], buf, sem)

    def _gather_wait(rib, buf, sem):
        pltpu.make_async_copy(u_hbm.at[rib], buf, sem).wait()

    def _scat(cib, buf, sem):
        pltpu.async_copy(buf, acc_sp.at[cib], sem, add=True)

    def _scat_wait(cib, buf, sem):
        pltpu.make_async_copy(buf, acc_sp.at[cib], sem).wait()

    bufs = ((ri0, ci0, rows0, sg0, ss0),
            (ri1, ci1, rows1, sg1, ss1),
            (ri2, ci2, rows2, sg2, ss2))

    for p in range(3):
        rib, cib, buf, sg, ss = bufs[p]
        unpack(p, rib, cib)
        _gather(rib, buf, sg)

    def pbody(jj, carry):
        j0 = 3 * jj
        for p in range(3):
            rib, cib, buf, sg, ss = bufs[p]
            _gather_wait(rib, buf, sg)
            _scat(cib, buf, ss)
        for p in range(3):
            rib, cib, buf, sg, ss = bufs[p]
            _scat_wait(cib, buf, ss)
            unpack(j0 + p + 3, rib, cib)
            _gather(rib, buf, sg)
        return carry

    lax.fori_loop(0, NB // 3 - 1, pbody, 0)
    for p in range(3):
        rib, cib, buf, sg, ss = bufs[p]
        _gather_wait(rib, buf, sg)
        _scat(cib, buf, ss)
    for p in range(3):
        rib, cib, buf, sg, ss = bufs[p]
        _scat_wait(cib, buf, ss)
    plsc.subcore_barrier()
    for t in range(5):
        pltpu.async_copy(acc_sp.at[pl.ds(s * 640 + t * 128, 128)],
                         part_hbm.at[c, pl.ds(s * 640 + t * 128, 128)], sg0)
    for t in range(5):
        pltpu.make_async_copy(acc_sp.at[pl.ds(s * 640 + t * 128, 128)],
                              part_hbm.at[c, pl.ds(s * 640 + t * 128, 128)],
                              sg0).wait()


def _sc_cls_body(out_hbm, ih_hbm, it_hbm, fo_hbm,
                 ihv, itv, rh0, rt0, rh1, rt1, foldv,
                 s0, s1, s2, s3):
    c = lax.axis_index("c")
    s = lax.axis_index("s")
    wid = c * 16 + s
    pltpu.sync_copy(ih_hbm.at[wid], ihv)
    pltpu.sync_copy(it_hbm.at[wid], itv)
    pltpu.async_copy(out_hbm.at[ihv.at[0]], rh0, s0)
    pltpu.async_copy(out_hbm.at[itv.at[0]], rt0, s1)
    pltpu.async_copy(out_hbm.at[ihv.at[1]], rh1, s2)
    pltpu.async_copy(out_hbm.at[itv.at[1]], rt1, s3)

    for b, (rh, rt, sa, sb) in enumerate(((rh0, rt0, s0, s1),
                                          (rh1, rt1, s2, s3))):
        pltpu.make_async_copy(out_hbm.at[ihv.at[b]], rh, sa).wait()
        pltpu.make_async_copy(out_hbm.at[itv.at[b]], rt, sb).wait()

        def pair(p, carry):
            acc = rh[p, pl.ds(0, 16)] * rt[p, pl.ds(0, 16)]
            for k in range(1, 8):
                acc = acc + (rh[p, pl.ds(k * 16, 16)] *
                             rt[p, pl.ds(k * 16, 16)])
            foldv[p, pl.ds(0, 16)] = acc
            return carry

        lax.fori_loop(0, 128, pair, 0)
        pltpu.sync_copy(foldv, fo_hbm.at[pl.ds(wid * LPT + b * 128, 128)])



def _tc_u0_body(degp_ref, x_ref, u0_ref):
    deg = degp_ref[0] + degp_ref[1]
    dinv = jnp.where(deg > 0, lax.rsqrt(deg), 0.0)
    u0_ref[...] = x_ref[...] * dinv


def _tc_u1_body(degp_ref, part_ref, u1_ref):
    agg = part_ref[0] + part_ref[1]
    deg = degp_ref[0] + degp_ref[1]
    w = jnp.where(deg > 0, 1.0 / deg, 0.0)
    u1_ref[...] = agg * w


def _tc_out_body(degp_ref, x_ref, p1_ref, p2_ref, out_ref):
    agg = p1_ref[0] + p1_ref[1] + p2_ref[0] + p2_ref[1]
    deg = degp_ref[0] + degp_ref[1]
    dinv = jnp.where(deg > 0, lax.rsqrt(deg), 0.0)
    out_ref[...] = (x_ref[...] + agg * dinv) * (1.0 / 3.0)


def _tc_dot_body(fo_ref, o_ref):
    o_ref[...] = jnp.sum(fo_ref[...], axis=-1)



def kernel(x_user, x_item, edge_index, edge_label_index):
    x = jnp.concatenate([x_user, x_item], axis=0)
    x_pad = jnp.pad(x, ((0, NPAD - N), (0, 0)))
    pad_iota = jnp.arange(E_PAD - E, dtype=jnp.int32)
    pad_row = N + ((pad_iota + 97) % (NPAD - N))
    pad_col = N + (pad_iota % (NPAD - N))
    row_p = jnp.concatenate([edge_index[0], pad_row])
    col_p = jnp.concatenate([edge_index[1], pad_col])
    col_t = col_p.reshape(NW, NB, EB)
    pk_t = ((row_p << 14) | col_p).reshape(NW, NB, EB)
    ih = edge_label_index[0].reshape(NW, 2, 128)
    it = (edge_label_index[1] + N_U).reshape(NW, 2, 128)

    mesh = plsc.VectorSubcoreMesh(core_axis_name="c", subcore_axis_name="s")

    deg_call = pl.kernel(
        _sc_deg_body,
        out_type=jax.ShapeDtypeStruct((2, NPAD), jnp.float32),
        mesh=mesh,
        scratch_types=[
            pltpu.VMEM((NB, EB), jnp.int32),
            pltpu.VMEM((EB,), jnp.float32),
            pltpu.VMEM((640,), jnp.float32),
            pltpu.SemaphoreType.DMA,
            pltpu.VMEM_SHARED((NPAD,), jnp.float32),
        ],
    )
    degp = deg_call(col_t)
    degp3 = degp.reshape(2, NPAD, 1)

    u0 = pl.pallas_call(
        _tc_u0_body,
        out_shape=jax.ShapeDtypeStruct((NPAD, D), jnp.float32),
        grid=(NPAD // RB,),
        in_specs=[
            pl.BlockSpec((2, RB, 1), lambda i: (0, i, 0)),
            pl.BlockSpec((RB, D), lambda i: (i, 0)),
        ],
        out_specs=pl.BlockSpec((RB, D), lambda i: (i, 0)),
    )(degp3, x_pad)

    layer_call = pl.kernel(
        _sc_layer_body,
        out_type=jax.ShapeDtypeStruct((2, NPAD, D), jnp.float32),
        mesh=mesh,
        scratch_types=[
            pltpu.VMEM((NB, EB), jnp.int32),
            pltpu.VMEM((EB,), jnp.int32),
            pltpu.VMEM((EB,), jnp.int32),
            pltpu.VMEM((EB,), jnp.int32),
            pltpu.VMEM((EB,), jnp.int32),
            pltpu.VMEM((EB,), jnp.int32),
            pltpu.VMEM((EB,), jnp.int32),
            pltpu.VMEM((EB, D), jnp.float32),
            pltpu.VMEM((EB, D), jnp.float32),
            pltpu.VMEM((EB, D), jnp.float32),
            pltpu.VMEM((8, D), jnp.float32),
            pltpu.SemaphoreType.DMA,
            pltpu.SemaphoreType.DMA,
            pltpu.SemaphoreType.DMA,
            pltpu.SemaphoreType.DMA,
            pltpu.SemaphoreType.DMA,
            pltpu.SemaphoreType.DMA,
            pltpu.VMEM_SHARED((NPAD, D), jnp.float32),
        ],
    )
    part1 = layer_call(u0, pk_t)

    u1 = pl.pallas_call(
        _tc_u1_body,
        out_shape=jax.ShapeDtypeStruct((NPAD, D), jnp.float32),
        grid=(NPAD // RB,),
        in_specs=[
            pl.BlockSpec((2, RB, 1), lambda i: (0, i, 0)),
            pl.BlockSpec((2, RB, D), lambda i: (0, i, 0)),
        ],
        out_specs=pl.BlockSpec((RB, D), lambda i: (i, 0)),
    )(degp3, part1)

    part2 = layer_call(u1, pk_t)

    out = pl.pallas_call(
        _tc_out_body,
        out_shape=jax.ShapeDtypeStruct((NPAD, D), jnp.float32),
        grid=(NPAD // RB,),
        in_specs=[
            pl.BlockSpec((2, RB, 1), lambda i: (0, i, 0)),
            pl.BlockSpec((RB, D), lambda i: (i, 0)),
            pl.BlockSpec((2, RB, D), lambda i: (0, i, 0)),
            pl.BlockSpec((2, RB, D), lambda i: (0, i, 0)),
        ],
        out_specs=pl.BlockSpec((RB, D), lambda i: (i, 0)),
    )(degp3, x_pad, part1, part2)

    cls_call = pl.kernel(
        _sc_cls_body,
        out_type=jax.ShapeDtypeStruct((L, 16), jnp.float32),
        mesh=mesh,
        scratch_types=[
            pltpu.VMEM((2, 128), jnp.int32),
            pltpu.VMEM((2, 128), jnp.int32),
            pltpu.VMEM((128, D), jnp.float32),
            pltpu.VMEM((128, D), jnp.float32),
            pltpu.VMEM((128, D), jnp.float32),
            pltpu.VMEM((128, D), jnp.float32),
            pltpu.VMEM((128, 16), jnp.float32),
            pltpu.SemaphoreType.DMA,
            pltpu.SemaphoreType.DMA,
            pltpu.SemaphoreType.DMA,
            pltpu.SemaphoreType.DMA,
        ],
    )
    fo = cls_call(out, ih, it)

    pred64 = pl.pallas_call(
        _tc_dot_body,
        out_shape=jax.ShapeDtypeStruct((L // 128, 128), jnp.float32),
        grid=(L // RB,),
        in_specs=[
            pl.BlockSpec((RB // 128, 128, 16), lambda i: (i, 0, 0)),
        ],
        out_specs=pl.BlockSpec((RB // 128, 128), lambda i: (i, 0)),
    )(fo.reshape(L // 128, 128, 16))

    return pred64.reshape(L)

# --- scband reference (transcript-rebuilt; emitter-appended) ---
"""Pipeline reference for scband-model-u2i-62182536511793 (READ-ONLY COPY).

The authoritative reference and input builder live on the scoring server;
editing this copy changes nothing except your own understanding.
"""

import jax, jax.numpy as jnp
import numpy as np

N_USERS = 5000
N_ITEMS = 5000
D = 128
E = 320000
L = 8192
NUM_LAYERS = 2


def setup_inputs(seed: int = 0) -> dict:
    key = jax.random.key(seed)
    k1, k2, k3, k4, k5 = jax.random.split(key, 5)
    x_user = jax.random.normal(k1, (N_USERS, D), dtype=jnp.float32)
    x_item = jax.random.normal(k2, (N_ITEMS, D), dtype=jnp.float32)
    N = N_USERS + N_ITEMS
    edge_index = jax.random.randint(k3, (2, E), 0, N, dtype=jnp.int32)
    eli_u = jax.random.randint(k4, (1, L), 0, N_USERS, dtype=jnp.int32)
    eli_i = jax.random.randint(k5, (1, L), 0, N_ITEMS, dtype=jnp.int32)
    edge_label_index = jnp.concatenate([eli_u, eli_i], axis=0)
    return {"x_user": x_user, "x_item": x_item, "edge_index": edge_index, "edge_label_index": edge_label_index}


def reference(x_user, x_item, edge_index, edge_label_index):
    # Model_u2i forward, stage='stage1', perturbed=False.
    # LightGCN(num_layers=2, normalize=True) over concat(user, item) embeddings,
    # then Classifier dot-product over edge_label_index.
    n_u = x_user.shape[0]
    x = jnp.concatenate([x_user, x_item], axis=0)
    N = x.shape[0]
    row = edge_index[0]
    col = edge_index[1]
    # gcn_norm (add_self_loops=False): deg from dst (col), sym norm
    ones = jnp.ones(row.shape[0], dtype=x.dtype)
    deg = jnp.zeros((N,), dtype=x.dtype).at[col].add(ones)
    deg_inv_sqrt = jnp.where(deg > 0, 1.0 / jnp.sqrt(deg), 0.0)
    norm = deg_inv_sqrt[row] * deg_inv_sqrt[col]

    def lgconv(h):
        msg = h[row] * norm[:, None]          # gather + scale
        return jnp.zeros_like(h).at[col].add(msg)  # scatter-add aggregate

    alpha = 1.0 / (NUM_LAYERS + 1)
    out = x * alpha
    h = x
    for _ in range(NUM_LAYERS):
        h = lgconv(h)
        out = out + h * alpha

    x_u = out[:n_u]
    x_i = out[n_u:]
    feat_h = x_u[edge_label_index[0]]
    feat_t = x_i[edge_label_index[1]]
    pred = (feat_h * feat_t).sum(axis=-1)
    return pred

if __name__ == "__main__":
    import jax
    _d = setup_inputs()
    print(jax.jit(kernel)(*tuple(_d.values())))

</pallas_src>

<mosaic_0001>
#map = affine_map<(d0, d1) -> (0, 0, 0)>
#map1 = affine_map<(d0, d1) -> (0, 0)>
module attributes {stable_mosaic.version = 14 : i64} {
  func.func @_sc_deg_body(%arg0: i32, %arg1: i32, %arg2: memref<32x126x80xi32, #tpu.memory_space<hbm>>, %arg3: memref<2x10240xf32, #tpu.memory_space<hbm>>, %arg4: memref<126x80xi32, #tpu.memory_space<vmem>>, %arg5: memref<80xf32, #tpu.memory_space<vmem>>, %arg6: memref<640xf32, #tpu.memory_space<vmem>>, %arg7: memref<!tpu.dma_semaphore, #tpu.memory_space<semaphore_mem>>, %arg8: memref<10240xf32, #tpu.memory_space<vmem_shared>>) attributes {dimension_semantics = [#tpu.dimension_semantics<core_parallel>, #tpu.dimension_semantics<subcore_parallel>], iteration_bounds = array<i64: 2, 16>, scalar_prefetch = 0 : i64, scratch_operands = 5 : i64, tpu.core_type = #tpu.core_type<sc_vector_subcore>, window_params = [{transform_indices = #map}, {transform_indices = #map1}]} {
    %mul3A = arith.constant 16 : i32
    %mul3A_0 = arith.muli %arg0, %mul3A : i32
    %add3A = arith.addi %mul3A_0, %arg1 : i32
    %broadcast_in_dim3A = arith.constant 1.000000e+00 : f32
    %broadcast_in_dim3A_1 = vector.broadcast %broadcast_in_dim3A : f32 to vector<16xf32>
    %swap3A = arith.constant 0 : index
    %swap3A_2 = tpu.vector_load %arg5[%swap3A] {strides = array<i32>} : memref<80xf32, #tpu.memory_space<vmem>>, vector<16xf32>,
    %swap3A_3 = vector.shape_cast %swap3A_2 : vector<16xf32> to vector<16xf32>
    %swap3A_4 = vector.shape_cast %broadcast_in_dim3A_1 : vector<16xf32> to vector<16xf32>
    tpu.vector_store %arg5[%swap3A], %swap3A_4 {strides = array<i32>} : memref<80xf32, #tpu.memory_space<vmem>>, vector<16xf32>,
    %broadcast_in_dim3A_5 = arith.constant 1.000000e+00 : f32
    %broadcast_in_dim3A_6 = vector.broadcast %broadcast_in_dim3A_5 : f32 to vector<16xf32>
    %swap3A_7 = arith.constant 16 : index
    %swap3A_8 = tpu.vector_load %arg5[%swap3A_7] {strides = array<i32>} : memref<80xf32, #tpu.memory_space<vmem>>, vector<16xf32>,
    %swap3A_9 = vector.shape_cast %swap3A_8 : vector<16xf32> to vector<16xf32>
    %swap3A_10 = vector.shape_cast %broadcast_in_dim3A_6 : vector<16xf32> to vector<16xf32>
    tpu.vector_store %arg5[%swap3A_7], %swap3A_10 {strides = array<i32>} : memref<80xf32, #tpu.memory_space<vmem>>, vector<16xf32>,
    %broadcast_in_dim3A_11 = arith.constant 1.000000e+00 : f32
    %broadcast_in_dim3A_12 = vector.broadcast %broadcast_in_dim3A_11 : f32 to vector<16xf32>
    %swap3A_13 = arith.constant 32 : index
    %swap3A_14 = tpu.vector_load %arg5[%swap3A_13] {strides = array<i32>} : memref<80xf32, #tpu.memory_space<vmem>>, vector<16xf32>,
    %swap3A_15 = vector.shape_cast %swap3A_14 : vector<16xf32> to vector<16xf32>
    %swap3A_16 = vector.shape_cast %broadcast_in_dim3A_12 : vector<16xf32> to vector<16xf32>
    tpu.vector_store %arg5[%swap3A_13], %swap3A_16 {strides = array<i32>} : memref<80xf32, #tpu.memory_space<vmem>>, vector<16xf32>,
    %broadcast_in_dim3A_17 = arith.constant 1.000000e+00 : f32
    %broadcast_in_dim3A_18 = vector.broadcast %broadcast_in_dim3A_17 : f32 to vector<16xf32>
    %swap3A_19 = arith.constant 48 : index
    %swap3A_20 = tpu.vector_load %arg5[%swap3A_19] {strides = array<i32>} : memref<80xf32, #tpu.memory_space<vmem>>, vector<16xf32>,
    %swap3A_21 = vector.shape_cast %swap3A_20 : vector<16xf32> to vector<16xf32>
    %swap3A_22 = vector.shape_cast %broadcast_in_dim3A_18 : vector<16xf32> to vector<16xf32>
    tpu.vector_store %arg5[%swap3A_19], %swap3A_22 {strides = array<i32>} : memref<80xf32, #tpu.memory_space<vmem>>, vector<16xf32>,
    %broadcast_in_dim3A_23 = arith.constant 1.000000e+00 : f32
    %broadcast_in_dim3A_24 = vector.broadcast %broadcast_in_dim3A_23 : f32 to vector<16xf32>
    %swap3A_25 = arith.constant 64 : index
    %swap3A_26 = tpu.vector_load %arg5[%swap3A_25] {strides = array<i32>} : memref<80xf32, #tpu.memory_space<vmem>>, vector<16xf32>,
    %swap3A_27 = vector.shape_cast %swap3A_26 : vector<16xf32> to vector<16xf32>
    %swap3A_28 = vector.shape_cast %broadcast_in_dim3A_24 : vector<16xf32> to vector<16xf32>
    tpu.vector_store %arg5[%swap3A_25], %swap3A_28 {strides = array<i32>} : memref<80xf32, #tpu.memory_space<vmem>>, vector<16xf32>,
    %broadcast_in_dim3A_29 = arith.constant 0.000000e+00 : f32
    %broadcast_in_dim3A_30 = vector.broadcast %broadcast_in_dim3A_29 : f32 to vector<16xf32>
    %swap3A_31 = arith.constant 0 : index
    %swap3A_32 = tpu.vector_load %arg6[%swap3A_31] {strides = array<i32>} : memref<640xf32, #tpu.memory_space<vmem>>, vector<16xf32>,
    %swap3A_33 = vector.shape_cast %swap3A_32 : vector<16xf32> to vector<16xf32>
    %swap3A_34 = vector.shape_cast %broadcast_in_dim3A_30 : vector<16xf32> to vector<16xf32>
    tpu.vector_store %arg6[%swap3A_31], %swap3A_34 {strides = array<i32>} : memref<640xf32, #tpu.memory_space<vmem>>, vector<16xf32>,
    %broadcast_in_dim3A_35 = arith.constant 0.000000e+00 : f32
    %broadcast_in_dim3A_36 = vector.broadcast %broadcast_in_dim3A_35 : f32 to vector<16xf32>
    %swap3A_37 = arith.constant 16 : index
    %swap3A_38 = tpu.vector_load %arg6[%swap3A_37] {strides = array<i32>} : memref<640xf32, #tpu.memory_space<vmem>>, vector<16xf32>,
    %swap3A_39 = vector.shape_cast %swap3A_38 : vector<16xf32> to vector<16xf32>
    %swap3A_40 = vector.shape_cast %broadcast_in_dim3A_36 : vector<16xf32> to vector<16xf32>
    tpu.vector_store %arg6[%swap3A_37], %swap3A_40 {strides = array<i32>} : memref<640xf32, #tpu.memory_space<vmem>>, vector<16xf32>,
    %broadcast_in_dim3A_41 = arith.constant 0.000000e+00 : f32
    %broadcast_in_dim3A_42 = vector.broadcast %broadcast_in_dim3A_41 : f32 to vector<16xf32>
    %swap3A_43 = arith.constant 32 : index
    %swap3A_44 = tpu.vector_load %arg6[%swap3A_43] {strides = array<i32>} : memref<640xf32, #tpu.memory_space<vmem>>, vector<16xf32>,
    %swap3A_45 = vector.shape_cast %swap3A_44 : vector<16xf32> to vector<16xf32>
    %swap3A_46 = vector.shape_cast %broadcast_in_dim3A_42 : vector<16xf32> to vector<16xf32>
    tpu.vector_store %arg6[%swap3A_43], %swap3A_46 {strides = array<i32>} : memref<640xf32, #tpu.memory_space<vmem>>, vector<16xf32>,
    %broadcast_in_dim3A_47 = arith.constant 0.000000e+00 : f32
    %broadcast_in_dim3A_48 = vector.broadcast %broadcast_in_dim3A_47 : f32 to vector<16xf32>
    %swap3A_49 = arith.constant 48 : index
    %swap3A_50 = tpu.vector_load %arg6[%swap3A_49] {strides = array<i32>} : memref<640xf32, #tpu.memory_space<vmem>>, vector<16xf32>,
    %swap3A_51 = vector.shape_cast %swap3A_50 : vector<16xf32> to vector<16xf32>
    %swap3A_52 = vector.shape_cast %broadcast_in_dim3A_48 : vector<16xf32> to vector<16xf32>
    tpu.vector_store %arg6[%swap3A_49], %swap3A_52 {strides = array<i32>} : memref<640xf32, #tpu.memory_space<vmem>>, vector<16xf32>,
    %broadcast_in_dim3A_53 = arith.constant 0.000000e+00 : f32
    %broadcast_in_dim3A_54 = vector.broadcast %broadcast_in_dim3A_53 : f32 to vector<16xf32>
    %swap3A_55 = arith.constant 64 : index
    %swap3A_56 = tpu.vector_load %arg6[%swap3A_55] {strides = array<i32>} : memref<640xf32, #tpu.memory_space<vmem>>, vector<16xf32>,
    %swap3A_57 = vector.shape_cast %swap3A_56 : vector<16xf32> to vector<16xf32>
    %swap3A_58 = vector.shape_cast %broadcast_in_dim3A_54 : vector<16xf32> to vector<16xf32>
    tpu.vector_store %arg6[%swap3A_55], %swap3A_58 {strides = array<i32>} : memref<640xf32, #tpu.memory_space<vmem>>, vector<16xf32>,
    %broadcast_in_dim3A_59 = arith.constant 0.000000e+00 : f32
    %broadcast_in_dim3A_60 = vector.broadcast %broadcast_in_dim3A_59 : f32 to vector<16xf32>
    %swap3A_61 = arith.constant 80 : index
    %swap3A_62 = tpu.vector_load %arg6[%swap3A_61] {strides = array<i32>} : memref<640xf32, #tpu.memory_space<vmem>>, vector<16xf32>,
    %swap3A_63 = vector.shape_cast %swap3A_62 : vector<16xf32> to vector<16xf32>
    %swap3A_64 = vector.shape_cast %broadcast_in_dim3A_60 : vector<16xf32> to vector<16xf32>
    tpu.vector_store %arg6[%swap3A_61], %swap3A_64 {strides = array<i32>} : memref<640xf32, #tpu.memory_space<vmem>>, vector<16xf32>,
    %broadcast_in_dim3A_65 = arith.constant 0.000000e+00 : f32
    %broadcast_in_dim3A_66 = vector.broadcast %broadcast_in_dim3A_65 : f32 to vector<16xf32>
    %swap3A_67 = arith.constant 96 : index
    %swap3A_68 = tpu.vector_load %arg6[%swap3A_67] {strides = array<i32>} : memref<640xf32, #tpu.memory_space<vmem>>, vector<16xf32>,
    %swap3A_69 = vector.shape_cast %swap3A_68 : vector<16xf32> to vector<16xf32>
    %swap3A_70 = vector.shape_cast %broadcast_in_dim3A_66 : vector<16xf32> to vector<16xf32>
    tpu.vector_store %arg6[%swap3A_67], %swap3A_70 {strides = array<i32>} : memref<640xf32, #tpu.memory_space<vmem>>, vector<16xf32>,
    %broadcast_in_dim3A_71 = arith.constant 0.000000e+00 : f32
    %broadcast_in_dim3A_72 = vector.broadcast %broadcast_in_dim3A_71 : f32 to vector<16xf32>
    %swap3A_73 = arith.constant 112 : index
    %swap3A_74 = tpu.vector_load %arg6[%swap3A_73] {strides = array<i32>} : memref<640xf32, #tpu.memory_space<vmem>>, vector<16xf32>,
    %swap3A_75 = vector.shape_cast %swap3A_74 : vector<16xf32> to vector<16xf32>
    %swap3A_76 = vector.shape_cast %broadcast_in_dim3A_72 : vector<16xf32> to vector<16xf32>
    tpu.vector_store %arg6[%swap3A_73], %swap3A_76 {strides = array<i32>} : memref<640xf32, #tpu.memory_space<vmem>>, vector<16xf32>,
    %broadcast_in_dim3A_77 = arith.constant 0.000000e+00 : f32
    %broadcast_in_dim3A_78 = vector.broadcast %broadcast_in_dim3A_77 : f32 to vector<16xf32>
    %swap3A_79 = arith.constant 128 : index
    %swap3A_80 = tpu.vector_load %arg6[%swap3A_79] {strides = array<i32>} : memref<640xf32, #tpu.memory_space<vmem>>, vector<16xf32>,
    %swap3A_81 = vector.shape_cast %swap3A_80 : vector<16xf32> to vector<16xf32>
    %swap3A_82 = vector.shape_cast %broadcast_in_dim3A_78 : vector<16xf32> to vector<16xf32>
    tpu.vector_store %arg6[%swap3A_79], %swap3A_82 {strides = array<i32>} : memref<640xf32, #tpu.memory_space<vmem>>, vector<16xf32>,
    %broadcast_in_dim3A_83 = arith.constant 0.000000e+00 : f32
    %broadcast_in_dim3A_84 = vector.broadcast %broadcast_in_dim3A_83 : f32 to vector<16xf32>
    %swap3A_85 = arith.constant 144 : index
    %swap3A_86 = tpu.vector_load %arg6[%swap3A_85] {strides = array<i32>} : memref<640xf32, #tpu.memory_space<vmem>>, vector<16xf32>,
    %swap3A_87 = vector.shape_cast %swap3A_86 : vector<16xf32> to vector<16xf32>
    %swap3A_88 = vector.shape_cast %broadcast_in_dim3A_84 : vector<16xf32> to vector<16xf32>
    tpu.vector_store %arg6[%swap3A_85], %swap3A_88 {strides = array<i32>} : memref<640xf32, #tpu.memory_space<vmem>>, vector<16xf32>,
    %broadcast_in_dim3A_89 = arith.constant 0.000000e+00 : f32
    %broadcast_in_dim3A_90 = vector.broadcast %broadcast_in_dim3A_89 : f32 to vector<16xf32>
    %swap3A_91 = arith.constant 160 : index
    %swap3A_92 = tpu.vector_load %arg6[%swap3A_91] {strides = array<i32>} : memref<640xf32, #tpu.memory_space<vmem>>, vector<16xf32>,
    %swap3A_93 = vector.shape_cast %swap3A_92 : vector<16xf32> to vector<16xf32>
    %swap3A_94 = vector.shape_cast %broadcast_in_dim3A_90 : vector<16xf32> to vector<16xf32>
    tpu.vector_store %arg6[%swap3A_91], %swap3A_94 {strides = array<i32>} : memref<640xf32, #tpu.memory_space<vmem>>, vector<16xf32>,
    %broadcast_in_dim3A_95 = arith.constant 0.000000e+00 : f32
    %broadcast_in_dim3A_96 = vector.broadcast %broadcast_in_dim3A_95 : f32 to vector<16xf32>
    %swap3A_97 = arith.constant 176 : index
    %swap3A_98 = tpu.vector_load %arg6[%swap3A_97] {strides = array<i32>} : memref<640xf32, #tpu.memory_space<vmem>>, vector<16xf32>,
    %swap3A_99 = vector.shape_cast %swap3A_98 : vector<16xf32> to vector<16xf32>
    %swap3A_100 = vector.shape_cast %broadcast_in_dim3A_96 : vector<16xf32> to vector<16xf32>
    tpu.vector_store %arg6[%swap3A_97], %swap3A_100 {strides = array<i32>} : memref<640xf32, #tpu.memory_space<vmem>>, vector<16xf32>,
    %broadcast_in_dim3A_101 = arith.constant 0.000000e+00 : f32
    %broadcast_in_dim3A_102 = vector.broadcast %broadcast_in_dim3A_101 : f32 to vector<16xf32>
    %swap3A_103 = arith.constant 192 : index
    %swap3A_104 = tpu.vector_load %arg6[%swap3A_103] {strides = array<i32>} : memref<640xf32, #tpu.memory_space<vmem>>, vector<16xf32>,
    %swap3A_105 = vector.shape_cast %swap3A_104 : vector<16xf32> to vector<16xf32>
    %swap3A_106 = vector.shape_cast %broadcast_in_dim3A_102 : vector<16xf32> to vector<16xf32>
    tpu.vector_store %arg6[%swap3A_103], %swap3A_106 {strides = array<i32>} : memref<640xf32, #tpu.memory_space<vmem>>, vector<16xf32>,
    %broadcast_in_dim3A_107 = arith.constant 0.000000e+00 : f32
    %broadcast_in_dim3A_108 = vector.broadcast %broadcast_in_dim3A_107 : f32 to vector<16xf32>
    %swap3A_109 = arith.constant 208 : index
    %swap3A_110 = tpu.vector_load %arg6[%swap3A_109] {strides = array<i32>} : memref<640xf32, #tpu.memory_space<vmem>>, vector<16xf32>,
    %swap3A_111 = vector.shape_cast %swap3A_110 : vector<16xf32> to vector<16xf32>
    %swap3A_112 = vector.shape_cast %broadcast_in_dim3A_108 : vector<16xf32> to vector<16xf32>
    tpu.vector_store %arg6[%swap3A_109], %swap3A_112 {strides = array<i32>} : memref<640xf32, #tpu.memory_space<vmem>>, vector<16xf32>,
    %broadcast_in_dim3A_113 = arith.constant 0.000000e+00 : f32
    %broadcast_in_dim3A_114 = vector.broadcast %broadcast_in_dim3A_113 : f32 to vector<16xf32>
    %swap3A_115 = arith.constant 224 : index
    %swap3A_116 = tpu.vector_load %arg6[%swap3A_115] {strides = array<i32>} : memref<640xf32, #tpu.memory_space<vmem>>, vector<16xf32>,
    %swap3A_117 = vector.shape_cast %swap3A_116 : vector<16xf32> to vector<16xf32>
    %swap3A_118 = vector.shape_cast %broadcast_in_dim3A_114 : vector<16xf32> to vector<16xf32>
    tpu.vector_store %arg6[%swap3A_115], %swap3A_118 {strides = array<i32>} : memref<640xf32, #tpu.memory_space<vmem>>, vector<16xf32>,
    %broadcast_in_dim3A_119 = arith.constant 0.000000e+00 : f32
    %broadcast_in_dim3A_120 = vector.broadcast %broadcast_in_dim3A_119 : f32 to vector<16xf32>
    %swap3A_121 = arith.constant 240 : index
    %swap3A_122 = tpu.vector_load %arg6[%swap3A_121] {strides = array<i32>} : memref<640xf32, #tpu.memory_space<vmem>>, vector<16xf32>,
    %swap3A_123 = vector.shape_cast %swap3A_122 : vector<16xf32> to vector<16xf32>
    %swap3A_124 = vector.shape_cast %broadcast_in_dim3A_120 : vector<16xf32> to vector<16xf32>
    tpu.vector_store %arg6[%swap3A_121], %swap3A_124 {strides = array<i32>} : memref<640xf32, #tpu.memory_space<vmem>>, vector<16xf32>,
    %broadcast_in_dim3A_125 = arith.constant 0.000000e+00 : f32
    %broadcast_in_dim3A_126 = vector.broadcast %broadcast_in_dim3A_125 : f32 to vector<16xf32>
    %swap3A_127 = arith.constant 256 : index
    %swap3A_128 = tpu.vector_load %arg6[%swap3A_127] {strides = array<i32>} : memref<640xf32, #tpu.memory_space<vmem>>, vector<16xf32>,
    %swap3A_129 = vector.shape_cast %swap3A_128 : vector<16xf32> to vector<16xf32>
    %swap3A_130 = vector.shape_cast %broadcast_in_dim3A_126 : vector<16xf32> to vector<16xf32>
    tpu.vector_store %arg6[%swap3A_127], %swap3A_130 {strides = array<i32>} : memref<640xf32, #tpu.memory_space<vmem>>, vector<16xf32>,
    %broadcast_in_dim3A_131 = arith.constant 0.000000e+00 : f32
    %broadcast_in_dim3A_132 = vector.broadcast %broadcast_in_dim3A_131 : f32 to vector<16xf32>
    %swap3A_133 = arith.constant 272 : index
    %swap3A_134 = tpu.vector_load %arg6[%swap3A_133] {strides = array<i32>} : memref<640xf32, #tpu.memory_space<vmem>>, vector<16xf32>,
    %swap3A_135 = vector.shape_cast %swap3A_134 : vector<16xf32> to vector<16xf32>
    %swap3A_136 = vector.shape_cast %broadcast_in_dim3A_132 : vector<16xf32> to vector<16xf32>
    tpu.vector_store %arg6[%swap3A_133], %swap3A_136 {strides = array<i32>} : memref<640xf32, #tpu.memory_space<vmem>>, vector<16xf32>,
    %broadcast_in_dim3A_137 = arith.constant 0.000000e+00 : f32
    %broadcast_in_dim3A_138 = vector.broadcast %broadcast_in_dim3A_137 : f32 to vector<16xf32>
    %swap3A_139 = arith.constant 288 : index
    %swap3A_140 = tpu.vector_load %arg6[%swap3A_139] {strides = array<i32>} : memref<640xf32, #tpu.memory_space<vmem>>, vector<16xf32>,
    %swap3A_141 = vector.shape_cast %swap3A_140 : vector<16xf32> to vector<16xf32>
    %swap3A_142 = vector.shape_cast %broadcast_in_dim3A_138 : vector<16xf32> to vector<16xf32>
    tpu.vector_store %arg6[%swap3A_139], %swap3A_142 {strides = array<i32>} : memref<640xf32, #tpu.memory_space<vmem>>, vector<16xf32>,
    %broadcast_in_dim3A_143 = arith.constant 0.000000e+00 : f32
    %broadcast_in_dim3A_144 = vector.broadcast %broadcast_in_dim3A_143 : f32 to vector<16xf32>
    %swap3A_145 = arith.constant 304 : index
    %swap3A_146 = tpu.vector_load %arg6[%swap3A_145] {strides = array<i32>} : memref<640xf32, #tpu.memory_space<vmem>>, vector<16xf32>,
    %swap3A_147 = vector.shape_cast %swap3A_146 : vector<16xf32> to vector<16xf32>
    %swap3A_148 = vector.shape_cast %broadcast_in_dim3A_144 : vector<16xf32> to vector<16xf32>
    tpu.vector_store %arg6[%swap3A_145], %swap3A_148 {strides = array<i32>} : memref<640xf32, #tpu.memory_space<vmem>>, vector<16xf32>,
    %broadcast_in_dim3A_149 = arith.constant 0.000000e+00 : f32
    %broadcast_in_dim3A_150 = vector.broadcast %broadcast_in_dim3A_149 : f32 to vector<16xf32>
    %swap3A_151 = arith.constant 320 : index
    %swap3A_152 = tpu.vector_load %arg6[%swap3A_151] {strides = array<i32>} : memref<640xf32, #tpu.memory_space<vmem>>, vector<16xf32>,
    %swap3A_153 = vector.shape_cast %swap3A_152 : vector<16xf32> to vector<16xf32>
    %swap3A_154 = vector.shape_cast %broadcast_in_dim3A_150 : vector<16xf32> to vector<16xf32>
    tpu.vector_store %arg6[%swap3A_151], %swap3A_154 {strides = array<i32>} : memref<640xf32, #tpu.memory_space<vmem>>, vector<16xf32>,
    %broadcast_in_dim3A_155 = arith.constant 0.000000e+00 : f32
    %broadcast_in_dim3A_156 = vector.broadcast %broadcast_in_dim3A_155 : f32 to vector<16xf32>
    %swap3A_157 = arith.constant 336 : index
    %swap3A_158 = tpu.vector_load %arg6[%swap3A_157] {strides = array<i32>} : memref<640xf32, #tpu.memory_space<vmem>>, vector<16xf32>,
    %swap3A_159 = vector.shape_cast %swap3A_158 : vector<16xf32> to vector<16xf32>
    %swap3A_160 = vector.shape_cast %broadcast_in_dim3A_156 : vector<16xf32> to vector<16xf32>
    tpu.vector_store %arg6[%swap3A_157], %swap3A_160 {strides = array<i32>} : memref<640xf32, #tpu.memory_space<vmem>>, vector<16xf32>,
    %broadcast_in_dim3A_161 = arith.constant 0.000000e+00 : f32
    %broadcast_in_dim3A_162 = vector.broadcast %broadcast_in_dim3A_161 : f32 to vector<16xf32>
    %swap3A_163 = arith.constant 352 : index
    %swap3A_164 = tpu.vector_load %arg6[%swap3A_163] {strides = array<i32>} : memref<640xf32, #tpu.memory_space<vmem>>, vector<16xf32>,
    %swap3A_165 = vector.shape_cast %swap3A_164 : vector<16xf32> to vector<16xf32>
    %swap3A_166 = vector.shape_cast %broadcast_in_dim3A_162 : vector<16xf32> to vector<16xf32>
    tpu.vector_store %arg6[%swap3A_163], %swap3A_166 {strides = array<i32>} : memref<640xf32, #tpu.memory_space<vmem>>, vector<16xf32>,
    %broadcast_in_dim3A_167 = arith.constant 0.000000e+00 : f32
    %broadcast_in_dim3A_168 = vector.broadcast %broadcast_in_dim3A_167 : f32 to vector<16xf32>
    %swap3A_169 = arith.constant 368 : index
    %swap3A_170 = tpu.vector_load %arg6[%swap3A_169] {strides = array<i32>} : memref<640xf32, #tpu.memory_space<vmem>>, vector<16xf32>,
    %swap3A_171 = vector.shape_cast %swap3A_170 : vector<16xf32> to vector<16xf32>
    %swap3A_172 = vector.shape_cast %broadcast_in_dim3A_168 : vector<16xf32> to vector<16xf32>
    tpu.vector_store %arg6[%swap3A_169], %swap3A_172 {strides = array<i32>} : memref<640xf32, #tpu.memory_space<vmem>>, vector<16xf32>,
    %broadcast_in_dim3A_173 = arith.constant 0.000000e+00 : f32
    %broadcast_in_dim3A_174 = vector.broadcast %broadcast_in_dim3A_173 : f32 to vector<16xf32>
    %swap3A_175 = arith.constant 384 : index
    %swap3A_176 = tpu.vector_load %arg6[%swap3A_175] {strides = array<i32>} : memref<640xf32, #tpu.memory_space<vmem>>, vector<16xf32>,
    %swap3A_177 = vector.shape_cast %swap3A_176 : vector<16xf32> to vector<16xf32>
    %swap3A_178 = vector.shape_cast %broadcast_in_dim3A_174 : vector<16xf32> to vector<16xf32>
    tpu.vector_store %arg6[%swap3A_175], %swap3A_178 {strides = array<i32>} : memref<640xf32, #tpu.memory_space<vmem>>, vector<16xf32>,
    %broadcast_in_dim3A_179 = arith.constant 0.000000e+00 : f32
    %broadcast_in_dim3A_180 = vector.broadcast %broadcast_in_dim3A_179 : f32 to vector<16xf32>
    %swap3A_181 = arith.constant 400 : index
    %swap3A_182 = tpu.vector_load %arg6[%swap3A_181] {strides = array<i32>} : memref<640xf32, #tpu.memory_space<vmem>>, vector<16xf32>,
    %swap3A_183 = vector.shape_cast %swap3A_182 : vector<16xf32> to vector<16xf32>
    %swap3A_184 = vector.shape_cast %broadcast_in_dim3A_180 : vector<16xf32> to vector<16xf32>
    tpu.vector_store %arg6[%swap3A_181], %swap3A_184 {strides = array<i32>} : memref<640xf32, #tpu.memory_space<vmem>>, vector<16xf32>,
    %broadcast_in_dim3A_185 = arith.constant 0.000000e+00 : f32
    %broadcast_in_dim3A_186 = vector.broadcast %broadcast_in_dim3A_185 : f32 to vector<16xf32>
    %swap3A_187 = arith.constant 416 : index
    %swap3A_188 = tpu.vector_load %arg6[%swap3A_187] {strides = array<i32>} : memref<640xf32, #tpu.memory_space<vmem>>, vector<16xf32>,
    %swap3A_189 = vector.shape_cast %swap3A_188 : vector<16xf32> to vector<16xf32>
    %swap3A_190 = vector.shape_cast %broadcast_in_dim3A_186 : vector<16xf32> to vector<16xf32>
    tpu.vector_store %arg6[%swap3A_187], %swap3A_190 {strides = array<i32>} : memref<640xf32, #tpu.memory_space<vmem>>, vector<16xf32>,
    %broadcast_in_dim3A_191 = arith.constant 0.000000e+00 : f32
    %broadcast_in_dim3A_192 = vector.broadcast %broadcast_in_dim3A_191 : f32 to vector<16xf32>
    %swap3A_193 = arith.constant 432 : index
    %swap3A_194 = tpu.vector_load %arg6[%swap3A_193] {strides = array<i32>} : memref<640xf32, #tpu.memory_space<vmem>>, vector<16xf32>,
    %swap3A_195 = vector.shape_cast %swap3A_194 : vector<16xf32> to vector<16xf32>
    %swap3A_196 = vector.shape_cast %broadcast_in_dim3A_192 : vector<16xf32> to vector<16xf32>
    tpu.vector_store %arg6[%swap3A_193], %swap3A_196 {strides = array<i32>} : memref<640xf32, #tpu.memory_space<vmem>>, vector<16xf32>,
    %broadcast_in_dim3A_197 = arith.constant 0.000000e+00 : f32
    %broadcast_in_dim3A_198 = vector.broadcast %broadcast_in_dim3A_197 : f32 to vector<16xf32>
    %swap3A_199 = arith.constant 448 : index
    %swap3A_200 = tpu.vector_load %arg6[%swap3A_199] {strides = array<i32>} : memref<640xf32, #tpu.memory_space<vmem>>, vector<16xf32>,
    %swap3A_201 = vector.shape_cast %swap3A_200 : vector<16xf32> to vector<16xf32>
    %swap3A_202 = vector.shape_cast %broadcast_in_dim3A_198 : vector<16xf32> to vector<16xf32>
    tpu.vector_store %arg6[%swap3A_199], %swap3A_202 {strides = array<i32>} : memref<640xf32, #tpu.memory_space<vmem>>, vector<16xf32>,
    %broadcast_in_dim3A_203 = arith.constant 0.000000e+00 : f32
    %broadcast_in_dim3A_204 = vector.broadcast %broadcast_in_dim3A_203 : f32 to vector<16xf32>
    %swap3A_205 = arith.constant 464 : index
    %swap3A_206 = tpu.vector_load %arg6[%swap3A_205] {strides = array<i32>} : memref<640xf32, #tpu.memory_space<vmem>>, vector<16xf32>,
    %swap3A_207 = vector.shape_cast %swap3A_206 : vector<16xf32> to vector<16xf32>
    %swap3A_208 = vector.shape_cast %broadcast_in_dim3A_204 : vector<16xf32> to vector<16xf32>
    tpu.vector_store %arg6[%swap3A_205], %swap3A_208 {strides = array<i32>} : memref<640xf32, #tpu.memory_space<vmem>>, vector<16xf32>,
    %broadcast_in_dim3A_209 = arith.constant 0.000000e+00 : f32
    %broadcast_in_dim3A_210 = vector.broadcast %broadcast_in_dim3A_209 : f32 to vector<16xf32>
    %swap3A_211 = arith.constant 480 : index
    %swap3A_212 = tpu.vector_load %arg6[%swap3A_211] {strides = array<i32>} : memref<640xf32, #tpu.memory_space<vmem>>, vector<16xf32>,
    %swap3A_213 = vector.shape_cast %swap3A_212 : vector<16xf32> to vector<16xf32>
    %swap3A_214 = vector.shape_cast %broadcast_in_dim3A_210 : vector<16xf32> to vector<16xf32>
    tpu.vector_store %arg6[%swap3A_211], %swap3A_214 {strides = array<i32>} : memref<640xf32, #tpu.memory_space<vmem>>, vector<16xf32>,
    %broadcast_in_dim3A_215 = arith.constant 0.000000e+00 : f32
    %broadcast_in_dim3A_216 = vector.broadcast %broadcast_in_dim3A_215 : f32 to vector<16xf32>
    %swap3A_217 = arith.constant 496 : index
    %swap3A_218 = tpu.vector_load %arg6[%swap3A_217] {strides = array<i32>} : memref<640xf32, #tpu.memory_space<vmem>>, vector<16xf32>,
    %swap3A_219 = vector.shape_cast %swap3A_218 : vector<16xf32> to vector<16xf32>
    %swap3A_220 = vector.shape_cast %broadcast_in_dim3A_216 : vector<16xf32> to vector<16xf32>
    tpu.vector_store %arg6[%swap3A_217], %swap3A_220 {strides = array<i32>} : memref<640xf32, #tpu.memory_space<vmem>>, vector<16xf32>,
    %broadcast_in_dim3A_221 = arith.constant 0.000000e+00 : f32
    %broadcast_in_dim3A_222 = vector.broadcast %broadcast_in_dim3A_221 : f32 to vector<16xf32>
    %swap3A_223 = arith.constant 512 : index
    %swap3A_224 = tpu.vector_load %arg6[%swap3A_223] {strides = array<i32>} : memref<640xf32, #tpu.memory_space<vmem>>, vector<16xf32>,
    %swap3A_225 = vector.shape_cast %swap3A_224 : vector<16xf32> to vector<16xf32>
    %swap3A_226 = vector.shape_cast %broadcast_in_dim3A_222 : vector<16xf32> to vector<16xf32>
    tpu.vector_store %arg6[%swap3A_223], %swap3A_226 {strides = array<i32>} : memref<640xf32, #tpu.memory_space<vmem>>, vector<16xf32>,
    %broadcast_in_dim3A_227 = arith.constant 0.000000e+00 : f32
    %broadcast_in_dim3A_228 = vector.broadcast %broadcast_in_dim3A_227 : f32 to vector<16xf32>
    %swap3A_229 = arith.constant 528 : index
    %swap3A_230 = tpu.vector_load %arg6[%swap3A_229] {strides = array<i32>} : memref<640xf32, #tpu.memory_space<vmem>>, vector<16xf32>,
    %swap3A_231 = vector.shape_cast %swap3A_230 : vector<16xf32> to vector<16xf32>
    %swap3A_232 = vector.shape_cast %broadcast_in_dim3A_228 : vector<16xf32> to vector<16xf32>
    tpu.vector_store %arg6[%swap3A_229], %swap3A_232 {strides = array<i32>} : memref<640xf32, #tpu.memory_space<vmem>>, vector<16xf32>,
    %broadcast_in_dim3A_233 = arith.constant 0.000000e+00 : f32
    %broadcast_in_dim3A_234 = vector.broadcast %broadcast_in_dim3A_233 : f32 to vector<16xf32>
    %swap3A_235 = arith.constant 544 : index
    %swap3A_236 = tpu.vector_load %arg6[%swap3A_235] {strides = array<i32>} : memref<640xf32, #tpu.memory_space<vmem>>, vector<16xf32>,
    %swap3A_237 = vector.shape_cast %swap3A_236 : vector<16xf32> to vector<16xf32>
    %swap3A_238 = vector.shape_cast %broadcast_in_dim3A_234 : vector<16xf32> to vector<16xf32>
    tpu.vector_store %arg6[%swap3A_235], %swap3A_238 {strides = array<i32>} : memref<640xf32, #tpu.memory_space<vmem>>, vector<16xf32>,
    %broadcast_in_dim3A_239 = arith.constant 0.000000e+00 : f32
    %broadcast_in_dim3A_240 = vector.broadcast %broadcast_in_dim3A_239 : f32 to vector<16xf32>
    %swap3A_241 = arith.constant 560 : index
    %swap3A_242 = tpu.vector_load %arg6[%swap3A_241] {strides = array<i32>} : memref<640xf32, #tpu.memory_space<vmem>>, vector<16xf32>,
    %swap3A_243 = vector.shape_cast %swap3A_242 : vector<16xf32> to vector<16xf32>
    %swap3A_244 = vector.shape_cast %broadcast_in_dim3A_240 : vector<16xf32> to vector<16xf32>
    tpu.vector_store %arg6[%swap3A_241], %swap3A_244 {strides = array<i32>} : memref<640xf32, #tpu.memory_space<vmem>>, vector<16xf32>,
    %broadcast_in_dim3A_245 = arith.constant 0.000000e+00 : f32
    %broadcast_in_dim3A_246 = vector.broadcast %broadcast_in_dim3A_245 : f32 to vector<16xf32>
    %swap3A_247 = arith.constant 576 : index
    %swap3A_248 = tpu.vector_load %arg6[%swap3A_247] {strides = array<i32>} : memref<640xf32, #tpu.memory_space<vmem>>, vector<16xf32>,
    %swap3A_249 = vector.shape_cast %swap3A_248 : vector<16xf32> to vector<16xf32>
    %swap3A_250 = vector.shape_cast %broadcast_in_dim3A_246 : vector<16xf32> to vector<16xf32>
    tpu.vector_store %arg6[%swap3A_247], %swap3A_250 {strides = array<i32>} : memref<640xf32, #tpu.memory_space<vmem>>, vector<16xf32>,
    %broadcast_in_dim3A_251 = arith.constant 0.000000e+00 : f32
    %broadcast_in_dim3A_252 = vector.broadcast %broadcast_in_dim3A_251 : f32 to vector<16xf32>
    %swap3A_253 = arith.constant 592 : index
    %swap3A_254 = tpu.vector_load %arg6[%swap3A_253] {strides = array<i32>} : memref<640xf32, #tpu.memory_space<vmem>>, vector<16xf32>,
    %swap3A_255 = vector.shape_cast %swap3A_254 : vector<16xf32> to vector<16xf32>
    %swap3A_256 = vector.shape_cast %broadcast_in_dim3A_252 : vector<16xf32> to vector<16xf32>
    tpu.vector_store %arg6[%swap3A_253], %swap3A_256 {strides = array<i32>} : memref<640xf32, #tpu.memory_space<vmem>>, vector<16xf32>,
    %broadcast_in_dim3A_257 = arith.constant 0.000000e+00 : f32
    %broadcast_in_dim3A_258 = vector.broadcast %broadcast_in_dim3A_257 : f32 to vector<16xf32>
    %swap3A_259 = arith.constant 608 : index
    %swap3A_260 = tpu.vector_load %arg6[%swap3A_259] {strides = array<i32>} : memref<640xf32, #tpu.memory_space<vmem>>, vector<16xf32>,
    %swap3A_261 = vector.shape_cast %swap3A_260 : vector<16xf32> to vector<16xf32>
    %swap3A_262 = vector.shape_cast %broadcast_in_dim3A_258 : vector<16xf32> to vector<16xf32>
    tpu.vector_store %arg6[%swap3A_259], %swap3A_262 {strides = array<i32>} : memref<640xf32, #tpu.memory_space<vmem>>, vector<16xf32>,
    %broadcast_in_dim3A_263 = arith.constant 0.000000e+00 : f32
    %broadcast_in_dim3A_264 = vector.broadcast %broadcast_in_dim3A_263 : f32 to vector<16xf32>
    %swap3A_265 = arith.constant 624 : index
    %swap3A_266 = tpu.vector_load %arg6[%swap3A_265] {strides = array<i32>} : memref<640xf32, #tpu.memory_space<vmem>>, vector<16xf32>,
    %swap3A_267 = vector.shape_cast %swap3A_266 : vector<16xf32> to vector<16xf32>
    %swap3A_268 = vector.shape_cast %broadcast_in_dim3A_264 : vector<16xf32> to vector<16xf32>
    tpu.vector_store %arg6[%swap3A_265], %swap3A_268 {strides = array<i32>} : memref<640xf32, #tpu.memory_space<vmem>>, vector<16xf32>,
    "tpu.region"() ({
      %run_scoped3A = tpu.sem_alloc : memref<!tpu.dma_semaphore, #tpu.memory_space<semaphore_mem>>
      %dma_start3A = arith.constant 0 : i32
      %dma_start3A_281 = arith.constant 0 : i32
      %dma_start3A_282 = tpu.memref_slice %arg2[%add3A, %dma_start3A, %dma_start3A_281] : memref<32x126x80xi32, #tpu.memory_space<hbm>> -> memref<1x126x80xi32, #tpu.memory_space<hbm>>
      %dma_start3A_283 = tpu.memref_squeeze %dma_start3A_282 : memref<1x126x80xi32, #tpu.memory_space<hbm>> -> memref<126x80xi32, #tpu.memory_space<hbm>>
      %dma_start3A_284 = arith.constant 0 : i32
      %dma_start3A_285 = arith.constant 0 : i32
      %dma_start3A_286 = tpu.memref_slice %arg2[%add3A, %dma_start3A_284, %dma_start3A_285] : memref<32x126x80xi32, #tpu.memory_space<hbm>> -> memref<1x126x80xi32, #tpu.memory_space<hbm>>
      %dma_start3A_287 = tpu.memref_squeeze %dma_start3A_286 : memref<1x126x80xi32, #tpu.memory_space<hbm>> -> memref<126x80xi32, #tpu.memory_space<hbm>>
      tpu.enqueue_dma source(%dma_start3A_287 : memref<126x80xi32, #tpu.memory_space<hbm>>) target(%arg4 : memref<126x80xi32, #tpu.memory_space<vmem>>) target_semaphore(%run_scoped3A : memref<!tpu.dma_semaphore, #tpu.memory_space<semaphore_mem>>)
      %dma_wait3A = arith.constant 0 : i32
      %dma_wait3A_288 = arith.constant 0 : i32
      %dma_wait3A_289 = tpu.memref_slice %arg2[%add3A, %dma_wait3A, %dma_wait3A_288] : memref<32x126x80xi32, #tpu.memory_space<hbm>> -> memref<1x126x80xi32, #tpu.memory_space<hbm>>
      %dma_wait3A_290 = tpu.memref_squeeze %dma_wait3A_289 : memref<1x126x80xi32, #tpu.memory_space<hbm>> -> memref<126x80xi32, #tpu.memory_space<hbm>>
      %dma_wait3A_291 = arith.constant 0 : i32
      %dma_wait3A_292 = arith.constant 0 : i32
      %dma_wait3A_293 = tpu.memref_slice %arg2[%add3A, %dma_wait3A_291, %dma_wait3A_292] : memref<32x126x80xi32, #tpu.memory_space<hbm>> -> memref<1x126x80xi32, #tpu.memory_space<hbm>>
      %dma_wait3A_294 = tpu.memref_squeeze %dma_wait3A_293 : memref<1x126x80xi32, #tpu.memory_space<hbm>> -> memref<126x80xi32, #tpu.memory_space<hbm>>
      tpu.wait_dma2 semaphore(%run_scoped3A : memref<!tpu.dma_semaphore, #tpu.memory_space<semaphore_mem>>) src(%dma_wait3A_294 : memref<126x80xi32, #tpu.memory_space<hbm>>) dst(%arg4 : memref<126x80xi32, #tpu.memory_space<vmem>>)
      tpu.yield
    }) : () -> ()
    %mul3A_269 = arith.constant 640 : i32
    %mul3A_270 = arith.muli %arg1, %mul3A_269 : i32
    "tpu.region"() ({
      %run_scoped3A = tpu.sem_alloc : memref<!tpu.dma_semaphore, #tpu.memory_space<semaphore_mem>>
      %dma_start3A = tpu.memref_slice %arg8[%mul3A_270] : memref<10240xf32, #tpu.memory_space<vmem_shared>> -> memref<640xf32, #tpu.memory_space<vmem_shared>>
      %dma_start3A_281 = tpu.memref_slice %arg8[%mul3A_270] : memref<10240xf32, #tpu.memory_space<vmem_shared>> -> memref<640xf32, #tpu.memory_space<vmem_shared>>
      tpu.enqueue_dma source(%arg6 : memref<640xf32, #tpu.memory_space<vmem>>) target(%dma_start3A_281 : memref<640xf32, #tpu.memory_space<vmem_shared>>) target_semaphore(%run_scoped3A : memref<!tpu.dma_semaphore, #tpu.memory_space<semaphore_mem>>)
      %dma_wait3A = tpu.memref_slice %arg8[%mul3A_270] : memref<10240xf32, #tpu.memory_space<vmem_shared>> -> memref<640xf32, #tpu.memory_space<vmem_shared>>
      %dma_wait3A_282 = tpu.memref_slice %arg8[%mul3A_270] : memref<10240xf32, #tpu.memory_space<vmem_shared>> -> memref<640xf32, #tpu.memory_space<vmem_shared>>
      tpu.wait_dma2 semaphore(%run_scoped3A : memref<!tpu.dma_semaphore, #tpu.memory_space<semaphore_mem>>) src(%arg6 : memref<640xf32, #tpu.memory_space<vmem>>) dst(%dma_wait3A_282 : memref<640xf32, #tpu.memory_space<vmem_shared>>)
      tpu.yield
    }) : () -> ()
    %barrier3A = arith.constant 0 : index
    tpu.barrier barrier_id(%barrier3A)
    %scan3A = arith.constant 0 : i32
    %scan3A_271 = arith.constant 0 : i32
    %scan3A_272 = arith.constant 21 : i32
    %scan3A_273 = arith.addi %scan3A_271, %scan3A_272 : i32
    %scan3A_274 = arith.constant 1 : i32
    scf.for %scan3A_281 = %scan3A_271 to %scan3A_273 step %scan3A_274  : i32 {
      %scan3A_282 = arith.constant 0 : i32
      %scan3A_283 = arith.constant 0 : i32
      %scan3A_284 = arith.constant 6 : i32
      %scan3A_285 = arith.addi %scan3A_283, %scan3A_284 : i32
      %scan3A_286 = arith.constant 1 : i32
      scf.for %scan3A_294 = %scan3A_283 to %scan3A_285 step %scan3A_286  : i32 {
        %mul3A_295 = arith.constant 6 : i32
        %mul3A_296 = arith.muli %scan3A_281, %mul3A_295 : i32
        %add3A_297 = arith.addi %mul3A_296, %scan3A_294 : i32
        %dma_start3A = arith.constant 0 : i32
        %dma_start3A_298 = tpu.memref_slice %arg4[%add3A_297, %dma_start3A] : memref<126x80xi32, #tpu.memory_space<vmem>> -> memref<1x80xi32, #tpu.memory_space<vmem>>
        %dma_start3A_299 = tpu.memref_squeeze %dma_start3A_298 : memref<1x80xi32, #tpu.memory_space<vmem>> -> memref<80xi32, #tpu.memory_space<vmem>>
        %dma_start3A_300 = arith.constant 0 : i32
        %dma_start3A_301 = tpu.memref_slice %arg8[%dma_start3A_300] : memref<10240xf32, #tpu.memory_space<vmem_shared>> -> memref<10240xf32, #tpu.memory_space<vmem_shared>>
        tpu.enqueue_indirect_dma source(%arg5 : memref<80xf32, #tpu.memory_space<vmem>>) target(%dma_start3A_301 : memref<10240xf32, #tpu.memory_space<vmem_shared>>) offsets(%dma_start3A_299 : memref<80xi32, #tpu.memory_space<vmem>>) semaphore(%arg7 : memref<!tpu.dma_semaphore, #tpu.memory_space<semaphore_mem>>) {add = true}
      }
      %scan3A_287 = arith.constant 6 : i32
      %scan3A_288 = arith.constant 0 : i32
      %scan3A_289 = arith.constant 0 : i32
      %scan3A_290 = arith.constant 6 : i32
      %scan3A_291 = arith.addi %scan3A_289, %scan3A_290 : i32
      %scan3A_292 = arith.constant 1 : i32
      scf.for %scan3A_294 = %scan3A_289 to %scan3A_291 step %scan3A_292  : i32 {
        %mul3A_295 = arith.constant 6 : i32
        %mul3A_296 = arith.muli %scan3A_281, %mul3A_295 : i32
        %add3A_297 = arith.addi %mul3A_296, %scan3A_294 : i32
        %dma_wait3A = arith.constant 0 : i32
        %dma_wait3A_298 = tpu.memref_slice %arg4[%add3A_297, %dma_wait3A] : memref<126x80xi32, #tpu.memory_space<vmem>> -> memref<1x80xi32, #tpu.memory_space<vmem>>
        %dma_wait3A_299 = tpu.memref_squeeze %dma_wait3A_298 : memref<1x80xi32, #tpu.memory_space<vmem>> -> memref<80xi32, #tpu.memory_space<vmem>>
        %dma_wait3A_300 = arith.constant 0 : i32
        %dma_wait3A_301 = tpu.memref_slice %arg8[%dma_wait3A_300] : memref<10240xf32, #tpu.memory_space<vmem_shared>> -> memref<10240xf32, #tpu.memory_space<vmem_shared>>
        tpu.wait_indirect_dma semaphore(%arg7 : memref<!tpu.dma_semaphore, #tpu.memory_space<semaphore_mem>>) src(%arg5 : memref<80xf32, #tpu.memory_space<vmem>>) dst(%dma_wait3A_301 : memref<10240xf32, #tpu.memory_space<vmem_shared>>)
      }
      %scan3A_293 = arith.constant 6 : i32
    }
    %scan3A_275 = arith.constant 21 : i32
    %barrier3A_276 = arith.constant 0 : index
    tpu.barrier barrier_id(%barrier3A_276)
    %mul3A_277 = arith.constant 640 : i32
    %mul3A_278 = arith.muli %arg1, %mul3A_277 : i32
    %mul3A_279 = arith.constant 640 : i32
    %mul3A_280 = arith.muli %arg1, %mul3A_279 : i32
    "tpu.region"() ({
      %run_scoped3A = tpu.sem_alloc : memref<!tpu.dma_semaphore, #tpu.memory_space<semaphore_mem>>
      %dma_start3A = tpu.memref_slice %arg3[%arg0, %mul3A_280] : memref<2x10240xf32, #tpu.memory_space<hbm>> -> memref<1x640xf32, #tpu.memory_space<hbm>>
      %dma_start3A_281 = tpu.memref_squeeze %dma_start3A : memref<1x640xf32, #tpu.memory_space<hbm>> -> memref<640xf32, #tpu.memory_space<hbm>>
      %dma_start3A_282 = tpu.memref_slice %arg8[%mul3A_278] : memref<10240xf32, #tpu.memory_space<vmem_shared>> -> memref<640xf32, #tpu.memory_space<vmem_shared>>
      tpu.enqueue_dma source(%dma_start3A_282 : memref<640xf32, #tpu.memory_space<vmem_shared>>) target(%dma_start3A_281 : memref<640xf32, #tpu.memory_space<hbm>>) target_semaphore(%run_scoped3A : memref<!tpu.dma_semaphore, #tpu.memory_space<semaphore_mem>>)
      %dma_wait3A = tpu.memref_slice %arg3[%arg0, %mul3A_280] : memref<2x10240xf32, #tpu.memory_space<hbm>> -> memref<1x640xf32, #tpu.memory_space<hbm>>
      %dma_wait3A_283 = tpu.memref_squeeze %dma_wait3A : memref<1x640xf32, #tpu.memory_space<hbm>> -> memref<640xf32, #tpu.memory_space<hbm>>
      %dma_wait3A_284 = tpu.memref_slice %arg8[%mul3A_278] : memref<10240xf32, #tpu.memory_space<vmem_shared>> -> memref<640xf32, #tpu.memory_space<vmem_shared>>
      tpu.wait_dma2 semaphore(%run_scoped3A : memref<!tpu.dma_semaphore, #tpu.memory_space<semaphore_mem>>) src(%dma_wait3A_284 : memref<640xf32, #tpu.memory_space<vmem_shared>>) dst(%dma_wait3A_283 : memref<640xf32, #tpu.memory_space<hbm>>)
      tpu.yield
    }) : () -> ()
    return
  }
}

#map = affine_map<(d0, d1) -> (0, 0)>
#map1 = affine_map<(d0, d1) -> (0, 0, 0)>
module attributes {stable_mosaic.version = 14 : i64} {
  func.func @_sc_cls_body(%arg0: i32, %arg1: i32, %arg2: memref<10240x128xf32, #tpu.memory_space<hbm>>, %arg3: memref<32x2x128xi32, #tpu.memory_space<hbm>>, %arg4: memref<32x2x128xi32, #tpu.memory_space<hbm>>, %arg5: memref<8192x16xf32, #tpu.memory_space<hbm>>, %arg6: memref<2x128xi32, #tpu.memory_space<vmem>>, %arg7: memref<2x128xi32, #tpu.memory_space<vmem>>, %arg8: memref<128x128xf32, #tpu.memory_space<vmem>>, %arg9: memref<128x128xf32, #tpu.memory_space<vmem>>, %arg10: memref<128x128xf32, #tpu.memory_space<vmem>>, %arg11: memref<128x128xf32, #tpu.memory_space<vmem>>, %arg12: memref<128x16xf32, #tpu.memory_space<vmem>>, %arg13: memref<!tpu.dma_semaphore, #tpu.memory_space<semaphore_mem>>, %arg14: memref<!tpu.dma_semaphore, #tpu.memory_space<semaphore_mem>>, %arg15: memref<!tpu.dma_semaphore, #tpu.memory_space<semaphore_mem>>, %arg16: memref<!tpu.dma_semaphore, #tpu.memory_space<semaphore_mem>>) attributes {dimension_semantics = [#tpu.dimension_semantics<core_parallel>, #tpu.dimension_semantics<subcore_parallel>], iteration_bounds = array<i64: 2, 16>, scalar_prefetch = 0 : i64, scratch_operands = 11 : i64, tpu.core_type = #tpu.core_type<sc_vector_subcore>, window_params = [{transform_indices = #map}, {transform_indices = #map1}, {transform_indices = #map1}, {transform_indices = #map}]} {
    %mul3A = arith.constant 16 : i32
    %mul3A_0 = arith.muli %arg0, %mul3A : i32
    %add3A = arith.addi %mul3A_0, %arg1 : i32
    "tpu.region"() ({
      %run_scoped3A = tpu.sem_alloc : memref<!tpu.dma_semaphore, #tpu.memory_space<semaphore_mem>>
      %dma_start3A_74 = arith.constant 0 : i32
      %dma_start3A_75 = arith.constant 0 : i32
      %dma_start3A_76 = tpu.memref_slice %arg3[%add3A, %dma_start3A_74, %dma_start3A_75] : memref<32x2x128xi32, #tpu.memory_space<hbm>> -> memref<1x2x128xi32, #tpu.memory_space<hbm>>
      %dma_start3A_77 = tpu.memref_squeeze %dma_start3A_76 : memref<1x2x128xi32, #tpu.memory_space<hbm>> -> memref<2x128xi32, #tpu.memory_space<hbm>>
      %dma_start3A_78 = arith.constant 0 : i32
      %dma_start3A_79 = arith.constant 0 : i32
      %dma_start3A_80 = tpu.memref_slice %arg3[%add3A, %dma_start3A_78, %dma_start3A_79] : memref<32x2x128xi32, #tpu.memory_space<hbm>> -> memref<1x2x128xi32, #tpu.memory_space<hbm>>
      %dma_start3A_81 = tpu.memref_squeeze %dma_start3A_80 : memref<1x2x128xi32, #tpu.memory_space<hbm>> -> memref<2x128xi32, #tpu.memory_space<hbm>>
      tpu.enqueue_dma source(%dma_start3A_81 : memref<2x128xi32, #tpu.memory_space<hbm>>) target(%arg6 : memref<2x128xi32, #tpu.memory_space<vmem>>) target_semaphore(%run_scoped3A : memref<!tpu.dma_semaphore, #tpu.memory_space<semaphore_mem>>)
      %dma_wait3A_82 = arith.constant 0 : i32
      %dma_wait3A_83 = arith.constant 0 : i32
      %dma_wait3A_84 = tpu.memref_slice %arg3[%add3A, %dma_wait3A_82, %dma_wait3A_83] : memref<32x2x128xi32, #tpu.memory_space<hbm>> -> memref<1x2x128xi32, #tpu.memory_space<hbm>>
      %dma_wait3A_85 = tpu.memref_squeeze %dma_wait3A_84 : memref<1x2x128xi32, #tpu.memory_space<hbm>> -> memref<2x128xi32, #tpu.memory_space<hbm>>
      %dma_wait3A_86 = arith.constant 0 : i32
      %dma_wait3A_87 = arith.constant 0 : i32
      %dma_wait3A_88 = tpu.memref_slice %arg3[%add3A, %dma_wait3A_86, %dma_wait3A_87] : memref<32x2x128xi32, #tpu.memory_space<hbm>> -> memref<1x2x128xi32, #tpu.memory_space<hbm>>
      %dma_wait3A_89 = tpu.memref_squeeze %dma_wait3A_88 : memref<1x2x128xi32, #tpu.memory_space<hbm>> -> memref<2x128xi32, #tpu.memory_space<hbm>>
      tpu.wait_dma2 semaphore(%run_scoped3A : memref<!tpu.dma_semaphore, #tpu.memory_space<semaphore_mem>>) src(%dma_wait3A_89 : memref<2x128xi32, #tpu.memory_space<hbm>>) dst(%arg6 : memref<2x128xi32, #tpu.memory_space<vmem>>)
      tpu.yield
    }) : () -> ()
    "tpu.region"() ({
      %run_scoped3A = tpu.sem_alloc : memref<!tpu.dma_semaphore, #tpu.memory_space<semaphore_mem>>
      %dma_start3A_74 = arith.constant 0 : i32
      %dma_start3A_75 = arith.constant 0 : i32
      %dma_start3A_76 = tpu.memref_slice %arg4[%add3A, %dma_start3A_74, %dma_start3A_75] : memref<32x2x128xi32, #tpu.memory_space<hbm>> -> memref<1x2x128xi32, #tpu.memory_space<hbm>>
      %dma_start3A_77 = tpu.memref_squeeze %dma_start3A_76 : memref<1x2x128xi32, #tpu.memory_space<hbm>> -> memref<2x128xi32, #tpu.memory_space<hbm>>
      %dma_start3A_78 = arith.constant 0 : i32
      %dma_start3A_79 = arith.constant 0 : i32
      %dma_start3A_80 = tpu.memref_slice %arg4[%add3A, %dma_start3A_78, %dma_start3A_79] : memref<32x2x128xi32, #tpu.memory_space<hbm>> -> memref<1x2x128xi32, #tpu.memory_space<hbm>>
      %dma_start3A_81 = tpu.memref_squeeze %dma_start3A_80 : memref<1x2x128xi32, #tpu.memory_space<hbm>> -> memref<2x128xi32, #tpu.memory_space<hbm>>
      tpu.enqueue_dma source(%dma_start3A_81 : memref<2x128xi32, #tpu.memory_space<hbm>>) target(%arg7 : memref<2x128xi32, #tpu.memory_space<vmem>>) target_semaphore(%run_scoped3A : memref<!tpu.dma_semaphore, #tpu.memory_space<semaphore_mem>>)
      %dma_wait3A_82 = arith.constant 0 : i32
      %dma_wait3A_83 = arith.constant 0 : i32
      %dma_wait3A_84 = tpu.memref_slice %arg4[%add3A, %dma_wait3A_82, %dma_wait3A_83] : memref<32x2x128xi32, #tpu.memory_space<hbm>> -> memref<1x2x128xi32, #tpu.memory_space<hbm>>
      %dma_wait3A_85 = tpu.memref_squeeze %dma_wait3A_84 : memref<1x2x128xi32, #tpu.memory_space<hbm>> -> memref<2x128xi32, #tpu.memory_space<hbm>>
      %dma_wait3A_86 = arith.constant 0 : i32
      %dma_wait3A_87 = arith.constant 0 : i32
      %dma_wait3A_88 = tpu.memref_slice %arg4[%add3A, %dma_wait3A_86, %dma_wait3A_87] : memref<32x2x128xi32, #tpu.memory_space<hbm>> -> memref<1x2x128xi32, #tpu.memory_space<hbm>>
      %dma_wait3A_89 = tpu.memref_squeeze %dma_wait3A_88 : memref<1x2x128xi32, #tpu.memory_space<hbm>> -> memref<2x128xi32, #tpu.memory_space<hbm>>
      tpu.wait_dma2 semaphore(%run_scoped3A : memref<!tpu.dma_semaphore, #tpu.memory_space<semaphore_mem>>) src(%dma_wait3A_89 : memref<2x128xi32, #tpu.memory_space<hbm>>) dst(%arg7 : memref<2x128xi32, #tpu.memory_space<vmem>>)
      tpu.yield
    }) : () -> ()
    %dma_start3A = arith.constant 0 : i32
    %dma_start3A_1 = arith.constant 0 : i32
    %dma_start3A_2 = tpu.memref_slice %arg6[%dma_start3A, %dma_start3A_1] : memref<2x128xi32, #tpu.memory_space<vmem>> -> memref<1x128xi32, #tpu.memory_space<vmem>>
    %dma_start3A_3 = tpu.memref_squeeze %dma_start3A_2 : memref<1x128xi32, #tpu.memory_space<vmem>> -> memref<128xi32, #tpu.memory_space<vmem>>
    %dma_start3A_4 = arith.constant 0 : i32
    %dma_start3A_5 = arith.constant 0 : i32
    %dma_start3A_6 = tpu.memref_slice %arg2[%dma_start3A_4, %dma_start3A_5] : memref<10240x128xf32, #tpu.memory_space<hbm>> -> memref<10240x128xf32, #tpu.memory_space<hbm>>
    tpu.enqueue_indirect_dma source(%dma_start3A_6 : memref<10240x128xf32, #tpu.memory_space<hbm>>) target(%arg8 : memref<128x128xf32, #tpu.memory_space<vmem>>) offsets(%dma_start3A_3 : memref<128xi32, #tpu.memory_space<vmem>>) semaphore(%arg13 : memref<!tpu.dma_semaphore, #tpu.memory_space<semaphore_mem>>)
    %dma_start3A_7 = arith.constant 0 : i32
    %dma_start3A_8 = arith.constant 0 : i32
    %dma_start3A_9 = tpu.memref_slice %arg7[%dma_start3A_7, %dma_start3A_8] : memref<2x128xi32, #tpu.memory_space<vmem>> -> memref<1x128xi32, #tpu.memory_space<vmem>>
    %dma_start3A_10 = tpu.memref_squeeze %dma_start3A_9 : memref<1x128xi32, #tpu.memory_space<vmem>> -> memref<128xi32, #tpu.memory_space<vmem>>
    %dma_start3A_11 = arith.constant 0 : i32
    %dma_start3A_12 = arith.constant 0 : i32
    %dma_start3A_13 = tpu.memref_slice %arg2[%dma_start3A_11, %dma_start3A_12] : memref<10240x128xf32, #tpu.memory_space<hbm>> -> memref<10240x128xf32, #tpu.memory_space<hbm>>
    tpu.enqueue_indirect_dma source(%dma_start3A_13 : memref<10240x128xf32, #tpu.memory_space<hbm>>) target(%arg9 : memref<128x128xf32, #tpu.memory_space<vmem>>) offsets(%dma_start3A_10 : memref<128xi32, #tpu.memory_space<vmem>>) semaphore(%arg14 : memref<!tpu.dma_semaphore, #tpu.memory_space<semaphore_mem>>)
    %dma_start3A_14 = arith.constant 1 : i32
    %dma_start3A_15 = arith.constant 0 : i32
    %dma_start3A_16 = tpu.memref_slice %arg6[%dma_start3A_14, %dma_start3A_15] : memref<2x128xi32, #tpu.memory_space<vmem>> -> memref<1x128xi32, #tpu.memory_space<vmem>>
    %dma_start3A_17 = tpu.memref_squeeze %dma_start3A_16 : memref<1x128xi32, #tpu.memory_space<vmem>> -> memref<128xi32, #tpu.memory_space<vmem>>
    %dma_start3A_18 = arith.constant 0 : i32
    %dma_start3A_19 = arith.constant 0 : i32
    %dma_start3A_20 = tpu.memref_slice %arg2[%dma_start3A_18, %dma_start3A_19] : memref<10240x128xf32, #tpu.memory_space<hbm>> -> memref<10240x128xf32, #tpu.memory_space<hbm>>
    tpu.enqueue_indirect_dma source(%dma_start3A_20 : memref<10240x128xf32, #tpu.memory_space<hbm>>) target(%arg10 : memref<128x128xf32, #tpu.memory_space<vmem>>) offsets(%dma_start3A_17 : memref<128xi32, #tpu.memory_space<vmem>>) semaphore(%arg15 : memref<!tpu.dma_semaphore, #tpu.memory_space<semaphore_mem>>)
    %dma_start3A_21 = arith.constant 1 : i32
    %dma_start3A_22 = arith.constant 0 : i32
    %dma_start3A_23 = tpu.memref_slice %arg7[%dma_start3A_21, %dma_start3A_22] : memref<2x128xi32, #tpu.memory_space<vmem>> -> memref<1x128xi32, #tpu.memory_space<vmem>>
    %dma_start3A_24 = tpu.memref_squeeze %dma_start3A_23 : memref<1x128xi32, #tpu.memory_space<vmem>> -> memref<128xi32, #tpu.memory_space<vmem>>
    %dma_start3A_25 = arith.constant 0 : i32
    %dma_start3A_26 = arith.constant 0 : i32
    %dma_start3A_27 = tpu.memref_slice %arg2[%dma_start3A_25, %dma_start3A_26] : memref<10240x128xf32, #tpu.memory_space<hbm>> -> memref<10240x128xf32, #tpu.memory_space<hbm>>
    tpu.enqueue_indirect_dma source(%dma_start3A_27 : memref<10240x128xf32, #tpu.memory_space<hbm>>) target(%arg11 : memref<128x128xf32, #tpu.memory_space<vmem>>) offsets(%dma_start3A_24 : memref<128xi32, #tpu.memory_space<vmem>>) semaphore(%arg16 : memref<!tpu.dma_semaphore, #tpu.memory_space<semaphore_mem>>)
    %dma_wait3A = arith.constant 0 : i32
    %dma_wait3A_28 = arith.constant 0 : i32
    %dma_wait3A_29 = tpu.memref_slice %arg6[%dma_wait3A, %dma_wait3A_28] : memref<2x128xi32, #tpu.memory_space<vmem>> -> memref<1x128xi32, #tpu.memory_space<vmem>>
    %dma_wait3A_30 = tpu.memref_squeeze %dma_wait3A_29 : memref<1x128xi32, #tpu.memory_space<vmem>> -> memref<128xi32, #tpu.memory_space<vmem>>
    %dma_wait3A_31 = arith.constant 0 : i32
    %dma_wait3A_32 = arith.constant 0 : i32
    %dma_wait3A_33 = tpu.memref_slice %arg2[%dma_wait3A_31, %dma_wait3A_32] : memref<10240x128xf32, #tpu.memory_space<hbm>> -> memref<10240x128xf32, #tpu.memory_space<hbm>>
    tpu.wait_indirect_dma semaphore(%arg13 : memref<!tpu.dma_semaphore, #tpu.memory_space<semaphore_mem>>) src(%dma_wait3A_33 : memref<10240x128xf32, #tpu.memory_space<hbm>>) dst(%arg8 : memref<128x128xf32, #tpu.memory_space<vmem>>)
    %dma_wait3A_34 = arith.constant 0 : i32
    %dma_wait3A_35 = arith.constant 0 : i32
    %dma_wait3A_36 = tpu.memref_slice %arg7[%dma_wait3A_34, %dma_wait3A_35] : memref<2x128xi32, #tpu.memory_space<vmem>> -> memref<1x128xi32, #tpu.memory_space<vmem>>
    %dma_wait3A_37 = tpu.memref_squeeze %dma_wait3A_36 : memref<1x128xi32, #tpu.memory_space<vmem>> -> memref<128xi32, #tpu.memory_space<vmem>>
    %dma_wait3A_38 = arith.constant 0 : i32
    %dma_wait3A_39 = arith.constant 0 : i32
    %dma_wait3A_40 = tpu.memref_slice %arg2[%dma_wait3A_38, %dma_wait3A_39] : memref<10240x128xf32, #tpu.memory_space<hbm>> -> memref<10240x128xf32, #tpu.memory_space<hbm>>
    tpu.wait_indirect_dma semaphore(%arg14 : memref<!tpu.dma_semaphore, #tpu.memory_space<semaphore_mem>>) src(%dma_wait3A_40 : memref<10240x128xf32, #tpu.memory_space<hbm>>) dst(%arg9 : memref<128x128xf32, #tpu.memory_space<vmem>>)
    %scan3A = arith.constant 0 : i32
    %scan3A_41 = arith.constant 0 : i32
    %scan3A_42 = arith.constant 128 : i32
    %scan3A_43 = arith.addi %scan3A_41, %scan3A_42 : i32
    %scan3A_44 = arith.constant 1 : i32
    scf.for %scan3A_74 = %scan3A_41 to %scan3A_43 step %scan3A_44  : i32 {
      %get3A = arith.index_cast %scan3A_74 : i32 to index
      %get3A_75 = arith.constant 0 : index
      %get3A_76 = tpu.vector_load %arg8[%get3A, %get3A_75] {strides = array<i32>} : memref<128x128xf32, #tpu.memory_space<vmem>>, vector<1x16xf32>,
      %get3A_77 = vector.shape_cast %get3A_76 : vector<1x16xf32> to vector<16xf32>
      %get3A_78 = arith.index_cast %scan3A_74 : i32 to index
      %get3A_79 = arith.constant 0 : index
      %get3A_80 = tpu.vector_load %arg9[%get3A_78, %get3A_79] {strides = array<i32>} : memref<128x128xf32, #tpu.memory_space<vmem>>, vector<1x16xf32>,
      %get3A_81 = vector.shape_cast %get3A_80 : vector<1x16xf32> to vector<16xf32>
      %mul3A_82 = arith.mulf %get3A_77, %get3A_81 : vector<16xf32>
      %get3A_83 = arith.index_cast %scan3A_74 : i32 to index
      %get3A_84 = arith.constant 16 : index
      %get3A_85 = tpu.vector_load %arg8[%get3A_83, %get3A_84] {strides = array<i32>} : memref<128x128xf32, #tpu.memory_space<vmem>>, vector<1x16xf32>,
      %get3A_86 = vector.shape_cast %get3A_85 : vector<1x16xf32> to vector<16xf32>
      %get3A_87 = arith.index_cast %scan3A_74 : i32 to index
      %get3A_88 = arith.constant 16 : index
      %get3A_89 = tpu.vector_load %arg9[%get3A_87, %get3A_88] {strides = array<i32>} : memref<128x128xf32, #tpu.memory_space<vmem>>, vector<1x16xf32>,
      %get3A_90 = vector.shape_cast %get3A_89 : vector<1x16xf32> to vector<16xf32>
      %mul3A_91 = arith.mulf %get3A_86, %get3A_90 : vector<16xf32>
      %add3A_92 = arith.addf %mul3A_82, %mul3A_91 : vector<16xf32>
      %get3A_93 = arith.index_cast %scan3A_74 : i32 to index
      %get3A_94 = arith.constant 32 : index
      %get3A_95 = tpu.vector_load %arg8[%get3A_93, %get3A_94] {strides = array<i32>} : memref<128x128xf32, #tpu.memory_space<vmem>>, vector<1x16xf32>,
      %get3A_96 = vector.shape_cast %get3A_95 : vector<1x16xf32> to vector<16xf32>
      %get3A_97 = arith.index_cast %scan3A_74 : i32 to index
      %get3A_98 = arith.constant 32 : index
      %get3A_99 = tpu.vector_load %arg9[%get3A_97, %get3A_98] {strides = array<i32>} : memref<128x128xf32, #tpu.memory_space<vmem>>, vector<1x16xf32>,
      %get3A_100 = vector.shape_cast %get3A_99 : vector<1x16xf32> to vector<16xf32>
      %mul3A_101 = arith.mulf %get3A_96, %get3A_100 : vector<16xf32>
      %add3A_102 = arith.addf %add3A_92, %mul3A_101 : vector<16xf32>
      %get3A_103 = arith.index_cast %scan3A_74 : i32 to index
      %get3A_104 = arith.constant 48 : index
      %get3A_105 = tpu.vector_load %arg8[%get3A_103, %get3A_104] {strides = array<i32>} : memref<128x128xf32, #tpu.memory_space<vmem>>, vector<1x16xf32>,
      %get3A_106 = vector.shape_cast %get3A_105 : vector<1x16xf32> to vector<16xf32>
      %get3A_107 = arith.index_cast %scan3A_74 : i32 to index
      %get3A_108 = arith.constant 48 : index
      %get3A_109 = tpu.vector_load %arg9[%get3A_107, %get3A_108] {strides = array<i32>} : memref<128x128xf32, #tpu.memory_space<vmem>>, vector<1x16xf32>,
      %get3A_110 = vector.shape_cast %get3A_109 : vector<1x16xf32> to vector<16xf32>
      %mul3A_111 = arith.mulf %get3A_106, %get3A_110 : vector<16xf32>
      %add3A_112 = arith.addf %add3A_102, %mul3A_111 : vector<16xf32>
      %get3A_113 = arith.index_cast %scan3A_74 : i32 to index
      %get3A_114 = arith.constant 64 : index
      %get3A_115 = tpu.vector_load %arg8[%get3A_113, %get3A_114] {strides = array<i32>} : memref<128x128xf32, #tpu.memory_space<vmem>>, vector<1x16xf32>,
      %get3A_116 = vector.shape_cast %get3A_115 : vector<1x16xf32> to vector<16xf32>
      %get3A_117 = arith.index_cast %scan3A_74 : i32 to index
      %get3A_118 = arith.constant 64 : index
      %get3A_119 = tpu.vector_load %arg9[%get3A_117, %get3A_118] {strides = array<i32>} : memref<128x128xf32, #tpu.memory_space<vmem>>, vector<1x16xf32>,
      %get3A_120 = vector.shape_cast %get3A_119 : vector<1x16xf32> to vector<16xf32>
      %mul3A_121 = arith.mulf %get3A_116, %get3A_120 : vector<16xf32>
      %add3A_122 = arith.addf %add3A_112, %mul3A_121 : vector<16xf32>
      %get3A_123 = arith.index_cast %scan3A_74 : i32 to index
      %get3A_124 = arith.constant 80 : index
      %get3A_125 = tpu.vector_load %arg8[%get3A_123, %get3A_124] {strides = array<i32>} : memref<128x128xf32, #tpu.memory_space<vmem>>, vector<1x16xf32>,
      %get3A_126 = vector.shape_cast %get3A_125 : vector<1x16xf32> to vector<16xf32>
      %get3A_127 = arith.index_cast %scan3A_74 : i32 to index
      %get3A_128 = arith.constant 80 : index
      %get3A_129 = tpu.vector_load %arg9[%get3A_127, %get3A_128] {strides = array<i32>} : memref<128x128xf32, #tpu.memory_space<vmem>>, vector<1x16xf32>,
      %get3A_130 = vector.shape_cast %get3A_129 : vector<1x16xf32> to vector<16xf32>
      %mul3A_131 = arith.mulf %get3A_126, %get3A_130 : vector<16xf32>
      %add3A_132 = arith.addf %add3A_122, %mul3A_131 : vector<16xf32>
      %get3A_133 = arith.index_cast %scan3A_74 : i32 to index
      %get3A_134 = arith.constant 96 : index
      %get3A_135 = tpu.vector_load %arg8[%get3A_133, %get3A_134] {strides = array<i32>} : memref<128x128xf32, #tpu.memory_space<vmem>>, vector<1x16xf32>,
      %get3A_136 = vector.shape_cast %get3A_135 : vector<1x16xf32> to vector<16xf32>
      %get3A_137 = arith.index_cast %scan3A_74 : i32 to index
      %get3A_138 = arith.constant 96 : index
      %get3A_139 = tpu.vector_load %arg9[%get3A_137, %get3A_138] {strides = array<i32>} : memref<128x128xf32, #tpu.memory_space<vmem>>, vector<1x16xf32>,
      %get3A_140 = vector.shape_cast %get3A_139 : vector<1x16xf32> to vector<16xf32>
      %mul3A_141 = arith.mulf %get3A_136, %get3A_140 : vector<16xf32>
      %add3A_142 = arith.addf %add3A_132, %mul3A_141 : vector<16xf32>
      %get3A_143 = arith.index_cast %scan3A_74 : i32 to index
      %get3A_144 = arith.constant 112 : index
      %get3A_145 = tpu.vector_load %arg8[%get3A_143, %get3A_144] {strides = array<i32>} : memref<128x128xf32, #tpu.memory_space<vmem>>, vector<1x16xf32>,
      %get3A_146 = vector.shape_cast %get3A_145 : vector<1x16xf32> to vector<16xf32>
      %get3A_147 = arith.index_cast %scan3A_74 : i32 to index
      %get3A_148 = arith.constant 112 : index
      %get3A_149 = tpu.vector_load %arg9[%get3A_147, %get3A_148] {strides = array<i32>} : memref<128x128xf32, #tpu.memory_space<vmem>>, vector<1x16xf32>,
      %get3A_150 = vector.shape_cast %get3A_149 : vector<1x16xf32> to vector<16xf32>
      %mul3A_151 = arith.mulf %get3A_146, %get3A_150 : vector<16xf32>
      %add3A_152 = arith.addf %add3A_142, %mul3A_151 : vector<16xf32>
      %swap3A = arith.index_cast %scan3A_74 : i32 to index
      %swap3A_153 = arith.constant 0 : index
      %swap3A_154 = tpu.vector_load %arg12[%swap3A, %swap3A_153] {strides = array<i32>} : memref<128x16xf32, #tpu.memory_space<vmem>>, vector<1x16xf32>,
      %swap3A_155 = vector.shape_cast %swap3A_154 : vector<1x16xf32> to vector<16xf32>
      %swap3A_156 = vector.shape_cast %add3A_152 : vector<16xf32> to vector<1x16xf32>
      tpu.vector_store %arg12[%swap3A, %swap3A_153], %swap3A_156 {strides = array<i32>} : memref<128x16xf32, #tpu.memory_space<vmem>>, vector<1x16xf32>,
    }
    %scan3A_45 = arith.constant 128 : i32
    %mul3A_46 = arith.constant 256 : i32
    %mul3A_47 = arith.muli %add3A, %mul3A_46 : i32
    %add3A_48 = arith.constant 0 : i32
    %add3A_49 = arith.addi %mul3A_47, %add3A_48 : i32
    "tpu.region"() ({
      %run_scoped3A = tpu.sem_alloc : memref<!tpu.dma_semaphore, #tpu.memory_space<semaphore_mem>>
      %dma_start3A_74 = arith.constant 0 : i32
      %dma_start3A_75 = tpu.memref_slice %arg5[%add3A_49, %dma_start3A_74] : memref<8192x16xf32, #tpu.memory_space<hbm>> -> memref<128x16xf32, #tpu.memory_space<hbm>>
      %dma_start3A_76 = arith.constant 0 : i32
      %dma_start3A_77 = tpu.memref_slice %arg5[%add3A_49, %dma_start3A_76] : memref<8192x16xf32, #tpu.memory_space<hbm>> -> memref<128x16xf32, #tpu.memory_space<hbm>>
      tpu.enqueue_dma source(%arg12 : memref<128x16xf32, #tpu.memory_space<vmem>>) target(%dma_start3A_77 : memref<128x16xf32, #tpu.memory_space<hbm>>) target_semaphore(%run_scoped3A : memref<!tpu.dma_semaphore, #tpu.memory_space<semaphore_mem>>)
      %dma_wait3A_78 = arith.constant 0 : i32
      %dma_wait3A_79 = tpu.memref_slice %arg5[%add3A_49, %dma_wait3A_78] : memref<8192x16xf32, #tpu.memory_space<hbm>> -> memref<128x16xf32, #tpu.memory_space<hbm>>
      %dma_wait3A_80 = arith.constant 0 : i32
      %dma_wait3A_81 = tpu.memref_slice %arg5[%add3A_49, %dma_wait3A_80] : memref<8192x16xf32, #tpu.memory_space<hbm>> -> memref<128x16xf32, #tpu.memory_space<hbm>>
      tpu.wait_dma2 semaphore(%run_scoped3A : memref<!tpu.dma_semaphore, #tpu.memory_space<semaphore_mem>>) src(%arg12 : memref<128x16xf32, #tpu.memory_space<vmem>>) dst(%dma_wait3A_81 : memref<128x16xf32, #tpu.memory_space<hbm>>)
      tpu.yield
    }) : () -> ()
    %dma_wait3A_50 = arith.constant 1 : i32
    %dma_wait3A_51 = arith.constant 0 : i32
    %dma_wait3A_52 = tpu.memref_slice %arg6[%dma_wait3A_50, %dma_wait3A_51] : memref<2x128xi32, #tpu.memory_space<vmem>> -> memref<1x128xi32, #tpu.memory_space<vmem>>
    %dma_wait3A_53 = tpu.memref_squeeze %dma_wait3A_52 : memref<1x128xi32, #tpu.memory_space<vmem>> -> memref<128xi32, #tpu.memory_space<vmem>>
    %dma_wait3A_54 = arith.constant 0 : i32
    %dma_wait3A_55 = arith.constant 0 : i32
    %dma_wait3A_56 = tpu.memref_slice %arg2[%dma_wait3A_54, %dma_wait3A_55] : memref<10240x128xf32, #tpu.memory_space<hbm>> -> memref<10240x128xf32, #tpu.memory_space<hbm>>
    tpu.wait_indirect_dma semaphore(%arg15 : memref<!tpu.dma_semaphore, #tpu.memory_space<semaphore_mem>>) src(%dma_wait3A_56 : memref<10240x128xf32, #tpu.memory_space<hbm>>) dst(%arg10 : memref<128x128xf32, #tpu.memory_space<vmem>>)
    %dma_wait3A_57 = arith.constant 1 : i32
    %dma_wait3A_58 = arith.constant 0 : i32
    %dma_wait3A_59 = tpu.memref_slice %arg7[%dma_wait3A_57, %dma_wait3A_58] : memref<2x128xi32, #tpu.memory_space<vmem>> -> memref<1x128xi32, #tpu.memory_space<vmem>>
    %dma_wait3A_60 = tpu.memref_squeeze %dma_wait3A_59 : memref<1x128xi32, #tpu.memory_space<vmem>> -> memref<128xi32, #tpu.memory_space<vmem>>
    %dma_wait3A_61 = arith.constant 0 : i32
    %dma_wait3A_62 = arith.constant 0 : i32
    %dma_wait3A_63 = tpu.memref_slice %arg2[%dma_wait3A_61, %dma_wait3A_62] : memref<10240x128xf32, #tpu.memory_space<hbm>> -> memref<10240x128xf32, #tpu.memory_space<hbm>>
    tpu.wait_indirect_dma semaphore(%arg16 : memref<!tpu.dma_semaphore, #tpu.memory_space<semaphore_mem>>) src(%dma_wait3A_63 : memref<10240x128xf32, #tpu.memory_space<hbm>>) dst(%arg11 : memref<128x128xf32, #tpu.memory_space<vmem>>)
    %scan3A_64 = arith.constant 0 : i32
    %scan3A_65 = arith.constant 0 : i32
    %scan3A_66 = arith.constant 128 : i32
    %scan3A_67 = arith.addi %scan3A_65, %scan3A_66 : i32
    %scan3A_68 = arith.constant 1 : i32
    scf.for %scan3A_74 = %scan3A_65 to %scan3A_67 step %scan3A_68  : i32 {
      %get3A = arith.index_cast %scan3A_74 : i32 to index
      %get3A_75 = arith.constant 0 : index
      %get3A_76 = tpu.vector_load %arg10[%get3A, %get3A_75] {strides = array<i32>} : memref<128x128xf32, #tpu.memory_space<vmem>>, vector<1x16xf32>,
      %get3A_77 = vector.shape_cast %get3A_76 : vector<1x16xf32> to vector<16xf32>
      %get3A_78 = arith.index_cast %scan3A_74 : i32 to index
      %get3A_79 = arith.constant 0 : index
      %get3A_80 = tpu.vector_load %arg11[%get3A_78, %get3A_79] {strides = array<i32>} : memref<128x128xf32, #tpu.memory_space<vmem>>, vector<1x16xf32>,
      %get3A_81 = vector.shape_cast %get3A_80 : vector<1x16xf32> to vector<16xf32>
      %mul3A_82 = arith.mulf %get3A_77, %get3A_81 : vector<16xf32>
      %get3A_83 = arith.index_cast %scan3A_74 : i32 to index
      %get3A_84 = arith.constant 16 : index
      %get3A_85 = tpu.vector_load %arg10[%get3A_83, %get3A_84] {strides = array<i32>} : memref<128x128xf32, #tpu.memory_space<vmem>>, vector<1x16xf32>,
      %get3A_86 = vector.shape_cast %get3A_85 : vector<1x16xf32> to vector<16xf32>
      %get3A_87 = arith.index_cast %scan3A_74 : i32 to index
      %get3A_88 = arith.constant 16 : index
      %get3A_89 = tpu.vector_load %arg11[%get3A_87, %get3A_88] {strides = array<i32>} : memref<128x128xf32, #tpu.memory_space<vmem>>, vector<1x16xf32>,
      %get3A_90 = vector.shape_cast %get3A_89 : vector<1x16xf32> to vector<16xf32>
      %mul3A_91 = arith.mulf %get3A_86, %get3A_90 : vector<16xf32>
      %add3A_92 = arith.addf %mul3A_82, %mul3A_91 : vector<16xf32>
      %get3A_93 = arith.index_cast %scan3A_74 : i32 to index
      %get3A_94 = arith.constant 32 : index
      %get3A_95 = tpu.vector_load %arg10[%get3A_93, %get3A_94] {strides = array<i32>} : memref<128x128xf32, #tpu.memory_space<vmem>>, vector<1x16xf32>,
      %get3A_96 = vector.shape_cast %get3A_95 : vector<1x16xf32> to vector<16xf32>
      %get3A_97 = arith.index_cast %scan3A_74 : i32 to index
      %get3A_98 = arith.constant 32 : index
      %get3A_99 = tpu.vector_load %arg11[%get3A_97, %get3A_98] {strides = array<i32>} : memref<128x128xf32, #tpu.memory_space<vmem>>, vector<1x16xf32>,
      %get3A_100 = vector.shape_cast %get3A_99 : vector<1x16xf32> to vector<16xf32>
      %mul3A_101 = arith.mulf %get3A_96, %get3A_100 : vector<16xf32>
      %add3A_102 = arith.addf %add3A_92, %mul3A_101 : vector<16xf32>
      %get3A_103 = arith.index_cast %scan3A_74 : i32 to index
      %get3A_104 = arith.constant 48 : index
      %get3A_105 = tpu.vector_load %arg10[%get3A_103, %get3A_104] {strides = array<i32>} : memref<128x128xf32, #tpu.memory_space<vmem>>, vector<1x16xf32>,
      %get3A_106 = vector.shape_cast %get3A_105 : vector<1x16xf32> to vector<16xf32>
      %get3A_107 = arith.index_cast %scan3A_74 : i32 to index
      %get3A_108 = arith.constant 48 : index
      %get3A_109 = tpu.vector_load %arg11[%get3A_107, %get3A_108] {strides = array<i32>} : memref<128x128xf32, #tpu.memory_space<vmem>>, vector<1x16xf32>,
      %get3A_110 = vector.shape_cast %get3A_109 : vector<1x16xf32> to vector<16xf32>
      %mul3A_111 = arith.mulf %get3A_106, %get3A_110 : vector<16xf32>
      %add3A_112 = arith.addf %add3A_102, %mul3A_111 : vector<16xf32>
      %get3A_113 = arith.index_cast %scan3A_74 : i32 to index
      %get3A_114 = arith.constant 64 : index
      %get3A_115 = tpu.vector_load %arg10[%get3A_113, %get3A_114] {strides = array<i32>} : memref<128x128xf32, #tpu.memory_space<vmem>>, vector<1x16xf32>,
      %get3A_116 = vector.shape_cast %get3A_115 : vector<1x16xf32> to vector<16xf32>
      %get3A_117 = arith.index_cast %scan3A_74 : i32 to index
      %get3A_118 = arith.constant 64 : index
      %get3A_119 = tpu.vector_load %arg11[%get3A_117, %get3A_118] {strides = array<i32>} : memref<128x128xf32, #tpu.memory_space<vmem>>, vector<1x16xf32>,
      %get3A_120 = vector.shape_cast %get3A_119 : vector<1x16xf32> to vector<16xf32>
      %mul3A_121 = arith.mulf %get3A_116, %get3A_120 : vector<16xf32>
      %add3A_122 = arith.addf %add3A_112, %mul3A_121 : vector<16xf32>
      %get3A_123 = arith.index_cast %scan3A_74 : i32 to index
      %get3A_124 = arith.constant 80 : index
      %get3A_125 = tpu.vector_load %arg10[%get3A_123, %get3A_124] {strides = array<i32>} : memref<128x128xf32, #tpu.memory_space<vmem>>, vector<1x16xf32>,
      %get3A_126 = vector.shape_cast %get3A_125 : vector<1x16xf32> to vector<16xf32>
      %get3A_127 = arith.index_cast %scan3A_74 : i32 to index
      %get3A_128 = arith.constant 80 : index
      %get3A_129 = tpu.vector_load %arg11[%get3A_127, %get3A_128] {strides = array<i32>} : memref<128x128xf32, #tpu.memory_space<vmem>>, vector<1x16xf32>,
      %get3A_130 = vector.shape_cast %get3A_129 : vector<1x16xf32> to vector<16xf32>
      %mul3A_131 = arith.mulf %get3A_126, %get3A_130 : vector<16xf32>
      %add3A_132 = arith.addf %add3A_122, %mul3A_131 : vector<16xf32>
      %get3A_133 = arith.index_cast %scan3A_74 : i32 to index
      %get3A_134 = arith.constant 96 : index
      %get3A_135 = tpu.vector_load %arg10[%get3A_133, %get3A_134] {strides = array<i32>} : memref<128x128xf32, #tpu.memory_space<vmem>>, vector<1x16xf32>,
      %get3A_136 = vector.shape_cast %get3A_135 : vector<1x16xf32> to vector<16xf32>
      %get3A_137 = arith.index_cast %scan3A_74 : i32 to index
      %get3A_138 = arith.constant 96 : index
      %get3A_139 = tpu.vector_load %arg11[%get3A_137, %get3A_138] {strides = array<i32>} : memref<128x128xf32, #tpu.memory_space<vmem>>, vector<1x16xf32>,
      %get3A_140 = vector.shape_cast %get3A_139 : vector<1x16xf32> to vector<16xf32>
      %mul3A_141 = arith.mulf %get3A_136, %get3A_140 : vector<16xf32>
      %add3A_142 = arith.addf %add3A_132, %mul3A_141 : vector<16xf32>
      %get3A_143 = arith.index_cast %scan3A_74 : i32 to index
      %get3A_144 = arith.constant 112 : index
      %get3A_145 = tpu.vector_load %arg10[%get3A_143, %get3A_144] {strides = array<i32>} : memref<128x128xf32, #tpu.memory_space<vmem>>, vector<1x16xf32>,
      %get3A_146 = vector.shape_cast %get3A_145 : vector<1x16xf32> to vector<16xf32>
      %get3A_147 = arith.index_cast %scan3A_74 : i32 to index
      %get3A_148 = arith.constant 112 : index
      %get3A_149 = tpu.vector_load %arg11[%get3A_147, %get3A_148] {strides = array<i32>} : memref<128x128xf32, #tpu.memory_space<vmem>>, vector<1x16xf32>,
      %get3A_150 = vector.shape_cast %get3A_149 : vector<1x16xf32> to vector<16xf32>
      %mul3A_151 = arith.mulf %get3A_146, %get3A_150 : vector<16xf32>
      %add3A_152 = arith.addf %add3A_142, %mul3A_151 : vector<16xf32>
      %swap3A = arith.index_cast %scan3A_74 : i32 to index
      %swap3A_153 = arith.constant 0 : index
      %swap3A_154 = tpu.vector_load %arg12[%swap3A, %swap3A_153] {strides = array<i32>} : memref<128x16xf32, #tpu.memory_space<vmem>>, vector<1x16xf32>,
      %swap3A_155 = vector.shape_cast %swap3A_154 : vector<1x16xf32> to vector<16xf32>
      %swap3A_156 = vector.shape_cast %add3A_152 : vector<16xf32> to vector<1x16xf32>
      tpu.vector_store %arg12[%swap3A, %swap3A_153], %swap3A_156 {strides = array<i32>} : memref<128x16xf32, #tpu.memory_space<vmem>>, vector<1x16xf32>,
    }
    %scan3A_69 = arith.constant 128 : i32
    %mul3A_70 = arith.constant 256 : i32
    %mul3A_71 = arith.muli %add3A, %mul3A_70 : i32
    %add3A_72 = arith.constant 128 : i32
    %add3A_73 = arith.addi %mul3A_71, %add3A_72 : i32
    "tpu.region"() ({
      %run_scoped3A = tpu.sem_alloc : memref<!tpu.dma_semaphore, #tpu.memory_space<semaphore_mem>>
      %dma_start3A_74 = arith.constant 0 : i32
      %dma_start3A_75 = tpu.memref_slice %arg5[%add3A_73, %dma_start3A_74] : memref<8192x16xf32, #tpu.memory_space<hbm>> -> memref<128x16xf32, #tpu.memory_space<hbm>>
      %dma_start3A_76 = arith.constant 0 : i32
      %dma_start3A_77 = tpu.memref_slice %arg5[%add3A_73, %dma_start3A_76] : memref<8192x16xf32, #tpu.memory_space<hbm>> -> memref<128x16xf32, #tpu.memory_space<hbm>>
      tpu.enqueue_dma source(%arg12 : memref<128x16xf32, #tpu.memory_space<vmem>>) target(%dma_start3A_77 : memref<128x16xf32, #tpu.memory_space<hbm>>) target_semaphore(%run_scoped3A : memref<!tpu.dma_semaphore, #tpu.memory_space<semaphore_mem>>)
      %dma_wait3A_78 = arith.constant 0 : i32
      %dma_wait3A_79 = tpu.memref_slice %arg5[%add3A_73, %dma_wait3A_78] : memref<8192x16xf32, #tpu.memory_space<hbm>> -> memref<128x16xf32, #tpu.memory_space<hbm>>
      %dma_wait3A_80 = arith.constant 0 : i32
      %dma_wait3A_81 = tpu.memref_slice %arg5[%add3A_73, %dma_wait3A_80] : memref<8192x16xf32, #tpu.memory_space<hbm>> -> memref<128x16xf32, #tpu.memory_space<hbm>>
      tpu.wait_dma2 semaphore(%run_scoped3A : memref<!tpu.dma_semaphore, #tpu.memory_space<semaphore_mem>>) src(%arg12 : memref<128x16xf32, #tpu.memory_space<vmem>>) dst(%dma_wait3A_81 : memref<128x16xf32, #tpu.memory_space<hbm>>)
      tpu.yield
    }) : () -> ()
    return
  }
}

#map = affine_map<(d0, d1) -> (0, 0)>
#map1 = affine_map<(d0, d1) -> (0, 0, 0)>
module attributes {stable_mosaic.version = 14 : i64} {
  func.func @_sc_layer_body(%arg0: i32, %arg1: i32, %arg2: memref<10240x128xf32, #tpu.memory_space<hbm>>, %arg3: memref<32x126x80xi32, #tpu.memory_space<hbm>>, %arg4: memref<2x10240x128xf32, #tpu.memory_space<hbm>>, %arg5: memref<126x80xi32, #tpu.memory_space<vmem>>, %arg6: memref<80xi32, #tpu.memory_space<vmem>>, %arg7: memref<80xi32, #tpu.memory_space<vmem>>, %arg8: memref<80xi32, #tpu.memory_space<vmem>>, %arg9: memref<80xi32, #tpu.memory_space<vmem>>, %arg10: memref<80xi32, #tpu.memory_space<vmem>>, %arg11: memref<80xi32, #tpu.memory_space<vmem>>, %arg12: memref<80x128xf32, #tpu.memory_space<vmem>>, %arg13: memref<80x128xf32, #tpu.memory_space<vmem>>, %arg14: memref<80x128xf32, #tpu.memory_space<vmem>>, %arg15: memref<8x128xf32, #tpu.memory_space<vmem>>, %arg16: memref<!tpu.dma_semaphore, #tpu.memory_space<semaphore_mem>>, %arg17: memref<!tpu.dma_semaphore, #tpu.memory_space<semaphore_mem>>, %arg18: memref<!tpu.dma_semaphore, #tpu.memory_space<semaphore_mem>>, %arg19: memref<!tpu.dma_semaphore, #tpu.memory_space<semaphore_mem>>, %arg20: memref<!tpu.dma_semaphore, #tpu.memory_space<semaphore_mem>>, %arg21: memref<!tpu.dma_semaphore, #tpu.memory_space<semaphore_mem>>, %arg22: memref<10240x128xf32, #tpu.memory_space<vmem_shared>>) attributes {dimension_semantics = [#tpu.dimension_semantics<core_parallel>, #tpu.dimension_semantics<subcore_parallel>], iteration_bounds = array<i64: 2, 16>, scalar_prefetch = 0 : i64, scratch_operands = 18 : i64, tpu.core_type = #tpu.core_type<sc_vector_subcore>, window_params = [{transform_indices = #map}, {transform_indices = #map1}, {transform_indices = #map1}]} {
    %mul3A = arith.constant 16 : i32
    %mul3A_0 = arith.muli %arg0, %mul3A : i32
    %add3A = arith.addi %mul3A_0, %arg1 : i32
    "tpu.region"() ({
      %run_scoped3A = tpu.sem_alloc : memref<!tpu.dma_semaphore, #tpu.memory_space<semaphore_mem>>
      %dma_start3A_464 = arith.constant 0 : i32
      %dma_start3A_465 = arith.constant 0 : i32
      %dma_start3A_466 = tpu.memref_slice %arg3[%add3A, %dma_start3A_464, %dma_start3A_465] : memref<32x126x80xi32, #tpu.memory_space<hbm>> -> memref<1x126x80xi32, #tpu.memory_space<hbm>>
      %dma_start3A_467 = tpu.memref_squeeze %dma_start3A_466 : memref<1x126x80xi32, #tpu.memory_space<hbm>> -> memref<126x80xi32, #tpu.memory_space<hbm>>
      %dma_start3A_468 = arith.constant 0 : i32
      %dma_start3A_469 = arith.constant 0 : i32
      %dma_start3A_470 = tpu.memref_slice %arg3[%add3A, %dma_start3A_468, %dma_start3A_469] : memref<32x126x80xi32, #tpu.memory_space<hbm>> -> memref<1x126x80xi32, #tpu.memory_space<hbm>>
      %dma_start3A_471 = tpu.memref_squeeze %dma_start3A_470 : memref<1x126x80xi32, #tpu.memory_space<hbm>> -> memref<126x80xi32, #tpu.memory_space<hbm>>
      tpu.enqueue_dma source(%dma_start3A_471 : memref<126x80xi32, #tpu.memory_space<hbm>>) target(%arg5 : memref<126x80xi32, #tpu.memory_space<vmem>>) target_semaphore(%run_scoped3A : memref<!tpu.dma_semaphore, #tpu.memory_space<semaphore_mem>>)
      %dma_wait3A_472 = arith.constant 0 : i32
      %dma_wait3A_473 = arith.constant 0 : i32
      %dma_wait3A_474 = tpu.memref_slice %arg3[%add3A, %dma_wait3A_472, %dma_wait3A_473] : memref<32x126x80xi32, #tpu.memory_space<hbm>> -> memref<1x126x80xi32, #tpu.memory_space<hbm>>
      %dma_wait3A_475 = tpu.memref_squeeze %dma_wait3A_474 : memref<1x126x80xi32, #tpu.memory_space<hbm>> -> memref<126x80xi32, #tpu.memory_space<hbm>>
      %dma_wait3A_476 = arith.constant 0 : i32
      %dma_wait3A_477 = arith.constant 0 : i32
      %dma_wait3A_478 = tpu.memref_slice %arg3[%add3A, %dma_wait3A_476, %dma_wait3A_477] : memref<32x126x80xi32, #tpu.memory_space<hbm>> -> memref<1x126x80xi32, #tpu.memory_space<hbm>>
      %dma_wait3A_479 = tpu.memref_squeeze %dma_wait3A_478 : memref<1x126x80xi32, #tpu.memory_space<hbm>> -> memref<126x80xi32, #tpu.memory_space<hbm>>
      tpu.wait_dma2 semaphore(%run_scoped3A : memref<!tpu.dma_semaphore, #tpu.memory_space<semaphore_mem>>) src(%dma_wait3A_479 : memref<126x80xi32, #tpu.memory_space<hbm>>) dst(%arg5 : memref<126x80xi32, #tpu.memory_space<vmem>>)
      tpu.yield
    }) : () -> ()
    %scan3A = arith.constant 0 : i32
    %scan3A_1 = arith.constant 0 : i32
    %scan3A_2 = arith.constant 8 : i32
    %scan3A_3 = arith.addi %scan3A_1, %scan3A_2 : i32
    %scan3A_4 = arith.constant 1 : i32
    scf.for %scan3A_464 = %scan3A_1 to %scan3A_3 step %scan3A_4  : i32 {
      %broadcast_in_dim3A = arith.constant 0.000000e+00 : f32
      %broadcast_in_dim3A_465 = vector.broadcast %broadcast_in_dim3A : f32 to vector<16xf32>
      %swap3A_466 = arith.index_cast %scan3A_464 : i32 to index
      %swap3A_467 = arith.constant 0 : index
      %swap3A_468 = tpu.vector_load %arg15[%swap3A_466, %swap3A_467] {strides = array<i32>} : memref<8x128xf32, #tpu.memory_space<vmem>>, vector<1x16xf32>,
      %swap3A_469 = vector.shape_cast %swap3A_468 : vector<1x16xf32> to vector<16xf32>
      %swap3A_470 = vector.shape_cast %broadcast_in_dim3A_465 : vector<16xf32> to vector<1x16xf32>
      tpu.vector_store %arg15[%swap3A_466, %swap3A_467], %swap3A_470 {strides = array<i32>} : memref<8x128xf32, #tpu.memory_space<vmem>>, vector<1x16xf32>,
      %broadcast_in_dim3A_471 = arith.constant 0.000000e+00 : f32
      %broadcast_in_dim3A_472 = vector.broadcast %broadcast_in_dim3A_471 : f32 to vector<16xf32>
      %swap3A_473 = arith.index_cast %scan3A_464 : i32 to index
      %swap3A_474 = arith.constant 16 : index
      %swap3A_475 = tpu.vector_load %arg15[%swap3A_473, %swap3A_474] {strides = array<i32>} : memref<8x128xf32, #tpu.memory_space<vmem>>, vector<1x16xf32>,
      %swap3A_476 = vector.shape_cast %swap3A_475 : vector<1x16xf32> to vector<16xf32>
      %swap3A_477 = vector.shape_cast %broadcast_in_dim3A_472 : vector<16xf32> to vector<1x16xf32>
      tpu.vector_store %arg15[%swap3A_473, %swap3A_474], %swap3A_477 {strides = array<i32>} : memref<8x128xf32, #tpu.memory_space<vmem>>, vector<1x16xf32>,
      %broadcast_in_dim3A_478 = arith.constant 0.000000e+00 : f32
      %broadcast_in_dim3A_479 = vector.broadcast %broadcast_in_dim3A_478 : f32 to vector<16xf32>
      %swap3A_480 = arith.index_cast %scan3A_464 : i32 to index
      %swap3A_481 = arith.constant 32 : index
      %swap3A_482 = tpu.vector_load %arg15[%swap3A_480, %swap3A_481] {strides = array<i32>} : memref<8x128xf32, #tpu.memory_space<vmem>>, vector<1x16xf32>,
      %swap3A_483 = vector.shape_cast %swap3A_482 : vector<1x16xf32> to vector<16xf32>
      %swap3A_484 = vector.shape_cast %broadcast_in_dim3A_479 : vector<16xf32> to vector<1x16xf32>
      tpu.vector_store %arg15[%swap3A_480, %swap3A_481], %swap3A_484 {strides = array<i32>} : memref<8x128xf32, #tpu.memory_space<vmem>>, vector<1x16xf32>,
      %broadcast_in_dim3A_485 = arith.constant 0.000000e+00 : f32
      %broadcast_in_dim3A_486 = vector.broadcast %broadcast_in_dim3A_485 : f32 to vector<16xf32>
      %swap3A_487 = arith.index_cast %scan3A_464 : i32 to index
      %swap3A_488 = arith.constant 48 : index
      %swap3A_489 = tpu.vector_load %arg15[%swap3A_487, %swap3A_488] {strides = array<i32>} : memref<8x128xf32, #tpu.memory_space<vmem>>, vector<1x16xf32>,
      %swap3A_490 = vector.shape_cast %swap3A_489 : vector<1x16xf32> to vector<16xf32>
      %swap3A_491 = vector.shape_cast %broadcast_in_dim3A_486 : vector<16xf32> to vector<1x16xf32>
      tpu.vector_store %arg15[%swap3A_487, %swap3A_488], %swap3A_491 {strides = array<i32>} : memref<8x128xf32, #tpu.memory_space<vmem>>, vector<1x16xf32>,
      %broadcast_in_dim3A_492 = arith.constant 0.000000e+00 : f32
      %broadcast_in_dim3A_493 = vector.broadcast %broadcast_in_dim3A_492 : f32 to vector<16xf32>
      %swap3A_494 = arith.index_cast %scan3A_464 : i32 to index
      %swap3A_495 = arith.constant 64 : index
      %swap3A_496 = tpu.vector_load %arg15[%swap3A_494, %swap3A_495] {strides = array<i32>} : memref<8x128xf32, #tpu.memory_space<vmem>>, vector<1x16xf32>,
      %swap3A_497 = vector.shape_cast %swap3A_496 : vector<1x16xf32> to vector<16xf32>
      %swap3A_498 = vector.shape_cast %broadcast_in_dim3A_493 : vector<16xf32> to vector<1x16xf32>
      tpu.vector_store %arg15[%swap3A_494, %swap3A_495], %swap3A_498 {strides = array<i32>} : memref<8x128xf32, #tpu.memory_space<vmem>>, vector<1x16xf32>,
      %broadcast_in_dim3A_499 = arith.constant 0.000000e+00 : f32
      %broadcast_in_dim3A_500 = vector.broadcast %broadcast_in_dim3A_499 : f32 to vector<16xf32>
      %swap3A_501 = arith.index_cast %scan3A_464 : i32 to index
      %swap3A_502 = arith.constant 80 : index
      %swap3A_503 = tpu.vector_load %arg15[%swap3A_501, %swap3A_502] {strides = array<i32>} : memref<8x128xf32, #tpu.memory_space<vmem>>, vector<1x16xf32>,
      %swap3A_504 = vector.shape_cast %swap3A_503 : vector<1x16xf32> to vector<16xf32>
      %swap3A_505 = vector.shape_cast %broadcast_in_dim3A_500 : vector<16xf32> to vector<1x16xf32>
      tpu.vector_store %arg15[%swap3A_501, %swap3A_502], %swap3A_505 {strides = array<i32>} : memref<8x128xf32, #tpu.memory_space<vmem>>, vector<1x16xf32>,
      %broadcast_in_dim3A_506 = arith.constant 0.000000e+00 : f32
      %broadcast_in_dim3A_507 = vector.broadcast %broadcast_in_dim3A_506 : f32 to vector<16xf32>
      %swap3A_508 = arith.index_cast %scan3A_464 : i32 to index
      %swap3A_509 = arith.constant 96 : index
      %swap3A_510 = tpu.vector_load %arg15[%swap3A_508, %swap3A_509] {strides = array<i32>} : memref<8x128xf32, #tpu.memory_space<vmem>>, vector<1x16xf32>,
      %swap3A_511 = vector.shape_cast %swap3A_510 : vector<1x16xf32> to vector<16xf32>
      %swap3A_512 = vector.shape_cast %broadcast_in_dim3A_507 : vector<16xf32> to vector<1x16xf32>
      tpu.vector_store %arg15[%swap3A_508, %swap3A_509], %swap3A_512 {strides = array<i32>} : memref<8x128xf32, #tpu.memory_space<vmem>>, vector<1x16xf32>,
      %broadcast_in_dim3A_513 = arith.constant 0.000000e+00 : f32
      %broadcast_in_dim3A_514 = vector.broadcast %broadcast_in_dim3A_513 : f32 to vector<16xf32>
      %swap3A_515 = arith.index_cast %scan3A_464 : i32 to index
      %swap3A_516 = arith.constant 112 : index
      %swap3A_517 = tpu.vector_load %arg15[%swap3A_515, %swap3A_516] {strides = array<i32>} : memref<8x128xf32, #tpu.memory_space<vmem>>, vector<1x16xf32>,
      %swap3A_518 = vector.shape_cast %swap3A_517 : vector<1x16xf32> to vector<16xf32>
      %swap3A_519 = vector.shape_cast %broadcast_in_dim3A_514 : vector<16xf32> to vector<1x16xf32>
      tpu.vector_store %arg15[%swap3A_515, %swap3A_516], %swap3A_519 {strides = array<i32>} : memref<8x128xf32, #tpu.memory_space<vmem>>, vector<1x16xf32>,
    }
    %scan3A_5 = arith.constant 8 : i32
    %scan3A_6 = arith.constant 0 : i32
    %scan3A_7 = arith.constant 0 : i32
    %scan3A_8 = arith.constant 10 : i32
    %scan3A_9 = arith.addi %scan3A_7, %scan3A_8 : i32
    %scan3A_10 = arith.constant 1 : i32
    scf.for %scan3A_464 = %scan3A_7 to %scan3A_9 step %scan3A_10  : i32 {
      %mul3A_465 = arith.constant 640 : i32
      %mul3A_466 = arith.muli %arg1, %mul3A_465 : i32
      %mul3A_467 = arith.constant 8 : i32
      %mul3A_468 = arith.muli %scan3A_464, %mul3A_467 : i32
      %add3A_469 = arith.constant 0 : i32
      %add3A_470 = arith.addi %mul3A_468, %add3A_469 : i32
      %mul3A_471 = arith.constant 8 : i32
      %mul3A_472 = arith.muli %add3A_470, %mul3A_471 : i32
      %add3A_473 = arith.addi %mul3A_466, %mul3A_472 : i32
      %dma_start3A_474 = arith.constant 0 : i32
      %dma_start3A_475 = tpu.memref_slice %arg22[%add3A_473, %dma_start3A_474] : memref<10240x128xf32, #tpu.memory_space<vmem_shared>> -> memref<8x128xf32, #tpu.memory_space<vmem_shared>>
      %dma_start3A_476 = arith.constant 0 : i32
      %dma_start3A_477 = tpu.memref_slice %arg22[%add3A_473, %dma_start3A_476] : memref<10240x128xf32, #tpu.memory_space<vmem_shared>> -> memref<8x128xf32, #tpu.memory_space<vmem_shared>>
      tpu.enqueue_dma source(%arg15 : memref<8x128xf32, #tpu.memory_space<vmem>>) target(%dma_start3A_477 : memref<8x128xf32, #tpu.memory_space<vmem_shared>>) target_semaphore(%arg19 : memref<!tpu.dma_semaphore, #tpu.memory_space<semaphore_mem>>)
      %mul3A_478 = arith.constant 640 : i32
      %mul3A_479 = arith.muli %arg1, %mul3A_478 : i32
      %mul3A_480 = arith.constant 8 : i32
      %mul3A_481 = arith.muli %scan3A_464, %mul3A_480 : i32
      %add3A_482 = arith.constant 1 : i32
      %add3A_483 = arith.addi %mul3A_481, %add3A_482 : i32
      %mul3A_484 = arith.constant 8 : i32
      %mul3A_485 = arith.muli %add3A_483, %mul3A_484 : i32
      %add3A_486 = arith.addi %mul3A_479, %mul3A_485 : i32
      %dma_start3A_487 = arith.constant 0 : i32
      %dma_start3A_488 = tpu.memref_slice %arg22[%add3A_486, %dma_start3A_487] : memref<10240x128xf32, #tpu.memory_space<vmem_shared>> -> memref<8x128xf32, #tpu.memory_space<vmem_shared>>
      %dma_start3A_489 = arith.constant 0 : i32
      %dma_start3A_490 = tpu.memref_slice %arg22[%add3A_486, %dma_start3A_489] : memref<10240x128xf32, #tpu.memory_space<vmem_shared>> -> memref<8x128xf32, #tpu.memory_space<vmem_shared>>
      tpu.enqueue_dma source(%arg15 : memref<8x128xf32, #tpu.memory_space<vmem>>) target(%dma_start3A_490 : memref<8x128xf32, #tpu.memory_space<vmem_shared>>) target_semaphore(%arg19 : memref<!tpu.dma_semaphore, #tpu.memory_space<semaphore_mem>>)
      %mul3A_491 = arith.constant 640 : i32
      %mul3A_492 = arith.muli %arg1, %mul3A_491 : i32
      %mul3A_493 = arith.constant 8 : i32
      %mul3A_494 = arith.muli %scan3A_464, %mul3A_493 : i32
      %add3A_495 = arith.constant 2 : i32
      %add3A_496 = arith.addi %mul3A_494, %add3A_495 : i32
      %mul3A_497 = arith.constant 8 : i32
      %mul3A_498 = arith.muli %add3A_496, %mul3A_497 : i32
      %add3A_499 = arith.addi %mul3A_492, %mul3A_498 : i32
      %dma_start3A_500 = arith.constant 0 : i32
      %dma_start3A_501 = tpu.memref_slice %arg22[%add3A_499, %dma_start3A_500] : memref<10240x128xf32, #tpu.memory_space<vmem_shared>> -> memref<8x128xf32, #tpu.memory_space<vmem_shared>>
      %dma_start3A_502 = arith.constant 0 : i32
      %dma_start3A_503 = tpu.memref_slice %arg22[%add3A_499, %dma_start3A_502] : memref<10240x128xf32, #tpu.memory_space<vmem_shared>> -> memref<8x128xf32, #tpu.memory_space<vmem_shared>>
      tpu.enqueue_dma source(%arg15 : memref<8x128xf32, #tpu.memory_space<vmem>>) target(%dma_start3A_503 : memref<8x128xf32, #tpu.memory_space<vmem_shared>>) target_semaphore(%arg19 : memref<!tpu.dma_semaphore, #tpu.memory_space<semaphore_mem>>)
      %mul3A_504 = arith.constant 640 : i32
      %mul3A_505 = arith.muli %arg1, %mul3A_504 : i32
      %mul3A_506 = arith.constant 8 : i32
      %mul3A_507 = arith.muli %scan3A_464, %mul3A_506 : i32
      %add3A_508 = arith.constant 3 : i32
      %add3A_509 = arith.addi %mul3A_507, %add3A_508 : i32
      %mul3A_510 = arith.constant 8 : i32
      %mul3A_511 = arith.muli %add3A_509, %mul3A_510 : i32
      %add3A_512 = arith.addi %mul3A_505, %mul3A_511 : i32
      %dma_start3A_513 = arith.constant 0 : i32
      %dma_start3A_514 = tpu.memref_slice %arg22[%add3A_512, %dma_start3A_513] : memref<10240x128xf32, #tpu.memory_space<vmem_shared>> -> memref<8x128xf32, #tpu.memory_space<vmem_shared>>
      %dma_start3A_515 = arith.constant 0 : i32
      %dma_start3A_516 = tpu.memref_slice %arg22[%add3A_512, %dma_start3A_515] : memref<10240x128xf32, #tpu.memory_space<vmem_shared>> -> memref<8x128xf32, #tpu.memory_space<vmem_shared>>
      tpu.enqueue_dma source(%arg15 : memref<8x128xf32, #tpu.memory_space<vmem>>) target(%dma_start3A_516 : memref<8x128xf32, #tpu.memory_space<vmem_shared>>) target_semaphore(%arg19 : memref<!tpu.dma_semaphore, #tpu.memory_space<semaphore_mem>>)
      %mul3A_517 = arith.constant 640 : i32
      %mul3A_518 = arith.muli %arg1, %mul3A_517 : i32
      %mul3A_519 = arith.constant 8 : i32
      %mul3A_520 = arith.muli %scan3A_464, %mul3A_519 : i32
      %add3A_521 = arith.constant 4 : i32
      %add3A_522 = arith.addi %mul3A_520, %add3A_521 : i32
      %mul3A_523 = arith.constant 8 : i32
      %mul3A_524 = arith.muli %add3A_522, %mul3A_523 : i32
      %add3A_525 = arith.addi %mul3A_518, %mul3A_524 : i32
      %dma_start3A_526 = arith.constant 0 : i32
      %dma_start3A_527 = tpu.memref_slice %arg22[%add3A_525, %dma_start3A_526] : memref<10240x128xf32, #tpu.memory_space<vmem_shared>> -> memref<8x128xf32, #tpu.memory_space<vmem_shared>>
      %dma_start3A_528 = arith.constant 0 : i32
      %dma_start3A_529 = tpu.memref_slice %arg22[%add3A_525, %dma_start3A_528] : memref<10240x128xf32, #tpu.memory_space<vmem_shared>> -> memref<8x128xf32, #tpu.memory_space<vmem_shared>>
      tpu.enqueue_dma source(%arg15 : memref<8x128xf32, #tpu.memory_space<vmem>>) target(%dma_start3A_529 : memref<8x128xf32, #tpu.memory_space<vmem_shared>>) target_semaphore(%arg19 : memref<!tpu.dma_semaphore, #tpu.memory_space<semaphore_mem>>)
      %mul3A_530 = arith.constant 640 : i32
      %mul3A_531 = arith.muli %arg1, %mul3A_530 : i32
      %mul3A_532 = arith.constant 8 : i32
      %mul3A_533 = arith.muli %scan3A_464, %mul3A_532 : i32
      %add3A_534 = arith.constant 5 : i32
      %add3A_535 = arith.addi %mul3A_533, %add3A_534 : i32
      %mul3A_536 = arith.constant 8 : i32
      %mul3A_537 = arith.muli %add3A_535, %mul3A_536 : i32
      %add3A_538 = arith.addi %mul3A_531, %mul3A_537 : i32
      %dma_start3A_539 = arith.constant 0 : i32
      %dma_start3A_540 = tpu.memref_slice %arg22[%add3A_538, %dma_start3A_539] : memref<10240x128xf32, #tpu.memory_space<vmem_shared>> -> memref<8x128xf32, #tpu.memory_space<vmem_shared>>
      %dma_start3A_541 = arith.constant 0 : i32
      %dma_start3A_542 = tpu.memref_slice %arg22[%add3A_538, %dma_start3A_541] : memref<10240x128xf32, #tpu.memory_space<vmem_shared>> -> memref<8x128xf32, #tpu.memory_space<vmem_shared>>
      tpu.enqueue_dma source(%arg15 : memref<8x128xf32, #tpu.memory_space<vmem>>) target(%dma_start3A_542 : memref<8x128xf32, #tpu.memory_space<vmem_shared>>) target_semaphore(%arg19 : memref<!tpu.dma_semaphore, #tpu.memory_space<semaphore_mem>>)
      %mul3A_543 = arith.constant 640 : i32
      %mul3A_544 = arith.muli %arg1, %mul3A_543 : i32
      %mul3A_545 = arith.constant 8 : i32
      %mul3A_546 = arith.muli %scan3A_464, %mul3A_545 : i32
      %add3A_547 = arith.constant 6 : i32
      %add3A_548 = arith.addi %mul3A_546, %add3A_547 : i32
      %mul3A_549 = arith.constant 8 : i32
      %mul3A_550 = arith.muli %add3A_548, %mul3A_549 : i32
      %add3A_551 = arith.addi %mul3A_544, %mul3A_550 : i32
      %dma_start3A_552 = arith.constant 0 : i32
      %dma_start3A_553 = tpu.memref_slice %arg22[%add3A_551, %dma_start3A_552] : memref<10240x128xf32, #tpu.memory_space<vmem_shared>> -> memref<8x128xf32, #tpu.memory_space<vmem_shared>>
      %dma_start3A_554 = arith.constant 0 : i32
      %dma_start3A_555 = tpu.memref_slice %arg22[%add3A_551, %dma_start3A_554] : memref<10240x128xf32, #tpu.memory_space<vmem_shared>> -> memref<8x128xf32, #tpu.memory_space<vmem_shared>>
      tpu.enqueue_dma source(%arg15 : memref<8x128xf32, #tpu.memory_space<vmem>>) target(%dma_start3A_555 : memref<8x128xf32, #tpu.memory_space<vmem_shared>>) target_semaphore(%arg19 : memref<!tpu.dma_semaphore, #tpu.memory_space<semaphore_mem>>)
      %mul3A_556 = arith.constant 640 : i32
      %mul3A_557 = arith.muli %arg1, %mul3A_556 : i32
      %mul3A_558 = arith.constant 8 : i32
      %mul3A_559 = arith.muli %scan3A_464, %mul3A_558 : i32
      %add3A_560 = arith.constant 7 : i32
      %add3A_561 = arith.addi %mul3A_559, %add3A_560 : i32
      %mul3A_562 = arith.constant 8 : i32
      %mul3A_563 = arith.muli %add3A_561, %mul3A_562 : i32
      %add3A_564 = arith.addi %mul3A_557, %mul3A_563 : i32
      %dma_start3A_565 = arith.constant 0 : i32
      %dma_start3A_566 = tpu.memref_slice %arg22[%add3A_564, %dma_start3A_565] : memref<10240x128xf32, #tpu.memory_space<vmem_shared>> -> memref<8x128xf32, #tpu.memory_space<vmem_shared>>
      %dma_start3A_567 = arith.constant 0 : i32
      %dma_start3A_568 = tpu.memref_slice %arg22[%add3A_564, %dma_start3A_567] : memref<10240x128xf32, #tpu.memory_space<vmem_shared>> -> memref<8x128xf32, #tpu.memory_space<vmem_shared>>
      tpu.enqueue_dma source(%arg15 : memref<8x128xf32, #tpu.memory_space<vmem>>) target(%dma_start3A_568 : memref<8x128xf32, #tpu.memory_space<vmem_shared>>) target_semaphore(%arg19 : memref<!tpu.dma_semaphore, #tpu.memory_space<semaphore_mem>>)
      %mul3A_569 = arith.constant 640 : i32
      %mul3A_570 = arith.muli %arg1, %mul3A_569 : i32
      %mul3A_571 = arith.constant 8 : i32
      %mul3A_572 = arith.muli %scan3A_464, %mul3A_571 : i32
      %add3A_573 = arith.constant 0 : i32
      %add3A_574 = arith.addi %mul3A_572, %add3A_573 : i32
      %mul3A_575 = arith.constant 8 : i32
      %mul3A_576 = arith.muli %add3A_574, %mul3A_575 : i32
      %add3A_577 = arith.addi %mul3A_570, %mul3A_576 : i32
      %dma_wait3A_578 = arith.constant 0 : i32
      %dma_wait3A_579 = tpu.memref_slice %arg22[%add3A_577, %dma_wait3A_578] : memref<10240x128xf32, #tpu.memory_space<vmem_shared>> -> memref<8x128xf32, #tpu.memory_space<vmem_shared>>
      %dma_wait3A_580 = arith.constant 0 : i32
      %dma_wait3A_581 = tpu.memref_slice %arg22[%add3A_577, %dma_wait3A_580] : memref<10240x128xf32, #tpu.memory_space<vmem_shared>> -> memref<8x128xf32, #tpu.memory_space<vmem_shared>>
      tpu.wait_dma2 semaphore(%arg19 : memref<!tpu.dma_semaphore, #tpu.memory_space<semaphore_mem>>) src(%arg15 : memref<8x128xf32, #tpu.memory_space<vmem>>) dst(%dma_wait3A_581 : memref<8x128xf32, #tpu.memory_space<vmem_shared>>)
      %mul3A_582 = arith.constant 640 : i32
      %mul3A_583 = arith.muli %arg1, %mul3A_582 : i32
      %mul3A_584 = arith.constant 8 : i32
      %mul3A_585 = arith.muli %scan3A_464, %mul3A_584 : i32
      %add3A_586 = arith.constant 1 : i32
      %add3A_587 = arith.addi %mul3A_585, %add3A_586 : i32
      %mul3A_588 = arith.constant 8 : i32
      %mul3A_589 = arith.muli %add3A_587, %mul3A_588 : i32
      %add3A_590 = arith.addi %mul3A_583, %mul3A_589 : i32
      %dma_wait3A_591 = arith.constant 0 : i32
      %dma_wait3A_592 = tpu.memref_slice %arg22[%add3A_590, %dma_wait3A_591] : memref<10240x128xf32, #tpu.memory_space<vmem_shared>> -> memref<8x128xf32, #tpu.memory_space<vmem_shared>>
      %dma_wait3A_593 = arith.constant 0 : i32
      %dma_wait3A_594 = tpu.memref_slice %arg22[%add3A_590, %dma_wait3A_593] : memref<10240x128xf32, #tpu.memory_space<vmem_shared>> -> memref<8x128xf32, #tpu.memory_space<vmem_shared>>
      tpu.wait_dma2 semaphore(%arg19 : memref<!tpu.dma_semaphore, #tpu.memory_space<semaphore_mem>>) src(%arg15 : memref<8x128xf32, #tpu.memory_space<vmem>>) dst(%dma_wait3A_594 : memref<8x128xf32, #tpu.memory_space<vmem_shared>>)
      %mul3A_595 = arith.constant 640 : i32
      %mul3A_596 = arith.muli %arg1, %mul3A_595 : i32
      %mul3A_597 = arith.constant 8 : i32
      %mul3A_598 = arith.muli %scan3A_464, %mul3A_597 : i32
      %add3A_599 = arith.constant 2 : i32
      %add3A_600 = arith.addi %mul3A_598, %add3A_599 : i32
      %mul3A_601 = arith.constant 8 : i32
      %mul3A_602 = arith.muli %add3A_600, %mul3A_601 : i32
      %add3A_603 = arith.addi %mul3A_596, %mul3A_602 : i32
      %dma_wait3A_604 = arith.constant 0 : i32
      %dma_wait3A_605 = tpu.memref_slice %arg22[%add3A_603, %dma_wait3A_604] : memref<10240x128xf32, #tpu.memory_space<vmem_shared>> -> memref<8x128xf32, #tpu.memory_space<vmem_shared>>
      %dma_wait3A_606 = arith.constant 0 : i32
      %dma_wait3A_607 = tpu.memref_slice %arg22[%add3A_603, %dma_wait3A_606] : memref<10240x128xf32, #tpu.memory_space<vmem_shared>> -> memref<8x128xf32, #tpu.memory_space<vmem_shared>>
      tpu.wait_dma2 semaphore(%arg19 : memref<!tpu.dma_semaphore, #tpu.memory_space<semaphore_mem>>) src(%arg15 : memref<8x128xf32, #tpu.memory_space<vmem>>) dst(%dma_wait3A_607 : memref<8x128xf32, #tpu.memory_space<vmem_shared>>)
      %mul3A_608 = arith.constant 640 : i32
      %mul3A_609 = arith.muli %arg1, %mul3A_608 : i32
      %mul3A_610 = arith.constant 8 : i32
      %mul3A_611 = arith.muli %scan3A_464, %mul3A_610 : i32
      %add3A_612 = arith.constant 3 : i32
      %add3A_613 = arith.addi %mul3A_611, %add3A_612 : i32
      %mul3A_614 = arith.constant 8 : i32
      %mul3A_615 = arith.muli %add3A_613, %mul3A_614 : i32
      %add3A_616 = arith.addi %mul3A_609, %mul3A_615 : i32
      %dma_wait3A_617 = arith.constant 0 : i32
      %dma_wait3A_618 = tpu.memref_slice %arg22[%add3A_616, %dma_wait3A_617] : memref<10240x128xf32, #tpu.memory_space<vmem_shared>> -> memref<8x128xf32, #tpu.memory_space<vmem_shared>>
      %dma_wait3A_619 = arith.constant 0 : i32
      %dma_wait3A_620 = tpu.memref_slice %arg22[%add3A_616, %dma_wait3A_619] : memref<10240x128xf32, #tpu.memory_space<vmem_shared>> -> memref<8x128xf32, #tpu.memory_space<vmem_shared>>
      tpu.wait_dma2 semaphore(%arg19 : memref<!tpu.dma_semaphore, #tpu.memory_space<semaphore_mem>>) src(%arg15 : memref<8x128xf32, #tpu.memory_space<vmem>>) dst(%dma_wait3A_620 : memref<8x128xf32, #tpu.memory_space<vmem_shared>>)
      %mul3A_621 = arith.constant 640 : i32
      %mul3A_622 = arith.muli %arg1, %mul3A_621 : i32
      %mul3A_623 = arith.constant 8 : i32
      %mul3A_624 = arith.muli %scan3A_464, %mul3A_623 : i32
      %add3A_625 = arith.constant 4 : i32
      %add3A_626 = arith.addi %mul3A_624, %add3A_625 : i32
      %mul3A_627 = arith.constant 8 : i32
      %mul3A_628 = arith.muli %add3A_626, %mul3A_627 : i32
      %add3A_629 = arith.addi %mul3A_622, %mul3A_628 : i32
      %dma_wait3A_630 = arith.constant 0 : i32
      %dma_wait3A_631 = tpu.memref_slice %arg22[%add3A_629, %dma_wait3A_630] : memref<10240x128xf32, #tpu.memory_space<vmem_shared>> -> memref<8x128xf32, #tpu.memory_space<vmem_shared>>
      %dma_wait3A_632 = arith.constant 0 : i32
      %dma_wait3A_633 = tpu.memref_slice %arg22[%add3A_629, %dma_wait3A_632] : memref<10240x128xf32, #tpu.memory_space<vmem_shared>> -> memref<8x128xf32, #tpu.memory_space<vmem_shared>>
      tpu.wait_dma2 semaphore(%arg19 : memref<!tpu.dma_semaphore, #tpu.memory_space<semaphore_mem>>) src(%arg15 : memref<8x128xf32, #tpu.memory_space<vmem>>) dst(%dma_wait3A_633 : memref<8x128xf32, #tpu.memory_space<vmem_shared>>)
      %mul3A_634 = arith.constant 640 : i32
      %mul3A_635 = arith.muli %arg1, %mul3A_634 : i32
      %mul3A_636 = arith.constant 8 : i32
      %mul3A_637 = arith.muli %scan3A_464, %mul3A_636 : i32
      %add3A_638 = arith.constant 5 : i32
      %add3A_639 = arith.addi %mul3A_637, %add3A_638 : i32
      %mul3A_640 = arith.constant 8 : i32
      %mul3A_641 = arith.muli %add3A_639, %mul3A_640 : i32
      %add3A_642 = arith.addi %mul3A_635, %mul3A_641 : i32
      %dma_wait3A_643 = arith.constant 0 : i32
      %dma_wait3A_644 = tpu.memref_slice %arg22[%add3A_642, %dma_wait3A_643] : memref<10240x128xf32, #tpu.memory_space<vmem_shared>> -> memref<8x128xf32, #tpu.memory_space<vmem_shared>>
      %dma_wait3A_645 = arith.constant 0 : i32
      %dma_wait3A_646 = tpu.memref_slice %arg22[%add3A_642, %dma_wait3A_645] : memref<10240x128xf32, #tpu.memory_space<vmem_shared>> -> memref<8x128xf32, #tpu.memory_space<vmem_shared>>
      tpu.wait_dma2 semaphore(%arg19 : memref<!tpu.dma_semaphore, #tpu.memory_space<semaphore_mem>>) src(%arg15 : memref<8x128xf32, #tpu.memory_space<vmem>>) dst(%dma_wait3A_646 : memref<8x128xf32, #tpu.memory_space<vmem_shared>>)
      %mul3A_647 = arith.constant 640 : i32
      %mul3A_648 = arith.muli %arg1, %mul3A_647 : i32
      %mul3A_649 = arith.constant 8 : i32
      %mul3A_650 = arith.muli %scan3A_464, %mul3A_649 : i32
      %add3A_651 = arith.constant 6 : i32
      %add3A_652 = arith.addi %mul3A_650, %add3A_651 : i32
      %mul3A_653 = arith.constant 8 : i32
      %mul3A_654 = arith.muli %add3A_652, %mul3A_653 : i32
      %add3A_655 = arith.addi %mul3A_648, %mul3A_654 : i32
      %dma_wait3A_656 = arith.constant 0 : i32
      %dma_wait3A_657 = tpu.memref_slice %arg22[%add3A_655, %dma_wait3A_656] : memref<10240x128xf32, #tpu.memory_space<vmem_shared>> -> memref<8x128xf32, #tpu.memory_space<vmem_shared>>
      %dma_wait3A_658 = arith.constant 0 : i32
      %dma_wait3A_659 = tpu.memref_slice %arg22[%add3A_655, %dma_wait3A_658] : memref<10240x128xf32, #tpu.memory_space<vmem_shared>> -> memref<8x128xf32, #tpu.memory_space<vmem_shared>>
      tpu.wait_dma2 semaphore(%arg19 : memref<!tpu.dma_semaphore, #tpu.memory_space<semaphore_mem>>) src(%arg15 : memref<8x128xf32, #tpu.memory_space<vmem>>) dst(%dma_wait3A_659 : memref<8x128xf32, #tpu.memory_space<vmem_shared>>)
      %mul3A_660 = arith.constant 640 : i32
      %mul3A_661 = arith.muli %arg1, %mul3A_660 : i32
      %mul3A_662 = arith.constant 8 : i32
      %mul3A_663 = arith.muli %scan3A_464, %mul3A_662 : i32
      %add3A_664 = arith.constant 7 : i32
      %add3A_665 = arith.addi %mul3A_663, %add3A_664 : i32
      %mul3A_666 = arith.constant 8 : i32
      %mul3A_667 = arith.muli %add3A_665, %mul3A_666 : i32
      %add3A_668 = arith.addi %mul3A_661, %mul3A_667 : i32
      %dma_wait3A_669 = arith.constant 0 : i32
      %dma_wait3A_670 = tpu.memref_slice %arg22[%add3A_668, %dma_wait3A_669] : memref<10240x128xf32, #tpu.memory_space<vmem_shared>> -> memref<8x128xf32, #tpu.memory_space<vmem_shared>>
      %dma_wait3A_671 = arith.constant 0 : i32
      %dma_wait3A_672 = tpu.memref_slice %arg22[%add3A_668, %dma_wait3A_671] : memref<10240x128xf32, #tpu.memory_space<vmem_shared>> -> memref<8x128xf32, #tpu.memory_space<vmem_shared>>
      tpu.wait_dma2 semaphore(%arg19 : memref<!tpu.dma_semaphore, #tpu.memory_space<semaphore_mem>>) src(%arg15 : memref<8x128xf32, #tpu.memory_space<vmem>>) dst(%dma_wait3A_672 : memref<8x128xf32, #tpu.memory_space<vmem_shared>>)
    }
    %scan3A_11 = arith.constant 10 : i32
    %barrier3A = arith.constant 0 : index
    tpu.barrier barrier_id(%barrier3A)
    %get3A = arith.constant 0 : i32
    %get3A_12 = arith.index_cast %get3A : i32 to index
    %get3A_13 = arith.constant 0 : index
    %get3A_14 = tpu.vector_load %arg5[%get3A_12, %get3A_13] {strides = array<i32>} : memref<126x80xi32, #tpu.memory_space<vmem>>, vector<1x16xi32>,
    %get3A_15 = vector.shape_cast %get3A_14 : vector<1x16xi32> to vector<16xi32>
    %shift_right_logical3A = arith.constant 14 : i32
    %shift_right_logical3A_16 = vector.broadcast %shift_right_logical3A : i32 to vector<16xi32>
    %shift_right_logical3A_17 = arith.shrui %get3A_15, %shift_right_logical3A_16 : vector<16xi32>
    %swap3A = arith.constant 0 : index
    %swap3A_18 = tpu.vector_load %arg6[%swap3A] {strides = array<i32>} : memref<80xi32, #tpu.memory_space<vmem>>, vector<16xi32>,
    %swap3A_19 = vector.shape_cast %swap3A_18 : vector<16xi32> to vector<16xi32>
    %swap3A_20 = vector.shape_cast %shift_right_logical3A_17 : vector<16xi32> to vector<16xi32>
    tpu.vector_store %arg6[%swap3A], %swap3A_20 {strides = array<i32>} : memref<80xi32, #tpu.memory_space<vmem>>, vector<16xi32>,
    %and3A = arith.constant 16383 : i32
    %and3A_21 = vector.broadcast %and3A : i32 to vector<16xi32>
    %and3A_22 = arith.andi %get3A_15, %and3A_21 : vector<16xi32>
    %swap3A_23 = arith.constant 0 : index
    %swap3A_24 = tpu.vector_load %arg7[%swap3A_23] {strides = array<i32>} : memref<80xi32, #tpu.memory_space<vmem>>, vector<16xi32>,
    %swap3A_25 = vector.shape_cast %swap3A_24 : vector<16xi32> to vector<16xi32>
    %swap3A_26 = vector.shape_cast %and3A_22 : vector<16xi32> to vector<16xi32>
    tpu.vector_store %arg7[%swap3A_23], %swap3A_26 {strides = array<i32>} : memref<80xi32, #tpu.memory_space<vmem>>, vector<16xi32>,
    %get3A_27 = arith.constant 0 : i32
    %get3A_28 = arith.index_cast %get3A_27 : i32 to index
    %get3A_29 = arith.constant 16 : index
    %get3A_30 = tpu.vector_load %arg5[%get3A_28, %get3A_29] {strides = array<i32>} : memref<126x80xi32, #tpu.memory_space<vmem>>, vector<1x16xi32>,
    %get3A_31 = vector.shape_cast %get3A_30 : vector<1x16xi32> to vector<16xi32>
    %shift_right_logical3A_32 = arith.constant 14 : i32
    %shift_right_logical3A_33 = vector.broadcast %shift_right_logical3A_32 : i32 to vector<16xi32>
    %shift_right_logical3A_34 = arith.shrui %get3A_31, %shift_right_logical3A_33 : vector<16xi32>
    %swap3A_35 = arith.constant 16 : index
    %swap3A_36 = tpu.vector_load %arg6[%swap3A_35] {strides = array<i32>} : memref<80xi32, #tpu.memory_space<vmem>>, vector<16xi32>,
    %swap3A_37 = vector.shape_cast %swap3A_36 : vector<16xi32> to vector<16xi32>
    %swap3A_38 = vector.shape_cast %shift_right_logical3A_34 : vector<16xi32> to vector<16xi32>
    tpu.vector_store %arg6[%swap3A_35], %swap3A_38 {strides = array<i32>} : memref<80xi32, #tpu.memory_space<vmem>>, vector<16xi32>,
    %and3A_39 = arith.constant 16383 : i32
    %and3A_40 = vector.broadcast %and3A_39 : i32 to vector<16xi32>
    %and3A_41 = arith.andi %get3A_31, %and3A_40 : vector<16xi32>
    %swap3A_42 = arith.constant 16 : index
    %swap3A_43 = tpu.vector_load %arg7[%swap3A_42] {strides = array<i32>} : memref<80xi32, #tpu.memory_space<vmem>>, vector<16xi32>,
    %swap3A_44 = vector.shape_cast %swap3A_43 : vector<16xi32> to vector<16xi32>
    %swap3A_45 = vector.shape_cast %and3A_41 : vector<16xi32> to vector<16xi32>
    tpu.vector_store %arg7[%swap3A_42], %swap3A_45 {strides = array<i32>} : memref<80xi32, #tpu.memory_space<vmem>>, vector<16xi32>,
    %get3A_46 = arith.constant 0 : i32
    %get3A_47 = arith.index_cast %get3A_46 : i32 to index
    %get3A_48 = arith.constant 32 : index
    %get3A_49 = tpu.vector_load %arg5[%get3A_47, %get3A_48] {strides = array<i32>} : memref<126x80xi32, #tpu.memory_space<vmem>>, vector<1x16xi32>,
    %get3A_50 = vector.shape_cast %get3A_49 : vector<1x16xi32> to vector<16xi32>
    %shift_right_logical3A_51 = arith.constant 14 : i32
    %shift_right_logical3A_52 = vector.broadcast %shift_right_logical3A_51 : i32 to vector<16xi32>
    %shift_right_logical3A_53 = arith.shrui %get3A_50, %shift_right_logical3A_52 : vector<16xi32>
    %swap3A_54 = arith.constant 32 : index
    %swap3A_55 = tpu.vector_load %arg6[%swap3A_54] {strides = array<i32>} : memref<80xi32, #tpu.memory_space<vmem>>, vector<16xi32>,
    %swap3A_56 = vector.shape_cast %swap3A_55 : vector<16xi32> to vector<16xi32>
    %swap3A_57 = vector.shape_cast %shift_right_logical3A_53 : vector<16xi32> to vector<16xi32>
    tpu.vector_store %arg6[%swap3A_54], %swap3A_57 {strides = array<i32>} : memref<80xi32, #tpu.memory_space<vmem>>, vector<16xi32>,
    %and3A_58 = arith.constant 16383 : i32
    %and3A_59 = vector.broadcast %and3A_58 : i32 to vector<16xi32>
    %and3A_60 = arith.andi %get3A_50, %and3A_59 : vector<16xi32>
    %swap3A_61 = arith.constant 32 : index
    %swap3A_62 = tpu.vector_load %arg7[%swap3A_61] {strides = array<i32>} : memref<80xi32, #tpu.memory_space<vmem>>, vector<16xi32>,
    %swap3A_63 = vector.shape_cast %swap3A_62 : vector<16xi32> to vector<16xi32>
    %swap3A_64 = vector.shape_cast %and3A_60 : vector<16xi32> to vector<16xi32>
    tpu.vector_store %arg7[%swap3A_61], %swap3A_64 {strides = array<i32>} : memref<80xi32, #tpu.memory_space<vmem>>, vector<16xi32>,
    %get3A_65 = arith.constant 0 : i32
    %get3A_66 = arith.index_cast %get3A_65 : i32 to index
    %get3A_67 = arith.constant 48 : index
    %get3A_68 = tpu.vector_load %arg5[%get3A_66, %get3A_67] {strides = array<i32>} : memref<126x80xi32, #tpu.memory_space<vmem>>, vector<1x16xi32>,
    %get3A_69 = vector.shape_cast %get3A_68 : vector<1x16xi32> to vector<16xi32>
    %shift_right_logical3A_70 = arith.constant 14 : i32
    %shift_right_logical3A_71 = vector.broadcast %shift_right_logical3A_70 : i32 to vector<16xi32>
    %shift_right_logical3A_72 = arith.shrui %get3A_69, %shift_right_logical3A_71 : vector<16xi32>
    %swap3A_73 = arith.constant 48 : index
    %swap3A_74 = tpu.vector_load %arg6[%swap3A_73] {strides = array<i32>} : memref<80xi32, #tpu.memory_space<vmem>>, vector<16xi32>,
    %swap3A_75 = vector.shape_cast %swap3A_74 : vector<16xi32> to vector<16xi32>
    %swap3A_76 = vector.shape_cast %shift_right_logical3A_72 : vector<16xi32> to vector<16xi32>
    tpu.vector_store %arg6[%swap3A_73], %swap3A_76 {strides = array<i32>} : memref<80xi32, #tpu.memory_space<vmem>>, vector<16xi32>,
    %and3A_77 = arith.constant 16383 : i32
    %and3A_78 = vector.broadcast %and3A_77 : i32 to vector<16xi32>
    %and3A_79 = arith.andi %get3A_69, %and3A_78 : vector<16xi32>
    %swap3A_80 = arith.constant 48 : index
    %swap3A_81 = tpu.vector_load %arg7[%swap3A_80] {strides = array<i32>} : memref<80xi32, #tpu.memory_space<vmem>>, vector<16xi32>,
    %swap3A_82 = vector.shape_cast %swap3A_81 : vector<16xi32> to vector<16xi32>
    %swap3A_83 = vector.shape_cast %and3A_79 : vector<16xi32> to vector<16xi32>
    tpu.vector_store %arg7[%swap3A_80], %swap3A_83 {strides = array<i32>} : memref<80xi32, #tpu.memory_space<vmem>>, vector<16xi32>,
    %get3A_84 = arith.constant 0 : i32
    %get3A_85 = arith.index_cast %get3A_84 : i32 to index
    %get3A_86 = arith.constant 64 : index
    %get3A_87 = tpu.vector_load %arg5[%get3A_85, %get3A_86] {strides = array<i32>} : memref<126x80xi32, #tpu.memory_space<vmem>>, vector<1x16xi32>,
    %get3A_88 = vector.shape_cast %get3A_87 : vector<1x16xi32> to vector<16xi32>
    %shift_right_logical3A_89 = arith.constant 14 : i32
    %shift_right_logical3A_90 = vector.broadcast %shift_right_logical3A_89 : i32 to vector<16xi32>
    %shift_right_logical3A_91 = arith.shrui %get3A_88, %shift_right_logical3A_90 : vector<16xi32>
    %swap3A_92 = arith.constant 64 : index
    %swap3A_93 = tpu.vector_load %arg6[%swap3A_92] {strides = array<i32>} : memref<80xi32, #tpu.memory_space<vmem>>, vector<16xi32>,
    %swap3A_94 = vector.shape_cast %swap3A_93 : vector<16xi32> to vector<16xi32>
    %swap3A_95 = vector.shape_cast %shift_right_logical3A_91 : vector<16xi32> to vector<16xi32>
    tpu.vector_store %arg6[%swap3A_92], %swap3A_95 {strides = array<i32>} : memref<80xi32, #tpu.memory_space<vmem>>, vector<16xi32>,
    %and3A_96 = arith.constant 16383 : i32
    %and3A_97 = vector.broadcast %and3A_96 : i32 to vector<16xi32>
    %and3A_98 = arith.andi %get3A_88, %and3A_97 : vector<16xi32>
    %swap3A_99 = arith.constant 64 : index
    %swap3A_100 = tpu.vector_load %arg7[%swap3A_99] {strides = array<i32>} : memref<80xi32, #tpu.memory_space<vmem>>, vector<16xi32>,
    %swap3A_101 = vector.shape_cast %swap3A_100 : vector<16xi32> to vector<16xi32>
    %swap3A_102 = vector.shape_cast %and3A_98 : vector<16xi32> to vector<16xi32>
    tpu.vector_store %arg7[%swap3A_99], %swap3A_102 {strides = array<i32>} : memref<80xi32, #tpu.memory_space<vmem>>, vector<16xi32>,
    %dma_start3A = arith.constant 0 : i32
    %dma_start3A_103 = arith.constant 0 : i32
    %dma_start3A_104 = tpu.memref_slice %arg2[%dma_start3A, %dma_start3A_103] : memref<10240x128xf32, #tpu.memory_space<hbm>> -> memref<10240x128xf32, #tpu.memory_space<hbm>>
    tpu.enqueue_indirect_dma source(%dma_start3A_104 : memref<10240x128xf32, #tpu.memory_space<hbm>>) target(%arg12 : memref<80x128xf32, #tpu.memory_space<vmem>>) offsets(%arg6 : memref<80xi32, #tpu.memory_space<vmem>>) semaphore(%arg16 : memref<!tpu.dma_semaphore, #tpu.memory_space<semaphore_mem>>)
    %get3A_105 = arith.constant 1 : i32
    %get3A_106 = arith.index_cast %get3A_105 : i32 to index
    %get3A_107 = arith.constant 0 : index
    %get3A_108 = tpu.vector_load %arg5[%get3A_106, %get3A_107] {strides = array<i32>} : memref<126x80xi32, #tpu.memory_space<vmem>>, vector<1x16xi32>,
    %get3A_109 = vector.shape_cast %get3A_108 : vector<1x16xi32> to vector<16xi32>
    %shift_right_logical3A_110 = arith.constant 14 : i32
    %shift_right_logical3A_111 = vector.broadcast %shift_right_logical3A_110 : i32 to vector<16xi32>
    %shift_right_logical3A_112 = arith.shrui %get3A_109, %shift_right_logical3A_111 : vector<16xi32>
    %swap3A_113 = arith.constant 0 : index
    %swap3A_114 = tpu.vector_load %arg8[%swap3A_113] {strides = array<i32>} : memref<80xi32, #tpu.memory_space<vmem>>, vector<16xi32>,
    %swap3A_115 = vector.shape_cast %swap3A_114 : vector<16xi32> to vector<16xi32>
    %swap3A_116 = vector.shape_cast %shift_right_logical3A_112 : vector<16xi32> to vector<16xi32>
    tpu.vector_store %arg8[%swap3A_113], %swap3A_116 {strides = array<i32>} : memref<80xi32, #tpu.memory_space<vmem>>, vector<16xi32>,
    %and3A_117 = arith.constant 16383 : i32
    %and3A_118 = vector.broadcast %and3A_117 : i32 to vector<16xi32>
    %and3A_119 = arith.andi %get3A_109, %and3A_118 : vector<16xi32>
    %swap3A_120 = arith.constant 0 : index
    %swap3A_121 = tpu.vector_load %arg9[%swap3A_120] {strides = array<i32>} : memref<80xi32, #tpu.memory_space<vmem>>, vector<16xi32>,
    %swap3A_122 = vector.shape_cast %swap3A_121 : vector<16xi32> to vector<16xi32>
    %swap3A_123 = vector.shape_cast %and3A_119 : vector<16xi32> to vector<16xi32>
    tpu.vector_store %arg9[%swap3A_120], %swap3A_123 {strides = array<i32>} : memref<80xi32, #tpu.memory_space<vmem>>, vector<16xi32>,
    %get3A_124 = arith.constant 1 : i32
    %get3A_125 = arith.index_cast %get3A_124 : i32 to index
    %get3A_126 = arith.constant 16 : index
    %get3A_127 = tpu.vector_load %arg5[%get3A_125, %get3A_126] {strides = array<i32>} : memref<126x80xi32, #tpu.memory_space<vmem>>, vector<1x16xi32>,
    %get3A_128 = vector.shape_cast %get3A_127 : vector<1x16xi32> to vector<16xi32>
    %shift_right_logical3A_129 = arith.constant 14 : i32
    %shift_right_logical3A_130 = vector.broadcast %shift_right_logical3A_129 : i32 to vector<16xi32>
    %shift_right_logical3A_131 = arith.shrui %get3A_128, %shift_right_logical3A_130 : vector<16xi32>
    %swap3A_132 = arith.constant 16 : index
    %swap3A_133 = tpu.vector_load %arg8[%swap3A_132] {strides = array<i32>} : memref<80xi32, #tpu.memory_space<vmem>>, vector<16xi32>,
    %swap3A_134 = vector.shape_cast %swap3A_133 : vector<16xi32> to vector<16xi32>
    %swap3A_135 = vector.shape_cast %shift_right_logical3A_131 : vector<16xi32> to vector<16xi32>
    tpu.vector_store %arg8[%swap3A_132], %swap3A_135 {strides = array<i32>} : memref<80xi32, #tpu.memory_space<vmem>>, vector<16xi32>,
    %and3A_136 = arith.constant 16383 : i32
    %and3A_137 = vector.broadcast %and3A_136 : i32 to vector<16xi32>
    %and3A_138 = arith.andi %get3A_128, %and3A_137 : vector<16xi32>
    %swap3A_139 = arith.constant 16 : index
    %swap3A_140 = tpu.vector_load %arg9[%swap3A_139] {strides = array<i32>} : memref<80xi32, #tpu.memory_space<vmem>>, vector<16xi32>,
    %swap3A_141 = vector.shape_cast %swap3A_140 : vector<16xi32> to vector<16xi32>
    %swap3A_142 = vector.shape_cast %and3A_138 : vector<16xi32> to vector<16xi32>
    tpu.vector_store %arg9[%swap3A_139], %swap3A_142 {strides = array<i32>} : memref<80xi32, #tpu.memory_space<vmem>>, vector<16xi32>,
    %get3A_143 = arith.constant 1 : i32
    %get3A_144 = arith.index_cast %get3A_143 : i32 to index
    %get3A_145 = arith.constant 32 : index
    %get3A_146 = tpu.vector_load %arg5[%get3A_144, %get3A_145] {strides = array<i32>} : memref<126x80xi32, #tpu.memory_space<vmem>>, vector<1x16xi32>,
    %get3A_147 = vector.shape_cast %get3A_146 : vector<1x16xi32> to vector<16xi32>
    %shift_right_logical3A_148 = arith.constant 14 : i32
    %shift_right_logical3A_149 = vector.broadcast %shift_right_logical3A_148 : i32 to vector<16xi32>
    %shift_right_logical3A_150 = arith.shrui %get3A_147, %shift_right_logical3A_149 : vector<16xi32>
    %swap3A_151 = arith.constant 32 : index
    %swap3A_152 = tpu.vector_load %arg8[%swap3A_151] {strides = array<i32>} : memref<80xi32, #tpu.memory_space<vmem>>, vector<16xi32>,
    %swap3A_153 = vector.shape_cast %swap3A_152 : vector<16xi32> to vector<16xi32>
    %swap3A_154 = vector.shape_cast %shift_right_logical3A_150 : vector<16xi32> to vector<16xi32>
    tpu.vector_store %arg8[%swap3A_151], %swap3A_154 {strides = array<i32>} : memref<80xi32, #tpu.memory_space<vmem>>, vector<16xi32>,
    %and3A_155 = arith.constant 16383 : i32
    %and3A_156 = vector.broadcast %and3A_155 : i32 to vector<16xi32>
    %and3A_157 = arith.andi %get3A_147, %and3A_156 : vector<16xi32>
    %swap3A_158 = arith.constant 32 : index
    %swap3A_159 = tpu.vector_load %arg9[%swap3A_158] {strides = array<i32>} : memref<80xi32, #tpu.memory_space<vmem>>, vector<16xi32>,
    %swap3A_160 = vector.shape_cast %swap3A_159 : vector<16xi32> to vector<16xi32>
    %swap3A_161 = vector.shape_cast %and3A_157 : vector<16xi32> to vector<16xi32>
    tpu.vector_store %arg9[%swap3A_158], %swap3A_161 {strides = array<i32>} : memref<80xi32, #tpu.memory_space<vmem>>, vector<16xi32>,
    %get3A_162 = arith.constant 1 : i32
    %get3A_163 = arith.index_cast %get3A_162 : i32 to index
    %get3A_164 = arith.constant 48 : index
    %get3A_165 = tpu.vector_load %arg5[%get3A_163, %get3A_164] {strides = array<i32>} : memref<126x80xi32, #tpu.memory_space<vmem>>, vector<1x16xi32>,
    %get3A_166 = vector.shape_cast %get3A_165 : vector<1x16xi32> to vector<16xi32>
    %shift_right_logical3A_167 = arith.constant 14 : i32
    %shift_right_logical3A_168 = vector.broadcast %shift_right_logical3A_167 : i32 to vector<16xi32>
    %shift_right_logical3A_169 = arith.shrui %get3A_166, %shift_right_logical3A_168 : vector<16xi32>
    %swap3A_170 = arith.constant 48 : index
    %swap3A_171 = tpu.vector_load %arg8[%swap3A_170] {strides = array<i32>} : memref<80xi32, #tpu.memory_space<vmem>>, vector<16xi32>,
    %swap3A_172 = vector.shape_cast %swap3A_171 : vector<16xi32> to vector<16xi32>
    %swap3A_173 = vector.shape_cast %shift_right_logical3A_169 : vector<16xi32> to vector<16xi32>
    tpu.vector_store %arg8[%swap3A_170], %swap3A_173 {strides = array<i32>} : memref<80xi32, #tpu.memory_space<vmem>>, vector<16xi32>,
    %and3A_174 = arith.constant 16383 : i32
    %and3A_175 = vector.broadcast %and3A_174 : i32 to vector<16xi32>
    %and3A_176 = arith.andi %get3A_166, %and3A_175 : vector<16xi32>
    %swap3A_177 = arith.constant 48 : index
    %swap3A_178 = tpu.vector_load %arg9[%swap3A_177] {strides = array<i32>} : memref<80xi32, #tpu.memory_space<vmem>>, vector<16xi32>,
    %swap3A_179 = vector.shape_cast %swap3A_178 : vector<16xi32> to vector<16xi32>
    %swap3A_180 = vector.shape_cast %and3A_176 : vector<16xi32> to vector<16xi32>
    tpu.vector_store %arg9[%swap3A_177], %swap3A_180 {strides = array<i32>} : memref<80xi32, #tpu.memory_space<vmem>>, vector<16xi32>,
    %get3A_181 = arith.constant 1 : i32
    %get3A_182 = arith.index_cast %get3A_181 : i32 to index
    %get3A_183 = arith.constant 64 : index
    %get3A_184 = tpu.vector_load %arg5[%get3A_182, %get3A_183] {strides = array<i32>} : memref<126x80xi32, #tpu.memory_space<vmem>>, vector<1x16xi32>,
    %get3A_185 = vector.shape_cast %get3A_184 : vector<1x16xi32> to vector<16xi32>
    %shift_right_logical3A_186 = arith.constant 14 : i32
    %shift_right_logical3A_187 = vector.broadcast %shift_right_logical3A_186 : i32 to vector<16xi32>
    %shift_right_logical3A_188 = arith.shrui %get3A_185, %shift_right_logical3A_187 : vector<16xi32>
    %swap3A_189 = arith.constant 64 : index
    %swap3A_190 = tpu.vector_load %arg8[%swap3A_189] {strides = array<i32>} : memref<80xi32, #tpu.memory_space<vmem>>, vector<16xi32>,
    %swap3A_191 = vector.shape_cast %swap3A_190 : vector<16xi32> to vector<16xi32>
    %swap3A_192 = vector.shape_cast %shift_right_logical3A_188 : vector<16xi32> to vector<16xi32>
    tpu.vector_store %arg8[%swap3A_189], %swap3A_192 {strides = array<i32>} : memref<80xi32, #tpu.memory_space<vmem>>, vector<16xi32>,
    %and3A_193 = arith.constant 16383 : i32
    %and3A_194 = vector.broadcast %and3A_193 : i32 to vector<16xi32>
    %and3A_195 = arith.andi %get3A_185, %and3A_194 : vector<16xi32>
    %swap3A_196 = arith.constant 64 : index
    %swap3A_197 = tpu.vector_load %arg9[%swap3A_196] {strides = array<i32>} : memref<80xi32, #tpu.memory_space<vmem>>, vector<16xi32>,
    %swap3A_198 = vector.shape_cast %swap3A_197 : vector<16xi32> to vector<16xi32>
    %swap3A_199 = vector.shape_cast %and3A_195 : vector<16xi32> to vector<16xi32>
    tpu.vector_store %arg9[%swap3A_196], %swap3A_199 {strides = array<i32>} : memref<80xi32, #tpu.memory_space<vmem>>, vector<16xi32>,
    %dma_start3A_200 = arith.constant 0 : i32
    %dma_start3A_201 = arith.constant 0 : i32
    %dma_start3A_202 = tpu.memref_slice %arg2[%dma_start3A_200, %dma_start3A_201] : memref<10240x128xf32, #tpu.memory_space<hbm>> -> memref<10240x128xf32, #tpu.memory_space<hbm>>
    tpu.enqueue_indirect_dma source(%dma_start3A_202 : memref<10240x128xf32, #tpu.memory_space<hbm>>) target(%arg13 : memref<80x128xf32, #tpu.memory_space<vmem>>) offsets(%arg8 : memref<80xi32, #tpu.memory_space<vmem>>) semaphore(%arg17 : memref<!tpu.dma_semaphore, #tpu.memory_space<semaphore_mem>>)
    %get3A_203 = arith.constant 2 : i32
    %get3A_204 = arith.index_cast %get3A_203 : i32 to index
    %get3A_205 = arith.constant 0 : index
    %get3A_206 = tpu.vector_load %arg5[%get3A_204, %get3A_205] {strides = array<i32>} : memref<126x80xi32, #tpu.memory_space<vmem>>, vector<1x16xi32>,
    %get3A_207 = vector.shape_cast %get3A_206 : vector<1x16xi32> to vector<16xi32>
    %shift_right_logical3A_208 = arith.constant 14 : i32
    %shift_right_logical3A_209 = vector.broadcast %shift_right_logical3A_208 : i32 to vector<16xi32>
    %shift_right_logical3A_210 = arith.shrui %get3A_207, %shift_right_logical3A_209 : vector<16xi32>
    %swap3A_211 = arith.constant 0 : index
    %swap3A_212 = tpu.vector_load %arg10[%swap3A_211] {strides = array<i32>} : memref<80xi32, #tpu.memory_space<vmem>>, vector<16xi32>,
    %swap3A_213 = vector.shape_cast %swap3A_212 : vector<16xi32> to vector<16xi32>
    %swap3A_214 = vector.shape_cast %shift_right_logical3A_210 : vector<16xi32> to vector<16xi32>
    tpu.vector_store %arg10[%swap3A_211], %swap3A_214 {strides = array<i32>} : memref<80xi32, #tpu.memory_space<vmem>>, vector<16xi32>,
    %and3A_215 = arith.constant 16383 : i32
    %and3A_216 = vector.broadcast %and3A_215 : i32 to vector<16xi32>
    %and3A_217 = arith.andi %get3A_207, %and3A_216 : vector<16xi32>
    %swap3A_218 = arith.constant 0 : index
    %swap3A_219 = tpu.vector_load %arg11[%swap3A_218] {strides = array<i32>} : memref<80xi32, #tpu.memory_space<vmem>>, vector<16xi32>,
    %swap3A_220 = vector.shape_cast %swap3A_219 : vector<16xi32> to vector<16xi32>
    %swap3A_221 = vector.shape_cast %and3A_217 : vector<16xi32> to vector<16xi32>
    tpu.vector_store %arg11[%swap3A_218], %swap3A_221 {strides = array<i32>} : memref<80xi32, #tpu.memory_space<vmem>>, vector<16xi32>,
    %get3A_222 = arith.constant 2 : i32
    %get3A_223 = arith.index_cast %get3A_222 : i32 to index
    %get3A_224 = arith.constant 16 : index
    %get3A_225 = tpu.vector_load %arg5[%get3A_223, %get3A_224] {strides = array<i32>} : memref<126x80xi32, #tpu.memory_space<vmem>>, vector<1x16xi32>,
    %get3A_226 = vector.shape_cast %get3A_225 : vector<1x16xi32> to vector<16xi32>
    %shift_right_logical3A_227 = arith.constant 14 : i32
    %shift_right_logical3A_228 = vector.broadcast %shift_right_logical3A_227 : i32 to vector<16xi32>
    %shift_right_logical3A_229 = arith.shrui %get3A_226, %shift_right_logical3A_228 : vector<16xi32>
    %swap3A_230 = arith.constant 16 : index
    %swap3A_231 = tpu.vector_load %arg10[%swap3A_230] {strides = array<i32>} : memref<80xi32, #tpu.memory_space<vmem>>, vector<16xi32>,
    %swap3A_232 = vector.shape_cast %swap3A_231 : vector<16xi32> to vector<16xi32>
    %swap3A_233 = vector.shape_cast %shift_right_logical3A_229 : vector<16xi32> to vector<16xi32>
    tpu.vector_store %arg10[%swap3A_230], %swap3A_233 {strides = array<i32>} : memref<80xi32, #tpu.memory_space<vmem>>, vector<16xi32>,
    %and3A_234 = arith.constant 16383 : i32
    %and3A_235 = vector.broadcast %and3A_234 : i32 to vector<16xi32>
    %and3A_236 = arith.andi %get3A_226, %and3A_235 : vector<16xi32>
    %swap3A_237 = arith.constant 16 : index
    %swap3A_238 = tpu.vector_load %arg11[%swap3A_237] {strides = array<i32>} : memref<80xi32, #tpu.memory_space<vmem>>, vector<16xi32>,
    %swap3A_239 = vector.shape_cast %swap3A_238 : vector<16xi32> to vector<16xi32>
    %swap3A_240 = vector.shape_cast %and3A_236 : vector<16xi32> to vector<16xi32>
    tpu.vector_store %arg11[%swap3A_237], %swap3A_240 {strides = array<i32>} : memref<80xi32, #tpu.memory_space<vmem>>, vector<16xi32>,
    %get3A_241 = arith.constant 2 : i32
    %get3A_242 = arith.index_cast %get3A_241 : i32 to index
    %get3A_243 = arith.constant 32 : index
    %get3A_244 = tpu.vector_load %arg5[%get3A_242, %get3A_243] {strides = array<i32>} : memref<126x80xi32, #tpu.memory_space<vmem>>, vector<1x16xi32>,
    %get3A_245 = vector.shape_cast %get3A_244 : vector<1x16xi32> to vector<16xi32>
    %shift_right_logical3A_246 = arith.constant 14 : i32
    %shift_right_logical3A_247 = vector.broadcast %shift_right_logical3A_246 : i32 to vector<16xi32>
    %shift_right_logical3A_248 = arith.shrui %get3A_245, %shift_right_logical3A_247 : vector<16xi32>
    %swap3A_249 = arith.constant 32 : index
    %swap3A_250 = tpu.vector_load %arg10[%swap3A_249] {strides = array<i32>} : memref<80xi32, #tpu.memory_space<vmem>>, vector<16xi32>,
    %swap3A_251 = vector.shape_cast %swap3A_250 : vector<16xi32> to vector<16xi32>
    %swap3A_252 = vector.shape_cast %shift_right_logical3A_248 : vector<16xi32> to vector<16xi32>
    tpu.vector_store %arg10[%swap3A_249], %swap3A_252 {strides = array<i32>} : memref<80xi32, #tpu.memory_space<vmem>>, vector<16xi32>,
    %and3A_253 = arith.constant 16383 : i32
    %and3A_254 = vector.broadcast %and3A_253 : i32 to vector<16xi32>
    %and3A_255 = arith.andi %get3A_245, %and3A_254 : vector<16xi32>
    %swap3A_256 = arith.constant 32 : index
    %swap3A_257 = tpu.vector_load %arg11[%swap3A_256] {strides = array<i32>} : memref<80xi32, #tpu.memory_space<vmem>>, vector<16xi32>,
    %swap3A_258 = vector.shape_cast %swap3A_257 : vector<16xi32> to vector<16xi32>
    %swap3A_259 = vector.shape_cast %and3A_255 : vector<16xi32> to vector<16xi32>
    tpu.vector_store %arg11[%swap3A_256], %swap3A_259 {strides = array<i32>} : memref<80xi32, #tpu.memory_space<vmem>>, vector<16xi32>,
    %get3A_260 = arith.constant 2 : i32
    %get3A_261 = arith.index_cast %get3A_260 : i32 to index
    %get3A_262 = arith.constant 48 : index
    %get3A_263 = tpu.vector_load %arg5[%get3A_261, %get3A_262] {strides = array<i32>} : memref<126x80xi32, #tpu.memory_space<vmem>>, vector<1x16xi32>,
    %get3A_264 = vector.shape_cast %get3A_263 : vector<1x16xi32> to vector<16xi32>
    %shift_right_logical3A_265 = arith.constant 14 : i32
    %shift_right_logical3A_266 = vector.broadcast %shift_right_logical3A_265 : i32 to vector<16xi32>
    %shift_right_logical3A_267 = arith.shrui %get3A_264, %shift_right_logical3A_266 : vector<16xi32>
    %swap3A_268 = arith.constant 48 : index
    %swap3A_269 = tpu.vector_load %arg10[%swap3A_268] {strides = array<i32>} : memref<80xi32, #tpu.memory_space<vmem>>, vector<16xi32>,
    %swap3A_270 = vector.shape_cast %swap3A_269 : vector<16xi32> to vector<16xi32>
    %swap3A_271 = vector.shape_cast %shift_right_logical3A_267 : vector<16xi32> to vector<16xi32>
    tpu.vector_store %arg10[%swap3A_268], %swap3A_271 {strides = array<i32>} : memref<80xi32, #tpu.memory_space<vmem>>, vector<16xi32>,
    %and3A_272 = arith.constant 16383 : i32
    %and3A_273 = vector.broadcast %and3A_272 : i32 to vector<16xi32>
    %and3A_274 = arith.andi %get3A_264, %and3A_273 : vector<16xi32>
    %swap3A_275 = arith.constant 48 : index
    %swap3A_276 = tpu.vector_load %arg11[%swap3A_275] {strides = array<i32>} : memref<80xi32, #tpu.memory_space<vmem>>, vector<16xi32>,
    %swap3A_277 = vector.shape_cast %swap3A_276 : vector<16xi32> to vector<16xi32>
    %swap3A_278 = vector.shape_cast %and3A_274 : vector<16xi32> to vector<16xi32>
    tpu.vector_store %arg11[%swap3A_275], %swap3A_278 {strides = array<i32>} : memref<80xi32, #tpu.memory_space<vmem>>, vector<16xi32>,
    %get3A_279 = arith.constant 2 : i32
    %get3A_280 = arith.index_cast %get3A_279 : i32 to index
    %get3A_281 = arith.constant 64 : index
    %get3A_282 = tpu.vector_load %arg5[%get3A_280, %get3A_281] {strides = array<i32>} : memref<126x80xi32, #tpu.memory_space<vmem>>, vector<1x16xi32>,
    %get3A_283 = vector.shape_cast %get3A_282 : vector<1x16xi32> to vector<16xi32>
    %shift_right_logical3A_284 = arith.constant 14 : i32
    %shift_right_logical3A_285 = vector.broadcast %shift_right_logical3A_284 : i32 to vector<16xi32>
    %shift_right_logical3A_286 = arith.shrui %get3A_283, %shift_right_logical3A_285 : vector<16xi32>
    %swap3A_287 = arith.constant 64 : index
    %swap3A_288 = tpu.vector_load %arg10[%swap3A_287] {strides = array<i32>} : memref<80xi32, #tpu.memory_space<vmem>>, vector<16xi32>,
    %swap3A_289 = vector.shape_cast %swap3A_288 : vector<16xi32> to vector<16xi32>
    %swap3A_290 = vector.shape_cast %shift_right_logical3A_286 : vector<16xi32> to vector<16xi32>
    tpu.vector_store %arg10[%swap3A_287], %swap3A_290 {strides = array<i32>} : memref<80xi32, #tpu.memory_space<vmem>>, vector<16xi32>,
    %and3A_291 = arith.constant 16383 : i32
    %and3A_292 = vector.broadcast %and3A_291 : i32 to vector<16xi32>
    %and3A_293 = arith.andi %get3A_283, %and3A_292 : vector<16xi32>
    %swap3A_294 = arith.constant 64 : index
    %swap3A_295 = tpu.vector_load %arg11[%swap3A_294] {strides = array<i32>} : memref<80xi32, #tpu.memory_space<vmem>>, vector<16xi32>,
    %swap3A_296 = vector.shape_cast %swap3A_295 : vector<16xi32> to vector<16xi32>
    %swap3A_297 = vector.shape_cast %and3A_293 : vector<16xi32> to vector<16xi32>
    tpu.vector_store %arg11[%swap3A_294], %swap3A_297 {strides = array<i32>} : memref<80xi32, #tpu.memory_space<vmem>>, vector<16xi32>,
    %dma_start3A_298 = arith.constant 0 : i32
    %dma_start3A_299 = arith.constant 0 : i32
    %dma_start3A_300 = tpu.memref_slice %arg2[%dma_start3A_298, %dma_start3A_299] : memref<10240x128xf32, #tpu.memory_space<hbm>> -> memref<10240x128xf32, #tpu.memory_space<hbm>>
    tpu.enqueue_indirect_dma source(%dma_start3A_300 : memref<10240x128xf32, #tpu.memory_space<hbm>>) target(%arg14 : memref<80x128xf32, #tpu.memory_space<vmem>>) offsets(%arg10 : memref<80xi32, #tpu.memory_space<vmem>>) semaphore(%arg18 : memref<!tpu.dma_semaphore, #tpu.memory_space<semaphore_mem>>)
    %scan3A_301 = arith.constant 0 : i32
    %scan3A_302 = arith.constant 0 : i32
    %scan3A_303 = arith.constant 41 : i32
    %scan3A_304 = arith.addi %scan3A_302, %scan3A_303 : i32
    %scan3A_305 = arith.constant 1 : i32
    scf.for %scan3A_464 = %scan3A_302 to %scan3A_304 step %scan3A_305  : i32 {
      %mul3A_465 = arith.constant 3 : i32
      %mul3A_466 = arith.muli %mul3A_465, %scan3A_464 : i32
      %dma_wait3A_467 = arith.constant 0 : i32
      %dma_wait3A_468 = arith.constant 0 : i32
      %dma_wait3A_469 = tpu.memref_slice %arg2[%dma_wait3A_467, %dma_wait3A_468] : memref<10240x128xf32, #tpu.memory_space<hbm>> -> memref<10240x128xf32, #tpu.memory_space<hbm>>
      tpu.wait_indirect_dma semaphore(%arg16 : memref<!tpu.dma_semaphore, #tpu.memory_space<semaphore_mem>>) src(%dma_wait3A_469 : memref<10240x128xf32, #tpu.memory_space<hbm>>) dst(%arg12 : memref<80x128xf32, #tpu.memory_space<vmem>>)
      %dma_start3A_470 = arith.constant 0 : i32
      %dma_start3A_471 = arith.constant 0 : i32
      %dma_start3A_472 = tpu.memref_slice %arg22[%dma_start3A_470, %dma_start3A_471] : memref<10240x128xf32, #tpu.memory_space<vmem_shared>> -> memref<10240x128xf32, #tpu.memory_space<vmem_shared>>
      tpu.enqueue_indirect_dma source(%arg12 : memref<80x128xf32, #tpu.memory_space<vmem>>) target(%dma_start3A_472 : memref<10240x128xf32, #tpu.memory_space<vmem_shared>>) offsets(%arg7 : memref<80xi32, #tpu.memory_space<vmem>>) semaphore(%arg19 : memref<!tpu.dma_semaphore, #tpu.memory_space<semaphore_mem>>) {add = true}
      %dma_wait3A_473 = arith.constant 0 : i32
      %dma_wait3A_474 = arith.constant 0 : i32
      %dma_wait3A_475 = tpu.memref_slice %arg2[%dma_wait3A_473, %dma_wait3A_474] : memref<10240x128xf32, #tpu.memory_space<hbm>> -> memref<10240x128xf32, #tpu.memory_space<hbm>>
      tpu.wait_indirect_dma semaphore(%arg17 : memref<!tpu.dma_semaphore, #tpu.memory_space<semaphore_mem>>) src(%dma_wait3A_475 : memref<10240x128xf32, #tpu.memory_space<hbm>>) dst(%arg13 : memref<80x128xf32, #tpu.memory_space<vmem>>)
      %dma_start3A_476 = arith.constant 0 : i32
      %dma_start3A_477 = arith.constant 0 : i32
      %dma_start3A_478 = tpu.memref_slice %arg22[%dma_start3A_476, %dma_start3A_477] : memref<10240x128xf32, #tpu.memory_space<vmem_shared>> -> memref<10240x128xf32, #tpu.memory_space<vmem_shared>>
      tpu.enqueue_indirect_dma source(%arg13 : memref<80x128xf32, #tpu.memory_space<vmem>>) target(%dma_start3A_478 : memref<10240x128xf32, #tpu.memory_space<vmem_shared>>) offsets(%arg9 : memref<80xi32, #tpu.memory_space<vmem>>) semaphore(%arg20 : memref<!tpu.dma_semaphore, #tpu.memory_space<semaphore_mem>>) {add = true}
      %dma_wait3A_479 = arith.constant 0 : i32
      %dma_wait3A_480 = arith.constant 0 : i32
      %dma_wait3A_481 = tpu.memref_slice %arg2[%dma_wait3A_479, %dma_wait3A_480] : memref<10240x128xf32, #tpu.memory_space<hbm>> -> memref<10240x128xf32, #tpu.memory_space<hbm>>
      tpu.wait_indirect_dma semaphore(%arg18 : memref<!tpu.dma_semaphore, #tpu.memory_space<semaphore_mem>>) src(%dma_wait3A_481 : memref<10240x128xf32, #tpu.memory_space<hbm>>) dst(%arg14 : memref<80x128xf32, #tpu.memory_space<vmem>>)
      %dma_start3A_482 = arith.constant 0 : i32
      %dma_start3A_483 = arith.constant 0 : i32
      %dma_start3A_484 = tpu.memref_slice %arg22[%dma_start3A_482, %dma_start3A_483] : memref<10240x128xf32, #tpu.memory_space<vmem_shared>> -> memref<10240x128xf32, #tpu.memory_space<vmem_shared>>
      tpu.enqueue_indirect_dma source(%arg14 : memref<80x128xf32, #tpu.memory_space<vmem>>) target(%dma_start3A_484 : memref<10240x128xf32, #tpu.memory_space<vmem_shared>>) offsets(%arg11 : memref<80xi32, #tpu.memory_space<vmem>>) semaphore(%arg21 : memref<!tpu.dma_semaphore, #tpu.memory_space<semaphore_mem>>) {add = true}
      %dma_wait3A_485 = arith.constant 0 : i32
      %dma_wait3A_486 = arith.constant 0 : i32
      %dma_wait3A_487 = tpu.memref_slice %arg22[%dma_wait3A_485, %dma_wait3A_486] : memref<10240x128xf32, #tpu.memory_space<vmem_shared>> -> memref<10240x128xf32, #tpu.memory_space<vmem_shared>>
      tpu.wait_indirect_dma semaphore(%arg19 : memref<!tpu.dma_semaphore, #tpu.memory_space<semaphore_mem>>) src(%arg12 : memref<80x128xf32, #tpu.memory_space<vmem>>) dst(%dma_wait3A_487 : memref<10240x128xf32, #tpu.memory_space<vmem_shared>>)
      %add3A_488 = arith.constant 0 : i32
      %add3A_489 = arith.addi %mul3A_466, %add3A_488 : i32
      %add3A_490 = arith.constant 3 : i32
      %add3A_491 = arith.addi %add3A_489, %add3A_490 : i32
      %get3A_492 = arith.index_cast %add3A_491 : i32 to index
      %get3A_493 = arith.constant 0 : index
      %get3A_494 = tpu.vector_load %arg5[%get3A_492, %get3A_493] {strides = array<i32>} : memref<126x80xi32, #tpu.memory_space<vmem>>, vector<1x16xi32>,
      %get3A_495 = vector.shape_cast %get3A_494 : vector<1x16xi32> to vector<16xi32>
      %shift_right_logical3A_496 = arith.constant 14 : i32
      %shift_right_logical3A_497 = vector.broadcast %shift_right_logical3A_496 : i32 to vector<16xi32>
      %shift_right_logical3A_498 = arith.shrui %get3A_495, %shift_right_logical3A_497 : vector<16xi32>
      %swap3A_499 = arith.constant 0 : index
      %swap3A_500 = tpu.vector_load %arg6[%swap3A_499] {strides = array<i32>} : memref<80xi32, #tpu.memory_space<vmem>>, vector<16xi32>,
      %swap3A_501 = vector.shape_cast %swap3A_500 : vector<16xi32> to vector<16xi32>
      %swap3A_502 = vector.shape_cast %shift_right_logical3A_498 : vector<16xi32> to vector<16xi32>
      tpu.vector_store %arg6[%swap3A_499], %swap3A_502 {strides = array<i32>} : memref<80xi32, #tpu.memory_space<vmem>>, vector<16xi32>,
      %and3A_503 = arith.constant 16383 : i32
      %and3A_504 = vector.broadcast %and3A_503 : i32 to vector<16xi32>
      %and3A_505 = arith.andi %get3A_495, %and3A_504 : vector<16xi32>
      %swap3A_506 = arith.constant 0 : index
      %swap3A_507 = tpu.vector_load %arg7[%swap3A_506] {strides = array<i32>} : memref<80xi32, #tpu.memory_space<vmem>>, vector<16xi32>,
      %swap3A_508 = vector.shape_cast %swap3A_507 : vector<16xi32> to vector<16xi32>
      %swap3A_509 = vector.shape_cast %and3A_505 : vector<16xi32> to vector<16xi32>
      tpu.vector_store %arg7[%swap3A_506], %swap3A_509 {strides = array<i32>} : memref<80xi32, #tpu.memory_space<vmem>>, vector<16xi32>,
      %get3A_510 = arith.index_cast %add3A_491 : i32 to index
      %get3A_511 = arith.constant 16 : index
      %get3A_512 = tpu.vector_load %arg5[%get3A_510, %get3A_511] {strides = array<i32>} : memref<126x80xi32, #tpu.memory_space<vmem>>, vector<1x16xi32>,
      %get3A_513 = vector.shape_cast %get3A_512 : vector<1x16xi32> to vector<16xi32>
      %shift_right_logical3A_514 = arith.constant 14 : i32
      %shift_right_logical3A_515 = vector.broadcast %shift_right_logical3A_514 : i32 to vector<16xi32>
      %shift_right_logical3A_516 = arith.shrui %get3A_513, %shift_right_logical3A_515 : vector<16xi32>
      %swap3A_517 = arith.constant 16 : index
      %swap3A_518 = tpu.vector_load %arg6[%swap3A_517] {strides = array<i32>} : memref<80xi32, #tpu.memory_space<vmem>>, vector<16xi32>,
      %swap3A_519 = vector.shape_cast %swap3A_518 : vector<16xi32> to vector<16xi32>
      %swap3A_520 = vector.shape_cast %shift_right_logical3A_516 : vector<16xi32> to vector<16xi32>
      tpu.vector_store %arg6[%swap3A_517], %swap3A_520 {strides = array<i32>} : memref<80xi32, #tpu.memory_space<vmem>>, vector<16xi32>,
      %and3A_521 = arith.constant 16383 : i32
      %and3A_522 = vector.broadcast %and3A_521 : i32 to vector<16xi32>
      %and3A_523 = arith.andi %get3A_513, %and3A_522 : vector<16xi32>
      %swap3A_524 = arith.constant 16 : index
      %swap3A_525 = tpu.vector_load %arg7[%swap3A_524] {strides = array<i32>} : memref<80xi32, #tpu.memory_space<vmem>>, vector<16xi32>,
      %swap3A_526 = vector.shape_cast %swap3A_525 : vector<16xi32> to vector<16xi32>
      %swap3A_527 = vector.shape_cast %and3A_523 : vector<16xi32> to vector<16xi32>
      tpu.vector_store %arg7[%swap3A_524], %swap3A_527 {strides = array<i32>} : memref<80xi32, #tpu.memory_space<vmem>>, vector<16xi32>,
      %get3A_528 = arith.index_cast %add3A_491 : i32 to index
      %get3A_529 = arith.constant 32 : index
      %get3A_530 = tpu.vector_load %arg5[%get3A_528, %get3A_529] {strides = array<i32>} : memref<126x80xi32, #tpu.memory_space<vmem>>, vector<1x16xi32>,
      %get3A_531 = vector.shape_cast %get3A_530 : vector<1x16xi32> to vector<16xi32>
      %shift_right_logical3A_532 = arith.constant 14 : i32
      %shift_right_logical3A_533 = vector.broadcast %shift_right_logical3A_532 : i32 to vector<16xi32>
      %shift_right_logical3A_534 = arith.shrui %get3A_531, %shift_right_logical3A_533 : vector<16xi32>
      %swap3A_535 = arith.constant 32 : index
      %swap3A_536 = tpu.vector_load %arg6[%swap3A_535] {strides = array<i32>} : memref<80xi32, #tpu.memory_space<vmem>>, vector<16xi32>,
      %swap3A_537 = vector.shape_cast %swap3A_536 : vector<16xi32> to vector<16xi32>
      %swap3A_538 = vector.shape_cast %shift_right_logical3A_534 : vector<16xi32> to vector<16xi32>
      tpu.vector_store %arg6[%swap3A_535], %swap3A_538 {strides = array<i32>} : memref<80xi32, #tpu.memory_space<vmem>>, vector<16xi32>,
      %and3A_539 = arith.constant 16383 : i32
      %and3A_540 = vector.broadcast %and3A_539 : i32 to vector<16xi32>
      %and3A_541 = arith.andi %get3A_531, %and3A_540 : vector<16xi32>
      %swap3A_542 = arith.constant 32 : index
      %swap3A_543 = tpu.vector_load %arg7[%swap3A_542] {strides = array<i32>} : memref<80xi32, #tpu.memory_space<vmem>>, vector<16xi32>,
      %swap3A_544 = vector.shape_cast %swap3A_543 : vector<16xi32> to vector<16xi32>
      %swap3A_545 = vector.shape_cast %and3A_541 : vector<16xi32> to vector<16xi32>
      tpu.vector_store %arg7[%swap3A_542], %swap3A_545 {strides = array<i32>} : memref<80xi32, #tpu.memory_space<vmem>>, vector<16xi32>,
      %get3A_546 = arith.index_cast %add3A_491 : i32 to index
      %get3A_547 = arith.constant 48 : index
      %get3A_548 = tpu.vector_load %arg5[%get3A_546, %get3A_547] {strides = array<i32>} : memref<126x80xi32, #tpu.memory_space<vmem>>, vector<1x16xi32>,
      %get3A_549 = vector.shape_cast %get3A_548 : vector<1x16xi32> to vector<16xi32>
      %shift_right_logical3A_550 = arith.constant 14 : i32
      %shift_right_logical3A_551 = vector.broadcast %shift_right_logical3A_550 : i32 to vector<16xi32>
      %shift_right_logical3A_552 = arith.shrui %get3A_549, %shift_right_logical3A_551 : vector<16xi32>
      %swap3A_553 = arith.constant 48 : index
      %swap3A_554 = tpu.vector_load %arg6[%swap3A_553] {strides = array<i32>} : memref<80xi32, #tpu.memory_space<vmem>>, vector<16xi32>,
      %swap3A_555 = vector.shape_cast %swap3A_554 : vector<16xi32> to vector<16xi32>
      %swap3A_556 = vector.shape_cast %shift_right_logical3A_552 : vector<16xi32> to vector<16xi32>
      tpu.vector_store %arg6[%swap3A_553], %swap3A_556 {strides = array<i32>} : memref<80xi32, #tpu.memory_space<vmem>>, vector<16xi32>,
      %and3A_557 = arith.constant 16383 : i32
      %and3A_558 = vector.broadcast %and3A_557 : i32 to vector<16xi32>
      %and3A_559 = arith.andi %get3A_549, %and3A_558 : vector<16xi32>
      %swap3A_560 = arith.constant 48 : index
      %swap3A_561 = tpu.vector_load %arg7[%swap3A_560] {strides = array<i32>} : memref<80xi32, #tpu.memory_space<vmem>>, vector<16xi32>,
      %swap3A_562 = vector.shape_cast %swap3A_561 : vector<16xi32> to vector<16xi32>
      %swap3A_563 = vector.shape_cast %and3A_559 : vector<16xi32> to vector<16xi32>
      tpu.vector_store %arg7[%swap3A_560], %swap3A_563 {strides = array<i32>} : memref<80xi32, #tpu.memory_space<vmem>>, vector<16xi32>,
      %get3A_564 = arith.index_cast %add3A_491 : i32 to index
      %get3A_565 = arith.constant 64 : index
      %get3A_566 = tpu.vector_load %arg5[%get3A_564, %get3A_565] {strides = array<i32>} : memref<126x80xi32, #tpu.memory_space<vmem>>, vector<1x16xi32>,
      %get3A_567 = vector.shape_cast %get3A_566 : vector<1x16xi32> to vector<16xi32>
      %shift_right_logical3A_568 = arith.constant 14 : i32
      %shift_right_logical3A_569 = vector.broadcast %shift_right_logical3A_568 : i32 to vector<16xi32>
      %shift_right_logical3A_570 = arith.shrui %get3A_567, %shift_right_logical3A_569 : vector<16xi32>
      %swap3A_571 = arith.constant 64 : index
      %swap3A_572 = tpu.vector_load %arg6[%swap3A_571] {strides = array<i32>} : memref<80xi32, #tpu.memory_space<vmem>>, vector<16xi32>,
      %swap3A_573 = vector.shape_cast %swap3A_572 : vector<16xi32> to vector<16xi32>
      %swap3A_574 = vector.shape_cast %shift_right_logical3A_570 : vector<16xi32> to vector<16xi32>
      tpu.vector_store %arg6[%swap3A_571], %swap3A_574 {strides = array<i32>} : memref<80xi32, #tpu.memory_space<vmem>>, vector<16xi32>,
      %and3A_575 = arith.constant 16383 : i32
      %and3A_576 = vector.broadcast %and3A_575 : i32 to vector<16xi32>
      %and3A_577 = arith.andi %get3A_567, %and3A_576 : vector<16xi32>
      %swap3A_578 = arith.constant 64 : index
      %swap3A_579 = tpu.vector_load %arg7[%swap3A_578] {strides = array<i32>} : memref<80xi32, #tpu.memory_space<vmem>>, vector<16xi32>,
      %swap3A_580 = vector.shape_cast %swap3A_579 : vector<16xi32> to vector<16xi32>
      %swap3A_581 = vector.shape_cast %and3A_577 : vector<16xi32> to vector<16xi32>
      tpu.vector_store %arg7[%swap3A_578], %swap3A_581 {strides = array<i32>} : memref<80xi32, #tpu.memory_space<vmem>>, vector<16xi32>,
      %dma_start3A_582 = arith.constant 0 : i32
      %dma_start3A_583 = arith.constant 0 : i32
      %dma_start3A_584 = tpu.memref_slice %arg2[%dma_start3A_582, %dma_start3A_583] : memref<10240x128xf32, #tpu.memory_space<hbm>> -> memref<10240x128xf32, #tpu.memory_space<hbm>>
      tpu.enqueue_indirect_dma source(%dma_start3A_584 : memref<10240x128xf32, #tpu.memory_space<hbm>>) target(%arg12 : memref<80x128xf32, #tpu.memory_space<vmem>>) offsets(%arg6 : memref<80xi32, #tpu.memory_space<vmem>>) semaphore(%arg16 : memref<!tpu.dma_semaphore, #tpu.memory_space<semaphore_mem>>)
      %dma_wait3A_585 = arith.constant 0 : i32
      %dma_wait3A_586 = arith.constant 0 : i32
      %dma_wait3A_587 = tpu.memref_slice %arg22[%dma_wait3A_585, %dma_wait3A_586] : memref<10240x128xf32, #tpu.memory_space<vmem_shared>> -> memref<10240x128xf32, #tpu.memory_space<vmem_shared>>
      tpu.wait_indirect_dma semaphore(%arg20 : memref<!tpu.dma_semaphore, #tpu.memory_space<semaphore_mem>>) src(%arg13 : memref<80x128xf32, #tpu.memory_space<vmem>>) dst(%dma_wait3A_587 : memref<10240x128xf32, #tpu.memory_space<vmem_shared>>)
      %add3A_588 = arith.constant 1 : i32
      %add3A_589 = arith.addi %mul3A_466, %add3A_588 : i32
      %add3A_590 = arith.constant 3 : i32
      %add3A_591 = arith.addi %add3A_589, %add3A_590 : i32
      %get3A_592 = arith.index_cast %add3A_591 : i32 to index
      %get3A_593 = arith.constant 0 : index
      %get3A_594 = tpu.vector_load %arg5[%get3A_592, %get3A_593] {strides = array<i32>} : memref<126x80xi32, #tpu.memory_space<vmem>>, vector<1x16xi32>,
      %get3A_595 = vector.shape_cast %get3A_594 : vector<1x16xi32> to vector<16xi32>
      %shift_right_logical3A_596 = arith.constant 14 : i32
      %shift_right_logical3A_597 = vector.broadcast %shift_right_logical3A_596 : i32 to vector<16xi32>
      %shift_right_logical3A_598 = arith.shrui %get3A_595, %shift_right_logical3A_597 : vector<16xi32>
      %swap3A_599 = arith.constant 0 : index
      %swap3A_600 = tpu.vector_load %arg8[%swap3A_599] {strides = array<i32>} : memref<80xi32, #tpu.memory_space<vmem>>, vector<16xi32>,
      %swap3A_601 = vector.shape_cast %swap3A_600 : vector<16xi32> to vector<16xi32>
      %swap3A_602 = vector.shape_cast %shift_right_logical3A_598 : vector<16xi32> to vector<16xi32>
      tpu.vector_store %arg8[%swap3A_599], %swap3A_602 {strides = array<i32>} : memref<80xi32, #tpu.memory_space<vmem>>, vector<16xi32>,
      %and3A_603 = arith.constant 16383 : i32
      %and3A_604 = vector.broadcast %and3A_603 : i32 to vector<16xi32>
      %and3A_605 = arith.andi %get3A_595, %and3A_604 : vector<16xi32>
      %swap3A_606 = arith.constant 0 : index
      %swap3A_607 = tpu.vector_load %arg9[%swap3A_606] {strides = array<i32>} : memref<80xi32, #tpu.memory_space<vmem>>, vector<16xi32>,
      %swap3A_608 = vector.shape_cast %swap3A_607 : vector<16xi32> to vector<16xi32>
      %swap3A_609 = vector.shape_cast %and3A_605 : vector<16xi32> to vector<16xi32>
      tpu.vector_store %arg9[%swap3A_606], %swap3A_609 {strides = array<i32>} : memref<80xi32, #tpu.memory_space<vmem>>, vector<16xi32>,
      %get3A_610 = arith.index_cast %add3A_591 : i32 to index
      %get3A_611 = arith.constant 16 : index
      %get3A_612 = tpu.vector_load %arg5[%get3A_610, %get3A_611] {strides = array<i32>} : memref<126x80xi32, #tpu.memory_space<vmem>>, vector<1x16xi32>,
      %get3A_613 = vector.shape_cast %get3A_612 : vector<1x16xi32> to vector<16xi32>
      %shift_right_logical3A_614 = arith.constant 14 : i32
      %shift_right_logical3A_615 = vector.broadcast %shift_right_logical3A_614 : i32 to vector<16xi32>
      %shift_right_logical3A_616 = arith.shrui %get3A_613, %shift_right_logical3A_615 : vector<16xi32>
      %swap3A_617 = arith.constant 16 : index
      %swap3A_618 = tpu.vector_load %arg8[%swap3A_617] {strides = array<i32>} : memref<80xi32, #tpu.memory_space<vmem>>, vector<16xi32>,
      %swap3A_619 = vector.shape_cast %swap3A_618 : vector<16xi32> to vector<16xi32>
      %swap3A_620 = vector.shape_cast %shift_right_logical3A_616 : vector<16xi32> to vector<16xi32>
      tpu.vector_store %arg8[%swap3A_617], %swap3A_620 {strides = array<i32>} : memref<80xi32, #tpu.memory_space<vmem>>, vector<16xi32>,
      %and3A_621 = arith.constant 16383 : i32
      %and3A_622 = vector.broadcast %and3A_621 : i32 to vector<16xi32>
      %and3A_623 = arith.andi %get3A_613, %and3A_622 : vector<16xi32>
      %swap3A_624 = arith.constant 16 : index
      %swap3A_625 = tpu.vector_load %arg9[%swap3A_624] {strides = array<i32>} : memref<80xi32, #tpu.memory_space<vmem>>, vector<16xi32>,
      %swap3A_626 = vector.shape_cast %swap3A_625 : vector<16xi32> to vector<16xi32>
      %swap3A_627 = vector.shape_cast %and3A_623 : vector<16xi32> to vector<16xi32>
      tpu.vector_store %arg9[%swap3A_624], %swap3A_627 {strides = array<i32>} : memref<80xi32, #tpu.memory_space<vmem>>, vector<16xi32>,
      %get3A_628 = arith.index_cast %add3A_591 : i32 to index
      %get3A_629 = arith.constant 32 : index
      %get3A_630 = tpu.vector_load %arg5[%get3A_628, %get3A_629] {strides = array<i32>} : memref<126x80xi32, #tpu.memory_space<vmem>>, vector<1x16xi32>,
      %get3A_631 = vector.shape_cast %get3A_630 : vector<1x16xi32> to vector<16xi32>
      %shift_right_logical3A_632 = arith.constant 14 : i32
      %shift_right_logical3A_633 = vector.broadcast %shift_right_logical3A_632 : i32 to vector<16xi32>
      %shift_right_logical3A_634 = arith.shrui %get3A_631, %shift_right_logical3A_633 : vector<16xi32>
      %swap3A_635 = arith.constant 32 : index
      %swap3A_636 = tpu.vector_load %arg8[%swap3A_635] {strides = array<i32>} : memref<80xi32, #tpu.memory_space<vmem>>, vector<16xi32>,
      %swap3A_637 = vector.shape_cast %swap3A_636 : vector<16xi32> to vector<16xi32>
      %swap3A_638 = vector.shape_cast %shift_right_logical3A_634 : vector<16xi32> to vector<16xi32>
      tpu.vector_store %arg8[%swap3A_635], %swap3A_638 {strides = array<i32>} : memref<80xi32, #tpu.memory_space<vmem>>, vector<16xi32>,
      %and3A_639 = arith.constant 16383 : i32
      %and3A_640 = vector.broadcast %and3A_639 : i32 to vector<16xi32>
      %and3A_641 = arith.andi %get3A_631, %and3A_640 : vector<16xi32>
      %swap3A_642 = arith.constant 32 : index
      %swap3A_643 = tpu.vector_load %arg9[%swap3A_642] {strides = array<i32>} : memref<80xi32, #tpu.memory_space<vmem>>, vector<16xi32>,
      %swap3A_644 = vector.shape_cast %swap3A_643 : vector<16xi32> to vector<16xi32>
      %swap3A_645 = vector.shape_cast %and3A_641 : vector<16xi32> to vector<16xi32>
      tpu.vector_store %arg9[%swap3A_642], %swap3A_645 {strides = array<i32>} : memref<80xi32, #tpu.memory_space<vmem>>, vector<16xi32>,
      %get3A_646 = arith.index_cast %add3A_591 : i32 to index
      %get3A_647 = arith.constant 48 : index
      %get3A_648 = tpu.vector_load %arg5[%get3A_646, %get3A_647] {strides = array<i32>} : memref<126x80xi32, #tpu.memory_space<vmem>>, vector<1x16xi32>,
      %get3A_649 = vector.shape_cast %get3A_648 : vector<1x16xi32> to vector<16xi32>
      %shift_right_logical3A_650 = arith.constant 14 : i32
      %shift_right_logical3A_651 = vector.broadcast %shift_right_logical3A_650 : i32 to vector<16xi32>
      %shift_right_logical3A_652 = arith.shrui %get3A_649, %shift_right_logical3A_651 : vector<16xi32>
      %swap3A_653 = arith.constant 48 : index
      %swap3A_654 = tpu.vector_load %arg8[%swap3A_653] {strides = array<i32>} : memref<80xi32, #tpu.memory_space<vmem>>, vector<16xi32>,
      %swap3A_655 = vector.shape_cast %swap3A_654 : vector<16xi32> to vector<16xi32>
      %swap3A_656 = vector.shape_cast %shift_right_logical3A_652 : vector<16xi32> to vector<16xi32>
      tpu.vector_store %arg8[%swap3A_653], %swap3A_656 {strides = array<i32>} : memref<80xi32, #tpu.memory_space<vmem>>, vector<16xi32>,
      %and3A_657 = arith.constant 16383 : i32
      %and3A_658 = vector.broadcast %and3A_657 : i32 to vector<16xi32>
      %and3A_659 = arith.andi %get3A_649, %and3A_658 : vector<16xi32>
      %swap3A_660 = arith.constant 48 : index
      %swap3A_661 = tpu.vector_load %arg9[%swap3A_660] {strides = array<i32>} : memref<80xi32, #tpu.memory_space<vmem>>, vector<16xi32>,
      %swap3A_662 = vector.shape_cast %swap3A_661 : vector<16xi32> to vector<16xi32>
      %swap3A_663 = vector.shape_cast %and3A_659 : vector<16xi32> to vector<16xi32>
      tpu.vector_store %arg9[%swap3A_660], %swap3A_663 {strides = array<i32>} : memref<80xi32, #tpu.memory_space<vmem>>, vector<16xi32>,
      %get3A_664 = arith.index_cast %add3A_591 : i32 to index
      %get3A_665 = arith.constant 64 : index
      %get3A_666 = tpu.vector_load %arg5[%get3A_664, %get3A_665] {strides = array<i32>} : memref<126x80xi32, #tpu.memory_space<vmem>>, vector<1x16xi32>,
      %get3A_667 = vector.shape_cast %get3A_666 : vector<1x16xi32> to vector<16xi32>
      %shift_right_logical3A_668 = arith.constant 14 : i32
      %shift_right_logical3A_669 = vector.broadcast %shift_right_logical3A_668 : i32 to vector<16xi32>
      %shift_right_logical3A_670 = arith.shrui %get3A_667, %shift_right_logical3A_669 : vector<16xi32>
      %swap3A_671 = arith.constant 64 : index
      %swap3A_672 = tpu.vector_load %arg8[%swap3A_671] {strides = array<i32>} : memref<80xi32, #tpu.memory_space<vmem>>, vector<16xi32>,
      %swap3A_673 = vector.shape_cast %swap3A_672 : vector<16xi32> to vector<16xi32>
      %swap3A_674 = vector.shape_cast %shift_right_logical3A_670 : vector<16xi32> to vector<16xi32>
      tpu.vector_store %arg8[%swap3A_671], %swap3A_674 {strides = array<i32>} : memref<80xi32, #tpu.memory_space<vmem>>, vector<16xi32>,
      %and3A_675 = arith.constant 16383 : i32
      %and3A_676 = vector.broadcast %and3A_675 : i32 to vector<16xi32>
      %and3A_677 = arith.andi %get3A_667, %and3A_676 : vector<16xi32>
      %swap3A_678 = arith.constant 64 : index
      %swap3A_679 = tpu.vector_load %arg9[%swap3A_678] {strides = array<i32>} : memref<80xi32, #tpu.memory_space<vmem>>, vector<16xi32>,
      %swap3A_680 = vector.shape_cast %swap3A_679 : vector<16xi32> to vector<16xi32>
      %swap3A_681 = vector.shape_cast %and3A_677 : vector<16xi32> to vector<16xi32>
      tpu.vector_store %arg9[%swap3A_678], %swap3A_681 {strides = array<i32>} : memref<80xi32, #tpu.memory_space<vmem>>, vector<16xi32>,
      %dma_start3A_682 = arith.constant 0 : i32
      %dma_start3A_683 = arith.constant 0 : i32
      %dma_start3A_684 = tpu.memref_slice %arg2[%dma_start3A_682, %dma_start3A_683] : memref<10240x128xf32, #tpu.memory_space<hbm>> -> memref<10240x128xf32, #tpu.memory_space<hbm>>
      tpu.enqueue_indirect_dma source(%dma_start3A_684 : memref<10240x128xf32, #tpu.memory_space<hbm>>) target(%arg13 : memref<80x128xf32, #tpu.memory_space<vmem>>) offsets(%arg8 : memref<80xi32, #tpu.memory_space<vmem>>) semaphore(%arg17 : memref<!tpu.dma_semaphore, #tpu.memory_space<semaphore_mem>>)
      %dma_wait3A_685 = arith.constant 0 : i32
      %dma_wait3A_686 = arith.constant 0 : i32
      %dma_wait3A_687 = tpu.memref_slice %arg22[%dma_wait3A_685, %dma_wait3A_686] : memref<10240x128xf32, #tpu.memory_space<vmem_shared>> -> memref<10240x128xf32, #tpu.memory_space<vmem_shared>>
      tpu.wait_indirect_dma semaphore(%arg21 : memref<!tpu.dma_semaphore, #tpu.memory_space<semaphore_mem>>) src(%arg14 : memref<80x128xf32, #tpu.memory_space<vmem>>) dst(%dma_wait3A_687 : memref<10240x128xf32, #tpu.memory_space<vmem_shared>>)
      %add3A_688 = arith.constant 2 : i32
      %add3A_689 = arith.addi %mul3A_466, %add3A_688 : i32
      %add3A_690 = arith.constant 3 : i32
      %add3A_691 = arith.addi %add3A_689, %add3A_690 : i32
      %get3A_692 = arith.index_cast %add3A_691 : i32 to index
      %get3A_693 = arith.constant 0 : index
      %get3A_694 = tpu.vector_load %arg5[%get3A_692, %get3A_693] {strides = array<i32>} : memref<126x80xi32, #tpu.memory_space<vmem>>, vector<1x16xi32>,
      %get3A_695 = vector.shape_cast %get3A_694 : vector<1x16xi32> to vector<16xi32>
      %shift_right_logical3A_696 = arith.constant 14 : i32
      %shift_right_logical3A_697 = vector.broadcast %shift_right_logical3A_696 : i32 to vector<16xi32>
      %shift_right_logical3A_698 = arith.shrui %get3A_695, %shift_right_logical3A_697 : vector<16xi32>
      %swap3A_699 = arith.constant 0 : index
      %swap3A_700 = tpu.vector_load %arg10[%swap3A_699] {strides = array<i32>} : memref<80xi32, #tpu.memory_space<vmem>>, vector<16xi32>,
      %swap3A_701 = vector.shape_cast %swap3A_700 : vector<16xi32> to vector<16xi32>
      %swap3A_702 = vector.shape_cast %shift_right_logical3A_698 : vector<16xi32> to vector<16xi32>
      tpu.vector_store %arg10[%swap3A_699], %swap3A_702 {strides = array<i32>} : memref<80xi32, #tpu.memory_space<vmem>>, vector<16xi32>,
      %and3A_703 = arith.constant 16383 : i32
      %and3A_704 = vector.broadcast %and3A_703 : i32 to vector<16xi32>
      %and3A_705 = arith.andi %get3A_695, %and3A_704 : vector<16xi32>
      %swap3A_706 = arith.constant 0 : index
      %swap3A_707 = tpu.vector_load %arg11[%swap3A_706] {strides = array<i32>} : memref<80xi32, #tpu.memory_space<vmem>>, vector<16xi32>,
      %swap3A_708 = vector.shape_cast %swap3A_707 : vector<16xi32> to vector<16xi32>
      %swap3A_709 = vector.shape_cast %and3A_705 : vector<16xi32> to vector<16xi32>
      tpu.vector_store %arg11[%swap3A_706], %swap3A_709 {strides = array<i32>} : memref<80xi32, #tpu.memory_space<vmem>>, vector<16xi32>,
      %get3A_710 = arith.index_cast %add3A_691 : i32 to index
      %get3A_711 = arith.constant 16 : index
      %get3A_712 = tpu.vector_load %arg5[%get3A_710, %get3A_711] {strides = array<i32>} : memref<126x80xi32, #tpu.memory_space<vmem>>, vector<1x16xi32>,
      %get3A_713 = vector.shape_cast %get3A_712 : vector<1x16xi32> to vector<16xi32>
      %shift_right_logical3A_714 = arith.constant 14 : i32
      %shift_right_logical3A_715 = vector.broadcast %shift_right_logical3A_714 : i32 to vector<16xi32>
      %shift_right_logical3A_716 = arith.shrui %get3A_713, %shift_right_logical3A_715 : vector<16xi32>
      %swap3A_717 = arith.constant 16 : index
      %swap3A_718 = tpu.vector_load %arg10[%swap3A_717] {strides = array<i32>} : memref<80xi32, #tpu.memory_space<vmem>>, vector<16xi32>,
      %swap3A_719 = vector.shape_cast %swap3A_718 : vector<16xi32> to vector<16xi32>
      %swap3A_720 = vector.shape_cast %shift_right_logical3A_716 : vector<16xi32> to vector<16xi32>
      tpu.vector_store %arg10[%swap3A_717], %swap3A_720 {strides = array<i32>} : memref<80xi32, #tpu.memory_space<vmem>>, vector<16xi32>,
      %and3A_721 = arith.constant 16383 : i32
      %and3A_722 = vector.broadcast %and3A_721 : i32 to vector<16xi32>
      %and3A_723 = arith.andi %get3A_713, %and3A_722 : vector<16xi32>
      %swap3A_724 = arith.constant 16 : index
      %swap3A_725 = tpu.vector_load %arg11[%swap3A_724] {strides = array<i32>} : memref<80xi32, #tpu.memory_space<vmem>>, vector<16xi32>,
      %swap3A_726 = vector.shape_cast %swap3A_725 : vector<16xi32> to vector<16xi32>
      %swap3A_727 = vector.shape_cast %and3A_723 : vector<16xi32> to vector<16xi32>
      tpu.vector_store %arg11[%swap3A_724], %swap3A_727 {strides = array<i32>} : memref<80xi32, #tpu.memory_space<vmem>>, vector<16xi32>,
      %get3A_728 = arith.index_cast %add3A_691 : i32 to index
      %get3A_729 = arith.constant 32 : index
      %get3A_730 = tpu.vector_load %arg5[%get3A_728, %get3A_729] {strides = array<i32>} : memref<126x80xi32, #tpu.memory_space<vmem>>, vector<1x16xi32>,
      %get3A_731 = vector.shape_cast %get3A_730 : vector<1x16xi32> to vector<16xi32>
      %shift_right_logical3A_732 = arith.constant 14 : i32
      %shift_right_logical3A_733 = vector.broadcast %shift_right_logical3A_732 : i32 to vector<16xi32>
      %shift_right_logical3A_734 = arith.shrui %get3A_731, %shift_right_logical3A_733 : vector<16xi32>
      %swap3A_735 = arith.constant 32 : index
      %swap3A_736 = tpu.vector_load %arg10[%swap3A_735] {strides = array<i32>} : memref<80xi32, #tpu.memory_space<vmem>>, vector<16xi32>,
      %swap3A_737 = vector.shape_cast %swap3A_736 : vector<16xi32> to vector<16xi32>
      %swap3A_738 = vector.shape_cast %shift_right_logical3A_734 : vector<16xi32> to vector<16xi32>
      tpu.vector_store %arg10[%swap3A_735], %swap3A_738 {strides = array<i32>} : memref<80xi32, #tpu.memory_space<vmem>>, vector<16xi32>,
      %and3A_739 = arith.constant 16383 : i32
      %and3A_740 = vector.broadcast %and3A_739 : i32 to vector<16xi32>
      %and3A_741 = arith.andi %get3A_731, %and3A_740 : vector<16xi32>
      %swap3A_742 = arith.constant 32 : index
      %swap3A_743 = tpu.vector_load %arg11[%swap3A_742] {strides = array<i32>} : memref<80xi32, #tpu.memory_space<vmem>>, vector<16xi32>,
      %swap3A_744 = vector.shape_cast %swap3A_743 : vector<16xi32> to vector<16xi32>
      %swap3A_745 = vector.shape_cast %and3A_741 : vector<16xi32> to vector<16xi32>
      tpu.vector_store %arg11[%swap3A_742], %swap3A_745 {strides = array<i32>} : memref<80xi32, #tpu.memory_space<vmem>>, vector<16xi32>,
      %get3A_746 = arith.index_cast %add3A_691 : i32 to index
      %get3A_747 = arith.constant 48 : index
      %get3A_748 = tpu.vector_load %arg5[%get3A_746, %get3A_747] {strides = array<i32>} : memref<126x80xi32, #tpu.memory_space<vmem>>, vector<1x16xi32>,
      %get3A_749 = vector.shape_cast %get3A_748 : vector<1x16xi32> to vector<16xi32>
      %shift_right_logical3A_750 = arith.constant 14 : i32
      %shift_right_logical3A_751 = vector.broadcast %shift_right_logical3A_750 : i32 to vector<16xi32>
      %shift_right_logical3A_752 = arith.shrui %get3A_749, %shift_right_logical3A_751 : vector<16xi32>
      %swap3A_753 = arith.constant 48 : index
      %swap3A_754 = tpu.vector_load %arg10[%swap3A_753] {strides = array<i32>} : memref<80xi32, #tpu.memory_space<vmem>>, vector<16xi32>,
      %swap3A_755 = vector.shape_cast %swap3A_754 : vector<16xi32> to vector<16xi32>
      %swap3A_756 = vector.shape_cast %shift_right_logical3A_752 : vector<16xi32> to vector<16xi32>
      tpu.vector_store %arg10[%swap3A_753], %swap3A_756 {strides = array<i32>} : memref<80xi32, #tpu.memory_space<vmem>>, vector<16xi32>,
      %and3A_757 = arith.constant 16383 : i32
      %and3A_758 = vector.broadcast %and3A_757 : i32 to vector<16xi32>
      %and3A_759 = arith.andi %get3A_749, %and3A_758 : vector<16xi32>
      %swap3A_760 = arith.constant 48 : index
      %swap3A_761 = tpu.vector_load %arg11[%swap3A_760] {strides = array<i32>} : memref<80xi32, #tpu.memory_space<vmem>>, vector<16xi32>,
      %swap3A_762 = vector.shape_cast %swap3A_761 : vector<16xi32> to vector<16xi32>
      %swap3A_763 = vector.shape_cast %and3A_759 : vector<16xi32> to vector<16xi32>
      tpu.vector_store %arg11[%swap3A_760], %swap3A_763 {strides = array<i32>} : memref<80xi32, #tpu.memory_space<vmem>>, vector<16xi32>,
      %get3A_764 = arith.index_cast %add3A_691 : i32 to index
      %get3A_765 = arith.constant 64 : index
      %get3A_766 = tpu.vector_load %arg5[%get3A_764, %get3A_765] {strides = array<i32>} : memref<126x80xi32, #tpu.memory_space<vmem>>, vector<1x16xi32>,
      %get3A_767 = vector.shape_cast %get3A_766 : vector<1x16xi32> to vector<16xi32>
      %shift_right_logical3A_768 = arith.constant 14 : i32
      %shift_right_logical3A_769 = vector.broadcast %shift_right_logical3A_768 : i32 to vector<16xi32>
      %shift_right_logical3A_770 = arith.shrui %get3A_767, %shift_right_logical3A_769 : vector<16xi32>
      %swap3A_771 = arith.constant 64 : index
      %swap3A_772 = tpu.vector_load %arg10[%swap3A_771] {strides = array<i32>} : memref<80xi32, #tpu.memory_space<vmem>>, vector<16xi32>,
      %swap3A_773 = vector.shape_cast %swap3A_772 : vector<16xi32> to vector<16xi32>
      %swap3A_774 = vector.shape_cast %shift_right_logical3A_770 : vector<16xi32> to vector<16xi32>
      tpu.vector_store %arg10[%swap3A_771], %swap3A_774 {strides = array<i32>} : memref<80xi32, #tpu.memory_space<vmem>>, vector<16xi32>,
      %and3A_775 = arith.constant 16383 : i32
      %and3A_776 = vector.broadcast %and3A_775 : i32 to vector<16xi32>
      %and3A_777 = arith.andi %get3A_767, %and3A_776 : vector<16xi32>
      %swap3A_778 = arith.constant 64 : index
      %swap3A_779 = tpu.vector_load %arg11[%swap3A_778] {strides = array<i32>} : memref<80xi32, #tpu.memory_space<vmem>>, vector<16xi32>,
      %swap3A_780 = vector.shape_cast %swap3A_779 : vector<16xi32> to vector<16xi32>
      %swap3A_781 = vector.shape_cast %and3A_777 : vector<16xi32> to vector<16xi32>
      tpu.vector_store %arg11[%swap3A_778], %swap3A_781 {strides = array<i32>} : memref<80xi32, #tpu.memory_space<vmem>>, vector<16xi32>,
      %dma_start3A_782 = arith.constant 0 : i32
      %dma_start3A_783 = arith.constant 0 : i32
      %dma_start3A_784 = tpu.memref_slice %arg2[%dma_start3A_782, %dma_start3A_783] : memref<10240x128xf32, #tpu.memory_space<hbm>> -> memref<10240x128xf32, #tpu.memory_space<hbm>>
      tpu.enqueue_indirect_dma source(%dma_start3A_784 : memref<10240x128xf32, #tpu.memory_space<hbm>>) target(%arg14 : memref<80x128xf32, #tpu.memory_space<vmem>>) offsets(%arg10 : memref<80xi32, #tpu.memory_space<vmem>>) semaphore(%arg18 : memref<!tpu.dma_semaphore, #tpu.memory_space<semaphore_mem>>)
    }
    %scan3A_306 = arith.constant 41 : i32
    %dma_wait3A = arith.constant 0 : i32
    %dma_wait3A_307 = arith.constant 0 : i32
    %dma_wait3A_308 = tpu.memref_slice %arg2[%dma_wait3A, %dma_wait3A_307] : memref<10240x128xf32, #tpu.memory_space<hbm>> -> memref<10240x128xf32, #tpu.memory_space<hbm>>
    tpu.wait_indirect_dma semaphore(%arg16 : memref<!tpu.dma_semaphore, #tpu.memory_space<semaphore_mem>>) src(%dma_wait3A_308 : memref<10240x128xf32, #tpu.memory_space<hbm>>) dst(%arg12 : memref<80x128xf32, #tpu.memory_space<vmem>>)
    %dma_start3A_309 = arith.constant 0 : i32
    %dma_start3A_310 = arith.constant 0 : i32
    %dma_start3A_311 = tpu.memref_slice %arg22[%dma_start3A_309, %dma_start3A_310] : memref<10240x128xf32, #tpu.memory_space<vmem_shared>> -> memref<10240x128xf32, #tpu.memory_space<vmem_shared>>
    tpu.enqueue_indirect_dma source(%arg12 : memref<80x128xf32, #tpu.memory_space<vmem>>) target(%dma_start3A_311 : memref<10240x128xf32, #tpu.memory_space<vmem_shared>>) offsets(%arg7 : memref<80xi32, #tpu.memory_space<vmem>>) semaphore(%arg19 : memref<!tpu.dma_semaphore, #tpu.memory_space<semaphore_mem>>) {add = true}
    %dma_wait3A_312 = arith.constant 0 : i32
    %dma_wait3A_313 = arith.constant 0 : i32
    %dma_wait3A_314 = tpu.memref_slice %arg2[%dma_wait3A_312, %dma_wait3A_313] : memref<10240x128xf32, #tpu.memory_space<hbm>> -> memref<10240x128xf32, #tpu.memory_space<hbm>>
    tpu.wait_indirect_dma semaphore(%arg17 : memref<!tpu.dma_semaphore, #tpu.memory_space<semaphore_mem>>) src(%dma_wait3A_314 : memref<10240x128xf32, #tpu.memory_space<hbm>>) dst(%arg13 : memref<80x128xf32, #tpu.memory_space<vmem>>)
    %dma_start3A_315 = arith.constant 0 : i32
    %dma_start3A_316 = arith.constant 0 : i32
    %dma_start3A_317 = tpu.memref_slice %arg22[%dma_start3A_315, %dma_start3A_316] : memref<10240x128xf32, #tpu.memory_space<vmem_shared>> -> memref<10240x128xf32, #tpu.memory_space<vmem_shared>>
    tpu.enqueue_indirect_dma source(%arg13 : memref<80x128xf32, #tpu.memory_space<vmem>>) target(%dma_start3A_317 : memref<10240x128xf32, #tpu.memory_space<vmem_shared>>) offsets(%arg9 : memref<80xi32, #tpu.memory_space<vmem>>) semaphore(%arg20 : memref<!tpu.dma_semaphore, #tpu.memory_space<semaphore_mem>>) {add = true}
    %dma_wait3A_318 = arith.constant 0 : i32
    %dma_wait3A_319 = arith.constant 0 : i32
    %dma_wait3A_320 = tpu.memref_slice %arg2[%dma_wait3A_318, %dma_wait3A_319] : memref<10240x128xf32, #tpu.memory_space<hbm>> -> memref<10240x128xf32, #tpu.memory_space<hbm>>
    tpu.wait_indirect_dma semaphore(%arg18 : memref<!tpu.dma_semaphore, #tpu.memory_space<semaphore_mem>>) src(%dma_wait3A_320 : memref<10240x128xf32, #tpu.memory_space<hbm>>) dst(%arg14 : memref<80x128xf32, #tpu.memory_space<vmem>>)
    %dma_start3A_321 = arith.constant 0 : i32
    %dma_start3A_322 = arith.constant 0 : i32
    %dma_start3A_323 = tpu.memref_slice %arg22[%dma_start3A_321, %dma_start3A_322] : memref<10240x128xf32, #tpu.memory_space<vmem_shared>> -> memref<10240x128xf32, #tpu.memory_space<vmem_shared>>
    tpu.enqueue_indirect_dma source(%arg14 : memref<80x128xf32, #tpu.memory_space<vmem>>) target(%dma_start3A_323 : memref<10240x128xf32, #tpu.memory_space<vmem_shared>>) offsets(%arg11 : memref<80xi32, #tpu.memory_space<vmem>>) semaphore(%arg21 : memref<!tpu.dma_semaphore, #tpu.memory_space<semaphore_mem>>) {add = true}
    %dma_wait3A_324 = arith.constant 0 : i32
    %dma_wait3A_325 = arith.constant 0 : i32
    %dma_wait3A_326 = tpu.memref_slice %arg22[%dma_wait3A_324, %dma_wait3A_325] : memref<10240x128xf32, #tpu.memory_space<vmem_shared>> -> memref<10240x128xf32, #tpu.memory_space<vmem_shared>>
    tpu.wait_indirect_dma semaphore(%arg19 : memref<!tpu.dma_semaphore, #tpu.memory_space<semaphore_mem>>) src(%arg12 : memref<80x128xf32, #tpu.memory_space<vmem>>) dst(%dma_wait3A_326 : memref<10240x128xf32, #tpu.memory_space<vmem_shared>>)
    %dma_wait3A_327 = arith.constant 0 : i32
    %dma_wait3A_328 = arith.constant 0 : i32
    %dma_wait3A_329 = tpu.memref_slice %arg22[%dma_wait3A_327, %dma_wait3A_328] : memref<10240x128xf32, #tpu.memory_space<vmem_shared>> -> memref<10240x128xf32, #tpu.memory_space<vmem_shared>>
    tpu.wait_indirect_dma semaphore(%arg20 : memref<!tpu.dma_semaphore, #tpu.memory_space<semaphore_mem>>) src(%arg13 : memref<80x128xf32, #tpu.memory_space<vmem>>) dst(%dma_wait3A_329 : memref<10240x128xf32, #tpu.memory_space<vmem_shared>>)
    %dma_wait3A_330 = arith.constant 0 : i32
    %dma_wait3A_331 = arith.constant 0 : i32
    %dma_wait3A_332 = tpu.memref_slice %arg22[%dma_wait3A_330, %dma_wait3A_331] : memref<10240x128xf32, #tpu.memory_space<vmem_shared>> -> memref<10240x128xf32, #tpu.memory_space<vmem_shared>>
    tpu.wait_indirect_dma semaphore(%arg21 : memref<!tpu.dma_semaphore, #tpu.memory_space<semaphore_mem>>) src(%arg14 : memref<80x128xf32, #tpu.memory_space<vmem>>) dst(%dma_wait3A_332 : memref<10240x128xf32, #tpu.memory_space<vmem_shared>>)
    %barrier3A_333 = arith.constant 0 : index
    tpu.barrier barrier_id(%barrier3A_333)
    %mul3A_334 = arith.constant 640 : i32
    %mul3A_335 = arith.muli %arg1, %mul3A_334 : i32
    %add3A_336 = arith.constant 0 : i32
    %add3A_337 = arith.addi %mul3A_335, %add3A_336 : i32
    %mul3A_338 = arith.constant 640 : i32
    %mul3A_339 = arith.muli %arg1, %mul3A_338 : i32
    %add3A_340 = arith.constant 0 : i32
    %add3A_341 = arith.addi %mul3A_339, %add3A_340 : i32
    %dma_start3A_342 = arith.constant 0 : i32
    %dma_start3A_343 = tpu.memref_slice %arg4[%arg0, %add3A_341, %dma_start3A_342] : memref<2x10240x128xf32, #tpu.memory_space<hbm>> -> memref<1x128x128xf32, #tpu.memory_space<hbm>>
    %dma_start3A_344 = tpu.memref_squeeze %dma_start3A_343 : memref<1x128x128xf32, #tpu.memory_space<hbm>> -> memref<128x128xf32, #tpu.memory_space<hbm>>
    %dma_start3A_345 = arith.constant 0 : i32
    %dma_start3A_346 = tpu.memref_slice %arg22[%add3A_337, %dma_start3A_345] : memref<10240x128xf32, #tpu.memory_space<vmem_shared>> -> memref<128x128xf32, #tpu.memory_space<vmem_shared>>
    tpu.enqueue_dma source(%dma_start3A_346 : memref<128x128xf32, #tpu.memory_space<vmem_shared>>) target(%dma_start3A_344 : memref<128x128xf32, #tpu.memory_space<hbm>>) target_semaphore(%arg16 : memref<!tpu.dma_semaphore, #tpu.memory_space<semaphore_mem>>)
    %mul3A_347 = arith.constant 640 : i32
    %mul3A_348 = arith.muli %arg1, %mul3A_347 : i32
    %add3A_349 = arith.constant 128 : i32
    %add3A_350 = arith.addi %mul3A_348, %add3A_349 : i32
    %mul3A_351 = arith.constant 640 : i32
    %mul3A_352 = arith.muli %arg1, %mul3A_351 : i32
    %add3A_353 = arith.constant 128 : i32
    %add3A_354 = arith.addi %mul3A_352, %add3A_353 : i32
    %dma_start3A_355 = arith.constant 0 : i32
    %dma_start3A_356 = tpu.memref_slice %arg4[%arg0, %add3A_354, %dma_start3A_355] : memref<2x10240x128xf32, #tpu.memory_space<hbm>> -> memref<1x128x128xf32, #tpu.memory_space<hbm>>
    %dma_start3A_357 = tpu.memref_squeeze %dma_start3A_356 : memref<1x128x128xf32, #tpu.memory_space<hbm>> -> memref<128x128xf32, #tpu.memory_space<hbm>>
    %dma_start3A_358 = arith.constant 0 : i32
    %dma_start3A_359 = tpu.memref_slice %arg22[%add3A_350, %dma_start3A_358] : memref<10240x128xf32, #tpu.memory_space<vmem_shared>> -> memref<128x128xf32, #tpu.memory_space<vmem_shared>>
    tpu.enqueue_dma source(%dma_start3A_359 : memref<128x128xf32, #tpu.memory_space<vmem_shared>>) target(%dma_start3A_357 : memref<128x128xf32, #tpu.memory_space<hbm>>) target_semaphore(%arg16 : memref<!tpu.dma_semaphore, #tpu.memory_space<semaphore_mem>>)
    %mul3A_360 = arith.constant 640 : i32
    %mul3A_361 = arith.muli %arg1, %mul3A_360 : i32
    %add3A_362 = arith.constant 256 : i32
    %add3A_363 = arith.addi %mul3A_361, %add3A_362 : i32
    %mul3A_364 = arith.constant 640 : i32
    %mul3A_365 = arith.muli %arg1, %mul3A_364 : i32
    %add3A_366 = arith.constant 256 : i32
    %add3A_367 = arith.addi %mul3A_365, %add3A_366 : i32
    %dma_start3A_368 = arith.constant 0 : i32
    %dma_start3A_369 = tpu.memref_slice %arg4[%arg0, %add3A_367, %dma_start3A_368] : memref<2x10240x128xf32, #tpu.memory_space<hbm>> -> memref<1x128x128xf32, #tpu.memory_space<hbm>>
    %dma_start3A_370 = tpu.memref_squeeze %dma_start3A_369 : memref<1x128x128xf32, #tpu.memory_space<hbm>> -> memref<128x128xf32, #tpu.memory_space<hbm>>
    %dma_start3A_371 = arith.constant 0 : i32
    %dma_start3A_372 = tpu.memref_slice %arg22[%add3A_363, %dma_start3A_371] : memref<10240x128xf32, #tpu.memory_space<vmem_shared>> -> memref<128x128xf32, #tpu.memory_space<vmem_shared>>
    tpu.enqueue_dma source(%dma_start3A_372 : memref<128x128xf32, #tpu.memory_space<vmem_shared>>) target(%dma_start3A_370 : memref<128x128xf32, #tpu.memory_space<hbm>>) target_semaphore(%arg16 : memref<!tpu.dma_semaphore, #tpu.memory_space<semaphore_mem>>)
    %mul3A_373 = arith.constant 640 : i32
    %mul3A_374 = arith.muli %arg1, %mul3A_373 : i32
    %add3A_375 = arith.constant 384 : i32
    %add3A_376 = arith.addi %mul3A_374, %add3A_375 : i32
    %mul3A_377 = arith.constant 640 : i32
    %mul3A_378 = arith.muli %arg1, %mul3A_377 : i32
    %add3A_379 = arith.constant 384 : i32
    %add3A_380 = arith.addi %mul3A_378, %add3A_379 : i32
    %dma_start3A_381 = arith.constant 0 : i32
    %dma_start3A_382 = tpu.memref_slice %arg4[%arg0, %add3A_380, %dma_start3A_381] : memref<2x10240x128xf32, #tpu.memory_space<hbm>> -> memref<1x128x128xf32, #tpu.memory_space<hbm>>
    %dma_start3A_383 = tpu.memref_squeeze %dma_start3A_382 : memref<1x128x128xf32, #tpu.memory_space<hbm>> -> memref<128x128xf32, #tpu.memory_space<hbm>>
    %dma_start3A_384 = arith.constant 0 : i32
    %dma_start3A_385 = tpu.memref_slice %arg22[%add3A_376, %dma_start3A_384] : memref<10240x128xf32, #tpu.memory_space<vmem_shared>> -> memref<128x128xf32, #tpu.memory_space<vmem_shared>>
    tpu.enqueue_dma source(%dma_start3A_385 : memref<128x128xf32, #tpu.memory_space<vmem_shared>>) target(%dma_start3A_383 : memref<128x128xf32, #tpu.memory_space<hbm>>) target_semaphore(%arg16 : memref<!tpu.dma_semaphore, #tpu.memory_space<semaphore_mem>>)
    %mul3A_386 = arith.constant 640 : i32
    %mul3A_387 = arith.muli %arg1, %mul3A_386 : i32
    %add3A_388 = arith.constant 512 : i32
    %add3A_389 = arith.addi %mul3A_387, %add3A_388 : i32
    %mul3A_390 = arith.constant 640 : i32
    %mul3A_391 = arith.muli %arg1, %mul3A_390 : i32
    %add3A_392 = arith.constant 512 : i32
    %add3A_393 = arith.addi %mul3A_391, %add3A_392 : i32
    %dma_start3A_394 = arith.constant 0 : i32
    %dma_start3A_395 = tpu.memref_slice %arg4[%arg0, %add3A_393, %dma_start3A_394] : memref<2x10240x128xf32, #tpu.memory_space<hbm>> -> memref<1x128x128xf32, #tpu.memory_space<hbm>>
    %dma_start3A_396 = tpu.memref_squeeze %dma_start3A_395 : memref<1x128x128xf32, #tpu.memory_space<hbm>> -> memref<128x128xf32, #tpu.memory_space<hbm>>
    %dma_start3A_397 = arith.constant 0 : i32
    %dma_start3A_398 = tpu.memref_slice %arg22[%add3A_389, %dma_start3A_397] : memref<10240x128xf32, #tpu.memory_space<vmem_shared>> -> memref<128x128xf32, #tpu.memory_space<vmem_shared>>
    tpu.enqueue_dma source(%dma_start3A_398 : memref<128x128xf32, #tpu.memory_space<vmem_shared>>) target(%dma_start3A_396 : memref<128x128xf32, #tpu.memory_space<hbm>>) target_semaphore(%arg16 : memref<!tpu.dma_semaphore, #tpu.memory_space<semaphore_mem>>)
    %mul3A_399 = arith.constant 640 : i32
    %mul3A_400 = arith.muli %arg1, %mul3A_399 : i32
    %add3A_401 = arith.constant 0 : i32
    %add3A_402 = arith.addi %mul3A_400, %add3A_401 : i32
    %mul3A_403 = arith.constant 640 : i32
    %mul3A_404 = arith.muli %arg1, %mul3A_403 : i32
    %add3A_405 = arith.constant 0 : i32
    %add3A_406 = arith.addi %mul3A_404, %add3A_405 : i32
    %dma_wait3A_407 = arith.constant 0 : i32
    %dma_wait3A_408 = tpu.memref_slice %arg4[%arg0, %add3A_406, %dma_wait3A_407] : memref<2x10240x128xf32, #tpu.memory_space<hbm>> -> memref<1x128x128xf32, #tpu.memory_space<hbm>>
    %dma_wait3A_409 = tpu.memref_squeeze %dma_wait3A_408 : memref<1x128x128xf32, #tpu.memory_space<hbm>> -> memref<128x128xf32, #tpu.memory_space<hbm>>
    %dma_wait3A_410 = arith.constant 0 : i32
    %dma_wait3A_411 = tpu.memref_slice %arg22[%add3A_402, %dma_wait3A_410] : memref<10240x128xf32, #tpu.memory_space<vmem_shared>> -> memref<128x128xf32, #tpu.memory_space<vmem_shared>>
    tpu.wait_dma2 semaphore(%arg16 : memref<!tpu.dma_semaphore, #tpu.memory_space<semaphore_mem>>) src(%dma_wait3A_411 : memref<128x128xf32, #tpu.memory_space<vmem_shared>>) dst(%dma_wait3A_409 : memref<128x128xf32, #tpu.memory_space<hbm>>)
    %mul3A_412 = arith.constant 640 : i32
    %mul3A_413 = arith.muli %arg1, %mul3A_412 : i32
    %add3A_414 = arith.constant 128 : i32
    %add3A_415 = arith.addi %mul3A_413, %add3A_414 : i32
    %mul3A_416 = arith.constant 640 : i32
    %mul3A_417 = arith.muli %arg1, %mul3A_416 : i32
    %add3A_418 = arith.constant 128 : i32
    %add3A_419 = arith.addi %mul3A_417, %add3A_418 : i32
    %dma_wait3A_420 = arith.constant 0 : i32
    %dma_wait3A_421 = tpu.memref_slice %arg4[%arg0, %add3A_419, %dma_wait3A_420] : memref<2x10240x128xf32, #tpu.memory_space<hbm>> -> memref<1x128x128xf32, #tpu.memory_space<hbm>>
    %dma_wait3A_422 = tpu.memref_squeeze %dma_wait3A_421 : memref<1x128x128xf32, #tpu.memory_space<hbm>> -> memref<128x128xf32, #tpu.memory_space<hbm>>
    %dma_wait3A_423 = arith.constant 0 : i32
    %dma_wait3A_424 = tpu.memref_slice %arg22[%add3A_415, %dma_wait3A_423] : memref<10240x128xf32, #tpu.memory_space<vmem_shared>> -> memref<128x128xf32, #tpu.memory_space<vmem_shared>>
    tpu.wait_dma2 semaphore(%arg16 : memref<!tpu.dma_semaphore, #tpu.memory_space<semaphore_mem>>) src(%dma_wait3A_424 : memref<128x128xf32, #tpu.memory_space<vmem_shared>>) dst(%dma_wait3A_422 : memref<128x128xf32, #tpu.memory_space<hbm>>)
    %mul3A_425 = arith.constant 640 : i32
    %mul3A_426 = arith.muli %arg1, %mul3A_425 : i32
    %add3A_427 = arith.constant 256 : i32
    %add3A_428 = arith.addi %mul3A_426, %add3A_427 : i32
    %mul3A_429 = arith.constant 640 : i32
    %mul3A_430 = arith.muli %arg1, %mul3A_429 : i32
    %add3A_431 = arith.constant 256 : i32
    %add3A_432 = arith.addi %mul3A_430, %add3A_431 : i32
    %dma_wait3A_433 = arith.constant 0 : i32
    %dma_wait3A_434 = tpu.memref_slice %arg4[%arg0, %add3A_432, %dma_wait3A_433] : memref<2x10240x128xf32, #tpu.memory_space<hbm>> -> memref<1x128x128xf32, #tpu.memory_space<hbm>>
    %dma_wait3A_435 = tpu.memref_squeeze %dma_wait3A_434 : memref<1x128x128xf32, #tpu.memory_space<hbm>> -> memref<128x128xf32, #tpu.memory_space<hbm>>
    %dma_wait3A_436 = arith.constant 0 : i32
    %dma_wait3A_437 = tpu.memref_slice %arg22[%add3A_428, %dma_wait3A_436] : memref<10240x128xf32, #tpu.memory_space<vmem_shared>> -> memref<128x128xf32, #tpu.memory_space<vmem_shared>>
    tpu.wait_dma2 semaphore(%arg16 : memref<!tpu.dma_semaphore, #tpu.memory_space<semaphore_mem>>) src(%dma_wait3A_437 : memref<128x128xf32, #tpu.memory_space<vmem_shared>>) dst(%dma_wait3A_435 : memref<128x128xf32, #tpu.memory_space<hbm>>)
    %mul3A_438 = arith.constant 640 : i32
    %mul3A_439 = arith.muli %arg1, %mul3A_438 : i32
    %add3A_440 = arith.constant 384 : i32
    %add3A_441 = arith.addi %mul3A_439, %add3A_440 : i32
    %mul3A_442 = arith.constant 640 : i32
    %mul3A_443 = arith.muli %arg1, %mul3A_442 : i32
    %add3A_444 = arith.constant 384 : i32
    %add3A_445 = arith.addi %mul3A_443, %add3A_444 : i32
    %dma_wait3A_446 = arith.constant 0 : i32
    %dma_wait3A_447 = tpu.memref_slice %arg4[%arg0, %add3A_445, %dma_wait3A_446] : memref<2x10240x128xf32, #tpu.memory_space<hbm>> -> memref<1x128x128xf32, #tpu.memory_space<hbm>>
    %dma_wait3A_448 = tpu.memref_squeeze %dma_wait3A_447 : memref<1x128x128xf32, #tpu.memory_space<hbm>> -> memref<128x128xf32, #tpu.memory_space<hbm>>
    %dma_wait3A_449 = arith.constant 0 : i32
    %dma_wait3A_450 = tpu.memref_slice %arg22[%add3A_441, %dma_wait3A_449] : memref<10240x128xf32, #tpu.memory_space<vmem_shared>> -> memref<128x128xf32, #tpu.memory_space<vmem_shared>>
    tpu.wait_dma2 semaphore(%arg16 : memref<!tpu.dma_semaphore, #tpu.memory_space<semaphore_mem>>) src(%dma_wait3A_450 : memref<128x128xf32, #tpu.memory_space<vmem_shared>>) dst(%dma_wait3A_448 : memref<128x128xf32, #tpu.memory_space<hbm>>)
    %mul3A_451 = arith.constant 640 : i32
    %mul3A_452 = arith.muli %arg1, %mul3A_451 : i32
    %add3A_453 = arith.constant 512 : i32
    %add3A_454 = arith.addi %mul3A_452, %add3A_453 : i32
    %mul3A_455 = arith.constant 640 : i32
    %mul3A_456 = arith.muli %arg1, %mul3A_455 : i32
    %add3A_457 = arith.constant 512 : i32
    %add3A_458 = arith.addi %mul3A_456, %add3A_457 : i32
    %dma_wait3A_459 = arith.constant 0 : i32
    %dma_wait3A_460 = tpu.memref_slice %arg4[%arg0, %add3A_458, %dma_wait3A_459] : memref<2x10240x128xf32, #tpu.memory_space<hbm>> -> memref<1x128x128xf32, #tpu.memory_space<hbm>>
    %dma_wait3A_461 = tpu.memref_squeeze %dma_wait3A_460 : memref<1x128x128xf32, #tpu.memory_space<hbm>> -> memref<128x128xf32, #tpu.memory_space<hbm>>
    %dma_wait3A_462 = arith.constant 0 : i32
    %dma_wait3A_463 = tpu.memref_slice %arg22[%add3A_454, %dma_wait3A_462] : memref<10240x128xf32, #tpu.memory_space<vmem_shared>> -> memref<128x128xf32, #tpu.memory_space<vmem_shared>>
    tpu.wait_dma2 semaphore(%arg16 : memref<!tpu.dma_semaphore, #tpu.memory_space<semaphore_mem>>) src(%dma_wait3A_463 : memref<128x128xf32, #tpu.memory_space<vmem_shared>>) dst(%dma_wait3A_461 : memref<128x128xf32, #tpu.memory_space<hbm>>)
    return
  }
}

#map = affine_map<(d0, d1) -> (0, 0)>
#map1 = affine_map<(d0, d1) -> (0, 0, 0)>
module attributes {stable_mosaic.version = 14 : i64} {
  func.func @_sc_layer_body(%arg0: i32, %arg1: i32, %arg2: memref<10240x128xf32, #tpu.memory_space<hbm>>, %arg3: memref<32x126x80xi32, #tpu.memory_space<hbm>>, %arg4: memref<2x10240x128xf32, #tpu.memory_space<hbm>>, %arg5: memref<126x80xi32, #tpu.memory_space<vmem>>, %arg6: memref<80xi32, #tpu.memory_space<vmem>>, %arg7: memref<80xi32, #tpu.memory_space<vmem>>, %arg8: memref<80xi32, #tpu.memory_space<vmem>>, %arg9: memref<80xi32, #tpu.memory_space<vmem>>, %arg10: memref<80xi32, #tpu.memory_space<vmem>>, %arg11: memref<80xi32, #tpu.memory_space<vmem>>, %arg12: memref<80x128xf32, #tpu.memory_space<vmem>>, %arg13: memref<80x128xf32, #tpu.memory_space<vmem>>, %arg14: memref<80x128xf32, #tpu.memory_space<vmem>>, %arg15: memref<8x128xf32, #tpu.memory_space<vmem>>, %arg16: memref<!tpu.dma_semaphore, #tpu.memory_space<semaphore_mem>>, %arg17: memref<!tpu.dma_semaphore, #tpu.memory_space<semaphore_mem>>, %arg18: memref<!tpu.dma_semaphore, #tpu.memory_space<semaphore_mem>>, %arg19: memref<!tpu.dma_semaphore, #tpu.memory_space<semaphore_mem>>, %arg20: memref<!tpu.dma_semaphore, #tpu.memory_space<semaphore_mem>>, %arg21: memref<!tpu.dma_semaphore, #tpu.memory_space<semaphore_mem>>, %arg22: memref<10240x128xf32, #tpu.memory_space<vmem_shared>>) attributes {dimension_semantics = [#tpu.dimension_semantics<core_parallel>, #tpu.dimension_semantics<subcore_parallel>], iteration_bounds = array<i64: 2, 16>, scalar_prefetch = 0 : i64, scratch_operands = 18 : i64, tpu.core_type = #tpu.core_type<sc_vector_subcore>, window_params = [{transform_indices = #map}, {transform_indices = #map1}, {transform_indices = #map1}]} {
    %mul3A = arith.constant 16 : i32
    %mul3A_0 = arith.muli %arg0, %mul3A : i32
    %add3A = arith.addi %mul3A_0, %arg1 : i32
    "tpu.region"() ({
      %run_scoped3A = tpu.sem_alloc : memref<!tpu.dma_semaphore, #tpu.memory_space<semaphore_mem>>
      %dma_start3A_464 = arith.constant 0 : i32
      %dma_start3A_465 = arith.constant 0 : i32
      %dma_start3A_466 = tpu.memref_slice %arg3[%add3A, %dma_start3A_464, %dma_start3A_465] : memref<32x126x80xi32, #tpu.memory_space<hbm>> -> memref<1x126x80xi32, #tpu.memory_space<hbm>>
      %dma_start3A_467 = tpu.memref_squeeze %dma_start3A_466 : memref<1x126x80xi32, #tpu.memory_space<hbm>> -> memref<126x80xi32, #tpu.memory_space<hbm>>
      %dma_start3A_468 = arith.constant 0 : i32
      %dma_start3A_469 = arith.constant 0 : i32
      %dma_start3A_470 = tpu.memref_slice %arg3[%add3A, %dma_start3A_468, %dma_start3A_469] : memref<32x126x80xi32, #tpu.memory_space<hbm>> -> memref<1x126x80xi32, #tpu.memory_space<hbm>>
      %dma_start3A_471 = tpu.memref_squeeze %dma_start3A_470 : memref<1x126x80xi32, #tpu.memory_space<hbm>> -> memref<126x80xi32, #tpu.memory_space<hbm>>
      tpu.enqueue_dma source(%dma_start3A_471 : memref<126x80xi32, #tpu.memory_space<hbm>>) target(%arg5 : memref<126x80xi32, #tpu.memory_space<vmem>>) target_semaphore(%run_scoped3A : memref<!tpu.dma_semaphore, #tpu.memory_space<semaphore_mem>>)
      %dma_wait3A_472 = arith.constant 0 : i32
      %dma_wait3A_473 = arith.constant 0 : i32
      %dma_wait3A_474 = tpu.memref_slice %arg3[%add3A, %dma_wait3A_472, %dma_wait3A_473] : memref<32x126x80xi32, #tpu.memory_space<hbm>> -> memref<1x126x80xi32, #tpu.memory_space<hbm>>
      %dma_wait3A_475 = tpu.memref_squeeze %dma_wait3A_474 : memref<1x126x80xi32, #tpu.memory_space<hbm>> -> memref<126x80xi32, #tpu.memory_space<hbm>>
      %dma_wait3A_476 = arith.constant 0 : i32
      %dma_wait3A_477 = arith.constant 0 : i32
      %dma_wait3A_478 = tpu.memref_slice %arg3[%add3A, %dma_wait3A_476, %dma_wait3A_477] : memref<32x126x80xi32, #tpu.memory_space<hbm>> -> memref<1x126x80xi32, #tpu.memory_space<hbm>>
      %dma_wait3A_479 = tpu.memref_squeeze %dma_wait3A_478 : memref<1x126x80xi32, #tpu.memory_space<hbm>> -> memref<126x80xi32, #tpu.memory_space<hbm>>
      tpu.wait_dma2 semaphore(%run_scoped3A : memref<!tpu.dma_semaphore, #tpu.memory_space<semaphore_mem>>) src(%dma_wait3A_479 : memref<126x80xi32, #tpu.memory_space<hbm>>) dst(%arg5 : memref<126x80xi32, #tpu.memory_space<vmem>>)
      tpu.yield
    }) : () -> ()
    %scan3A = arith.constant 0 : i32
    %scan3A_1 = arith.constant 0 : i32
    %scan3A_2 = arith.constant 8 : i32
    %scan3A_3 = arith.addi %scan3A_1, %scan3A_2 : i32
    %scan3A_4 = arith.constant 1 : i32
    scf.for %scan3A_464 = %scan3A_1 to %scan3A_3 step %scan3A_4  : i32 {
      %broadcast_in_dim3A = arith.constant 0.000000e+00 : f32
      %broadcast_in_dim3A_465 = vector.broadcast %broadcast_in_dim3A : f32 to vector<16xf32>
      %swap3A_466 = arith.index_cast %scan3A_464 : i32 to index
      %swap3A_467 = arith.constant 0 : index
      %swap3A_468 = tpu.vector_load %arg15[%swap3A_466, %swap3A_467] {strides = array<i32>} : memref<8x128xf32, #tpu.memory_space<vmem>>, vector<1x16xf32>,
      %swap3A_469 = vector.shape_cast %swap3A_468 : vector<1x16xf32> to vector<16xf32>
      %swap3A_470 = vector.shape_cast %broadcast_in_dim3A_465 : vector<16xf32> to vector<1x16xf32>
      tpu.vector_store %arg15[%swap3A_466, %swap3A_467], %swap3A_470 {strides = array<i32>} : memref<8x128xf32, #tpu.memory_space<vmem>>, vector<1x16xf32>,
      %broadcast_in_dim3A_471 = arith.constant 0.000000e+00 : f32
      %broadcast_in_dim3A_472 = vector.broadcast %broadcast_in_dim3A_471 : f32 to vector<16xf32>
      %swap3A_473 = arith.index_cast %scan3A_464 : i32 to index
      %swap3A_474 = arith.constant 16 : index
      %swap3A_475 = tpu.vector_load %arg15[%swap3A_473, %swap3A_474] {strides = array<i32>} : memref<8x128xf32, #tpu.memory_space<vmem>>, vector<1x16xf32>,
      %swap3A_476 = vector.shape_cast %swap3A_475 : vector<1x16xf32> to vector<16xf32>
      %swap3A_477 = vector.shape_cast %broadcast_in_dim3A_472 : vector<16xf32> to vector<1x16xf32>
      tpu.vector_store %arg15[%swap3A_473, %swap3A_474], %swap3A_477 {strides = array<i32>} : memref<8x128xf32, #tpu.memory_space<vmem>>, vector<1x16xf32>,
      %broadcast_in_dim3A_478 = arith.constant 0.000000e+00 : f32
      %broadcast_in_dim3A_479 = vector.broadcast %broadcast_in_dim3A_478 : f32 to vector<16xf32>
      %swap3A_480 = arith.index_cast %scan3A_464 : i32 to index
      %swap3A_481 = arith.constant 32 : index
      %swap3A_482 = tpu.vector_load %arg15[%swap3A_480, %swap3A_481] {strides = array<i32>} : memref<8x128xf32, #tpu.memory_space<vmem>>, vector<1x16xf32>,
      %swap3A_483 = vector.shape_cast %swap3A_482 : vector<1x16xf32> to vector<16xf32>
      %swap3A_484 = vector.shape_cast %broadcast_in_dim3A_479 : vector<16xf32> to vector<1x16xf32>
      tpu.vector_store %arg15[%swap3A_480, %swap3A_481], %swap3A_484 {strides = array<i32>} : memref<8x128xf32, #tpu.memory_space<vmem>>, vector<1x16xf32>,
      %broadcast_in_dim3A_485 = arith.constant 0.000000e+00 : f32
      %broadcast_in_dim3A_486 = vector.broadcast %broadcast_in_dim3A_485 : f32 to vector<16xf32>
      %swap3A_487 = arith.index_cast %scan3A_464 : i32 to index
      %swap3A_488 = arith.constant 48 : index
      %swap3A_489 = tpu.vector_load %arg15[%swap3A_487, %swap3A_488] {strides = array<i32>} : memref<8x128xf32, #tpu.memory_space<vmem>>, vector<1x16xf32>,
      %swap3A_490 = vector.shape_cast %swap3A_489 : vector<1x16xf32> to vector<16xf32>
      %swap3A_491 = vector.shape_cast %broadcast_in_dim3A_486 : vector<16xf32> to vector<1x16xf32>
      tpu.vector_store %arg15[%swap3A_487, %swap3A_488], %swap3A_491 {strides = array<i32>} : memref<8x128xf32, #tpu.memory_space<vmem>>, vector<1x16xf32>,
      %broadcast_in_dim3A_492 = arith.constant 0.000000e+00 : f32
      %broadcast_in_dim3A_493 = vector.broadcast %broadcast_in_dim3A_492 : f32 to vector<16xf32>
      %swap3A_494 = arith.index_cast %scan3A_464 : i32 to index
      %swap3A_495 = arith.constant 64 : index
      %swap3A_496 = tpu.vector_load %arg15[%swap3A_494, %swap3A_495] {strides = array<i32>} : memref<8x128xf32, #tpu.memory_space<vmem>>, vector<1x16xf32>,
      %swap3A_497 = vector.shape_cast %swap3A_496 : vector<1x16xf32> to vector<16xf32>
      %swap3A_498 = vector.shape_cast %broadcast_in_dim3A_493 : vector<16xf32> to vector<1x16xf32>
      tpu.vector_store %arg15[%swap3A_494, %swap3A_495], %swap3A_498 {strides = array<i32>} : memref<8x128xf32, #tpu.memory_space<vmem>>, vector<1x16xf32>,
      %broadcast_in_dim3A_499 = arith.constant 0.000000e+00 : f32
      %broadcast_in_dim3A_500 = vector.broadcast %broadcast_in_dim3A_499 : f32 to vector<16xf32>
      %swap3A_501 = arith.index_cast %scan3A_464 : i32 to index
      %swap3A_502 = arith.constant 80 : index
      %swap3A_503 = tpu.vector_load %arg15[%swap3A_501, %swap3A_502] {strides = array<i32>} : memref<8x128xf32, #tpu.memory_space<vmem>>, vector<1x16xf32>,
      %swap3A_504 = vector.shape_cast %swap3A_503 : vector<1x16xf32> to vector<16xf32>
      %swap3A_505 = vector.shape_cast %broadcast_in_dim3A_500 : vector<16xf32> to vector<1x16xf32>
      tpu.vector_store %arg15[%swap3A_501, %swap3A_502], %swap3A_505 {strides = array<i32>} : memref<8x128xf32, #tpu.memory_space<vmem>>, vector<1x16xf32>,
      %broadcast_in_dim3A_506 = arith.constant 0.000000e+00 : f32
      %broadcast_in_dim3A_507 = vector.broadcast %broadcast_in_dim3A_506 : f32 to vector<16xf32>
      %swap3A_508 = arith.index_cast %scan3A_464 : i32 to index
      %swap3A_509 = arith.constant 96 : index
      %swap3A_510 = tpu.vector_load %arg15[%swap3A_508, %swap3A_509] {strides = array<i32>} : memref<8x128xf32, #tpu.memory_space<vmem>>, vector<1x16xf32>,
      %swap3A_511 = vector.shape_cast %swap3A_510 : vector<1x16xf32> to vector<16xf32>
      %swap3A_512 = vector.shape_cast %broadcast_in_dim3A_507 : vector<16xf32> to vector<1x16xf32>
      tpu.vector_store %arg15[%swap3A_508, %swap3A_509], %swap3A_512 {strides = array<i32>} : memref<8x128xf32, #tpu.memory_space<vmem>>, vector<1x16xf32>,
      %broadcast_in_dim3A_513 = arith.constant 0.000000e+00 : f32
      %broadcast_in_dim3A_514 = vector.broadcast %broadcast_in_dim3A_513 : f32 to vector<16xf32>
      %swap3A_515 = arith.index_cast %scan3A_464 : i32 to index
      %swap3A_516 = arith.constant 112 : index
      %swap3A_517 = tpu.vector_load %arg15[%swap3A_515, %swap3A_516] {strides = array<i32>} : memref<8x128xf32, #tpu.memory_space<vmem>>, vector<1x16xf32>,
      %swap3A_518 = vector.shape_cast %swap3A_517 : vector<1x16xf32> to vector<16xf32>
      %swap3A_519 = vector.shape_cast %broadcast_in_dim3A_514 : vector<16xf32> to vector<1x16xf32>
      tpu.vector_store %arg15[%swap3A_515, %swap3A_516], %swap3A_519 {strides = array<i32>} : memref<8x128xf32, #tpu.memory_space<vmem>>, vector<1x16xf32>,
    }
    %scan3A_5 = arith.constant 8 : i32
    %scan3A_6 = arith.constant 0 : i32
    %scan3A_7 = arith.constant 0 : i32
    %scan3A_8 = arith.constant 10 : i32
    %scan3A_9 = arith.addi %scan3A_7, %scan3A_8 : i32
    %scan3A_10 = arith.constant 1 : i32
    scf.for %scan3A_464 = %scan3A_7 to %scan3A_9 step %scan3A_10  : i32 {
      %mul3A_465 = arith.constant 640 : i32
      %mul3A_466 = arith.muli %arg1, %mul3A_465 : i32
      %mul3A_467 = arith.constant 8 : i32
      %mul3A_468 = arith.muli %scan3A_464, %mul3A_467 : i32
      %add3A_469 = arith.constant 0 : i32
      %add3A_470 = arith.addi %mul3A_468, %add3A_469 : i32
      %mul3A_471 = arith.constant 8 : i32
      %mul3A_472 = arith.muli %add3A_470, %mul3A_471 : i32
      %add3A_473 = arith.addi %mul3A_466, %mul3A_472 : i32
      %dma_start3A_474 = arith.constant 0 : i32
      %dma_start3A_475 = tpu.memref_slice %arg22[%add3A_473, %dma_start3A_474] : memref<10240x128xf32, #tpu.memory_space<vmem_shared>> -> memref<8x128xf32, #tpu.memory_space<vmem_shared>>
      %dma_start3A_476 = arith.constant 0 : i32
      %dma_start3A_477 = tpu.memref_slice %arg22[%add3A_473, %dma_start3A_476] : memref<10240x128xf32, #tpu.memory_space<vmem_shared>> -> memref<8x128xf32, #tpu.memory_space<vmem_shared>>
      tpu.enqueue_dma source(%arg15 : memref<8x128xf32, #tpu.memory_space<vmem>>) target(%dma_start3A_477 : memref<8x128xf32, #tpu.memory_space<vmem_shared>>) target_semaphore(%arg19 : memref<!tpu.dma_semaphore, #tpu.memory_space<semaphore_mem>>)
      %mul3A_478 = arith.constant 640 : i32
      %mul3A_479 = arith.muli %arg1, %mul3A_478 : i32
      %mul3A_480 = arith.constant 8 : i32
      %mul3A_481 = arith.muli %scan3A_464, %mul3A_480 : i32
      %add3A_482 = arith.constant 1 : i32
      %add3A_483 = arith.addi %mul3A_481, %add3A_482 : i32
      %mul3A_484 = arith.constant 8 : i32
      %mul3A_485 = arith.muli %add3A_483, %mul3A_484 : i32
      %add3A_486 = arith.addi %mul3A_479, %mul3A_485 : i32
      %dma_start3A_487 = arith.constant 0 : i32
      %dma_start3A_488 = tpu.memref_slice %arg22[%add3A_486, %dma_start3A_487] : memref<10240x128xf32, #tpu.memory_space<vmem_shared>> -> memref<8x128xf32, #tpu.memory_space<vmem_shared>>
      %dma_start3A_489 = arith.constant 0 : i32
      %dma_start3A_490 = tpu.memref_slice %arg22[%add3A_486, %dma_start3A_489] : memref<10240x128xf32, #tpu.memory_space<vmem_shared>> -> memref<8x128xf32, #tpu.memory_space<vmem_shared>>
      tpu.enqueue_dma source(%arg15 : memref<8x128xf32, #tpu.memory_space<vmem>>) target(%dma_start3A_490 : memref<8x128xf32, #tpu.memory_space<vmem_shared>>) target_semaphore(%arg19 : memref<!tpu.dma_semaphore, #tpu.memory_space<semaphore_mem>>)
      %mul3A_491 = arith.constant 640 : i32
      %mul3A_492 = arith.muli %arg1, %mul3A_491 : i32
      %mul3A_493 = arith.constant 8 : i32
      %mul3A_494 = arith.muli %scan3A_464, %mul3A_493 : i32
      %add3A_495 = arith.constant 2 : i32
      %add3A_496 = arith.addi %mul3A_494, %add3A_495 : i32
      %mul3A_497 = arith.constant 8 : i32
      %mul3A_498 = arith.muli %add3A_496, %mul3A_497 : i32
      %add3A_499 = arith.addi %mul3A_492, %mul3A_498 : i32
      %dma_start3A_500 = arith.constant 0 : i32
      %dma_start3A_501 = tpu.memref_slice %arg22[%add3A_499, %dma_start3A_500] : memref<10240x128xf32, #tpu.memory_space<vmem_shared>> -> memref<8x128xf32, #tpu.memory_space<vmem_shared>>
      %dma_start3A_502 = arith.constant 0 : i32
      %dma_start3A_503 = tpu.memref_slice %arg22[%add3A_499, %dma_start3A_502] : memref<10240x128xf32, #tpu.memory_space<vmem_shared>> -> memref<8x128xf32, #tpu.memory_space<vmem_shared>>
      tpu.enqueue_dma source(%arg15 : memref<8x128xf32, #tpu.memory_space<vmem>>) target(%dma_start3A_503 : memref<8x128xf32, #tpu.memory_space<vmem_shared>>) target_semaphore(%arg19 : memref<!tpu.dma_semaphore, #tpu.memory_space<semaphore_mem>>)
      %mul3A_504 = arith.constant 640 : i32
      %mul3A_505 = arith.muli %arg1, %mul3A_504 : i32
      %mul3A_506 = arith.constant 8 : i32
      %mul3A_507 = arith.muli %scan3A_464, %mul3A_506 : i32
      %add3A_508 = arith.constant 3 : i32
      %add3A_509 = arith.addi %mul3A_507, %add3A_508 : i32
      %mul3A_510 = arith.constant 8 : i32
      %mul3A_511 = arith.muli %add3A_509, %mul3A_510 : i32
      %add3A_512 = arith.addi %mul3A_505, %mul3A_511 : i32
      %dma_start3A_513 = arith.constant 0 : i32
      %dma_start3A_514 = tpu.memref_slice %arg22[%add3A_512, %dma_start3A_513] : memref<10240x128xf32, #tpu.memory_space<vmem_shared>> -> memref<8x128xf32, #tpu.memory_space<vmem_shared>>
      %dma_start3A_515 = arith.constant 0 : i32
      %dma_start3A_516 = tpu.memref_slice %arg22[%add3A_512, %dma_start3A_515] : memref<10240x128xf32, #tpu.memory_space<vmem_shared>> -> memref<8x128xf32, #tpu.memory_space<vmem_shared>>
      tpu.enqueue_dma source(%arg15 : memref<8x128xf32, #tpu.memory_space<vmem>>) target(%dma_start3A_516 : memref<8x128xf32, #tpu.memory_space<vmem_shared>>) target_semaphore(%arg19 : memref<!tpu.dma_semaphore, #tpu.memory_space<semaphore_mem>>)
      %mul3A_517 = arith.constant 640 : i32
      %mul3A_518 = arith.muli %arg1, %mul3A_517 : i32
      %mul3A_519 = arith.constant 8 : i32
      %mul3A_520 = arith.muli %scan3A_464, %mul3A_519 : i32
      %add3A_521 = arith.constant 4 : i32
      %add3A_522 = arith.addi %mul3A_520, %add3A_521 : i32
      %mul3A_523 = arith.constant 8 : i32
      %mul3A_524 = arith.muli %add3A_522, %mul3A_523 : i32
      %add3A_525 = arith.addi %mul3A_518, %mul3A_524 : i32
      %dma_start3A_526 = arith.constant 0 : i32
      %dma_start3A_527 = tpu.memref_slice %arg22[%add3A_525, %dma_start3A_526] : memref<10240x128xf32, #tpu.memory_space<vmem_shared>> -> memref<8x128xf32, #tpu.memory_space<vmem_shared>>
      %dma_start3A_528 = arith.constant 0 : i32
      %dma_start3A_529 = tpu.memref_slice %arg22[%add3A_525, %dma_start3A_528] : memref<10240x128xf32, #tpu.memory_space<vmem_shared>> -> memref<8x128xf32, #tpu.memory_space<vmem_shared>>
      tpu.enqueue_dma source(%arg15 : memref<8x128xf32, #tpu.memory_space<vmem>>) target(%dma_start3A_529 : memref<8x128xf32, #tpu.memory_space<vmem_shared>>) target_semaphore(%arg19 : memref<!tpu.dma_semaphore, #tpu.memory_space<semaphore_mem>>)
      %mul3A_530 = arith.constant 640 : i32
      %mul3A_531 = arith.muli %arg1, %mul3A_530 : i32
      %mul3A_532 = arith.constant 8 : i32
      %mul3A_533 = arith.muli %scan3A_464, %mul3A_532 : i32
      %add3A_534 = arith.constant 5 : i32
      %add3A_535 = arith.addi %mul3A_533, %add3A_534 : i32
      %mul3A_536 = arith.constant 8 : i32
      %mul3A_537 = arith.muli %add3A_535, %mul3A_536 : i32
      %add3A_538 = arith.addi %mul3A_531, %mul3A_537 : i32
      %dma_start3A_539 = arith.constant 0 : i32
      %dma_start3A_540 = tpu.memref_slice %arg22[%add3A_538, %dma_start3A_539] : memref<10240x128xf32, #tpu.memory_space<vmem_shared>> -> memref<8x128xf32, #tpu.memory_space<vmem_shared>>
      %dma_start3A_541 = arith.constant 0 : i32
      %dma_start3A_542 = tpu.memref_slice %arg22[%add3A_538, %dma_start3A_541] : memref<10240x128xf32, #tpu.memory_space<vmem_shared>> -> memref<8x128xf32, #tpu.memory_space<vmem_shared>>
      tpu.enqueue_dma source(%arg15 : memref<8x128xf32, #tpu.memory_space<vmem>>) target(%dma_start3A_542 : memref<8x128xf32, #tpu.memory_space<vmem_shared>>) target_semaphore(%arg19 : memref<!tpu.dma_semaphore, #tpu.memory_space<semaphore_mem>>)
      %mul3A_543 = arith.constant 640 : i32
      %mul3A_544 = arith.muli %arg1, %mul3A_543 : i32
      %mul3A_545 = arith.constant 8 : i32
      %mul3A_546 = arith.muli %scan3A_464, %mul3A_545 : i32
      %add3A_547 = arith.constant 6 : i32
      %add3A_548 = arith.addi %mul3A_546, %add3A_547 : i32
      %mul3A_549 = arith.constant 8 : i32
      %mul3A_550 = arith.muli %add3A_548, %mul3A_549 : i32
      %add3A_551 = arith.addi %mul3A_544, %mul3A_550 : i32
      %dma_start3A_552 = arith.constant 0 : i32
      %dma_start3A_553 = tpu.memref_slice %arg22[%add3A_551, %dma_start3A_552] : memref<10240x128xf32, #tpu.memory_space<vmem_shared>> -> memref<8x128xf32, #tpu.memory_space<vmem_shared>>
      %dma_start3A_554 = arith.constant 0 : i32
      %dma_start3A_555 = tpu.memref_slice %arg22[%add3A_551, %dma_start3A_554] : memref<10240x128xf32, #tpu.memory_space<vmem_shared>> -> memref<8x128xf32, #tpu.memory_space<vmem_shared>>
      tpu.enqueue_dma source(%arg15 : memref<8x128xf32, #tpu.memory_space<vmem>>) target(%dma_start3A_555 : memref<8x128xf32, #tpu.memory_space<vmem_shared>>) target_semaphore(%arg19 : memref<!tpu.dma_semaphore, #tpu.memory_space<semaphore_mem>>)
      %mul3A_556 = arith.constant 640 : i32
      %mul3A_557 = arith.muli %arg1, %mul3A_556 : i32
      %mul3A_558 = arith.constant 8 : i32
      %mul3A_559 = arith.muli %scan3A_464, %mul3A_558 : i32
      %add3A_560 = arith.constant 7 : i32
      %add3A_561 = arith.addi %mul3A_559, %add3A_560 : i32
      %mul3A_562 = arith.constant 8 : i32
      %mul3A_563 = arith.muli %add3A_561, %mul3A_562 : i32
      %add3A_564 = arith.addi %mul3A_557, %mul3A_563 : i32
      %dma_start3A_565 = arith.constant 0 : i32
      %dma_start3A_566 = tpu.memref_slice %arg22[%add3A_564, %dma_start3A_565] : memref<10240x128xf32, #tpu.memory_space<vmem_shared>> -> memref<8x128xf32, #tpu.memory_space<vmem_shared>>
      %dma_start3A_567 = arith.constant 0 : i32
      %dma_start3A_568 = tpu.memref_slice %arg22[%add3A_564, %dma_start3A_567] : memref<10240x128xf32, #tpu.memory_space<vmem_shared>> -> memref<8x128xf32, #tpu.memory_space<vmem_shared>>
      tpu.enqueue_dma source(%arg15 : memref<8x128xf32, #tpu.memory_space<vmem>>) target(%dma_start3A_568 : memref<8x128xf32, #tpu.memory_space<vmem_shared>>) target_semaphore(%arg19 : memref<!tpu.dma_semaphore, #tpu.memory_space<semaphore_mem>>)
      %mul3A_569 = arith.constant 640 : i32
      %mul3A_570 = arith.muli %arg1, %mul3A_569 : i32
      %mul3A_571 = arith.constant 8 : i32
      %mul3A_572 = arith.muli %scan3A_464, %mul3A_571 : i32
      %add3A_573 = arith.constant 0 : i32
      %add3A_574 = arith.addi %mul3A_572, %add3A_573 : i32
      %mul3A_575 = arith.constant 8 : i32
      %mul3A_576 = arith.muli %add3A_574, %mul3A_575 : i32
      %add3A_577 = arith.addi %mul3A_570, %mul3A_576 : i32
      %dma_wait3A_578 = arith.constant 0 : i32
      %dma_wait3A_579 = tpu.memref_slice %arg22[%add3A_577, %dma_wait3A_578] : memref<10240x128xf32, #tpu.memory_space<vmem_shared>> -> memref<8x128xf32, #tpu.memory_space<vmem_shared>>
      %dma_wait3A_580 = arith.constant 0 : i32
      %dma_wait3A_581 = tpu.memref_slice %arg22[%add3A_577, %dma_wait3A_580] : memref<10240x128xf32, #tpu.memory_space<vmem_shared>> -> memref<8x128xf32, #tpu.memory_space<vmem_shared>>
      tpu.wait_dma2 semaphore(%arg19 : memref<!tpu.dma_semaphore, #tpu.memory_space<semaphore_mem>>) src(%arg15 : memref<8x128xf32, #tpu.memory_space<vmem>>) dst(%dma_wait3A_581 : memref<8x128xf32, #tpu.memory_space<vmem_shared>>)
      %mul3A_582 = arith.constant 640 : i32
      %mul3A_583 = arith.muli %arg1, %mul3A_582 : i32
      %mul3A_584 = arith.constant 8 : i32
      %mul3A_585 = arith.muli %scan3A_464, %mul3A_584 : i32
      %add3A_586 = arith.constant 1 : i32
      %add3A_587 = arith.addi %mul3A_585, %add3A_586 : i32
      %mul3A_588 = arith.constant 8 : i32
      %mul3A_589 = arith.muli %add3A_587, %mul3A_588 : i32
      %add3A_590 = arith.addi %mul3A_583, %mul3A_589 : i32
      %dma_wait3A_591 = arith.constant 0 : i32
      %dma_wait3A_592 = tpu.memref_slice %arg22[%add3A_590, %dma_wait3A_591] : memref<10240x128xf32, #tpu.memory_space<vmem_shared>> -> memref<8x128xf32, #tpu.memory_space<vmem_shared>>
      %dma_wait3A_593 = arith.constant 0 : i32
      %dma_wait3A_594 = tpu.memref_slice %arg22[%add3A_590, %dma_wait3A_593] : memref<10240x128xf32, #tpu.memory_space<vmem_shared>> -> memref<8x128xf32, #tpu.memory_space<vmem_shared>>
      tpu.wait_dma2 semaphore(%arg19 : memref<!tpu.dma_semaphore, #tpu.memory_space<semaphore_mem>>) src(%arg15 : memref<8x128xf32, #tpu.memory_space<vmem>>) dst(%dma_wait3A_594 : memref<8x128xf32, #tpu.memory_space<vmem_shared>>)
      %mul3A_595 = arith.constant 640 : i32
      %mul3A_596 = arith.muli %arg1, %mul3A_595 : i32
      %mul3A_597 = arith.constant 8 : i32
      %mul3A_598 = arith.muli %scan3A_464, %mul3A_597 : i32
      %add3A_599 = arith.constant 2 : i32
      %add3A_600 = arith.addi %mul3A_598, %add3A_599 : i32
      %mul3A_601 = arith.constant 8 : i32
      %mul3A_602 = arith.muli %add3A_600, %mul3A_601 : i32
      %add3A_603 = arith.addi %mul3A_596, %mul3A_602 : i32
      %dma_wait3A_604 = arith.constant 0 : i32
      %dma_wait3A_605 = tpu.memref_slice %arg22[%add3A_603, %dma_wait3A_604] : memref<10240x128xf32, #tpu.memory_space<vmem_shared>> -> memref<8x128xf32, #tpu.memory_space<vmem_shared>>
      %dma_wait3A_606 = arith.constant 0 : i32
      %dma_wait3A_607 = tpu.memref_slice %arg22[%add3A_603, %dma_wait3A_606] : memref<10240x128xf32, #tpu.memory_space<vmem_shared>> -> memref<8x128xf32, #tpu.memory_space<vmem_shared>>
      tpu.wait_dma2 semaphore(%arg19 : memref<!tpu.dma_semaphore, #tpu.memory_space<semaphore_mem>>) src(%arg15 : memref<8x128xf32, #tpu.memory_space<vmem>>) dst(%dma_wait3A_607 : memref<8x128xf32, #tpu.memory_space<vmem_shared>>)
      %mul3A_608 = arith.constant 640 : i32
      %mul3A_609 = arith.muli %arg1, %mul3A_608 : i32
      %mul3A_610 = arith.constant 8 : i32
      %mul3A_611 = arith.muli %scan3A_464, %mul3A_610 : i32
      %add3A_612 = arith.constant 3 : i32
      %add3A_613 = arith.addi %mul3A_611, %add3A_612 : i32
      %mul3A_614 = arith.constant 8 : i32
      %mul3A_615 = arith.muli %add3A_613, %mul3A_614 : i32
      %add3A_616 = arith.addi %mul3A_609, %mul3A_615 : i32
      %dma_wait3A_617 = arith.constant 0 : i32
      %dma_wait3A_618 = tpu.memref_slice %arg22[%add3A_616, %dma_wait3A_617] : memref<10240x128xf32, #tpu.memory_space<vmem_shared>> -> memref<8x128xf32, #tpu.memory_space<vmem_shared>>
      %dma_wait3A_619 = arith.constant 0 : i32
      %dma_wait3A_620 = tpu.memref_slice %arg22[%add3A_616, %dma_wait3A_619] : memref<10240x128xf32, #tpu.memory_space<vmem_shared>> -> memref<8x128xf32, #tpu.memory_space<vmem_shared>>
      tpu.wait_dma2 semaphore(%arg19 : memref<!tpu.dma_semaphore, #tpu.memory_space<semaphore_mem>>) src(%arg15 : memref<8x128xf32, #tpu.memory_space<vmem>>) dst(%dma_wait3A_620 : memref<8x128xf32, #tpu.memory_space<vmem_shared>>)
      %mul3A_621 = arith.constant 640 : i32
      %mul3A_622 = arith.muli %arg1, %mul3A_621 : i32
      %mul3A_623 = arith.constant 8 : i32
      %mul3A_624 = arith.muli %scan3A_464, %mul3A_623 : i32
      %add3A_625 = arith.constant 4 : i32
      %add3A_626 = arith.addi %mul3A_624, %add3A_625 : i32
      %mul3A_627 = arith.constant 8 : i32
      %mul3A_628 = arith.muli %add3A_626, %mul3A_627 : i32
      %add3A_629 = arith.addi %mul3A_622, %mul3A_628 : i32
      %dma_wait3A_630 = arith.constant 0 : i32
      %dma_wait3A_631 = tpu.memref_slice %arg22[%add3A_629, %dma_wait3A_630] : memref<10240x128xf32, #tpu.memory_space<vmem_shared>> -> memref<8x128xf32, #tpu.memory_space<vmem_shared>>
      %dma_wait3A_632 = arith.constant 0 : i32
      %dma_wait3A_633 = tpu.memref_slice %arg22[%add3A_629, %dma_wait3A_632] : memref<10240x128xf32, #tpu.memory_space<vmem_shared>> -> memref<8x128xf32, #tpu.memory_space<vmem_shared>>
      tpu.wait_dma2 semaphore(%arg19 : memref<!tpu.dma_semaphore, #tpu.memory_space<semaphore_mem>>) src(%arg15 : memref<8x128xf32, #tpu.memory_space<vmem>>) dst(%dma_wait3A_633 : memref<8x128xf32, #tpu.memory_space<vmem_shared>>)
      %mul3A_634 = arith.constant 640 : i32
      %mul3A_635 = arith.muli %arg1, %mul3A_634 : i32
      %mul3A_636 = arith.constant 8 : i32
      %mul3A_637 = arith.muli %scan3A_464, %mul3A_636 : i32
      %add3A_638 = arith.constant 5 : i32
      %add3A_639 = arith.addi %mul3A_637, %add3A_638 : i32
      %mul3A_640 = arith.constant 8 : i32
      %mul3A_641 = arith.muli %add3A_639, %mul3A_640 : i32
      %add3A_642 = arith.addi %mul3A_635, %mul3A_641 : i32
      %dma_wait3A_643 = arith.constant 0 : i32
      %dma_wait3A_644 = tpu.memref_slice %arg22[%add3A_642, %dma_wait3A_643] : memref<10240x128xf32, #tpu.memory_space<vmem_shared>> -> memref<8x128xf32, #tpu.memory_space<vmem_shared>>
      %dma_wait3A_645 = arith.constant 0 : i32
      %dma_wait3A_646 = tpu.memref_slice %arg22[%add3A_642, %dma_wait3A_645] : memref<10240x128xf32, #tpu.memory_space<vmem_shared>> -> memref<8x128xf32, #tpu.memory_space<vmem_shared>>
      tpu.wait_dma2 semaphore(%arg19 : memref<!tpu.dma_semaphore, #tpu.memory_space<semaphore_mem>>) src(%arg15 : memref<8x128xf32, #tpu.memory_space<vmem>>) dst(%dma_wait3A_646 : memref<8x128xf32, #tpu.memory_space<vmem_shared>>)
      %mul3A_647 = arith.constant 640 : i32
      %mul3A_648 = arith.muli %arg1, %mul3A_647 : i32
      %mul3A_649 = arith.constant 8 : i32
      %mul3A_650 = arith.muli %scan3A_464, %mul3A_649 : i32
      %add3A_651 = arith.constant 6 : i32
      %add3A_652 = arith.addi %mul3A_650, %add3A_651 : i32
      %mul3A_653 = arith.constant 8 : i32
      %mul3A_654 = arith.muli %add3A_652, %mul3A_653 : i32
      %add3A_655 = arith.addi %mul3A_648, %mul3A_654 : i32
      %dma_wait3A_656 = arith.constant 0 : i32
      %dma_wait3A_657 = tpu.memref_slice %arg22[%add3A_655, %dma_wait3A_656] : memref<10240x128xf32, #tpu.memory_space<vmem_shared>> -> memref<8x128xf32, #tpu.memory_space<vmem_shared>>
      %dma_wait3A_658 = arith.constant 0 : i32
      %dma_wait3A_659 = tpu.memref_slice %arg22[%add3A_655, %dma_wait3A_658] : memref<10240x128xf32, #tpu.memory_space<vmem_shared>> -> memref<8x128xf32, #tpu.memory_space<vmem_shared>>
      tpu.wait_dma2 semaphore(%arg19 : memref<!tpu.dma_semaphore, #tpu.memory_space<semaphore_mem>>) src(%arg15 : memref<8x128xf32, #tpu.memory_space<vmem>>) dst(%dma_wait3A_659 : memref<8x128xf32, #tpu.memory_space<vmem_shared>>)
      %mul3A_660 = arith.constant 640 : i32
      %mul3A_661 = arith.muli %arg1, %mul3A_660 : i32
      %mul3A_662 = arith.constant 8 : i32
      %mul3A_663 = arith.muli %scan3A_464, %mul3A_662 : i32
      %add3A_664 = arith.constant 7 : i32
      %add3A_665 = arith.addi %mul3A_663, %add3A_664 : i32
      %mul3A_666 = arith.constant 8 : i32
      %mul3A_667 = arith.muli %add3A_665, %mul3A_666 : i32
      %add3A_668 = arith.addi %mul3A_661, %mul3A_667 : i32
      %dma_wait3A_669 = arith.constant 0 : i32
      %dma_wait3A_670 = tpu.memref_slice %arg22[%add3A_668, %dma_wait3A_669] : memref<10240x128xf32, #tpu.memory_space<vmem_shared>> -> memref<8x128xf32, #tpu.memory_space<vmem_shared>>
      %dma_wait3A_671 = arith.constant 0 : i32
      %dma_wait3A_672 = tpu.memref_slice %arg22[%add3A_668, %dma_wait3A_671] : memref<10240x128xf32, #tpu.memory_space<vmem_shared>> -> memref<8x128xf32, #tpu.memory_space<vmem_shared>>
      tpu.wait_dma2 semaphore(%arg19 : memref<!tpu.dma_semaphore, #tpu.memory_space<semaphore_mem>>) src(%arg15 : memref<8x128xf32, #tpu.memory_space<vmem>>) dst(%dma_wait3A_672 : memref<8x128xf32, #tpu.memory_space<vmem_shared>>)
    }
    %scan3A_11 = arith.constant 10 : i32
    %barrier3A = arith.constant 0 : index
    tpu.barrier barrier_id(%barrier3A)
    %get3A = arith.constant 0 : i32
    %get3A_12 = arith.index_cast %get3A : i32 to index
    %get3A_13 = arith.constant 0 : index
    %get3A_14 = tpu.vector_load %arg5[%get3A_12, %get3A_13] {strides = array<i32>} : memref<126x80xi32, #tpu.memory_space<vmem>>, vector<1x16xi32>,
    %get3A_15 = vector.shape_cast %get3A_14 : vector<1x16xi32> to vector<16xi32>
    %shift_right_logical3A = arith.constant 14 : i32
    %shift_right_logical3A_16 = vector.broadcast %shift_right_logical3A : i32 to vector<16xi32>
    %shift_right_logical3A_17 = arith.shrui %get3A_15, %shift_right_logical3A_16 : vector<16xi32>
    %swap3A = arith.constant 0 : index
    %swap3A_18 = tpu.vector_load %arg6[%swap3A] {strides = array<i32>} : memref<80xi32, #tpu.memory_space<vmem>>, vector<16xi32>,
    %swap3A_19 = vector.shape_cast %swap3A_18 : vector<16xi32> to vector<16xi32>
    %swap3A_20 = vector.shape_cast %shift_right_logical3A_17 : vector<16xi32> to vector<16xi32>
    tpu.vector_store %arg6[%swap3A], %swap3A_20 {strides = array<i32>} : memref<80xi32, #tpu.memory_space<vmem>>, vector<16xi32>,
    %and3A = arith.constant 16383 : i32
    %and3A_21 = vector.broadcast %and3A : i32 to vector<16xi32>
    %and3A_22 = arith.andi %get3A_15, %and3A_21 : vector<16xi32>
    %swap3A_23 = arith.constant 0 : index
    %swap3A_24 = tpu.vector_load %arg7[%swap3A_23] {strides = array<i32>} : memref<80xi32, #tpu.memory_space<vmem>>, vector<16xi32>,
    %swap3A_25 = vector.shape_cast %swap3A_24 : vector<16xi32> to vector<16xi32>
    %swap3A_26 = vector.shape_cast %and3A_22 : vector<16xi32> to vector<16xi32>
    tpu.vector_store %arg7[%swap3A_23], %swap3A_26 {strides = array<i32>} : memref<80xi32, #tpu.memory_space<vmem>>, vector<16xi32>,
    %get3A_27 = arith.constant 0 : i32
    %get3A_28 = arith.index_cast %get3A_27 : i32 to index
    %get3A_29 = arith.constant 16 : index
    %get3A_30 = tpu.vector_load %arg5[%get3A_28, %get3A_29] {strides = array<i32>} : memref<126x80xi32, #tpu.memory_space<vmem>>, vector<1x16xi32>,
    %get3A_31 = vector.shape_cast %get3A_30 : vector<1x16xi32> to vector<16xi32>
    %shift_right_logical3A_32 = arith.constant 14 : i32
    %shift_right_logical3A_33 = vector.broadcast %shift_right_logical3A_32 : i32 to vector<16xi32>
    %shift_right_logical3A_34 = arith.shrui %get3A_31, %shift_right_logical3A_33 : vector<16xi32>
    %swap3A_35 = arith.constant 16 : index
    %swap3A_36 = tpu.vector_load %arg6[%swap3A_35] {strides = array<i32>} : memref<80xi32, #tpu.memory_space<vmem>>, vector<16xi32>,
    %swap3A_37 = vector.shape_cast %swap3A_36 : vector<16xi32> to vector<16xi32>
    %swap3A_38 = vector.shape_cast %shift_right_logical3A_34 : vector<16xi32> to vector<16xi32>
    tpu.vector_store %arg6[%swap3A_35], %swap3A_38 {strides = array<i32>} : memref<80xi32, #tpu.memory_space<vmem>>, vector<16xi32>,
    %and3A_39 = arith.constant 16383 : i32
    %and3A_40 = vector.broadcast %and3A_39 : i32 to vector<16xi32>
    %and3A_41 = arith.andi %get3A_31, %and3A_40 : vector<16xi32>
    %swap3A_42 = arith.constant 16 : index
    %swap3A_43 = tpu.vector_load %arg7[%swap3A_42] {strides = array<i32>} : memref<80xi32, #tpu.memory_space<vmem>>, vector<16xi32>,
    %swap3A_44 = vector.shape_cast %swap3A_43 : vector<16xi32> to vector<16xi32>
    %swap3A_45 = vector.shape_cast %and3A_41 : vector<16xi32> to vector<16xi32>
    tpu.vector_store %arg7[%swap3A_42], %swap3A_45 {strides = array<i32>} : memref<80xi32, #tpu.memory_space<vmem>>, vector<16xi32>,
    %get3A_46 = arith.constant 0 : i32
    %get3A_47 = arith.index_cast %get3A_46 : i32 to index
    %get3A_48 = arith.constant 32 : index
    %get3A_49 = tpu.vector_load %arg5[%get3A_47, %get3A_48] {strides = array<i32>} : memref<126x80xi32, #tpu.memory_space<vmem>>, vector<1x16xi32>,
    %get3A_50 = vector.shape_cast %get3A_49 : vector<1x16xi32> to vector<16xi32>
    %shift_right_logical3A_51 = arith.constant 14 : i32
    %shift_right_logical3A_52 = vector.broadcast %shift_right_logical3A_51 : i32 to vector<16xi32>
    %shift_right_logical3A_53 = arith.shrui %get3A_50, %shift_right_logical3A_52 : vector<16xi32>
    %swap3A_54 = arith.constant 32 : index
    %swap3A_55 = tpu.vector_load %arg6[%swap3A_54] {strides = array<i32>} : memref<80xi32, #tpu.memory_space<vmem>>, vector<16xi32>,
    %swap3A_56 = vector.shape_cast %swap3A_55 : vector<16xi32> to vector<16xi32>
    %swap3A_57 = vector.shape_cast %shift_right_logical3A_53 : vector<16xi32> to vector<16xi32>
    tpu.vector_store %arg6[%swap3A_54], %swap3A_57 {strides = array<i32>} : memref<80xi32, #tpu.memory_space<vmem>>, vector<16xi32>,
    %and3A_58 = arith.constant 16383 : i32
    %and3A_59 = vector.broadcast %and3A_58 : i32 to vector<16xi32>
    %and3A_60 = arith.andi %get3A_50, %and3A_59 : vector<16xi32>
    %swap3A_61 = arith.constant 32 : index
    %swap3A_62 = tpu.vector_load %arg7[%swap3A_61] {strides = array<i32>} : memref<80xi32, #tpu.memory_space<vmem>>, vector<16xi32>,
    %swap3A_63 = vector.shape_cast %swap3A_62 : vector<16xi32> to vector<16xi32>
    %swap3A_64 = vector.shape_cast %and3A_60 : vector<16xi32> to vector<16xi32>
    tpu.vector_store %arg7[%swap3A_61], %swap3A_64 {strides = array<i32>} : memref<80xi32, #tpu.memory_space<vmem>>, vector<16xi32>,
    %get3A_65 = arith.constant 0 : i32
    %get3A_66 = arith.index_cast %get3A_65 : i32 to index
    %get3A_67 = arith.constant 48 : index
    %get3A_68 = tpu.vector_load %arg5[%get3A_66, %get3A_67] {strides = array<i32>} : memref<126x80xi32, #tpu.memory_space<vmem>>, vector<1x16xi32>,
    %get3A_69 = vector.shape_cast %get3A_68 : vector<1x16xi32> to vector<16xi32>
    %shift_right_logical3A_70 = arith.constant 14 : i32
    %shift_right_logical3A_71 = vector.broadcast %shift_right_logical3A_70 : i32 to vector<16xi32>
    %shift_right_logical3A_72 = arith.shrui %get3A_69, %shift_right_logical3A_71 : vector<16xi32>
    %swap3A_73 = arith.constant 48 : index
    %swap3A_74 = tpu.vector_load %arg6[%swap3A_73] {strides = array<i32>} : memref<80xi32, #tpu.memory_space<vmem>>, vector<16xi32>,
    %swap3A_75 = vector.shape_cast %swap3A_74 : vector<16xi32> to vector<16xi32>
    %swap3A_76 = vector.shape_cast %shift_right_logical3A_72 : vector<16xi32> to vector<16xi32>
    tpu.vector_store %arg6[%swap3A_73], %swap3A_76 {strides = array<i32>} : memref<80xi32, #tpu.memory_space<vmem>>, vector<16xi32>,
    %and3A_77 = arith.constant 16383 : i32
    %and3A_78 = vector.broadcast %and3A_77 : i32 to vector<16xi32>
    %and3A_79 = arith.andi %get3A_69, %and3A_78 : vector<16xi32>
    %swap3A_80 = arith.constant 48 : index
    %swap3A_81 = tpu.vector_load %arg7[%swap3A_80] {strides = array<i32>} : memref<80xi32, #tpu.memory_space<vmem>>, vector<16xi32>,
    %swap3A_82 = vector.shape_cast %swap3A_81 : vector<16xi32> to vector<16xi32>
    %swap3A_83 = vector.shape_cast %and3A_79 : vector<16xi32> to vector<16xi32>
    tpu.vector_store %arg7[%swap3A_80], %swap3A_83 {strides = array<i32>} : memref<80xi32, #tpu.memory_space<vmem>>, vector<16xi32>,
    %get3A_84 = arith.constant 0 : i32
    %get3A_85 = arith.index_cast %get3A_84 : i32 to index
    %get3A_86 = arith.constant 64 : index
    %get3A_87 = tpu.vector_load %arg5[%get3A_85, %get3A_86] {strides = array<i32>} : memref<126x80xi32, #tpu.memory_space<vmem>>, vector<1x16xi32>,
    %get3A_88 = vector.shape_cast %get3A_87 : vector<1x16xi32> to vector<16xi32>
    %shift_right_logical3A_89 = arith.constant 14 : i32
    %shift_right_logical3A_90 = vector.broadcast %shift_right_logical3A_89 : i32 to vector<16xi32>
    %shift_right_logical3A_91 = arith.shrui %get3A_88, %shift_right_logical3A_90 : vector<16xi32>
    %swap3A_92 = arith.constant 64 : index
    %swap3A_93 = tpu.vector_load %arg6[%swap3A_92] {strides = array<i32>} : memref<80xi32, #tpu.memory_space<vmem>>, vector<16xi32>,
    %swap3A_94 = vector.shape_cast %swap3A_93 : vector<16xi32> to vector<16xi32>
    %swap3A_95 = vector.shape_cast %shift_right_logical3A_91 : vector<16xi32> to vector<16xi32>
    tpu.vector_store %arg6[%swap3A_92], %swap3A_95 {strides = array<i32>} : memref<80xi32, #tpu.memory_space<vmem>>, vector<16xi32>,
    %and3A_96 = arith.constant 16383 : i32
    %and3A_97 = vector.broadcast %and3A_96 : i32 to vector<16xi32>
    %and3A_98 = arith.andi %get3A_88, %and3A_97 : vector<16xi32>
    %swap3A_99 = arith.constant 64 : index
    %swap3A_100 = tpu.vector_load %arg7[%swap3A_99] {strides = array<i32>} : memref<80xi32, #tpu.memory_space<vmem>>, vector<16xi32>,
    %swap3A_101 = vector.shape_cast %swap3A_100 : vector<16xi32> to vector<16xi32>
    %swap3A_102 = vector.shape_cast %and3A_98 : vector<16xi32> to vector<16xi32>
    tpu.vector_store %arg7[%swap3A_99], %swap3A_102 {strides = array<i32>} : memref<80xi32, #tpu.memory_space<vmem>>, vector<16xi32>,
    %dma_start3A = arith.constant 0 : i32
    %dma_start3A_103 = arith.constant 0 : i32
    %dma_start3A_104 = tpu.memref_slice %arg2[%dma_start3A, %dma_start3A_103] : memref<10240x128xf32, #tpu.memory_space<hbm>> -> memref<10240x128xf32, #tpu.memory_space<hbm>>
    tpu.enqueue_indirect_dma source(%dma_start3A_104 : memref<10240x128xf32, #tpu.memory_space<hbm>>) target(%arg12 : memref<80x128xf32, #tpu.memory_space<vmem>>) offsets(%arg6 : memref<80xi32, #tpu.memory_space<vmem>>) semaphore(%arg16 : memref<!tpu.dma_semaphore, #tpu.memory_space<semaphore_mem>>)
    %get3A_105 = arith.constant 1 : i32
    %get3A_106 = arith.index_cast %get3A_105 : i32 to index
    %get3A_107 = arith.constant 0 : index
    %get3A_108 = tpu.vector_load %arg5[%get3A_106, %get3A_107] {strides = array<i32>} : memref<126x80xi32, #tpu.memory_space<vmem>>, vector<1x16xi32>,
    %get3A_109 = vector.shape_cast %get3A_108 : vector<1x16xi32> to vector<16xi32>
    %shift_right_logical3A_110 = arith.constant 14 : i32
    %shift_right_logical3A_111 = vector.broadcast %shift_right_logical3A_110 : i32 to vector<16xi32>
    %shift_right_logical3A_112 = arith.shrui %get3A_109, %shift_right_logical3A_111 : vector<16xi32>
    %swap3A_113 = arith.constant 0 : index
    %swap3A_114 = tpu.vector_load %arg8[%swap3A_113] {strides = array<i32>} : memref<80xi32, #tpu.memory_space<vmem>>, vector<16xi32>,
    %swap3A_115 = vector.shape_cast %swap3A_114 : vector<16xi32> to vector<16xi32>
    %swap3A_116 = vector.shape_cast %shift_right_logical3A_112 : vector<16xi32> to vector<16xi32>
    tpu.vector_store %arg8[%swap3A_113], %swap3A_116 {strides = array<i32>} : memref<80xi32, #tpu.memory_space<vmem>>, vector<16xi32>,
    %and3A_117 = arith.constant 16383 : i32
    %and3A_118 = vector.broadcast %and3A_117 : i32 to vector<16xi32>
    %and3A_119 = arith.andi %get3A_109, %and3A_118 : vector<16xi32>
    %swap3A_120 = arith.constant 0 : index
    %swap3A_121 = tpu.vector_load %arg9[%swap3A_120] {strides = array<i32>} : memref<80xi32, #tpu.memory_space<vmem>>, vector<16xi32>,
    %swap3A_122 = vector.shape_cast %swap3A_121 : vector<16xi32> to vector<16xi32>
    %swap3A_123 = vector.shape_cast %and3A_119 : vector<16xi32> to vector<16xi32>
    tpu.vector_store %arg9[%swap3A_120], %swap3A_123 {strides = array<i32>} : memref<80xi32, #tpu.memory_space<vmem>>, vector<16xi32>,
    %get3A_124 = arith.constant 1 : i32
    %get3A_125 = arith.index_cast %get3A_124 : i32 to index
    %get3A_126 = arith.constant 16 : index
    %get3A_127 = tpu.vector_load %arg5[%get3A_125, %get3A_126] {strides = array<i32>} : memref<126x80xi32, #tpu.memory_space<vmem>>, vector<1x16xi32>,
    %get3A_128 = vector.shape_cast %get3A_127 : vector<1x16xi32> to vector<16xi32>
    %shift_right_logical3A_129 = arith.constant 14 : i32
    %shift_right_logical3A_130 = vector.broadcast %shift_right_logical3A_129 : i32 to vector<16xi32>
    %shift_right_logical3A_131 = arith.shrui %get3A_128, %shift_right_logical3A_130 : vector<16xi32>
    %swap3A_132 = arith.constant 16 : index
    %swap3A_133 = tpu.vector_load %arg8[%swap3A_132] {strides = array<i32>} : memref<80xi32, #tpu.memory_space<vmem>>, vector<16xi32>,
    %swap3A_134 = vector.shape_cast %swap3A_133 : vector<16xi32> to vector<16xi32>
    %swap3A_135 = vector.shape_cast %shift_right_logical3A_131 : vector<16xi32> to vector<16xi32>
    tpu.vector_store %arg8[%swap3A_132], %swap3A_135 {strides = array<i32>} : memref<80xi32, #tpu.memory_space<vmem>>, vector<16xi32>,
    %and3A_136 = arith.constant 16383 : i32
    %and3A_137 = vector.broadcast %and3A_136 : i32 to vector<16xi32>
    %and3A_138 = arith.andi %get3A_128, %and3A_137 : vector<16xi32>
    %swap3A_139 = arith.constant 16 : index
    %swap3A_140 = tpu.vector_load %arg9[%swap3A_139] {strides = array<i32>} : memref<80xi32, #tpu.memory_space<vmem>>, vector<16xi32>,
    %swap3A_141 = vector.shape_cast %swap3A_140 : vector<16xi32> to vector<16xi32>
    %swap3A_142 = vector.shape_cast %and3A_138 : vector<16xi32> to vector<16xi32>
    tpu.vector_store %arg9[%swap3A_139], %swap3A_142 {strides = array<i32>} : memref<80xi32, #tpu.memory_space<vmem>>, vector<16xi32>,
    %get3A_143 = arith.constant 1 : i32
    %get3A_144 = arith.index_cast %get3A_143 : i32 to index
    %get3A_145 = arith.constant 32 : index
    %get3A_146 = tpu.vector_load %arg5[%get3A_144, %get3A_145] {strides = array<i32>} : memref<126x80xi32, #tpu.memory_space<vmem>>, vector<1x16xi32>,
    %get3A_147 = vector.shape_cast %get3A_146 : vector<1x16xi32> to vector<16xi32>
    %shift_right_logical3A_148 = arith.constant 14 : i32
    %shift_right_logical3A_149 = vector.broadcast %shift_right_logical3A_148 : i32 to vector<16xi32>
    %shift_right_logical3A_150 = arith.shrui %get3A_147, %shift_right_logical3A_149 : vector<16xi32>
    %swap3A_151 = arith.constant 32 : index
    %swap3A_152 = tpu.vector_load %arg8[%swap3A_151] {strides = array<i32>} : memref<80xi32, #tpu.memory_space<vmem>>, vector<16xi32>,
    %swap3A_153 = vector.shape_cast %swap3A_152 : vector<16xi32> to vector<16xi32>
    %swap3A_154 = vector.shape_cast %shift_right_logical3A_150 : vector<16xi32> to vector<16xi32>
    tpu.vector_store %arg8[%swap3A_151], %swap3A_154 {strides = array<i32>} : memref<80xi32, #tpu.memory_space<vmem>>, vector<16xi32>,
    %and3A_155 = arith.constant 16383 : i32
    %and3A_156 = vector.broadcast %and3A_155 : i32 to vector<16xi32>
    %and3A_157 = arith.andi %get3A_147, %and3A_156 : vector<16xi32>
    %swap3A_158 = arith.constant 32 : index
    %swap3A_159 = tpu.vector_load %arg9[%swap3A_158] {strides = array<i32>} : memref<80xi32, #tpu.memory_space<vmem>>, vector<16xi32>,
    %swap3A_160 = vector.shape_cast %swap3A_159 : vector<16xi32> to vector<16xi32>
    %swap3A_161 = vector.shape_cast %and3A_157 : vector<16xi32> to vector<16xi32>
    tpu.vector_store %arg9[%swap3A_158], %swap3A_161 {strides = array<i32>} : memref<80xi32, #tpu.memory_space<vmem>>, vector<16xi32>,
    %get3A_162 = arith.constant 1 : i32
    %get3A_163 = arith.index_cast %get3A_162 : i32 to index
    %get3A_164 = arith.constant 48 : index
    %get3A_165 = tpu.vector_load %arg5[%get3A_163, %get3A_164] {strides = array<i32>} : memref<126x80xi32, #tpu.memory_space<vmem>>, vector<1x16xi32>,
    %get3A_166 = vector.shape_cast %get3A_165 : vector<1x16xi32> to vector<16xi32>
    %shift_right_logical3A_167 = arith.constant 14 : i32
    %shift_right_logical3A_168 = vector.broadcast %shift_right_logical3A_167 : i32 to vector<16xi32>
    %shift_right_logical3A_169 = arith.shrui %get3A_166, %shift_right_logical3A_168 : vector<16xi32>
    %swap3A_170 = arith.constant 48 : index
    %swap3A_171 = tpu.vector_load %arg8[%swap3A_170] {strides = array<i32>} : memref<80xi32, #tpu.memory_space<vmem>>, vector<16xi32>,
    %swap3A_172 = vector.shape_cast %swap3A_171 : vector<16xi32> to vector<16xi32>
    %swap3A_173 = vector.shape_cast %shift_right_logical3A_169 : vector<16xi32> to vector<16xi32>
    tpu.vector_store %arg8[%swap3A_170], %swap3A_173 {strides = array<i32>} : memref<80xi32, #tpu.memory_space<vmem>>, vector<16xi32>,
    %and3A_174 = arith.constant 16383 : i32
    %and3A_175 = vector.broadcast %and3A_174 : i32 to vector<16xi32>
    %and3A_176 = arith.andi %get3A_166, %and3A_175 : vector<16xi32>
    %swap3A_177 = arith.constant 48 : index
    %swap3A_178 = tpu.vector_load %arg9[%swap3A_177] {strides = array<i32>} : memref<80xi32, #tpu.memory_space<vmem>>, vector<16xi32>,
    %swap3A_179 = vector.shape_cast %swap3A_178 : vector<16xi32> to vector<16xi32>
    %swap3A_180 = vector.shape_cast %and3A_176 : vector<16xi32> to vector<16xi32>
    tpu.vector_store %arg9[%swap3A_177], %swap3A_180 {strides = array<i32>} : memref<80xi32, #tpu.memory_space<vmem>>, vector<16xi32>,
    %get3A_181 = arith.constant 1 : i32
    %get3A_182 = arith.index_cast %get3A_181 : i32 to index
    %get3A_183 = arith.constant 64 : index
    %get3A_184 = tpu.vector_load %arg5[%get3A_182, %get3A_183] {strides = array<i32>} : memref<126x80xi32, #tpu.memory_space<vmem>>, vector<1x16xi32>,
    %get3A_185 = vector.shape_cast %get3A_184 : vector<1x16xi32> to vector<16xi32>
    %shift_right_logical3A_186 = arith.constant 14 : i32
    %shift_right_logical3A_187 = vector.broadcast %shift_right_logical3A_186 : i32 to vector<16xi32>
    %shift_right_logical3A_188 = arith.shrui %get3A_185, %shift_right_logical3A_187 : vector<16xi32>
    %swap3A_189 = arith.constant 64 : index
    %swap3A_190 = tpu.vector_load %arg8[%swap3A_189] {strides = array<i32>} : memref<80xi32, #tpu.memory_space<vmem>>, vector<16xi32>,
    %swap3A_191 = vector.shape_cast %swap3A_190 : vector<16xi32> to vector<16xi32>
    %swap3A_192 = vector.shape_cast %shift_right_logical3A_188 : vector<16xi32> to vector<16xi32>
    tpu.vector_store %arg8[%swap3A_189], %swap3A_192 {strides = array<i32>} : memref<80xi32, #tpu.memory_space<vmem>>, vector<16xi32>,
    %and3A_193 = arith.constant 16383 : i32
    %and3A_194 = vector.broadcast %and3A_193 : i32 to vector<16xi32>
    %and3A_195 = arith.andi %get3A_185, %and3A_194 : vector<16xi32>
    %swap3A_196 = arith.constant 64 : index
    %swap3A_197 = tpu.vector_load %arg9[%swap3A_196] {strides = array<i32>} : memref<80xi32, #tpu.memory_space<vmem>>, vector<16xi32>,
    %swap3A_198 = vector.shape_cast %swap3A_197 : vector<16xi32> to vector<16xi32>
    %swap3A_199 = vector.shape_cast %and3A_195 : vector<16xi32> to vector<16xi32>
    tpu.vector_store %arg9[%swap3A_196], %swap3A_199 {strides = array<i32>} : memref<80xi32, #tpu.memory_space<vmem>>, vector<16xi32>,
    %dma_start3A_200 = arith.constant 0 : i32
    %dma_start3A_201 = arith.constant 0 : i32
    %dma_start3A_202 = tpu.memref_slice %arg2[%dma_start3A_200, %dma_start3A_201] : memref<10240x128xf32, #tpu.memory_space<hbm>> -> memref<10240x128xf32, #tpu.memory_space<hbm>>
    tpu.enqueue_indirect_dma source(%dma_start3A_202 : memref<10240x128xf32, #tpu.memory_space<hbm>>) target(%arg13 : memref<80x128xf32, #tpu.memory_space<vmem>>) offsets(%arg8 : memref<80xi32, #tpu.memory_space<vmem>>) semaphore(%arg17 : memref<!tpu.dma_semaphore, #tpu.memory_space<semaphore_mem>>)
    %get3A_203 = arith.constant 2 : i32
    %get3A_204 = arith.index_cast %get3A_203 : i32 to index
    %get3A_205 = arith.constant 0 : index
    %get3A_206 = tpu.vector_load %arg5[%get3A_204, %get3A_205] {strides = array<i32>} : memref<126x80xi32, #tpu.memory_space<vmem>>, vector<1x16xi32>,
    %get3A_207 = vector.shape_cast %get3A_206 : vector<1x16xi32> to vector<16xi32>
    %shift_right_logical3A_208 = arith.constant 14 : i32
    %shift_right_logical3A_209 = vector.broadcast %shift_right_logical3A_208 : i32 to vector<16xi32>
    %shift_right_logical3A_210 = arith.shrui %get3A_207, %shift_right_logical3A_209 : vector<16xi32>
    %swap3A_211 = arith.constant 0 : index
    %swap3A_212 = tpu.vector_load %arg10[%swap3A_211] {strides = array<i32>} : memref<80xi32, #tpu.memory_space<vmem>>, vector<16xi32>,
    %swap3A_213 = vector.shape_cast %swap3A_212 : vector<16xi32> to vector<16xi32>
    %swap3A_214 = vector.shape_cast %shift_right_logical3A_210 : vector<16xi32> to vector<16xi32>
    tpu.vector_store %arg10[%swap3A_211], %swap3A_214 {strides = array<i32>} : memref<80xi32, #tpu.memory_space<vmem>>, vector<16xi32>,
    %and3A_215 = arith.constant 16383 : i32
    %and3A_216 = vector.broadcast %and3A_215 : i32 to vector<16xi32>
    %and3A_217 = arith.andi %get3A_207, %and3A_216 : vector<16xi32>
    %swap3A_218 = arith.constant 0 : index
    %swap3A_219 = tpu.vector_load %arg11[%swap3A_218] {strides = array<i32>} : memref<80xi32, #tpu.memory_space<vmem>>, vector<16xi32>,
    %swap3A_220 = vector.shape_cast %swap3A_219 : vector<16xi32> to vector<16xi32>
    %swap3A_221 = vector.shape_cast %and3A_217 : vector<16xi32> to vector<16xi32>
    tpu.vector_store %arg11[%swap3A_218], %swap3A_221 {strides = array<i32>} : memref<80xi32, #tpu.memory_space<vmem>>, vector<16xi32>,
    %get3A_222 = arith.constant 2 : i32
    %get3A_223 = arith.index_cast %get3A_222 : i32 to index
    %get3A_224 = arith.constant 16 : index
    %get3A_225 = tpu.vector_load %arg5[%get3A_223, %get3A_224] {strides = array<i32>} : memref<126x80xi32, #tpu.memory_space<vmem>>, vector<1x16xi32>,
    %get3A_226 = vector.shape_cast %get3A_225 : vector<1x16xi32> to vector<16xi32>
    %shift_right_logical3A_227 = arith.constant 14 : i32
    %shift_right_logical3A_228 = vector.broadcast %shift_right_logical3A_227 : i32 to vector<16xi32>
    %shift_right_logical3A_229 = arith.shrui %get3A_226, %shift_right_logical3A_228 : vector<16xi32>
    %swap3A_230 = arith.constant 16 : index
    %swap3A_231 = tpu.vector_load %arg10[%swap3A_230] {strides = array<i32>} : memref<80xi32, #tpu.memory_space<vmem>>, vector<16xi32>,
    %swap3A_232 = vector.shape_cast %swap3A_231 : vector<16xi32> to vector<16xi32>
    %swap3A_233 = vector.shape_cast %shift_right_logical3A_229 : vector<16xi32> to vector<16xi32>
    tpu.vector_store %arg10[%swap3A_230], %swap3A_233 {strides = array<i32>} : memref<80xi32, #tpu.memory_space<vmem>>, vector<16xi32>,
    %and3A_234 = arith.constant 16383 : i32
    %and3A_235 = vector.broadcast %and3A_234 : i32 to vector<16xi32>
    %and3A_236 = arith.andi %get3A_226, %and3A_235 : vector<16xi32>
    %swap3A_237 = arith.constant 16 : index
    %swap3A_238 = tpu.vector_load %arg11[%swap3A_237] {strides = array<i32>} : memref<80xi32, #tpu.memory_space<vmem>>, vector<16xi32>,
    %swap3A_239 = vector.shape_cast %swap3A_238 : vector<16xi32> to vector<16xi32>
    %swap3A_240 = vector.shape_cast %and3A_236 : vector<16xi32> to vector<16xi32>
    tpu.vector_store %arg11[%swap3A_237], %swap3A_240 {strides = array<i32>} : memref<80xi32, #tpu.memory_space<vmem>>, vector<16xi32>,
    %get3A_241 = arith.constant 2 : i32
    %get3A_242 = arith.index_cast %get3A_241 : i32 to index
    %get3A_243 = arith.constant 32 : index
    %get3A_244 = tpu.vector_load %arg5[%get3A_242, %get3A_243] {strides = array<i32>} : memref<126x80xi32, #tpu.memory_space<vmem>>, vector<1x16xi32>,
    %get3A_245 = vector.shape_cast %get3A_244 : vector<1x16xi32> to vector<16xi32>
    %shift_right_logical3A_246 = arith.constant 14 : i32
    %shift_right_logical3A_247 = vector.broadcast %shift_right_logical3A_246 : i32 to vector<16xi32>
    %shift_right_logical3A_248 = arith.shrui %get3A_245, %shift_right_logical3A_247 : vector<16xi32>
    %swap3A_249 = arith.constant 32 : index
    %swap3A_250 = tpu.vector_load %arg10[%swap3A_249] {strides = array<i32>} : memref<80xi32, #tpu.memory_space<vmem>>, vector<16xi32>,
    %swap3A_251 = vector.shape_cast %swap3A_250 : vector<16xi32> to vector<16xi32>
    %swap3A_252 = vector.shape_cast %shift_right_logical3A_248 : vector<16xi32> to vector<16xi32>
    tpu.vector_store %arg10[%swap3A_249], %swap3A_252 {strides = array<i32>} : memref<80xi32, #tpu.memory_space<vmem>>, vector<16xi32>,
    %and3A_253 = arith.constant 16383 : i32
    %and3A_254 = vector.broadcast %and3A_253 : i32 to vector<16xi32>
    %and3A_255 = arith.andi %get3A_245, %and3A_254 : vector<16xi32>
    %swap3A_256 = arith.constant 32 : index
    %swap3A_257 = tpu.vector_load %arg11[%swap3A_256] {strides = array<i32>} : memref<80xi32, #tpu.memory_space<vmem>>, vector<16xi32>,
    %swap3A_258 = vector.shape_cast %swap3A_257 : vector<16xi32> to vector<16xi32>
    %swap3A_259 = vector.shape_cast %and3A_255 : vector<16xi32> to vector<16xi32>
    tpu.vector_store %arg11[%swap3A_256], %swap3A_259 {strides = array<i32>} : memref<80xi32, #tpu.memory_space<vmem>>, vector<16xi32>,
    %get3A_260 = arith.constant 2 : i32
    %get3A_261 = arith.index_cast %get3A_260 : i32 to index
    %get3A_262 = arith.constant 48 : index
    %get3A_263 = tpu.vector_load %arg5[%get3A_261, %get3A_262] {strides = array<i32>} : memref<126x80xi32, #tpu.memory_space<vmem>>, vector<1x16xi32>,
    %get3A_264 = vector.shape_cast %get3A_263 : vector<1x16xi32> to vector<16xi32>
    %shift_right_logical3A_265 = arith.constant 14 : i32
    %shift_right_logical3A_266 = vector.broadcast %shift_right_logical3A_265 : i32 to vector<16xi32>
    %shift_right_logical3A_267 = arith.shrui %get3A_264, %shift_right_logical3A_266 : vector<16xi32>
    %swap3A_268 = arith.constant 48 : index
    %swap3A_269 = tpu.vector_load %arg10[%swap3A_268] {strides = array<i32>} : memref<80xi32, #tpu.memory_space<vmem>>, vector<16xi32>,
    %swap3A_270 = vector.shape_cast %swap3A_269 : vector<16xi32> to vector<16xi32>
    %swap3A_271 = vector.shape_cast %shift_right_logical3A_267 : vector<16xi32> to vector<16xi32>
    tpu.vector_store %arg10[%swap3A_268], %swap3A_271 {strides = array<i32>} : memref<80xi32, #tpu.memory_space<vmem>>, vector<16xi32>,
    %and3A_272 = arith.constant 16383 : i32
    %and3A_273 = vector.broadcast %and3A_272 : i32 to vector<16xi32>
    %and3A_274 = arith.andi %get3A_264, %and3A_273 : vector<16xi32>
    %swap3A_275 = arith.constant 48 : index
    %swap3A_276 = tpu.vector_load %arg11[%swap3A_275] {strides = array<i32>} : memref<80xi32, #tpu.memory_space<vmem>>, vector<16xi32>,
    %swap3A_277 = vector.shape_cast %swap3A_276 : vector<16xi32> to vector<16xi32>
    %swap3A_278 = vector.shape_cast %and3A_274 : vector<16xi32> to vector<16xi32>
    tpu.vector_store %arg11[%swap3A_275], %swap3A_278 {strides = array<i32>} : memref<80xi32, #tpu.memory_space<vmem>>, vector<16xi32>,
    %get3A_279 = arith.constant 2 : i32
    %get3A_280 = arith.index_cast %get3A_279 : i32 to index
    %get3A_281 = arith.constant 64 : index
    %get3A_282 = tpu.vector_load %arg5[%get3A_280, %get3A_281] {strides = array<i32>} : memref<126x80xi32, #tpu.memory_space<vmem>>, vector<1x16xi32>,
    %get3A_283 = vector.shape_cast %get3A_282 : vector<1x16xi32> to vector<16xi32>
    %shift_right_logical3A_284 = arith.constant 14 : i32
    %shift_right_logical3A_285 = vector.broadcast %shift_right_logical3A_284 : i32 to vector<16xi32>
    %shift_right_logical3A_286 = arith.shrui %get3A_283, %shift_right_logical3A_285 : vector<16xi32>
    %swap3A_287 = arith.constant 64 : index
    %swap3A_288 = tpu.vector_load %arg10[%swap3A_287] {strides = array<i32>} : memref<80xi32, #tpu.memory_space<vmem>>, vector<16xi32>,
    %swap3A_289 = vector.shape_cast %swap3A_288 : vector<16xi32> to vector<16xi32>
    %swap3A_290 = vector.shape_cast %shift_right_logical3A_286 : vector<16xi32> to vector<16xi32>
    tpu.vector_store %arg10[%swap3A_287], %swap3A_290 {strides = array<i32>} : memref<80xi32, #tpu.memory_space<vmem>>, vector<16xi32>,
    %and3A_291 = arith.constant 16383 : i32
    %and3A_292 = vector.broadcast %and3A_291 : i32 to vector<16xi32>
    %and3A_293 = arith.andi %get3A_283, %and3A_292 : vector<16xi32>
    %swap3A_294 = arith.constant 64 : index
    %swap3A_295 = tpu.vector_load %arg11[%swap3A_294] {strides = array<i32>} : memref<80xi32, #tpu.memory_space<vmem>>, vector<16xi32>,
    %swap3A_296 = vector.shape_cast %swap3A_295 : vector<16xi32> to vector<16xi32>
    %swap3A_297 = vector.shape_cast %and3A_293 : vector<16xi32> to vector<16xi32>
    tpu.vector_store %arg11[%swap3A_294], %swap3A_297 {strides = array<i32>} : memref<80xi32, #tpu.memory_space<vmem>>, vector<16xi32>,
    %dma_start3A_298 = arith.constant 0 : i32
    %dma_start3A_299 = arith.constant 0 : i32
    %dma_start3A_300 = tpu.memref_slice %arg2[%dma_start3A_298, %dma_start3A_299] : memref<10240x128xf32, #tpu.memory_space<hbm>> -> memref<10240x128xf32, #tpu.memory_space<hbm>>
    tpu.enqueue_indirect_dma source(%dma_start3A_300 : memref<10240x128xf32, #tpu.memory_space<hbm>>) target(%arg14 : memref<80x128xf32, #tpu.memory_space<vmem>>) offsets(%arg10 : memref<80xi32, #tpu.memory_space<vmem>>) semaphore(%arg18 : memref<!tpu.dma_semaphore, #tpu.memory_space<semaphore_mem>>)
    %scan3A_301 = arith.constant 0 : i32
    %scan3A_302 = arith.constant 0 : i32
    %scan3A_303 = arith.constant 41 : i32
    %scan3A_304 = arith.addi %scan3A_302, %scan3A_303 : i32
    %scan3A_305 = arith.constant 1 : i32
    scf.for %scan3A_464 = %scan3A_302 to %scan3A_304 step %scan3A_305  : i32 {
      %mul3A_465 = arith.constant 3 : i32
      %mul3A_466 = arith.muli %mul3A_465, %scan3A_464 : i32
      %dma_wait3A_467 = arith.constant 0 : i32
      %dma_wait3A_468 = arith.constant 0 : i32
      %dma_wait3A_469 = tpu.memref_slice %arg2[%dma_wait3A_467, %dma_wait3A_468] : memref<10240x128xf32, #tpu.memory_space<hbm>> -> memref<10240x128xf32, #tpu.memory_space<hbm>>
      tpu.wait_indirect_dma semaphore(%arg16 : memref<!tpu.dma_semaphore, #tpu.memory_space<semaphore_mem>>) src(%dma_wait3A_469 : memref<10240x128xf32, #tpu.memory_space<hbm>>) dst(%arg12 : memref<80x128xf32, #tpu.memory_space<vmem>>)
      %dma_start3A_470 = arith.constant 0 : i32
      %dma_start3A_471 = arith.constant 0 : i32
      %dma_start3A_472 = tpu.memref_slice %arg22[%dma_start3A_470, %dma_start3A_471] : memref<10240x128xf32, #tpu.memory_space<vmem_shared>> -> memref<10240x128xf32, #tpu.memory_space<vmem_shared>>
      tpu.enqueue_indirect_dma source(%arg12 : memref<80x128xf32, #tpu.memory_space<vmem>>) target(%dma_start3A_472 : memref<10240x128xf32, #tpu.memory_space<vmem_shared>>) offsets(%arg7 : memref<80xi32, #tpu.memory_space<vmem>>) semaphore(%arg19 : memref<!tpu.dma_semaphore, #tpu.memory_space<semaphore_mem>>) {add = true}
      %dma_wait3A_473 = arith.constant 0 : i32
      %dma_wait3A_474 = arith.constant 0 : i32
      %dma_wait3A_475 = tpu.memref_slice %arg2[%dma_wait3A_473, %dma_wait3A_474] : memref<10240x128xf32, #tpu.memory_space<hbm>> -> memref<10240x128xf32, #tpu.memory_space<hbm>>
      tpu.wait_indirect_dma semaphore(%arg17 : memref<!tpu.dma_semaphore, #tpu.memory_space<semaphore_mem>>) src(%dma_wait3A_475 : memref<10240x128xf32, #tpu.memory_space<hbm>>) dst(%arg13 : memref<80x128xf32, #tpu.memory_space<vmem>>)
      %dma_start3A_476 = arith.constant 0 : i32
      %dma_start3A_477 = arith.constant 0 : i32
      %dma_start3A_478 = tpu.memref_slice %arg22[%dma_start3A_476, %dma_start3A_477] : memref<10240x128xf32, #tpu.memory_space<vmem_shared>> -> memref<10240x128xf32, #tpu.memory_space<vmem_shared>>
      tpu.enqueue_indirect_dma source(%arg13 : memref<80x128xf32, #tpu.memory_space<vmem>>) target(%dma_start3A_478 : memref<10240x128xf32, #tpu.memory_space<vmem_shared>>) offsets(%arg9 : memref<80xi32, #tpu.memory_space<vmem>>) semaphore(%arg20 : memref<!tpu.dma_semaphore, #tpu.memory_space<semaphore_mem>>) {add = true}
      %dma_wait3A_479 = arith.constant 0 : i32
      %dma_wait3A_480 = arith.constant 0 : i32
      %dma_wait3A_481 = tpu.memref_slice %arg2[%dma_wait3A_479, %dma_wait3A_480] : memref<10240x128xf32, #tpu.memory_space<hbm>> -> memref<10240x128xf32, #tpu.memory_space<hbm>>
      tpu.wait_indirect_dma semaphore(%arg18 : memref<!tpu.dma_semaphore, #tpu.memory_space<semaphore_mem>>) src(%dma_wait3A_481 : memref<10240x128xf32, #tpu.memory_space<hbm>>) dst(%arg14 : memref<80x128xf32, #tpu.memory_space<vmem>>)
      %dma_start3A_482 = arith.constant 0 : i32
      %dma_start3A_483 = arith.constant 0 : i32
      %dma_start3A_484 = tpu.memref_slice %arg22[%dma_start3A_482, %dma_start3A_483] : memref<10240x128xf32, #tpu.memory_space<vmem_shared>> -> memref<10240x128xf32, #tpu.memory_space<vmem_shared>>
      tpu.enqueue_indirect_dma source(%arg14 : memref<80x128xf32, #tpu.memory_space<vmem>>) target(%dma_start3A_484 : memref<10240x128xf32, #tpu.memory_space<vmem_shared>>) offsets(%arg11 : memref<80xi32, #tpu.memory_space<vmem>>) semaphore(%arg21 : memref<!tpu.dma_semaphore, #tpu.memory_space<semaphore_mem>>) {add = true}
      %dma_wait3A_485 = arith.constant 0 : i32
      %dma_wait3A_486 = arith.constant 0 : i32
      %dma_wait3A_487 = tpu.memref_slice %arg22[%dma_wait3A_485, %dma_wait3A_486] : memref<10240x128xf32, #tpu.memory_space<vmem_shared>> -> memref<10240x128xf32, #tpu.memory_space<vmem_shared>>
      tpu.wait_indirect_dma semaphore(%arg19 : memref<!tpu.dma_semaphore, #tpu.memory_space<semaphore_mem>>) src(%arg12 : memref<80x128xf32, #tpu.memory_space<vmem>>) dst(%dma_wait3A_487 : memref<10240x128xf32, #tpu.memory_space<vmem_shared>>)
      %add3A_488 = arith.constant 0 : i32
      %add3A_489 = arith.addi %mul3A_466, %add3A_488 : i32
      %add3A_490 = arith.constant 3 : i32
      %add3A_491 = arith.addi %add3A_489, %add3A_490 : i32
      %get3A_492 = arith.index_cast %add3A_491 : i32 to index
      %get3A_493 = arith.constant 0 : index
      %get3A_494 = tpu.vector_load %arg5[%get3A_492, %get3A_493] {strides = array<i32>} : memref<126x80xi32, #tpu.memory_space<vmem>>, vector<1x16xi32>,
      %get3A_495 = vector.shape_cast %get3A_494 : vector<1x16xi32> to vector<16xi32>
      %shift_right_logical3A_496 = arith.constant 14 : i32
      %shift_right_logical3A_497 = vector.broadcast %shift_right_logical3A_496 : i32 to vector<16xi32>
      %shift_right_logical3A_498 = arith.shrui %get3A_495, %shift_right_logical3A_497 : vector<16xi32>
      %swap3A_499 = arith.constant 0 : index
      %swap3A_500 = tpu.vector_load %arg6[%swap3A_499] {strides = array<i32>} : memref<80xi32, #tpu.memory_space<vmem>>, vector<16xi32>,
      %swap3A_501 = vector.shape_cast %swap3A_500 : vector<16xi32> to vector<16xi32>
      %swap3A_502 = vector.shape_cast %shift_right_logical3A_498 : vector<16xi32> to vector<16xi32>
      tpu.vector_store %arg6[%swap3A_499], %swap3A_502 {strides = array<i32>} : memref<80xi32, #tpu.memory_space<vmem>>, vector<16xi32>,
      %and3A_503 = arith.constant 16383 : i32
      %and3A_504 = vector.broadcast %and3A_503 : i32 to vector<16xi32>
      %and3A_505 = arith.andi %get3A_495, %and3A_504 : vector<16xi32>
      %swap3A_506 = arith.constant 0 : index
      %swap3A_507 = tpu.vector_load %arg7[%swap3A_506] {strides = array<i32>} : memref<80xi32, #tpu.memory_space<vmem>>, vector<16xi32>,
      %swap3A_508 = vector.shape_cast %swap3A_507 : vector<16xi32> to vector<16xi32>
      %swap3A_509 = vector.shape_cast %and3A_505 : vector<16xi32> to vector<16xi32>
      tpu.vector_store %arg7[%swap3A_506], %swap3A_509 {strides = array<i32>} : memref<80xi32, #tpu.memory_space<vmem>>, vector<16xi32>,
      %get3A_510 = arith.index_cast %add3A_491 : i32 to index
      %get3A_511 = arith.constant 16 : index
      %get3A_512 = tpu.vector_load %arg5[%get3A_510, %get3A_511] {strides = array<i32>} : memref<126x80xi32, #tpu.memory_space<vmem>>, vector<1x16xi32>,
      %get3A_513 = vector.shape_cast %get3A_512 : vector<1x16xi32> to vector<16xi32>
      %shift_right_logical3A_514 = arith.constant 14 : i32
      %shift_right_logical3A_515 = vector.broadcast %shift_right_logical3A_514 : i32 to vector<16xi32>
      %shift_right_logical3A_516 = arith.shrui %get3A_513, %shift_right_logical3A_515 : vector<16xi32>
      %swap3A_517 = arith.constant 16 : index
      %swap3A_518 = tpu.vector_load %arg6[%swap3A_517] {strides = array<i32>} : memref<80xi32, #tpu.memory_space<vmem>>, vector<16xi32>,
      %swap3A_519 = vector.shape_cast %swap3A_518 : vector<16xi32> to vector<16xi32>
      %swap3A_520 = vector.shape_cast %shift_right_logical3A_516 : vector<16xi32> to vector<16xi32>
      tpu.vector_store %arg6[%swap3A_517], %swap3A_520 {strides = array<i32>} : memref<80xi32, #tpu.memory_space<vmem>>, vector<16xi32>,
      %and3A_521 = arith.constant 16383 : i32
      %and3A_522 = vector.broadcast %and3A_521 : i32 to vector<16xi32>
      %and3A_523 = arith.andi %get3A_513, %and3A_522 : vector<16xi32>
      %swap3A_524 = arith.constant 16 : index
      %swap3A_525 = tpu.vector_load %arg7[%swap3A_524] {strides = array<i32>} : memref<80xi32, #tpu.memory_space<vmem>>, vector<16xi32>,
      %swap3A_526 = vector.shape_cast %swap3A_525 : vector<16xi32> to vector<16xi32>
      %swap3A_527 = vector.shape_cast %and3A_523 : vector<16xi32> to vector<16xi32>
      tpu.vector_store %arg7[%swap3A_524], %swap3A_527 {strides = array<i32>} : memref<80xi32, #tpu.memory_space<vmem>>, vector<16xi32>,
      %get3A_528 = arith.index_cast %add3A_491 : i32 to index
      %get3A_529 = arith.constant 32 : index
      %get3A_530 = tpu.vector_load %arg5[%get3A_528, %get3A_529] {strides = array<i32>} : memref<126x80xi32, #tpu.memory_space<vmem>>, vector<1x16xi32>,
      %get3A_531 = vector.shape_cast %get3A_530 : vector<1x16xi32> to vector<16xi32>
      %shift_right_logical3A_532 = arith.constant 14 : i32
      %shift_right_logical3A_533 = vector.broadcast %shift_right_logical3A_532 : i32 to vector<16xi32>
      %shift_right_logical3A_534 = arith.shrui %get3A_531, %shift_right_logical3A_533 : vector<16xi32>
      %swap3A_535 = arith.constant 32 : index
      %swap3A_536 = tpu.vector_load %arg6[%swap3A_535] {strides = array<i32>} : memref<80xi32, #tpu.memory_space<vmem>>, vector<16xi32>,
      %swap3A_537 = vector.shape_cast %swap3A_536 : vector<16xi32> to vector<16xi32>
      %swap3A_538 = vector.shape_cast %shift_right_logical3A_534 : vector<16xi32> to vector<16xi32>
      tpu.vector_store %arg6[%swap3A_535], %swap3A_538 {strides = array<i32>} : memref<80xi32, #tpu.memory_space<vmem>>, vector<16xi32>,
      %and3A_539 = arith.constant 16383 : i32
      %and3A_540 = vector.broadcast %and3A_539 : i32 to vector<16xi32>
      %and3A_541 = arith.andi %get3A_531, %and3A_540 : vector<16xi32>
      %swap3A_542 = arith.constant 32 : index
      %swap3A_543 = tpu.vector_load %arg7[%swap3A_542] {strides = array<i32>} : memref<80xi32, #tpu.memory_space<vmem>>, vector<16xi32>,
      %swap3A_544 = vector.shape_cast %swap3A_543 : vector<16xi32> to vector<16xi32>
      %swap3A_545 = vector.shape_cast %and3A_541 : vector<16xi32> to vector<16xi32>
      tpu.vector_store %arg7[%swap3A_542], %swap3A_545 {strides = array<i32>} : memref<80xi32, #tpu.memory_space<vmem>>, vector<16xi32>,
      %get3A_546 = arith.index_cast %add3A_491 : i32 to index
      %get3A_547 = arith.constant 48 : index
      %get3A_548 = tpu.vector_load %arg5[%get3A_546, %get3A_547] {strides = array<i32>} : memref<126x80xi32, #tpu.memory_space<vmem>>, vector<1x16xi32>,
      %get3A_549 = vector.shape_cast %get3A_548 : vector<1x16xi32> to vector<16xi32>
      %shift_right_logical3A_550 = arith.constant 14 : i32
      %shift_right_logical3A_551 = vector.broadcast %shift_right_logical3A_550 : i32 to vector<16xi32>
      %shift_right_logical3A_552 = arith.shrui %get3A_549, %shift_right_logical3A_551 : vector<16xi32>
      %swap3A_553 = arith.constant 48 : index
      %swap3A_554 = tpu.vector_load %arg6[%swap3A_553] {strides = array<i32>} : memref<80xi32, #tpu.memory_space<vmem>>, vector<16xi32>,
      %swap3A_555 = vector.shape_cast %swap3A_554 : vector<16xi32> to vector<16xi32>
      %swap3A_556 = vector.shape_cast %shift_right_logical3A_552 : vector<16xi32> to vector<16xi32>
      tpu.vector_store %arg6[%swap3A_553], %swap3A_556 {strides = array<i32>} : memref<80xi32, #tpu.memory_space<vmem>>, vector<16xi32>,
      %and3A_557 = arith.constant 16383 : i32
      %and3A_558 = vector.broadcast %and3A_557 : i32 to vector<16xi32>
      %and3A_559 = arith.andi %get3A_549, %and3A_558 : vector<16xi32>
      %swap3A_560 = arith.constant 48 : index
      %swap3A_561 = tpu.vector_load %arg7[%swap3A_560] {strides = array<i32>} : memref<80xi32, #tpu.memory_space<vmem>>, vector<16xi32>,
      %swap3A_562 = vector.shape_cast %swap3A_561 : vector<16xi32> to vector<16xi32>
      %swap3A_563 = vector.shape_cast %and3A_559 : vector<16xi32> to vector<16xi32>
      tpu.vector_store %arg7[%swap3A_560], %swap3A_563 {strides = array<i32>} : memref<80xi32, #tpu.memory_space<vmem>>, vector<16xi32>,
      %get3A_564 = arith.index_cast %add3A_491 : i32 to index
      %get3A_565 = arith.constant 64 : index
      %get3A_566 = tpu.vector_load %arg5[%get3A_564, %get3A_565] {strides = array<i32>} : memref<126x80xi32, #tpu.memory_space<vmem>>, vector<1x16xi32>,
      %get3A_567 = vector.shape_cast %get3A_566 : vector<1x16xi32> to vector<16xi32>
      %shift_right_logical3A_568 = arith.constant 14 : i32
      %shift_right_logical3A_569 = vector.broadcast %shift_right_logical3A_568 : i32 to vector<16xi32>
      %shift_right_logical3A_570 = arith.shrui %get3A_567, %shift_right_logical3A_569 : vector<16xi32>
      %swap3A_571 = arith.constant 64 : index
      %swap3A_572 = tpu.vector_load %arg6[%swap3A_571] {strides = array<i32>} : memref<80xi32, #tpu.memory_space<vmem>>, vector<16xi32>,
      %swap3A_573 = vector.shape_cast %swap3A_572 : vector<16xi32> to vector<16xi32>
      %swap3A_574 = vector.shape_cast %shift_right_logical3A_570 : vector<16xi32> to vector<16xi32>
      tpu.vector_store %arg6[%swap3A_571], %swap3A_574 {strides = array<i32>} : memref<80xi32, #tpu.memory_space<vmem>>, vector<16xi32>,
      %and3A_575 = arith.constant 16383 : i32
      %and3A_576 = vector.broadcast %and3A_575 : i32 to vector<16xi32>
      %and3A_577 = arith.andi %get3A_567, %and3A_576 : vector<16xi32>
      %swap3A_578 = arith.constant 64 : index
      %swap3A_579 = tpu.vector_load %arg7[%swap3A_578] {strides = array<i32>} : memref<80xi32, #tpu.memory_space<vmem>>, vector<16xi32>,
      %swap3A_580 = vector.shape_cast %swap3A_579 : vector<16xi32> to vector<16xi32>
      %swap3A_581 = vector.shape_cast %and3A_577 : vector<16xi32> to vector<16xi32>
      tpu.vector_store %arg7[%swap3A_578], %swap3A_581 {strides = array<i32>} : memref<80xi32, #tpu.memory_space<vmem>>, vector<16xi32>,
      %dma_start3A_582 = arith.constant 0 : i32
      %dma_start3A_583 = arith.constant 0 : i32
      %dma_start3A_584 = tpu.memref_slice %arg2[%dma_start3A_582, %dma_start3A_583] : memref<10240x128xf32, #tpu.memory_space<hbm>> -> memref<10240x128xf32, #tpu.memory_space<hbm>>
      tpu.enqueue_indirect_dma source(%dma_start3A_584 : memref<10240x128xf32, #tpu.memory_space<hbm>>) target(%arg12 : memref<80x128xf32, #tpu.memory_space<vmem>>) offsets(%arg6 : memref<80xi32, #tpu.memory_space<vmem>>) semaphore(%arg16 : memref<!tpu.dma_semaphore, #tpu.memory_space<semaphore_mem>>)
      %dma_wait3A_585 = arith.constant 0 : i32
      %dma_wait3A_586 = arith.constant 0 : i32
      %dma_wait3A_587 = tpu.memref_slice %arg22[%dma_wait3A_585, %dma_wait3A_586] : memref<10240x128xf32, #tpu.memory_space<vmem_shared>> -> memref<10240x128xf32, #tpu.memory_space<vmem_shared>>
      tpu.wait_indirect_dma semaphore(%arg20 : memref<!tpu.dma_semaphore, #tpu.memory_space<semaphore_mem>>) src(%arg13 : memref<80x128xf32, #tpu.memory_space<vmem>>) dst(%dma_wait3A_587 : memref<10240x128xf32, #tpu.memory_space<vmem_shared>>)
      %add3A_588 = arith.constant 1 : i32
      %add3A_589 = arith.addi %mul3A_466, %add3A_588 : i32
      %add3A_590 = arith.constant 3 : i32
      %add3A_591 = arith.addi %add3A_589, %add3A_590 : i32
      %get3A_592 = arith.index_cast %add3A_591 : i32 to index
      %get3A_593 = arith.constant 0 : index
      %get3A_594 = tpu.vector_load %arg5[%get3A_592, %get3A_593] {strides = array<i32>} : memref<126x80xi32, #tpu.memory_space<vmem>>, vector<1x16xi32>,
      %get3A_595 = vector.shape_cast %get3A_594 : vector<1x16xi32> to vector<16xi32>
      %shift_right_logical3A_596 = arith.constant 14 : i32
      %shift_right_logical3A_597 = vector.broadcast %shift_right_logical3A_596 : i32 to vector<16xi32>
      %shift_right_logical3A_598 = arith.shrui %get3A_595, %shift_right_logical3A_597 : vector<16xi32>
      %swap3A_599 = arith.constant 0 : index
      %swap3A_600 = tpu.vector_load %arg8[%swap3A_599] {strides = array<i32>} : memref<80xi32, #tpu.memory_space<vmem>>, vector<16xi32>,
      %swap3A_601 = vector.shape_cast %swap3A_600 : vector<16xi32> to vector<16xi32>
      %swap3A_602 = vector.shape_cast %shift_right_logical3A_598 : vector<16xi32> to vector<16xi32>
      tpu.vector_store %arg8[%swap3A_599], %swap3A_602 {strides = array<i32>} : memref<80xi32, #tpu.memory_space<vmem>>, vector<16xi32>,
      %and3A_603 = arith.constant 16383 : i32
      %and3A_604 = vector.broadcast %and3A_603 : i32 to vector<16xi32>
      %and3A_605 = arith.andi %get3A_595, %and3A_604 : vector<16xi32>
      %swap3A_606 = arith.constant 0 : index
      %swap3A_607 = tpu.vector_load %arg9[%swap3A_606] {strides = array<i32>} : memref<80xi32, #tpu.memory_space<vmem>>, vector<16xi32>,
      %swap3A_608 = vector.shape_cast %swap3A_607 : vector<16xi32> to vector<16xi32>
      %swap3A_609 = vector.shape_cast %and3A_605 : vector<16xi32> to vector<16xi32>
      tpu.vector_store %arg9[%swap3A_606], %swap3A_609 {strides = array<i32>} : memref<80xi32, #tpu.memory_space<vmem>>, vector<16xi32>,
      %get3A_610 = arith.index_cast %add3A_591 : i32 to index
      %get3A_611 = arith.constant 16 : index
      %get3A_612 = tpu.vector_load %arg5[%get3A_610, %get3A_611] {strides = array<i32>} : memref<126x80xi32, #tpu.memory_space<vmem>>, vector<1x16xi32>,
      %get3A_613 = vector.shape_cast %get3A_612 : vector<1x16xi32> to vector<16xi32>
      %shift_right_logical3A_614 = arith.constant 14 : i32
      %shift_right_logical3A_615 = vector.broadcast %shift_right_logical3A_614 : i32 to vector<16xi32>
      %shift_right_logical3A_616 = arith.shrui %get3A_613, %shift_right_logical3A_615 : vector<16xi32>
      %swap3A_617 = arith.constant 16 : index
      %swap3A_618 = tpu.vector_load %arg8[%swap3A_617] {strides = array<i32>} : memref<80xi32, #tpu.memory_space<vmem>>, vector<16xi32>,
      %swap3A_619 = vector.shape_cast %swap3A_618 : vector<16xi32> to vector<16xi32>
      %swap3A_620 = vector.shape_cast %shift_right_logical3A_616 : vector<16xi32> to vector<16xi32>
      tpu.vector_store %arg8[%swap3A_617], %swap3A_620 {strides = array<i32>} : memref<80xi32, #tpu.memory_space<vmem>>, vector<16xi32>,
      %and3A_621 = arith.constant 16383 : i32
      %and3A_622 = vector.broadcast %and3A_621 : i32 to vector<16xi32>
      %and3A_623 = arith.andi %get3A_613, %and3A_622 : vector<16xi32>
      %swap3A_624 = arith.constant 16 : index
      %swap3A_625 = tpu.vector_load %arg9[%swap3A_624] {strides = array<i32>} : memref<80xi32, #tpu.memory_space<vmem>>, vector<16xi32>,
      %swap3A_626 = vector.shape_cast %swap3A_625 : vector<16xi32> to vector<16xi32>
      %swap3A_627 = vector.shape_cast %and3A_623 : vector<16xi32> to vector<16xi32>
      tpu.vector_store %arg9[%swap3A_624], %swap3A_627 {strides = array<i32>} : memref<80xi32, #tpu.memory_space<vmem>>, vector<16xi32>,
      %get3A_628 = arith.index_cast %add3A_591 : i32 to index
      %get3A_629 = arith.constant 32 : index
      %get3A_630 = tpu.vector_load %arg5[%get3A_628, %get3A_629] {strides = array<i32>} : memref<126x80xi32, #tpu.memory_space<vmem>>, vector<1x16xi32>,
      %get3A_631 = vector.shape_cast %get3A_630 : vector<1x16xi32> to vector<16xi32>
      %shift_right_logical3A_632 = arith.constant 14 : i32
      %shift_right_logical3A_633 = vector.broadcast %shift_right_logical3A_632 : i32 to vector<16xi32>
      %shift_right_logical3A_634 = arith.shrui %get3A_631, %shift_right_logical3A_633 : vector<16xi32>
      %swap3A_635 = arith.constant 32 : index
      %swap3A_636 = tpu.vector_load %arg8[%swap3A_635] {strides = array<i32>} : memref<80xi32, #tpu.memory_space<vmem>>, vector<16xi32>,
      %swap3A_637 = vector.shape_cast %swap3A_636 : vector<16xi32> to vector<16xi32>
      %swap3A_638 = vector.shape_cast %shift_right_logical3A_634 : vector<16xi32> to vector<16xi32>
      tpu.vector_store %arg8[%swap3A_635], %swap3A_638 {strides = array<i32>} : memref<80xi32, #tpu.memory_space<vmem>>, vector<16xi32>,
      %and3A_639 = arith.constant 16383 : i32
      %and3A_640 = vector.broadcast %and3A_639 : i32 to vector<16xi32>
      %and3A_641 = arith.andi %get3A_631, %and3A_640 : vector<16xi32>
      %swap3A_642 = arith.constant 32 : index
      %swap3A_643 = tpu.vector_load %arg9[%swap3A_642] {strides = array<i32>} : memref<80xi32, #tpu.memory_space<vmem>>, vector<16xi32>,
      %swap3A_644 = vector.shape_cast %swap3A_643 : vector<16xi32> to vector<16xi32>
      %swap3A_645 = vector.shape_cast %and3A_641 : vector<16xi32> to vector<16xi32>
      tpu.vector_store %arg9[%swap3A_642], %swap3A_645 {strides = array<i32>} : memref<80xi32, #tpu.memory_space<vmem>>, vector<16xi32>,
      %get3A_646 = arith.index_cast %add3A_591 : i32 to index
      %get3A_647 = arith.constant 48 : index
      %get3A_648 = tpu.vector_load %arg5[%get3A_646, %get3A_647] {strides = array<i32>} : memref<126x80xi32, #tpu.memory_space<vmem>>, vector<1x16xi32>,
      %get3A_649 = vector.shape_cast %get3A_648 : vector<1x16xi32> to vector<16xi32>
      %shift_right_logical3A_650 = arith.constant 14 : i32
      %shift_right_logical3A_651 = vector.broadcast %shift_right_logical3A_650 : i32 to vector<16xi32>
      %shift_right_logical3A_652 = arith.shrui %get3A_649, %shift_right_logical3A_651 : vector<16xi32>
      %swap3A_653 = arith.constant 48 : index
      %swap3A_654 = tpu.vector_load %arg8[%swap3A_653] {strides = array<i32>} : memref<80xi32, #tpu.memory_space<vmem>>, vector<16xi32>,
      %swap3A_655 = vector.shape_cast %swap3A_654 : vector<16xi32> to vector<16xi32>
      %swap3A_656 = vector.shape_cast %shift_right_logical3A_652 : vector<16xi32> to vector<16xi32>
      tpu.vector_store %arg8[%swap3A_653], %swap3A_656 {strides = array<i32>} : memref<80xi32, #tpu.memory_space<vmem>>, vector<16xi32>,
      %and3A_657 = arith.constant 16383 : i32
      %and3A_658 = vector.broadcast %and3A_657 : i32 to vector<16xi32>
      %and3A_659 = arith.andi %get3A_649, %and3A_658 : vector<16xi32>
      %swap3A_660 = arith.constant 48 : index
      %swap3A_661 = tpu.vector_load %arg9[%swap3A_660] {strides = array<i32>} : memref<80xi32, #tpu.memory_space<vmem>>, vector<16xi32>,
      %swap3A_662 = vector.shape_cast %swap3A_661 : vector<16xi32> to vector<16xi32>
      %swap3A_663 = vector.shape_cast %and3A_659 : vector<16xi32> to vector<16xi32>
      tpu.vector_store %arg9[%swap3A_660], %swap3A_663 {strides = array<i32>} : memref<80xi32, #tpu.memory_space<vmem>>, vector<16xi32>,
      %get3A_664 = arith.index_cast %add3A_591 : i32 to index
      %get3A_665 = arith.constant 64 : index
      %get3A_666 = tpu.vector_load %arg5[%get3A_664, %get3A_665] {strides = array<i32>} : memref<126x80xi32, #tpu.memory_space<vmem>>, vector<1x16xi32>,
      %get3A_667 = vector.shape_cast %get3A_666 : vector<1x16xi32> to vector<16xi32>
      %shift_right_logical3A_668 = arith.constant 14 : i32
      %shift_right_logical3A_669 = vector.broadcast %shift_right_logical3A_668 : i32 to vector<16xi32>
      %shift_right_logical3A_670 = arith.shrui %get3A_667, %shift_right_logical3A_669 : vector<16xi32>
      %swap3A_671 = arith.constant 64 : index
      %swap3A_672 = tpu.vector_load %arg8[%swap3A_671] {strides = array<i32>} : memref<80xi32, #tpu.memory_space<vmem>>, vector<16xi32>,
      %swap3A_673 = vector.shape_cast %swap3A_672 : vector<16xi32> to vector<16xi32>
      %swap3A_674 = vector.shape_cast %shift_right_logical3A_670 : vector<16xi32> to vector<16xi32>
      tpu.vector_store %arg8[%swap3A_671], %swap3A_674 {strides = array<i32>} : memref<80xi32, #tpu.memory_space<vmem>>, vector<16xi32>,
      %and3A_675 = arith.constant 16383 : i32
      %and3A_676 = vector.broadcast %and3A_675 : i32 to vector<16xi32>
      %and3A_677 = arith.andi %get3A_667, %and3A_676 : vector<16xi32>
      %swap3A_678 = arith.constant 64 : index
      %swap3A_679 = tpu.vector_load %arg9[%swap3A_678] {strides = array<i32>} : memref<80xi32, #tpu.memory_space<vmem>>, vector<16xi32>,
      %swap3A_680 = vector.shape_cast %swap3A_679 : vector<16xi32> to vector<16xi32>
      %swap3A_681 = vector.shape_cast %and3A_677 : vector<16xi32> to vector<16xi32>
      tpu.vector_store %arg9[%swap3A_678], %swap3A_681 {strides = array<i32>} : memref<80xi32, #tpu.memory_space<vmem>>, vector<16xi32>,
      %dma_start3A_682 = arith.constant 0 : i32
      %dma_start3A_683 = arith.constant 0 : i32
      %dma_start3A_684 = tpu.memref_slice %arg2[%dma_start3A_682, %dma_start3A_683] : memref<10240x128xf32, #tpu.memory_space<hbm>> -> memref<10240x128xf32, #tpu.memory_space<hbm>>
      tpu.enqueue_indirect_dma source(%dma_start3A_684 : memref<10240x128xf32, #tpu.memory_space<hbm>>) target(%arg13 : memref<80x128xf32, #tpu.memory_space<vmem>>) offsets(%arg8 : memref<80xi32, #tpu.memory_space<vmem>>) semaphore(%arg17 : memref<!tpu.dma_semaphore, #tpu.memory_space<semaphore_mem>>)
      %dma_wait3A_685 = arith.constant 0 : i32
      %dma_wait3A_686 = arith.constant 0 : i32
      %dma_wait3A_687 = tpu.memref_slice %arg22[%dma_wait3A_685, %dma_wait3A_686] : memref<10240x128xf32, #tpu.memory_space<vmem_shared>> -> memref<10240x128xf32, #tpu.memory_space<vmem_shared>>
      tpu.wait_indirect_dma semaphore(%arg21 : memref<!tpu.dma_semaphore, #tpu.memory_space<semaphore_mem>>) src(%arg14 : memref<80x128xf32, #tpu.memory_space<vmem>>) dst(%dma_wait3A_687 : memref<10240x128xf32, #tpu.memory_space<vmem_shared>>)
      %add3A_688 = arith.constant 2 : i32
      %add3A_689 = arith.addi %mul3A_466, %add3A_688 : i32
      %add3A_690 = arith.constant 3 : i32
      %add3A_691 = arith.addi %add3A_689, %add3A_690 : i32
      %get3A_692 = arith.index_cast %add3A_691 : i32 to index
      %get3A_693 = arith.constant 0 : index
      %get3A_694 = tpu.vector_load %arg5[%get3A_692, %get3A_693] {strides = array<i32>} : memref<126x80xi32, #tpu.memory_space<vmem>>, vector<1x16xi32>,
      %get3A_695 = vector.shape_cast %get3A_694 : vector<1x16xi32> to vector<16xi32>
      %shift_right_logical3A_696 = arith.constant 14 : i32
      %shift_right_logical3A_697 = vector.broadcast %shift_right_logical3A_696 : i32 to vector<16xi32>
      %shift_right_logical3A_698 = arith.shrui %get3A_695, %shift_right_logical3A_697 : vector<16xi32>
      %swap3A_699 = arith.constant 0 : index
      %swap3A_700 = tpu.vector_load %arg10[%swap3A_699] {strides = array<i32>} : memref<80xi32, #tpu.memory_space<vmem>>, vector<16xi32>,
      %swap3A_701 = vector.shape_cast %swap3A_700 : vector<16xi32> to vector<16xi32>
      %swap3A_702 = vector.shape_cast %shift_right_logical3A_698 : vector<16xi32> to vector<16xi32>
      tpu.vector_store %arg10[%swap3A_699], %swap3A_702 {strides = array<i32>} : memref<80xi32, #tpu.memory_space<vmem>>, vector<16xi32>,
      %and3A_703 = arith.constant 16383 : i32
      %and3A_704 = vector.broadcast %and3A_703 : i32 to vector<16xi32>
      %and3A_705 = arith.andi %get3A_695, %and3A_704 : vector<16xi32>
      %swap3A_706 = arith.constant 0 : index
      %swap3A_707 = tpu.vector_load %arg11[%swap3A_706] {strides = array<i32>} : memref<80xi32, #tpu.memory_space<vmem>>, vector<16xi32>,
      %swap3A_708 = vector.shape_cast %swap3A_707 : vector<16xi32> to vector<16xi32>
      %swap3A_709 = vector.shape_cast %and3A_705 : vector<16xi32> to vector<16xi32>
      tpu.vector_store %arg11[%swap3A_706], %swap3A_709 {strides = array<i32>} : memref<80xi32, #tpu.memory_space<vmem>>, vector<16xi32>,
      %get3A_710 = arith.index_cast %add3A_691 : i32 to index
      %get3A_711 = arith.constant 16 : index
      %get3A_712 = tpu.vector_load %arg5[%get3A_710, %get3A_711] {strides = array<i32>} : memref<126x80xi32, #tpu.memory_space<vmem>>, vector<1x16xi32>,
      %get3A_713 = vector.shape_cast %get3A_712 : vector<1x16xi32> to vector<16xi32>
      %shift_right_logical3A_714 = arith.constant 14 : i32
      %shift_right_logical3A_715 = vector.broadcast %shift_right_logical3A_714 : i32 to vector<16xi32>
      %shift_right_logical3A_716 = arith.shrui %get3A_713, %shift_right_logical3A_715 : vector<16xi32>
      %swap3A_717 = arith.constant 16 : index
      %swap3A_718 = tpu.vector_load %arg10[%swap3A_717] {strides = array<i32>} : memref<80xi32, #tpu.memory_space<vmem>>, vector<16xi32>,
      %swap3A_719 = vector.shape_cast %swap3A_718 : vector<16xi32> to vector<16xi32>
      %swap3A_720 = vector.shape_cast %shift_right_logical3A_716 : vector<16xi32> to vector<16xi32>
      tpu.vector_store %arg10[%swap3A_717], %swap3A_720 {strides = array<i32>} : memref<80xi32, #tpu.memory_space<vmem>>, vector<16xi32>,
      %and3A_721 = arith.constant 16383 : i32
      %and3A_722 = vector.broadcast %and3A_721 : i32 to vector<16xi32>
      %and3A_723 = arith.andi %get3A_713, %and3A_722 : vector<16xi32>
      %swap3A_724 = arith.constant 16 : index
      %swap3A_725 = tpu.vector_load %arg11[%swap3A_724] {strides = array<i32>} : memref<80xi32, #tpu.memory_space<vmem>>, vector<16xi32>,
      %swap3A_726 = vector.shape_cast %swap3A_725 : vector<16xi32> to vector<16xi32>
      %swap3A_727 = vector.shape_cast %and3A_723 : vector<16xi32> to vector<16xi32>
      tpu.vector_store %arg11[%swap3A_724], %swap3A_727 {strides = array<i32>} : memref<80xi32, #tpu.memory_space<vmem>>, vector<16xi32>,
      %get3A_728 = arith.index_cast %add3A_691 : i32 to index
      %get3A_729 = arith.constant 32 : index
      %get3A_730 = tpu.vector_load %arg5[%get3A_728, %get3A_729] {strides = array<i32>} : memref<126x80xi32, #tpu.memory_space<vmem>>, vector<1x16xi32>,
      %get3A_731 = vector.shape_cast %get3A_730 : vector<1x16xi32> to vector<16xi32>
      %shift_right_logical3A_732 = arith.constant 14 : i32
      %shift_right_logical3A_733 = vector.broadcast %shift_right_logical3A_732 : i32 to vector<16xi32>
      %shift_right_logical3A_734 = arith.shrui %get3A_731, %shift_right_logical3A_733 : vector<16xi32>
      %swap3A_735 = arith.constant 32 : index
      %swap3A_736 = tpu.vector_load %arg10[%swap3A_735] {strides = array<i32>} : memref<80xi32, #tpu.memory_space<vmem>>, vector<16xi32>,
      %swap3A_737 = vector.shape_cast %swap3A_736 : vector<16xi32> to vector<16xi32>
      %swap3A_738 = vector.shape_cast %shift_right_logical3A_734 : vector<16xi32> to vector<16xi32>
      tpu.vector_store %arg10[%swap3A_735], %swap3A_738 {strides = array<i32>} : memref<80xi32, #tpu.memory_space<vmem>>, vector<16xi32>,
      %and3A_739 = arith.constant 16383 : i32
      %and3A_740 = vector.broadcast %and3A_739 : i32 to vector<16xi32>
      %and3A_741 = arith.andi %get3A_731, %and3A_740 : vector<16xi32>
      %swap3A_742 = arith.constant 32 : index
      %swap3A_743 = tpu.vector_load %arg11[%swap3A_742] {strides = array<i32>} : memref<80xi32, #tpu.memory_space<vmem>>, vector<16xi32>,
      %swap3A_744 = vector.shape_cast %swap3A_743 : vector<16xi32> to vector<16xi32>
      %swap3A_745 = vector.shape_cast %and3A_741 : vector<16xi32> to vector<16xi32>
      tpu.vector_store %arg11[%swap3A_742], %swap3A_745 {strides = array<i32>} : memref<80xi32, #tpu.memory_space<vmem>>, vector<16xi32>,
      %get3A_746 = arith.index_cast %add3A_691 : i32 to index
      %get3A_747 = arith.constant 48 : index
      %get3A_748 = tpu.vector_load %arg5[%get3A_746, %get3A_747] {strides = array<i32>} : memref<126x80xi32, #tpu.memory_space<vmem>>, vector<1x16xi32>,
      %get3A_749 = vector.shape_cast %get3A_748 : vector<1x16xi32> to vector<16xi32>
      %shift_right_logical3A_750 = arith.constant 14 : i32
      %shift_right_logical3A_751 = vector.broadcast %shift_right_logical3A_750 : i32 to vector<16xi32>
      %shift_right_logical3A_752 = arith.shrui %get3A_749, %shift_right_logical3A_751 : vector<16xi32>
      %swap3A_753 = arith.constant 48 : index
      %swap3A_754 = tpu.vector_load %arg10[%swap3A_753] {strides = array<i32>} : memref<80xi32, #tpu.memory_space<vmem>>, vector<16xi32>,
      %swap3A_755 = vector.shape_cast %swap3A_754 : vector<16xi32> to vector<16xi32>
      %swap3A_756 = vector.shape_cast %shift_right_logical3A_752 : vector<16xi32> to vector<16xi32>
      tpu.vector_store %arg10[%swap3A_753], %swap3A_756 {strides = array<i32>} : memref<80xi32, #tpu.memory_space<vmem>>, vector<16xi32>,
      %and3A_757 = arith.constant 16383 : i32
      %and3A_758 = vector.broadcast %and3A_757 : i32 to vector<16xi32>
      %and3A_759 = arith.andi %get3A_749, %and3A_758 : vector<16xi32>
      %swap3A_760 = arith.constant 48 : index
      %swap3A_761 = tpu.vector_load %arg11[%swap3A_760] {strides = array<i32>} : memref<80xi32, #tpu.memory_space<vmem>>, vector<16xi32>,
      %swap3A_762 = vector.shape_cast %swap3A_761 : vector<16xi32> to vector<16xi32>
      %swap3A_763 = vector.shape_cast %and3A_759 : vector<16xi32> to vector<16xi32>
      tpu.vector_store %arg11[%swap3A_760], %swap3A_763 {strides = array<i32>} : memref<80xi32, #tpu.memory_space<vmem>>, vector<16xi32>,
      %get3A_764 = arith.index_cast %add3A_691 : i32 to index
      %get3A_765 = arith.constant 64 : index
      %get3A_766 = tpu.vector_load %arg5[%get3A_764, %get3A_765] {strides = array<i32>} : memref<126x80xi32, #tpu.memory_space<vmem>>, vector<1x16xi32>,
      %get3A_767 = vector.shape_cast %get3A_766 : vector<1x16xi32> to vector<16xi32>
      %shift_right_logical3A_768 = arith.constant 14 : i32
      %shift_right_logical3A_769 = vector.broadcast %shift_right_logical3A_768 : i32 to vector<16xi32>
      %shift_right_logical3A_770 = arith.shrui %get3A_767, %shift_right_logical3A_769 : vector<16xi32>
      %swap3A_771 = arith.constant 64 : index
      %swap3A_772 = tpu.vector_load %arg10[%swap3A_771] {strides = array<i32>} : memref<80xi32, #tpu.memory_space<vmem>>, vector<16xi32>,
      %swap3A_773 = vector.shape_cast %swap3A_772 : vector<16xi32> to vector<16xi32>
      %swap3A_774 = vector.shape_cast %shift_right_logical3A_770 : vector<16xi32> to vector<16xi32>
      tpu.vector_store %arg10[%swap3A_771], %swap3A_774 {strides = array<i32>} : memref<80xi32, #tpu.memory_space<vmem>>, vector<16xi32>,
      %and3A_775 = arith.constant 16383 : i32
      %and3A_776 = vector.broadcast %and3A_775 : i32 to vector<16xi32>
      %and3A_777 = arith.andi %get3A_767, %and3A_776 : vector<16xi32>
      %swap3A_778 = arith.constant 64 : index
      %swap3A_779 = tpu.vector_load %arg11[%swap3A_778] {strides = array<i32>} : memref<80xi32, #tpu.memory_space<vmem>>, vector<16xi32>,
      %swap3A_780 = vector.shape_cast %swap3A_779 : vector<16xi32> to vector<16xi32>
      %swap3A_781 = vector.shape_cast %and3A_777 : vector<16xi32> to vector<16xi32>
      tpu.vector_store %arg11[%swap3A_778], %swap3A_781 {strides = array<i32>} : memref<80xi32, #tpu.memory_space<vmem>>, vector<16xi32>,
      %dma_start3A_782 = arith.constant 0 : i32
      %dma_start3A_783 = arith.constant 0 : i32
      %dma_start3A_784 = tpu.memref_slice %arg2[%dma_start3A_782, %dma_start3A_783] : memref<10240x128xf32, #tpu.memory_space<hbm>> -> memref<10240x128xf32, #tpu.memory_space<hbm>>
      tpu.enqueue_indirect_dma source(%dma_start3A_784 : memref<10240x128xf32, #tpu.memory_space<hbm>>) target(%arg14 : memref<80x128xf32, #tpu.memory_space<vmem>>) offsets(%arg10 : memref<80xi32, #tpu.memory_space<vmem>>) semaphore(%arg18 : memref<!tpu.dma_semaphore, #tpu.memory_space<semaphore_mem>>)
    }
    %scan3A_306 = arith.constant 41 : i32
    %dma_wait3A = arith.constant 0 : i32
    %dma_wait3A_307 = arith.constant 0 : i32
    %dma_wait3A_308 = tpu.memref_slice %arg2[%dma_wait3A, %dma_wait3A_307] : memref<10240x128xf32, #tpu.memory_space<hbm>> -> memref<10240x128xf32, #tpu.memory_space<hbm>>
    tpu.wait_indirect_dma semaphore(%arg16 : memref<!tpu.dma_semaphore, #tpu.memory_space<semaphore_mem>>) src(%dma_wait3A_308 : memref<10240x128xf32, #tpu.memory_space<hbm>>) dst(%arg12 : memref<80x128xf32, #tpu.memory_space<vmem>>)
    %dma_start3A_309 = arith.constant 0 : i32
    %dma_start3A_310 = arith.constant 0 : i32
    %dma_start3A_311 = tpu.memref_slice %arg22[%dma_start3A_309, %dma_start3A_310] : memref<10240x128xf32, #tpu.memory_space<vmem_shared>> -> memref<10240x128xf32, #tpu.memory_space<vmem_shared>>
    tpu.enqueue_indirect_dma source(%arg12 : memref<80x128xf32, #tpu.memory_space<vmem>>) target(%dma_start3A_311 : memref<10240x128xf32, #tpu.memory_space<vmem_shared>>) offsets(%arg7 : memref<80xi32, #tpu.memory_space<vmem>>) semaphore(%arg19 : memref<!tpu.dma_semaphore, #tpu.memory_space<semaphore_mem>>) {add = true}
    %dma_wait3A_312 = arith.constant 0 : i32
    %dma_wait3A_313 = arith.constant 0 : i32
    %dma_wait3A_314 = tpu.memref_slice %arg2[%dma_wait3A_312, %dma_wait3A_313] : memref<10240x128xf32, #tpu.memory_space<hbm>> -> memref<10240x128xf32, #tpu.memory_space<hbm>>
    tpu.wait_indirect_dma semaphore(%arg17 : memref<!tpu.dma_semaphore, #tpu.memory_space<semaphore_mem>>) src(%dma_wait3A_314 : memref<10240x128xf32, #tpu.memory_space<hbm>>) dst(%arg13 : memref<80x128xf32, #tpu.memory_space<vmem>>)
    %dma_start3A_315 = arith.constant 0 : i32
    %dma_start3A_316 = arith.constant 0 : i32
    %dma_start3A_317 = tpu.memref_slice %arg22[%dma_start3A_315, %dma_start3A_316] : memref<10240x128xf32, #tpu.memory_space<vmem_shared>> -> memref<10240x128xf32, #tpu.memory_space<vmem_shared>>
    tpu.enqueue_indirect_dma source(%arg13 : memref<80x128xf32, #tpu.memory_space<vmem>>) target(%dma_start3A_317 : memref<10240x128xf32, #tpu.memory_space<vmem_shared>>) offsets(%arg9 : memref<80xi32, #tpu.memory_space<vmem>>) semaphore(%arg20 : memref<!tpu.dma_semaphore, #tpu.memory_space<semaphore_mem>>) {add = true}
    %dma_wait3A_318 = arith.constant 0 : i32
    %dma_wait3A_319 = arith.constant 0 : i32
    %dma_wait3A_320 = tpu.memref_slice %arg2[%dma_wait3A_318, %dma_wait3A_319] : memref<10240x128xf32, #tpu.memory_space<hbm>> -> memref<10240x128xf32, #tpu.memory_space<hbm>>
    tpu.wait_indirect_dma semaphore(%arg18 : memref<!tpu.dma_semaphore, #tpu.memory_space<semaphore_mem>>) src(%dma_wait3A_320 : memref<10240x128xf32, #tpu.memory_space<hbm>>) dst(%arg14 : memref<80x128xf32, #tpu.memory_space<vmem>>)
    %dma_start3A_321 = arith.constant 0 : i32
    %dma_start3A_322 = arith.constant 0 : i32
    %dma_start3A_323 = tpu.memref_slice %arg22[%dma_start3A_321, %dma_start3A_322] : memref<10240x128xf32, #tpu.memory_space<vmem_shared>> -> memref<10240x128xf32, #tpu.memory_space<vmem_shared>>
    tpu.enqueue_indirect_dma source(%arg14 : memref<80x128xf32, #tpu.memory_space<vmem>>) target(%dma_start3A_323 : memref<10240x128xf32, #tpu.memory_space<vmem_shared>>) offsets(%arg11 : memref<80xi32, #tpu.memory_space<vmem>>) semaphore(%arg21 : memref<!tpu.dma_semaphore, #tpu.memory_space<semaphore_mem>>) {add = true}
    %dma_wait3A_324 = arith.constant 0 : i32
    %dma_wait3A_325 = arith.constant 0 : i32
    %dma_wait3A_326 = tpu.memref_slice %arg22[%dma_wait3A_324, %dma_wait3A_325] : memref<10240x128xf32, #tpu.memory_space<vmem_shared>> -> memref<10240x128xf32, #tpu.memory_space<vmem_shared>>
    tpu.wait_indirect_dma semaphore(%arg19 : memref<!tpu.dma_semaphore, #tpu.memory_space<semaphore_mem>>) src(%arg12 : memref<80x128xf32, #tpu.memory_space<vmem>>) dst(%dma_wait3A_326 : memref<10240x128xf32, #tpu.memory_space<vmem_shared>>)
    %dma_wait3A_327 = arith.constant 0 : i32
    %dma_wait3A_328 = arith.constant 0 : i32
    %dma_wait3A_329 = tpu.memref_slice %arg22[%dma_wait3A_327, %dma_wait3A_328] : memref<10240x128xf32, #tpu.memory_space<vmem_shared>> -> memref<10240x128xf32, #tpu.memory_space<vmem_shared>>
    tpu.wait_indirect_dma semaphore(%arg20 : memref<!tpu.dma_semaphore, #tpu.memory_space<semaphore_mem>>) src(%arg13 : memref<80x128xf32, #tpu.memory_space<vmem>>) dst(%dma_wait3A_329 : memref<10240x128xf32, #tpu.memory_space<vmem_shared>>)
    %dma_wait3A_330 = arith.constant 0 : i32
    %dma_wait3A_331 = arith.constant 0 : i32
    %dma_wait3A_332 = tpu.memref_slice %arg22[%dma_wait3A_330, %dma_wait3A_331] : memref<10240x128xf32, #tpu.memory_space<vmem_shared>> -> memref<10240x128xf32, #tpu.memory_space<vmem_shared>>
    tpu.wait_indirect_dma semaphore(%arg21 : memref<!tpu.dma_semaphore, #tpu.memory_space<semaphore_mem>>) src(%arg14 : memref<80x128xf32, #tpu.memory_space<vmem>>) dst(%dma_wait3A_332 : memref<10240x128xf32, #tpu.memory_space<vmem_shared>>)
    %barrier3A_333 = arith.constant 0 : index
    tpu.barrier barrier_id(%barrier3A_333)
    %mul3A_334 = arith.constant 640 : i32
    %mul3A_335 = arith.muli %arg1, %mul3A_334 : i32
    %add3A_336 = arith.constant 0 : i32
    %add3A_337 = arith.addi %mul3A_335, %add3A_336 : i32
    %mul3A_338 = arith.constant 640 : i32
    %mul3A_339 = arith.muli %arg1, %mul3A_338 : i32
    %add3A_340 = arith.constant 0 : i32
    %add3A_341 = arith.addi %mul3A_339, %add3A_340 : i32
    %dma_start3A_342 = arith.constant 0 : i32
    %dma_start3A_343 = tpu.memref_slice %arg4[%arg0, %add3A_341, %dma_start3A_342] : memref<2x10240x128xf32, #tpu.memory_space<hbm>> -> memref<1x128x128xf32, #tpu.memory_space<hbm>>
    %dma_start3A_344 = tpu.memref_squeeze %dma_start3A_343 : memref<1x128x128xf32, #tpu.memory_space<hbm>> -> memref<128x128xf32, #tpu.memory_space<hbm>>
    %dma_start3A_345 = arith.constant 0 : i32
    %dma_start3A_346 = tpu.memref_slice %arg22[%add3A_337, %dma_start3A_345] : memref<10240x128xf32, #tpu.memory_space<vmem_shared>> -> memref<128x128xf32, #tpu.memory_space<vmem_shared>>
    tpu.enqueue_dma source(%dma_start3A_346 : memref<128x128xf32, #tpu.memory_space<vmem_shared>>) target(%dma_start3A_344 : memref<128x128xf32, #tpu.memory_space<hbm>>) target_semaphore(%arg16 : memref<!tpu.dma_semaphore, #tpu.memory_space<semaphore_mem>>)
    %mul3A_347 = arith.constant 640 : i32
    %mul3A_348 = arith.muli %arg1, %mul3A_347 : i32
    %add3A_349 = arith.constant 128 : i32
    %add3A_350 = arith.addi %mul3A_348, %add3A_349 : i32
    %mul3A_351 = arith.constant 640 : i32
    %mul3A_352 = arith.muli %arg1, %mul3A_351 : i32
    %add3A_353 = arith.constant 128 : i32
    %add3A_354 = arith.addi %mul3A_352, %add3A_353 : i32
    %dma_start3A_355 = arith.constant 0 : i32
    %dma_start3A_356 = tpu.memref_slice %arg4[%arg0, %add3A_354, %dma_start3A_355] : memref<2x10240x128xf32, #tpu.memory_space<hbm>> -> memref<1x128x128xf32, #tpu.memory_space<hbm>>
    %dma_start3A_357 = tpu.memref_squeeze %dma_start3A_356 : memref<1x128x128xf32, #tpu.memory_space<hbm>> -> memref<128x128xf32, #tpu.memory_space<hbm>>
    %dma_start3A_358 = arith.constant 0 : i32
    %dma_start3A_359 = tpu.memref_slice %arg22[%add3A_350, %dma_start3A_358] : memref<10240x128xf32, #tpu.memory_space<vmem_shared>> -> memref<128x128xf32, #tpu.memory_space<vmem_shared>>
    tpu.enqueue_dma source(%dma_start3A_359 : memref<128x128xf32, #tpu.memory_space<vmem_shared>>) target(%dma_start3A_357 : memref<128x128xf32, #tpu.memory_space<hbm>>) target_semaphore(%arg16 : memref<!tpu.dma_semaphore, #tpu.memory_space<semaphore_mem>>)
    %mul3A_360 = arith.constant 640 : i32
    %mul3A_361 = arith.muli %arg1, %mul3A_360 : i32
    %add3A_362 = arith.constant 256 : i32
    %add3A_363 = arith.addi %mul3A_361, %add3A_362 : i32
    %mul3A_364 = arith.constant 640 : i32
    %mul3A_365 = arith.muli %arg1, %mul3A_364 : i32
    %add3A_366 = arith.constant 256 : i32
    %add3A_367 = arith.addi %mul3A_365, %add3A_366 : i32
    %dma_start3A_368 = arith.constant 0 : i32
    %dma_start3A_369 = tpu.memref_slice %arg4[%arg0, %add3A_367, %dma_start3A_368] : memref<2x10240x128xf32, #tpu.memory_space<hbm>> -> memref<1x128x128xf32, #tpu.memory_space<hbm>>
    %dma_start3A_370 = tpu.memref_squeeze %dma_start3A_369 : memref<1x128x128xf32, #tpu.memory_space<hbm>> -> memref<128x128xf32, #tpu.memory_space<hbm>>
    %dma_start3A_371 = arith.constant 0 : i32
    %dma_start3A_372 = tpu.memref_slice %arg22[%add3A_363, %dma_start3A_371] : memref<10240x128xf32, #tpu.memory_space<vmem_shared>> -> memref<128x128xf32, #tpu.memory_space<vmem_shared>>
    tpu.enqueue_dma source(%dma_start3A_372 : memref<128x128xf32, #tpu.memory_space<vmem_shared>>) target(%dma_start3A_370 : memref<128x128xf32, #tpu.memory_space<hbm>>) target_semaphore(%arg16 : memref<!tpu.dma_semaphore, #tpu.memory_space<semaphore_mem>>)
    %mul3A_373 = arith.constant 640 : i32
    %mul3A_374 = arith.muli %arg1, %mul3A_373 : i32
    %add3A_375 = arith.constant 384 : i32
    %add3A_376 = arith.addi %mul3A_374, %add3A_375 : i32
    %mul3A_377 = arith.constant 640 : i32
    %mul3A_378 = arith.muli %arg1, %mul3A_377 : i32
    %add3A_379 = arith.constant 384 : i32
    %add3A_380 = arith.addi %mul3A_378, %add3A_379 : i32
    %dma_start3A_381 = arith.constant 0 : i32
    %dma_start3A_382 = tpu.memref_slice %arg4[%arg0, %add3A_380, %dma_start3A_381] : memref<2x10240x128xf32, #tpu.memory_space<hbm>> -> memref<1x128x128xf32, #tpu.memory_space<hbm>>
    %dma_start3A_383 = tpu.memref_squeeze %dma_start3A_382 : memref<1x128x128xf32, #tpu.memory_space<hbm>> -> memref<128x128xf32, #tpu.memory_space<hbm>>
    %dma_start3A_384 = arith.constant 0 : i32
    %dma_start3A_385 = tpu.memref_slice %arg22[%add3A_376, %dma_start3A_384] : memref<10240x128xf32, #tpu.memory_space<vmem_shared>> -> memref<128x128xf32, #tpu.memory_space<vmem_shared>>
    tpu.enqueue_dma source(%dma_start3A_385 : memref<128x128xf32, #tpu.memory_space<vmem_shared>>) target(%dma_start3A_383 : memref<128x128xf32, #tpu.memory_space<hbm>>) target_semaphore(%arg16 : memref<!tpu.dma_semaphore, #tpu.memory_space<semaphore_mem>>)
    %mul3A_386 = arith.constant 640 : i32
    %mul3A_387 = arith.muli %arg1, %mul3A_386 : i32
    %add3A_388 = arith.constant 512 : i32
    %add3A_389 = arith.addi %mul3A_387, %add3A_388 : i32
    %mul3A_390 = arith.constant 640 : i32
    %mul3A_391 = arith.muli %arg1, %mul3A_390 : i32
    %add3A_392 = arith.constant 512 : i32
    %add3A_393 = arith.addi %mul3A_391, %add3A_392 : i32
    %dma_start3A_394 = arith.constant 0 : i32
    %dma_start3A_395 = tpu.memref_slice %arg4[%arg0, %add3A_393, %dma_start3A_394] : memref<2x10240x128xf32, #tpu.memory_space<hbm>> -> memref<1x128x128xf32, #tpu.memory_space<hbm>>
    %dma_start3A_396 = tpu.memref_squeeze %dma_start3A_395 : memref<1x128x128xf32, #tpu.memory_space<hbm>> -> memref<128x128xf32, #tpu.memory_space<hbm>>
    %dma_start3A_397 = arith.constant 0 : i32
    %dma_start3A_398 = tpu.memref_slice %arg22[%add3A_389, %dma_start3A_397] : memref<10240x128xf32, #tpu.memory_space<vmem_shared>> -> memref<128x128xf32, #tpu.memory_space<vmem_shared>>
    tpu.enqueue_dma source(%dma_start3A_398 : memref<128x128xf32, #tpu.memory_space<vmem_shared>>) target(%dma_start3A_396 : memref<128x128xf32, #tpu.memory_space<hbm>>) target_semaphore(%arg16 : memref<!tpu.dma_semaphore, #tpu.memory_space<semaphore_mem>>)
    %mul3A_399 = arith.constant 640 : i32
    %mul3A_400 = arith.muli %arg1, %mul3A_399 : i32
    %add3A_401 = arith.constant 0 : i32
    %add3A_402 = arith.addi %mul3A_400, %add3A_401 : i32
    %mul3A_403 = arith.constant 640 : i32
    %mul3A_404 = arith.muli %arg1, %mul3A_403 : i32
    %add3A_405 = arith.constant 0 : i32
    %add3A_406 = arith.addi %mul3A_404, %add3A_405 : i32
    %dma_wait3A_407 = arith.constant 0 : i32
    %dma_wait3A_408 = tpu.memref_slice %arg4[%arg0, %add3A_406, %dma_wait3A_407] : memref<2x10240x128xf32, #tpu.memory_space<hbm>> -> memref<1x128x128xf32, #tpu.memory_space<hbm>>
    %dma_wait3A_409 = tpu.memref_squeeze %dma_wait3A_408 : memref<1x128x128xf32, #tpu.memory_space<hbm>> -> memref<128x128xf32, #tpu.memory_space<hbm>>
    %dma_wait3A_410 = arith.constant 0 : i32
    %dma_wait3A_411 = tpu.memref_slice %arg22[%add3A_402, %dma_wait3A_410] : memref<10240x128xf32, #tpu.memory_space<vmem_shared>> -> memref<128x128xf32, #tpu.memory_space<vmem_shared>>
    tpu.wait_dma2 semaphore(%arg16 : memref<!tpu.dma_semaphore, #tpu.memory_space<semaphore_mem>>) src(%dma_wait3A_411 : memref<128x128xf32, #tpu.memory_space<vmem_shared>>) dst(%dma_wait3A_409 : memref<128x128xf32, #tpu.memory_space<hbm>>)
    %mul3A_412 = arith.constant 640 : i32
    %mul3A_413 = arith.muli %arg1, %mul3A_412 : i32
    %add3A_414 = arith.constant 128 : i32
    %add3A_415 = arith.addi %mul3A_413, %add3A_414 : i32
    %mul3A_416 = arith.constant 640 : i32
    %mul3A_417 = arith.muli %arg1, %mul3A_416 : i32
    %add3A_418 = arith.constant 128 : i32
    %add3A_419 = arith.addi %mul3A_417, %add3A_418 : i32
    %dma_wait3A_420 = arith.constant 0 : i32
    %dma_wait3A_421 = tpu.memref_slice %arg4[%arg0, %add3A_419, %dma_wait3A_420] : memref<2x10240x128xf32, #tpu.memory_space<hbm>> -> memref<1x128x128xf32, #tpu.memory_space<hbm>>
    %dma_wait3A_422 = tpu.memref_squeeze %dma_wait3A_421 : memref<1x128x128xf32, #tpu.memory_space<hbm>> -> memref<128x128xf32, #tpu.memory_space<hbm>>
    %dma_wait3A_423 = arith.constant 0 : i32
    %dma_wait3A_424 = tpu.memref_slice %arg22[%add3A_415, %dma_wait3A_423] : memref<10240x128xf32, #tpu.memory_space<vmem_shared>> -> memref<128x128xf32, #tpu.memory_space<vmem_shared>>
    tpu.wait_dma2 semaphore(%arg16 : memref<!tpu.dma_semaphore, #tpu.memory_space<semaphore_mem>>) src(%dma_wait3A_424 : memref<128x128xf32, #tpu.memory_space<vmem_shared>>) dst(%dma_wait3A_422 : memref<128x128xf32, #tpu.memory_space<hbm>>)
    %mul3A_425 = arith.constant 640 : i32
    %mul3A_426 = arith.muli %arg1, %mul3A_425 : i32
    %add3A_427 = arith.constant 256 : i32
    %add3A_428 = arith.addi %mul3A_426, %add3A_427 : i32
    %mul3A_429 = arith.constant 640 : i32
    %mul3A_430 = arith.muli %arg1, %mul3A_429 : i32
    %add3A_431 = arith.constant 256 : i32
    %add3A_432 = arith.addi %mul3A_430, %add3A_431 : i32
    %dma_wait3A_433 = arith.constant 0 : i32
    %dma_wait3A_434 = tpu.memref_slice %arg4[%arg0, %add3A_432, %dma_wait3A_433] : memref<2x10240x128xf32, #tpu.memory_space<hbm>> -> memref<1x128x128xf32, #tpu.memory_space<hbm>>
    %dma_wait3A_435 = tpu.memref_squeeze %dma_wait3A_434 : memref<1x128x128xf32, #tpu.memory_space<hbm>> -> memref<128x128xf32, #tpu.memory_space<hbm>>
    %dma_wait3A_436 = arith.constant 0 : i32
    %dma_wait3A_437 = tpu.memref_slice %arg22[%add3A_428, %dma_wait3A_436] : memref<10240x128xf32, #tpu.memory_space<vmem_shared>> -> memref<128x128xf32, #tpu.memory_space<vmem_shared>>
    tpu.wait_dma2 semaphore(%arg16 : memref<!tpu.dma_semaphore, #tpu.memory_space<semaphore_mem>>) src(%dma_wait3A_437 : memref<128x128xf32, #tpu.memory_space<vmem_shared>>) dst(%dma_wait3A_435 : memref<128x128xf32, #tpu.memory_space<hbm>>)
    %mul3A_438 = arith.constant 640 : i32
    %mul3A_439 = arith.muli %arg1, %mul3A_438 : i32
    %add3A_440 = arith.constant 384 : i32
    %add3A_441 = arith.addi %mul3A_439, %add3A_440 : i32
    %mul3A_442 = arith.constant 640 : i32
    %mul3A_443 = arith.muli %arg1, %mul3A_442 : i32
    %add3A_444 = arith.constant 384 : i32
    %add3A_445 = arith.addi %mul3A_443, %add3A_444 : i32
    %dma_wait3A_446 = arith.constant 0 : i32
    %dma_wait3A_447 = tpu.memref_slice %arg4[%arg0, %add3A_445, %dma_wait3A_446] : memref<2x10240x128xf32, #tpu.memory_space<hbm>> -> memref<1x128x128xf32, #tpu.memory_space<hbm>>
    %dma_wait3A_448 = tpu.memref_squeeze %dma_wait3A_447 : memref<1x128x128xf32, #tpu.memory_space<hbm>> -> memref<128x128xf32, #tpu.memory_space<hbm>>
    %dma_wait3A_449 = arith.constant 0 : i32
    %dma_wait3A_450 = tpu.memref_slice %arg22[%add3A_441, %dma_wait3A_449] : memref<10240x128xf32, #tpu.memory_space<vmem_shared>> -> memref<128x128xf32, #tpu.memory_space<vmem_shared>>
    tpu.wait_dma2 semaphore(%arg16 : memref<!tpu.dma_semaphore, #tpu.memory_space<semaphore_mem>>) src(%dma_wait3A_450 : memref<128x128xf32, #tpu.memory_space<vmem_shared>>) dst(%dma_wait3A_448 : memref<128x128xf32, #tpu.memory_space<hbm>>)
    %mul3A_451 = arith.constant 640 : i32
    %mul3A_452 = arith.muli %arg1, %mul3A_451 : i32
    %add3A_453 = arith.constant 512 : i32
    %add3A_454 = arith.addi %mul3A_452, %add3A_453 : i32
    %mul3A_455 = arith.constant 640 : i32
    %mul3A_456 = arith.muli %arg1, %mul3A_455 : i32
    %add3A_457 = arith.constant 512 : i32
    %add3A_458 = arith.addi %mul3A_456, %add3A_457 : i32
    %dma_wait3A_459 = arith.constant 0 : i32
    %dma_wait3A_460 = tpu.memref_slice %arg4[%arg0, %add3A_458, %dma_wait3A_459] : memref<2x10240x128xf32, #tpu.memory_space<hbm>> -> memref<1x128x128xf32, #tpu.memory_space<hbm>>
    %dma_wait3A_461 = tpu.memref_squeeze %dma_wait3A_460 : memref<1x128x128xf32, #tpu.memory_space<hbm>> -> memref<128x128xf32, #tpu.memory_space<hbm>>
    %dma_wait3A_462 = arith.constant 0 : i32
    %dma_wait3A_463 = tpu.memref_slice %arg22[%add3A_454, %dma_wait3A_462] : memref<10240x128xf32, #tpu.memory_space<vmem_shared>> -> memref<128x128xf32, #tpu.memory_space<vmem_shared>>
    tpu.wait_dma2 semaphore(%arg16 : memref<!tpu.dma_semaphore, #tpu.memory_space<semaphore_mem>>) src(%dma_wait3A_463 : memref<128x128xf32, #tpu.memory_space<vmem_shared>>) dst(%dma_wait3A_461 : memref<128x128xf32, #tpu.memory_space<hbm>>)
    return
  }
}

module attributes {stable_mosaic.version = 14 : i64} {
  func.func @_tc_u0_body(%arg0: i32, %arg1: memref<2x2048x1xf32, #tpu.memory_space<vmem>>, %arg2: memref<2048x128xf32, #tpu.memory_space<vmem>>, %arg3: memref<2048x128xf32, #tpu.memory_space<vmem>>) attributes {dimension_semantics = [#tpu.dimension_semantics<arbitrary>], iteration_bounds = array<i64: 5>, scalar_prefetch = 0 : i64, scratch_operands = 0 : i64, tpu.core_type = #tpu.core_type<tc>, window_params = [{transform_indices = @transform_0, window_bounds = array<i64: 2, 2048, 1>}, {transform_indices = @transform_1, window_bounds = array<i64: 2048, 128>}, {transform_indices = @transform_2, window_bounds = array<i64: 2048, 128>}]} {
    %get3A = arith.constant 0 : index
    %get3A_0 = arith.constant 0 : index
    %get3A_1 = arith.constant 0 : index
    %get3A_2 = vector.load %arg1[%get3A, %get3A_0, %get3A_1] : memref<2x2048x1xf32, #tpu.memory_space<vmem>>, vector<1x2048x1xf32>
    %get3A_3 = vector.shape_cast %get3A_2 : vector<1x2048x1xf32> to vector<2048x1xf32>
    %get3A_4 = arith.constant 1 : index
    %get3A_5 = arith.constant 0 : index
    %get3A_6 = arith.constant 0 : index
    %get3A_7 = vector.load %arg1[%get3A_4, %get3A_5, %get3A_6] : memref<2x2048x1xf32, #tpu.memory_space<vmem>>, vector<1x2048x1xf32>
    %get3A_8 = vector.shape_cast %get3A_7 : vector<1x2048x1xf32> to vector<2048x1xf32>
    %add3A = arith.addf %get3A_3, %get3A_8 : vector<2048x1xf32>
    %gt3A = arith.constant 0.000000e+00 : f32
    %gt3A_9 = vector.broadcast %gt3A : f32 to vector<2048x1xf32>
    %gt3A_10 = arith.cmpf ogt, %add3A, %gt3A_9 : vector<2048x1xf32>
    %rsqrt3A = math.rsqrt %add3A : vector<2048x1xf32>
    %jit3A = arith.constant 0.000000e+00 : f32
    %broadcast_in_dim3A = vector.broadcast %jit3A : f32 to vector<2048x1xf32>
    %select_n3A = arith.select %gt3A_10, %rsqrt3A, %broadcast_in_dim3A : vector<2048x1xi1>, vector<2048x1xf32>
    %get3A_11 = arith.constant 0 : index
    %get3A_12 = arith.constant 0 : index
    %get3A_13 = vector.load %arg2[%get3A_11, %get3A_12] : memref<2048x128xf32, #tpu.memory_space<vmem>>, vector<2048x128xf32>
    %mul3A = vector.broadcast %select_n3A : vector<2048x1xf32> to vector<2048x128xf32>
    %mul3A_14 = arith.mulf %get3A_13, %mul3A : vector<2048x128xf32>
    %swap3A = arith.constant 0 : index
    %swap3A_15 = arith.constant 0 : index
    %swap3A_16 = vector.load %arg3[%swap3A, %swap3A_15] : memref<2048x128xf32, #tpu.memory_space<vmem>>, vector<2048x128xf32>
    tpu.vector_store %arg3[%swap3A, %swap3A_15], %mul3A_14 {strides = array<i32>} : memref<2048x128xf32, #tpu.memory_space<vmem>>, vector<2048x128xf32>,
    return
  }
  func.func @transform_0(%arg0: i32) -> (i32, i32, i32) {
    %c0_i32 = arith.constant 0 : i32
    %c0_i32_0 = arith.constant 0 : i32
    %c0_i32_1 = arith.constant 0 : i32
    return %c0_i32, %arg0, %c0_i32_0 : i32, i32, i32
  }
  func.func @transform_1(%arg0: i32) -> (i32, i32) {
    %c0_i32 = arith.constant 0 : i32
    %c0_i32_0 = arith.constant 0 : i32
    return %arg0, %c0_i32 : i32, i32
  }
  func.func @transform_2(%arg0: i32) -> (i32, i32) {
    %c0_i32 = arith.constant 0 : i32
    %c0_i32_0 = arith.constant 0 : i32
    return %arg0, %c0_i32 : i32, i32
  }
}

module attributes {stable_mosaic.version = 14 : i64} {
  func.func @_tc_u1_body(%arg0: i32, %arg1: memref<2x2048x1xf32, #tpu.memory_space<vmem>>, %arg2: memref<2x2048x128xf32, #tpu.memory_space<vmem>>, %arg3: memref<2048x128xf32, #tpu.memory_space<vmem>>) attributes {dimension_semantics = [#tpu.dimension_semantics<arbitrary>], iteration_bounds = array<i64: 5>, scalar_prefetch = 0 : i64, scratch_operands = 0 : i64, tpu.core_type = #tpu.core_type<tc>, window_params = [{transform_indices = @transform_0, window_bounds = array<i64: 2, 2048, 1>}, {transform_indices = @transform_1, window_bounds = array<i64: 2, 2048, 128>}, {transform_indices = @transform_2, window_bounds = array<i64: 2048, 128>}]} {
    %get3A = arith.constant 0 : index
    %get3A_0 = arith.constant 0 : index
    %get3A_1 = arith.constant 0 : index
    %get3A_2 = vector.load %arg2[%get3A, %get3A_0, %get3A_1] : memref<2x2048x128xf32, #tpu.memory_space<vmem>>, vector<1x2048x128xf32>
    %get3A_3 = vector.shape_cast %get3A_2 : vector<1x2048x128xf32> to vector<2048x128xf32>
    %get3A_4 = arith.constant 1 : index
    %get3A_5 = arith.constant 0 : index
    %get3A_6 = arith.constant 0 : index
    %get3A_7 = vector.load %arg2[%get3A_4, %get3A_5, %get3A_6] : memref<2x2048x128xf32, #tpu.memory_space<vmem>>, vector<1x2048x128xf32>
    %get3A_8 = vector.shape_cast %get3A_7 : vector<1x2048x128xf32> to vector<2048x128xf32>
    %add3A = arith.addf %get3A_3, %get3A_8 : vector<2048x128xf32>
    %get3A_9 = arith.constant 0 : index
    %get3A_10 = arith.constant 0 : index
    %get3A_11 = arith.constant 0 : index
    %get3A_12 = vector.load %arg1[%get3A_9, %get3A_10, %get3A_11] : memref<2x2048x1xf32, #tpu.memory_space<vmem>>, vector<1x2048x1xf32>
    %get3A_13 = vector.shape_cast %get3A_12 : vector<1x2048x1xf32> to vector<2048x1xf32>
    %get3A_14 = arith.constant 1 : index
    %get3A_15 = arith.constant 0 : index
    %get3A_16 = arith.constant 0 : index
    %get3A_17 = vector.load %arg1[%get3A_14, %get3A_15, %get3A_16] : memref<2x2048x1xf32, #tpu.memory_space<vmem>>, vector<1x2048x1xf32>
    %get3A_18 = vector.shape_cast %get3A_17 : vector<1x2048x1xf32> to vector<2048x1xf32>
    %add3A_19 = arith.addf %get3A_13, %get3A_18 : vector<2048x1xf32>
    %gt3A = arith.constant 0.000000e+00 : f32
    %gt3A_20 = vector.broadcast %gt3A : f32 to vector<2048x1xf32>
    %gt3A_21 = arith.cmpf ogt, %add3A_19, %gt3A_20 : vector<2048x1xf32>
    %div3A = arith.constant 1.000000e+00 : f32
    %div3A_22 = vector.broadcast %div3A : f32 to vector<2048x1xf32>
    %div3A_23 = arith.divf %div3A_22, %add3A_19 : vector<2048x1xf32>
    %jit3A = arith.constant 0.000000e+00 : f32
    %broadcast_in_dim3A = vector.broadcast %jit3A : f32 to vector<2048x1xf32>
    %select_n3A = arith.select %gt3A_21, %div3A_23, %broadcast_in_dim3A : vector<2048x1xi1>, vector<2048x1xf32>
    %mul3A = vector.broadcast %select_n3A : vector<2048x1xf32> to vector<2048x128xf32>
    %mul3A_24 = arith.mulf %add3A, %mul3A : vector<2048x128xf32>
    %swap3A = arith.constant 0 : index
    %swap3A_25 = arith.constant 0 : index
    %swap3A_26 = vector.load %arg3[%swap3A, %swap3A_25] : memref<2048x128xf32, #tpu.memory_space<vmem>>, vector<2048x128xf32>
    tpu.vector_store %arg3[%swap3A, %swap3A_25], %mul3A_24 {strides = array<i32>} : memref<2048x128xf32, #tpu.memory_space<vmem>>, vector<2048x128xf32>,
    return
  }
  func.func @transform_0(%arg0: i32) -> (i32, i32, i32) {
    %c0_i32 = arith.constant 0 : i32
    %c0_i32_0 = arith.constant 0 : i32
    %c0_i32_1 = arith.constant 0 : i32
    return %c0_i32, %arg0, %c0_i32_0 : i32, i32, i32
  }
  func.func @transform_1(%arg0: i32) -> (i32, i32, i32) {
    %c0_i32 = arith.constant 0 : i32
    %c0_i32_0 = arith.constant 0 : i32
    %c0_i32_1 = arith.constant 0 : i32
    return %c0_i32, %arg0, %c0_i32_0 : i32, i32, i32
  }
  func.func @transform_2(%arg0: i32) -> (i32, i32) {
    %c0_i32 = arith.constant 0 : i32
    %c0_i32_0 = arith.constant 0 : i32
    return %arg0, %c0_i32 : i32, i32
  }
}

module attributes {stable_mosaic.version = 14 : i64} {
  func.func @_tc_out_body(%arg0: i32, %arg1: memref<2x2048x1xf32, #tpu.memory_space<vmem>>, %arg2: memref<2048x128xf32, #tpu.memory_space<vmem>>, %arg3: memref<2x2048x128xf32, #tpu.memory_space<vmem>>, %arg4: memref<2x2048x128xf32, #tpu.memory_space<vmem>>, %arg5: memref<2048x128xf32, #tpu.memory_space<vmem>>) attributes {dimension_semantics = [#tpu.dimension_semantics<arbitrary>], iteration_bounds = array<i64: 5>, scalar_prefetch = 0 : i64, scratch_operands = 0 : i64, tpu.core_type = #tpu.core_type<tc>, window_params = [{transform_indices = @transform_0, window_bounds = array<i64: 2, 2048, 1>}, {transform_indices = @transform_1, window_bounds = array<i64: 2048, 128>}, {transform_indices = @transform_2, window_bounds = array<i64: 2, 2048, 128>}, {transform_indices = @transform_3, window_bounds = array<i64: 2, 2048, 128>}, {transform_indices = @transform_4, window_bounds = array<i64: 2048, 128>}]} {
    %get3A = arith.constant 0 : index
    %get3A_0 = arith.constant 0 : index
    %get3A_1 = arith.constant 0 : index
    %get3A_2 = vector.load %arg3[%get3A, %get3A_0, %get3A_1] : memref<2x2048x128xf32, #tpu.memory_space<vmem>>, vector<1x2048x128xf32>
    %get3A_3 = vector.shape_cast %get3A_2 : vector<1x2048x128xf32> to vector<2048x128xf32>
    %get3A_4 = arith.constant 1 : index
    %get3A_5 = arith.constant 0 : index
    %get3A_6 = arith.constant 0 : index
    %get3A_7 = vector.load %arg3[%get3A_4, %get3A_5, %get3A_6] : memref<2x2048x128xf32, #tpu.memory_space<vmem>>, vector<1x2048x128xf32>
    %get3A_8 = vector.shape_cast %get3A_7 : vector<1x2048x128xf32> to vector<2048x128xf32>
    %add3A = arith.addf %get3A_3, %get3A_8 : vector<2048x128xf32>
    %get3A_9 = arith.constant 0 : index
    %get3A_10 = arith.constant 0 : index
    %get3A_11 = arith.constant 0 : index
    %get3A_12 = vector.load %arg4[%get3A_9, %get3A_10, %get3A_11] : memref<2x2048x128xf32, #tpu.memory_space<vmem>>, vector<1x2048x128xf32>
    %get3A_13 = vector.shape_cast %get3A_12 : vector<1x2048x128xf32> to vector<2048x128xf32>
    %add3A_14 = arith.addf %add3A, %get3A_13 : vector<2048x128xf32>
    %get3A_15 = arith.constant 1 : index
    %get3A_16 = arith.constant 0 : index
    %get3A_17 = arith.constant 0 : index
    %get3A_18 = vector.load %arg4[%get3A_15, %get3A_16, %get3A_17] : memref<2x2048x128xf32, #tpu.memory_space<vmem>>, vector<1x2048x128xf32>
    %get3A_19 = vector.shape_cast %get3A_18 : vector<1x2048x128xf32> to vector<2048x128xf32>
    %add3A_20 = arith.addf %add3A_14, %get3A_19 : vector<2048x128xf32>
    %get3A_21 = arith.constant 0 : index
    %get3A_22 = arith.constant 0 : index
    %get3A_23 = arith.constant 0 : index
    %get3A_24 = vector.load %arg1[%get3A_21, %get3A_22, %get3A_23] : memref<2x2048x1xf32, #tpu.memory_space<vmem>>, vector<1x2048x1xf32>
    %get3A_25 = vector.shape_cast %get3A_24 : vector<1x2048x1xf32> to vector<2048x1xf32>
    %get3A_26 = arith.constant 1 : index
    %get3A_27 = arith.constant 0 : index
    %get3A_28 = arith.constant 0 : index
    %get3A_29 = vector.load %arg1[%get3A_26, %get3A_27, %get3A_28] : memref<2x2048x1xf32, #tpu.memory_space<vmem>>, vector<1x2048x1xf32>
    %get3A_30 = vector.shape_cast %get3A_29 : vector<1x2048x1xf32> to vector<2048x1xf32>
    %add3A_31 = arith.addf %get3A_25, %get3A_30 : vector<2048x1xf32>
    %gt3A = arith.constant 0.000000e+00 : f32
    %gt3A_32 = vector.broadcast %gt3A : f32 to vector<2048x1xf32>
    %gt3A_33 = arith.cmpf ogt, %add3A_31, %gt3A_32 : vector<2048x1xf32>
    %rsqrt3A = math.rsqrt %add3A_31 : vector<2048x1xf32>
    %jit3A = arith.constant 0.000000e+00 : f32
    %broadcast_in_dim3A = vector.broadcast %jit3A : f32 to vector<2048x1xf32>
    %select_n3A = arith.select %gt3A_33, %rsqrt3A, %broadcast_in_dim3A : vector<2048x1xi1>, vector<2048x1xf32>
    %get3A_34 = arith.constant 0 : index
    %get3A_35 = arith.constant 0 : index
    %get3A_36 = vector.load %arg2[%get3A_34, %get3A_35] : memref<2048x128xf32, #tpu.memory_space<vmem>>, vector<2048x128xf32>
    %mul3A = vector.broadcast %select_n3A : vector<2048x1xf32> to vector<2048x128xf32>
    %mul3A_37 = arith.mulf %add3A_20, %mul3A : vector<2048x128xf32>
    %add3A_38 = arith.addf %get3A_36, %mul3A_37 : vector<2048x128xf32>
    %mul3A_39 = arith.constant 0.333333343 : f32
    %mul3A_40 = vector.broadcast %mul3A_39 : f32 to vector<2048x128xf32>
    %mul3A_41 = arith.mulf %add3A_38, %mul3A_40 : vector<2048x128xf32>
    %swap3A = arith.constant 0 : index
    %swap3A_42 = arith.constant 0 : index
    %swap3A_43 = vector.load %arg5[%swap3A, %swap3A_42] : memref<2048x128xf32, #tpu.memory_space<vmem>>, vector<2048x128xf32>
    tpu.vector_store %arg5[%swap3A, %swap3A_42], %mul3A_41 {strides = array<i32>} : memref<2048x128xf32, #tpu.memory_space<vmem>>, vector<2048x128xf32>,
    return
  }
  func.func @transform_0(%arg0: i32) -> (i32, i32, i32) {
    %c0_i32 = arith.constant 0 : i32
    %c0_i32_0 = arith.constant 0 : i32
    %c0_i32_1 = arith.constant 0 : i32
    return %c0_i32, %arg0, %c0_i32_0 : i32, i32, i32
  }
  func.func @transform_1(%arg0: i32) -> (i32, i32) {
    %c0_i32 = arith.constant 0 : i32
    %c0_i32_0 = arith.constant 0 : i32
    return %arg0, %c0_i32 : i32, i32
  }
  func.func @transform_2(%arg0: i32) -> (i32, i32, i32) {
    %c0_i32 = arith.constant 0 : i32
    %c0_i32_0 = arith.constant 0 : i32
    %c0_i32_1 = arith.constant 0 : i32
    return %c0_i32, %arg0, %c0_i32_0 : i32, i32, i32
  }
  func.func @transform_3(%arg0: i32) -> (i32, i32, i32) {
    %c0_i32 = arith.constant 0 : i32
    %c0_i32_0 = arith.constant 0 : i32
    %c0_i32_1 = arith.constant 0 : i32
    return %c0_i32, %arg0, %c0_i32_0 : i32, i32, i32
  }
  func.func @transform_4(%arg0: i32) -> (i32, i32) {
    %c0_i32 = arith.constant 0 : i32
    %c0_i32_0 = arith.constant 0 : i32
    return %arg0, %c0_i32 : i32, i32
  }
}

module attributes {stable_mosaic.version = 14 : i64} {
  func.func @_tc_dot_body(%arg0: i32, %arg1: memref<16x128x16xf32, #tpu.memory_space<vmem>>, %arg2: memref<16x128xf32, #tpu.memory_space<vmem>>) attributes {dimension_semantics = [#tpu.dimension_semantics<arbitrary>], iteration_bounds = array<i64: 4>, scalar_prefetch = 0 : i64, scratch_operands = 0 : i64, tpu.core_type = #tpu.core_type<tc>, window_params = [{transform_indices = @transform_0, window_bounds = array<i64: 16, 128, 16>}, {transform_indices = @transform_1, window_bounds = array<i64: 16, 128>}]} {
    %get3A = arith.constant 0 : index
    %get3A_0 = arith.constant 0 : index
    %get3A_1 = arith.constant 0 : index
    %get3A_2 = vector.load %arg1[%get3A, %get3A_0, %get3A_1] : memref<16x128x16xf32, #tpu.memory_space<vmem>>, vector<16x128x16xf32>
    %reduce_sum3A = arith.constant dense<0.000000e+00> : vector<16x128xf32>
    %reduce_sum3A_3 = vector.multi_reduction <add>, %get3A_2, %reduce_sum3A [2] : vector<16x128x16xf32> to vector<16x128xf32>
    %swap3A = arith.constant 0 : index
    %swap3A_4 = arith.constant 0 : index
    %swap3A_5 = vector.load %arg2[%swap3A, %swap3A_4] : memref<16x128xf32, #tpu.memory_space<vmem>>, vector<16x128xf32>
    tpu.vector_store %arg2[%swap3A, %swap3A_4], %reduce_sum3A_3 {strides = array<i32>} : memref<16x128xf32, #tpu.memory_space<vmem>>, vector<16x128xf32>,
    return
  }
  func.func @transform_0(%arg0: i32) -> (i32, i32, i32) {
    %c0_i32 = arith.constant 0 : i32
    %c0_i32_0 = arith.constant 0 : i32
    %c0_i32_1 = arith.constant 0 : i32
    return %arg0, %c0_i32, %c0_i32_0 : i32, i32, i32
  }
  func.func @transform_1(%arg0: i32) -> (i32, i32) {
    %c0_i32 = arith.constant 0 : i32
    %c0_i32_0 = arith.constant 0 : i32
    return %arg0, %c0_i32 : i32, i32
  }
}

</mosaic_0001>

<sc_bundles>
// kernel: kernel.10.cloned.1.call-start
scs
__scs_entry_jumppad:
0x0: {  	(pc) =	sbr.rel $0x88, $3  }
0x1: {  	(tag) =	ssettag $0x0;
	lr =	simm.s32 $0x1  }
0x2: {  	[smem:$0x3F9D] =	sst lr;
	_ =	strace $0xD0000000  }
0x3: {  	_ = 	snop  }
0x4: {  	_ = 	snop  }
0x5: {  	_ = 	snop  }
0x6: {  	_ = 	snop  }
0x7: {  	_ = 	snop  }
__scs_overlays_trampoline_lowered:
0x8: {  	[smem:$0x3FAC] =	sst s0  }
0x9: {  	[smem:$0x3FAD] =	sst s1  }
0xa: {  	[smem:$0x3FAE] =	sst s2  }
0xb: {  	[smem:$0x3FAF] =	sst s3  }
0xc: {  	[smem:$0x3FB0] =	sst s4  }
0xd: {  	[smem:$0x3FB1] =	sst s5  }
0xe: {  	[smem:$0x3FB2] =	sst s6  }
0xf: {  	[smem:$0x3FB3] =	sst s7  }
0x10: {  	[smem:$0x3FB4] =	sst s8  }
0x11: {  	[smem:$0x3FB5] =	sst s9;
	s0 =	simm.s32 @!p0 $0x0  }
0x12: {  	s1 =	sld [smem:$0x3F9B];
	s0 =	simm.s32 @p0 $0x1  }
0x13: {  	[smem:$0x3FB6] =	sst s0;
	s0 =	simm.s32 @!p1 $0x0  }
0x14: {  	s2 =	sld [smem:$0x3F9A];
	s0 =	simm.s32 @p1 $0x1  }
0x15: {  	[smem:$0x3FB7] =	sst s0;
	s0 =	simm.s32 @!p2 $0x0  }
0x16: {  	s3 =	sld [smem:$0x3FDB];
	s0 =	simm.s32 @p2 $0x1  }
0x17: {  	s4 =	simm.s32 $0x1BF5;
	[smem:$0x3FB9] =	sst s0  }
0x18: {  	s0 =	sld [smem:$0x3F9C];
	_ =	swait.ge [sflag:s4], $0x0  }
0x19: {  	s7 =	sld [smem:$0x3F9D]  }
0x1a: {  	s8 =	sadd.s32 $0xFFFFE003, lr  }
0x1b: {  	s9 =	sadd.s32 $0xFFFFFEF7, lr;
	s5 =	simm.s32 $0xFFFFFFFF;
	p2 =	slt.u32 s8, $0xFFFFF086  }
0x1c: {  	p1 =	slt.u32 s9, $0xF7A;
	s5 =	simm.s32 @!p2 $0x0  }
0x1d: {  	s5 =	simm.s32 @p1 $0x1;
	p0 =	seq.s32 s7, s2  }
0x1e: {  	s7 =	smul.u32 @!p0 $0xF7A, s2;
	p2 =	seq.s32 @!p0 s5, $0x0  }
0x1f: {  	s9 =	smul.u32 $0xF7A, s1;
	s8 =	simm.s32 @!p0 $0x1BF5;
	p2 =	por !p2, p0  }
0x20: {  	[sflag:s8] =	ssyncset.s32 @!p0 $0xFFFFF086;
	s6 =	sadd.s32 @!p0 s3, s7;
	s7 =	simm.s32 @!p0 $0x108  }
0x21: {  	s3 =	sadd.s32 s3, s9;
	s6 =	sadd.s32 @!p0 $0x88, s6;
	s7 =	simm.s32 @p2 $0x1082  }
0x22: {  	[simem:s7], [sflag:s8] =	dma.local @!p0 [hbm:s6], $0xF7A  }
0x23: {  	s9 =	sor.u32 $0xD0000000, s2;
	s6 =	simm.s32 $0x108;
	_ =	swait.ge @!p0 [sflag:s8], $0x0  }
0x24: {  	s3 =	sadd.s32 $0x88, s3;
	s6 =	simm.s32 @!p1 $0x1082;
	[sflag:s4] =	ssyncset.s32 $0xFFFFF086  }
0x25: {  	[simem:s6], [sflag:s4] =	dma.local [hbm:s3], $0xF7A  }
0x26: {  	[smem:$0x3F9D] =	sst s1;
	(tag) =	ssettag s2;
	_ =	strace s9  }
0x27: {  	s1 =	sld [smem:$0x3FAD]  }
0x28: {  	s2 =	sld [smem:$0x3FAE]  }
0x29: {  	s4 =	sld [smem:$0x3FB0]  }
0x2a: {  	p0 =	seq.s32 s5, $0x0;
	s5 =	sld [smem:$0x3FB1]  }
0x2b: {  	s6 =	sld [smem:$0x3FB2]  }
0x2c: {  	s7 =	sld [smem:$0x3FB3]  }
0x2d: {  	s3 =	simm.s32 $0x108;
	s8 =	sld [smem:$0x3FB4]  }
0x2e: {  	s3 =	simm.s32 @!p0 $0x1082;
	s9 =	sld [smem:$0x3FB5]  }
0x2f: {  	lr =	sadd.s32 s0, s3;
	s0 =	sld [smem:$0x3FAC]  }
0x30: {  	s3 =	sld [smem:$0x3FAF]  }
0x31: {  	[smem:$0x3FB8] =	sst s10  }
0x32: {  	s10 =	sld [smem:$0x3FB6];
	_ =	sdelay $0x3  }
0x33: {  	p0 =	seq.s32 s10, $0x1;
	s10 =	sld [smem:$0x3FB8];
	_ =	sdelay $0x3  }
0x34: {  	[smem:$0x3FB8] =	sst s10  }
0x35: {  	s10 =	sld [smem:$0x3FB7];
	_ =	sdelay $0x3  }
0x36: {  	p1 =	seq.s32 s10, $0x1;
	s10 =	sld [smem:$0x3FB8];
	_ =	sdelay $0x3  }
0x37: {  	[smem:$0x3FB8] =	sst s10  }
0x38: {  	s10 =	sld [smem:$0x3FB9]  }
0x39: {  	_ = 	snop;
	(pc) =	sbr.ind lr, $3  }
0x3a: {  	_ = 	snop  }
0x3b: {  	_ = 	snop  }
0x3c: {  	p2 =	seq.s32 s10, $0x1;
	s10 =	sld [smem:$0x3FB8]  }
0x3d: {  	_ =	shalt  }
0x3e: {  	_ =	shalt  }
0x3f: {  	_ =	shalt  }
0x40: {  	_ =	shalt  }
0x41: {  	_ =	shalt  }
0x42: {  	_ =	shalt  }
0x43: {  	_ =	shalt  }
0x44: {  	_ =	shalt  }
0x45: {  	_ =	shalt  }
0x46: {  	_ =	shalt  }
0x47: {  	_ =	shalt  }
0x48: {  	_ =	shalt  }
0x49: {  	_ =	shalt  }
0x4a: {  	_ =	shalt  }
0x4b: {  	_ =	shalt  }
0x4c: {  	_ =	shalt  }
0x4d: {  	_ =	shalt  }
0x4e: {  	_ =	shalt  }
0x4f: {  	_ =	shalt  }
0x50: {  	_ =	shalt  }
0x51: {  	_ =	shalt  }
0x52: {  	_ =	shalt  }
0x53: {  	_ =	shalt  }
0x54: {  	_ =	shalt  }
0x55: {  	_ =	shalt  }
0x56: {  	_ =	shalt  }
0x57: {  	_ =	shalt  }
0x58: {  	_ =	shalt  }
0x59: {  	_ =	shalt  }
0x5a: {  	_ =	shalt  }
0x5b: {  	_ =	shalt  }
0x5c: {  	_ =	shalt  }
0x5d: {  	_ =	shalt  }
0x5e: {  	_ =	shalt  }
0x5f: {  	_ =	shalt  }
0x60: {  	_ =	shalt  }
0x61: {  	_ =	shalt  }
0x62: {  	_ =	shalt  }
0x63: {  	_ =	shalt  }
0x64: {  	_ =	shalt  }
0x65: {  	_ =	shalt  }
0x66: {  	_ =	shalt  }
0x67: {  	_ =	shalt  }
0x68: {  	_ =	shalt  }
0x69: {  	_ =	shalt  }
0x6a: {  	_ =	shalt  }
0x6b: {  	_ =	shalt  }
0x6c: {  	_ =	shalt  }
0x6d: {  	_ =	shalt  }
0x6e: {  	_ =	shalt  }
0x6f: {  	_ =	shalt  }
0x70: {  	_ =	shalt  }
0x71: {  	_ =	shalt  }
0x72: {  	_ =	shalt  }
0x73: {  	_ =	shalt  }
0x74: {  	_ =	shalt  }
0x75: {  	_ =	shalt  }
0x76: {  	_ =	shalt  }
0x77: {  	_ =	shalt  }
0x78: {  	_ =	shalt  }
0x79: {  	_ =	shalt  }
0x7a: {  	_ =	shalt  }
0x7b: {  	_ =	shalt  }
0x7c: {  	_ =	shalt  }
0x7d: {  	_ =	shalt  }
0x7e: {  	_ =	shalt  }
0x7f: {  	_ =	shalt  }
0x80: {  	_ =	shalt  }
0x81: {  	_ =	shalt  }
0x82: {  	_ =	shalt  }
0x83: {  	_ =	shalt  }
0x84: {  	_ =	shalt  }
0x85: {  	_ =	shalt  }
0x86: {  	_ =	shalt  }
0x87: {  	_ =	shalt  }
.Lfunc_end0:
.L_simem_size_0:
called_computation_lowered:
.L_overlay_start_0:
0x88: {  	s2 =	sld [smem:$0x3FD9]  }
0x89: {  	s3 =	sld [smem:$0x3FFE];
	_ =	sdelay $0x1  }
0x8a: {  	s1 =	srdreg.scid  }
0x8b: {  	s0 =	sand.u32 $0x1, s1  }
0x8c: {  	s16 =	sshll.u32 s0, $0xA;
	s2 =	sadd.s32 s3, s2  }
0x8d: {  	s2 =	sadd.s32 s2, s16  }
0x8e: {  	[smem:$0x3FC4] =	sst s2  }
0x8f: {  	_ = 	snop  }
0x90: {  	(tm) =	ssettm $0x1  }
0x91: {  	s17 =	sld [smem:$0x3FFB];
	_ =	sdelay $0x3  }
0x92: {  	_ =	strace s17  }
0x93: {  	s2 =	sld [smem:$0x3FFC];
	_ =	sdelay $0x3  }
0x94: {  	_ =	strace s2  }
0x95: {  	s2 =	sld [smem:$0x3FFD];
	_ =	sdelay $0x3  }
0x96: {  	_ =	strace s2  }
0x97: {  	_ =	strace $0x8FFFFFFF  }
0x98: {  	s18 =	sld [smem:$0x3FDB];
	_ =	sdelay $0x1  }
0x99: {  	s19 =	simm.s32 $_scs_section_size  }
0x9a: {  	s4 =	simm.s32 $_size__tile_overlayer_lowered;
	s5 =	simm.s32 $_tile_overlayer_lowered  }
0x9b: {  	s22 =	simm.s32 $0x1BFF;
	s21 =	sshll.u32 s5, $0x1;
	s2 =	sadd.s32 s19, s18  }
0x9c: {  	s6 =	simm.s32 $0x0;
	s20 =	sshll.u32 s4, $0x1;
	s4 =	sadd.s32 s21, s2  }
0x9d: {  	[timem:s6], [sflag:s22] =	dma.local [hbm:s4], s20  }
0x9e: {  	_ =	swait.ge [sflag:s22], s20  }
0x9f: {  	s3 =	ssub.s32 $0x0, s20;
	[sflag:s22] =	ssyncset.done $0x0  }
0xa0: {  	[sflag:s22] =	ssyncadd.s32 s3;
	_ =	sdelay $0x1  }
0xa1: {  	s23 =	simm.s32 $0x1B8B  }
0xa2: {  	_ =	swait.ge [sflag:s23], $0x1  }
0xa3: {  	[sflag:s23] =	ssyncset.done $0x0  }
0xa4: {  	s25 =	simm.s32 $0x1B8E;
	s24 =	sld [smem:$0x3FFE];
	[sflag:s23] =	ssyncadd.s32 $0xFFFFFFFF  }
0xa5: {  	s26 =	simm.s32 $execute0_lowered;
	[smem:$0x3FD2] =	sst s25  }
0xa6: {  	s4 =	sshll.u32 s26, $0x1;
	_ =	strace $0x80000046;
	[dreg:$0x1] =	wrdreg $0xFFFFFFFF  }
0xa7: {  	s28 =	simm.s32 $_size_execute0_lowered;
	s2 =	sadd.s32 s2, s4;
	[dreg:$0x0] =	wrdreg $0x0  }
0xa8: {  	s4 =	sshll.u32 s28, $0x1;
	[dreg:$0x2] =	wrdreg s2  }
0xa9: {  	[dreg:$0x3] =	wrdreg s4  }
0xaa: {  	[dreg:$0x4] =	wrdreg $0xC0  }
0xab: {  	_ =	task [dreg:s6], $0x5FFFF  }
0xac: {  	[dreg:$0x1] =	wrdreg $0xFFFFFFFF  }
0xad: {  	[dreg:$0x0] =	wrdreg $0x60  }
0xae: {  	[dreg:$0x2] =	wrdreg s24  }
0xaf: {  	[dreg:$0x3] =	wrdreg $0x43000  }
0xb0: {  	[dreg:$0x4] =	wrdreg $0x9  }
0xb1: {  	_ =	task.clear_ibuf [dreg:s6], $0x5FFFF;
	_ =	strace $0x90000046  }
0xb2: {  	s29 =	simm.s32 $0x9;
	_ =	strace $0x80000048  }
0xb3: {  	_ =	swait.ge [sflag:s29], $0x1  }
0xb4: {  	[sflag:s29] =	ssyncadd.s32 $0xFFFFFFFF  }
0xb5: {  	_ =	strace $0x90000048  }
0xb6: {  	_ =	sfence  }
0xb7: {  	s30 =	sld [smem:$0x0];
	_ =	sdelay $0x2  }
0xb8: {  	s31 =	sshll.u32 s1, $0xD;
	s1 =	sshrl.u32 s1, $0x2  }
0xb9: {  	s3 =	sand.u32 $0x4000, s31;
	s1 =	sadd.s32 s1, s30  }
0xba: {  	s0 =	sor.u32 s3, s0;
	s1 =	sshll.u32 s1, $0x11  }
0xbb: {  	s0 =	sor.u32 s1, s0  }
0xbc: {  	s0 =	sadd.s32 $0x8F2B, s0  }
0xbd: {  	[sflag:s0] =	ssyncadd.remote.s32 $0x1  }
0xbe: {  	_ =	sfence.sel $0xFFFF  }
0xbf: {  	[dreg:$0x0] =	wrdreg $0xFFFFFFFF;
	(pc) =	sbr.abs _section_cstart, $3  }
0xc0: {  	[dreg:$0x1] =	wrdreg $0xFFFFFFFF  }
0xc1: {  	_ =	task.clear_ibuf [dreg:s6], $0x2FFFF;
	_ =	strace $0x9FFFFFFF  }
0xc2: {  	(tm) =	ssettm $0x7FFFFFFF  }
0xc3: {  	_ =	shalt  }
tec
execute0_lowered:
.L_overlay_start_1:
0x0: {  	(tag) =	ssettag $0x1  }
0x1: {  	s4 =	rddreg [dreg:$0x0]  }
0x2: {  	s2 =	rddreg [dreg:$0x1]  }
0x3: {  	s0 =	rddreg [dreg:$0x2]  }
0x4: {  	s1 =	stileid.u32;
	s5 =	srdreg.scid  }
0x5: {  	s3 =	simm.s32 $0x0;
	s10 =	simm.s32 $0x50;
	s11 =	simm.s32 $0x4000  }
0x6: {  	s12 =	simm.s32 $0x1;
	s15 =	simm.s32 $0x20;
	s16 =	simm.s32 $0x10  }
0x7: {  	s17 =	simm.s32 $0x0;
	s5 =	sand.u32 $0x1, s5;
	s6 =	smul.u32 $0x500, s1  }
0x8: {  	[smem:$0x7FF] =	sst s3;
	s7 =	sshll.u32 s1, $0xB;
	s9 =	smul.u32 $0xA00, s1  }
0x9: {  	s13 =	sshll.u32 s1, $0x6;
	s8 =	sshll.u32 s5, $0x7;
	_ =	strace $0x80000047  }
0xa: {  	s7 =	sadd.s32 s7, s4;
	s28 =	ssub.s32 $0x2, s5;
	s5 =	sshll.u32 s5, $0xF  }
0xb: {  	s13 =	sor.u32 $0x1C02, s13;
	s6 =	sor.u32 s8, s6;
	s29 =	sshrl.u32 s28, $0x1  }
0xc: {  	s30 =	sadd.s32 s5, s7;
	s31 =	sshrl.u32 s9, $0x2;
	s9 =	simm.s32 $0x4080  }
0xd: {  	s6 =	sshrl.u32 s6, $0x3;
	s8 =	ssub.s32 s28, s29;
	s5 =	sadd.s32 s31, s2  }
0xe: {  	s6 =	sadd.s32 s6, s4;
	s4 =	sadd.s32 $0x1C00, s30;
	s7 =	smax.u32 s8, $0x1  }
0xf: {  	v0 =	vimm.f32 $1.000000000e+00;
	v1 =	vimm.f32 $0.0e+00;
	s8 =	simm.s32 $0x2;
	s14 =	sshrl.u32 s5, $0x3;
	s6 =	sadd.s32 $0x11C00, s6  }
.LBB2_1:
0x10: {  	[tilespmem:$0x4000] =	vst v0  }
0x11: {  	[tilespmem:$0x4010] =	vst v0  }
0x12: {  	[tilespmem:$0x4020] =	vst v0  }
0x13: {  	[tilespmem:$0x4030] =	vst v0  }
0x14: {  	[tilespmem:$0x4040] =	vst v0  }
0x15: {  	[tilespmem:$0x4080] =	vst v1  }
0x16: {  	[tilespmem:$0x4090] =	vst v1  }
0x17: {  	[tilespmem:$0x40A0] =	vst v1  }
0x18: {  	[tilespmem:$0x40B0] =	vst v1  }
0x19: {  	[tilespmem:$0x40C0] =	vst v1  }
0x1a: {  	[tilespmem:$0x40D0] =	vst v1  }
0x1b: {  	[tilespmem:$0x40E0] =	vst v1  }
0x1c: {  	[tilespmem:$0x40F0] =	vst v1  }
0x1d: {  	[tilespmem:$0x4100] =	vst v1  }
0x1e: {  	[tilespmem:$0x4110] =	vst v1  }
0x1f: {  	[tilespmem:$0x4120] =	vst v1  }
0x20: {  	[tilespmem:$0x4130] =	vst v1  }
0x21: {  	[tilespmem:$0x4140] =	vst v1  }
0x22: {  	[tilespmem:$0x4150] =	vst v1  }
0x23: {  	[tilespmem:$0x4160] =	vst v1  }
0x24: {  	[tilespmem:$0x4170] =	vst v1  }
0x25: {  	[tilespmem:$0x4180] =	vst v1  }
0x26: {  	[tilespmem:$0x4190] =	vst v1  }
0x27: {  	[tilespmem:$0x41A0] =	vst v1  }
0x28: {  	[tilespmem:$0x41B0] =	vst v1  }
0x29: {  	[tilespmem:$0x41C0] =	vst v1  }
0x2a: {  	[tilespmem:$0x41D0] =	vst v1  }
0x2b: {  	[tilespmem:$0x41E0] =	vst v1  }
0x2c: {  	[tilespmem:$0x41F0] =	vst v1  }
0x2d: {  	[tilespmem:$0x4200] =	vst v1  }
0x2e: {  	[tilespmem:$0x4210] =	vst v1  }
0x2f: {  	[tilespmem:$0x4220] =	vst v1  }
0x30: {  	[tilespmem:$0x4230] =	vst v1  }
0x31: {  	[tilespmem:$0x4240] =	vst v1  }
0x32: {  	[tilespmem:$0x4250] =	vst v1  }
0x33: {  	[tilespmem:$0x4260] =	vst v1  }
0x34: {  	[tilespmem:$0x4270] =	vst v1  }
0x35: {  	[tilespmem:$0x4280] =	vst v1  }
0x36: {  	[tilespmem:$0x4290] =	vst v1  }
0x37: {  	[tilespmem:$0x42A0] =	vst v1  }
0x38: {  	[tilespmem:$0x42B0] =	vst v1  }
0x39: {  	[tilespmem:$0x42C0] =	vst v1  }
0x3a: {  	[tilespmem:$0x42D0] =	vst v1  }
0x3b: {  	[tilespmem:$0x42E0] =	vst v1  }
0x3c: {  	[tilespmem:$0x42F0] =	vst v1  }
0x3d: {  	[tilespmem:s3], [sflag:$0x2] =	stream.linear.gather [hbm4b:s4+s3], $0x3F00, $0x38;
	[tilespmem:$0x4580] =	vst v63  }
0x3e: {  	_ =	swait.ge [sflag:s8], $0x3F00  }
0x3f: {  	[sflag:s8] =	ssyncset.done $0x0  }
0x40: {  	[sflag:s8] =	ssyncadd.s32 $0xFFFFC100  }
0x41: {  	[spmem:s5] =	stream.linear.scatter [tilespmem:s9], [sflag:$0x2], $0x280, $0x38;
	[tilespmem:$0x4580] =	vst v63  }
0x42: {  	_ =	swait.ge [sflag:s8], $0x280  }
0x43: {  	[sflag:s8] =	ssyncset.done $0x0  }
0x44: {  	[sflag:s8] =	ssyncadd.s32 $0xFFFFFD80  }
0x45: {  	s18 =	simm.s32 $0x0;
	[bflag:$0x0] =	sbarrier.arrive $0xFFFF  }
0x46: {  	[spmem:s2] =	stream.indirect.scatter.add.f32 [tilespmem:s11], [sflag:$0x1], $0x1, s18, s10, $0xb8;
	[tilespmem:$0x4580] =	vst v63  }
0x47: {  	s26 =	simm.s32 $0x80  }
0x48: {  	[spmem:s2] =	stream.indirect.scatter.add.f32 [tilespmem:s11], [sflag:$0x1], $0x1, s26, s10, $0xb8;
	[tilespmem:$0x4580] =	vst v63  }
0x49: {  	s28 =	simm.s32 $0x100  }
0x4a: {  	[spmem:s2] =	stream.indirect.scatter.add.f32 [tilespmem:s11], [sflag:$0x1], $0x1, s28, s10, $0xb8;
	[tilespmem:$0x4580] =	vst v63  }
0x4b: {  	s29 =	simm.s32 $0x180  }
0x4c: {  	[spmem:s2] =	stream.indirect.scatter.add.f32 [tilespmem:s11], [sflag:$0x1], $0x1, s29, s10, $0xb8;
	[tilespmem:$0x4580] =	vst v63  }
0x4d: {  	s30 =	simm.s32 $0x200  }
0x4e: {  	[spmem:s2] =	stream.indirect.scatter.add.f32 [tilespmem:s11], [sflag:$0x1], $0x1, s30, s10, $0xb8;
	[tilespmem:$0x4580] =	vst v63  }
0x4f: {  	s31 =	simm.s32 $0x280  }
0x50: {  	[spmem:s2] =	stream.indirect.scatter.add.f32 [tilespmem:s11], [sflag:$0x1], $0x1, s31, s10, $0xb8;
	[tilespmem:$0x4580] =	vst v63  }
0x51: {  	_ =	swait.ge [sflag:s12], $0x50  }
0x52: {  	[sflag:s12] =	ssyncset.done $0x0  }
0x53: {  	[sflag:s12] =	ssyncadd.s32 $0xFFFFFFB0  }
0x54: {  	_ =	swait.ge [sflag:s12], $0x50  }
0x55: {  	[sflag:s12] =	ssyncset.done $0x0  }
0x56: {  	[sflag:s12] =	ssyncadd.s32 $0xFFFFFFB0  }
0x57: {  	_ =	swait.ge [sflag:s12], $0x50  }
0x58: {  	[sflag:s12] =	ssyncset.done $0x0  }
0x59: {  	[sflag:s12] =	ssyncadd.s32 $0xFFFFFFB0  }
0x5a: {  	_ =	swait.ge [sflag:s12], $0x50  }
0x5b: {  	[sflag:s12] =	ssyncset.done $0x0  }
0x5c: {  	[sflag:s12] =	ssyncadd.s32 $0xFFFFFFB0  }
0x5d: {  	_ =	swait.ge [sflag:s12], $0x50  }
0x5e: {  	[sflag:s12] =	ssyncset.done $0x0  }
0x5f: {  	[sflag:s12] =	ssyncadd.s32 $0xFFFFFFB0  }
0x60: {  	_ =	swait.ge [sflag:s12], $0x50  }
0x61: {  	s19 =	simm.s32 $0x1800;
	s18 =	simm.s32 $0xC00;
	[sflag:s12] =	ssyncset.done $0x0  }
.LBB2_2:
0x62: {  	s20 =	sshra.s32 s18, $0x2  }
0x63: {  	[sflag:s12] =	ssyncadd.s32 $0xFFFFFFB0;
	s18 =	smov.u32 s19;
	s21 =	sadd.s32 $0xC00, s19  }
0x64: {  	[spmem:s2] =	stream.indirect.scatter.add.f32 [tilespmem:s11], [sflag:$0x1], $0x1, s20, s10, $0xb8;
	[tilespmem:$0x4580] =	vst v63  }
0x65: {  	p0 =	sne.s32 s19, $0xF000;
	s19 =	sadd.s32 $0x80, s20  }
0x66: {  	[spmem:s2] =	stream.indirect.scatter.add.f32 [tilespmem:s11], [sflag:$0x1], $0x1, s19, s10, $0xb8;
	[tilespmem:$0x4580] =	vst v63  }
0x67: {  	s19 =	sadd.s32 $0x100, s20  }
0x68: {  	[spmem:s2] =	stream.indirect.scatter.add.f32 [tilespmem:s11], [sflag:$0x1], $0x1, s19, s10, $0xb8;
	[tilespmem:$0x4580] =	vst v63  }
0x69: {  	s19 =	sadd.s32 $0x180, s20  }
0x6a: {  	[spmem:s2] =	stream.indirect.scatter.add.f32 [tilespmem:s11], [sflag:$0x1], $0x1, s19, s10, $0xb8;
	[tilespmem:$0x4580] =	vst v63  }
0x6b: {  	s19 =	sadd.s32 $0x200, s20  }
0x6c: {  	[spmem:s2] =	stream.indirect.scatter.add.f32 [tilespmem:s11], [sflag:$0x1], $0x1, s19, s10, $0xb8;
	[tilespmem:$0x4580] =	vst v63  }
0x6d: {  	s19 =	sadd.s32 $0x280, s20  }
0x6e: {  	[spmem:s2] =	stream.indirect.scatter.add.f32 [tilespmem:s11], [sflag:$0x1], $0x1, s19, s10, $0xb8;
	[tilespmem:$0x4580] =	vst v63  }
0x6f: {  	_ =	swait.ge [sflag:s12], $0x50  }
0x70: {  	[sflag:s12] =	ssyncset.done $0x0  }
0x71: {  	[sflag:s12] =	ssyncadd.s32 $0xFFFFFFB0  }
0x72: {  	_ =	swait.ge [sflag:s12], $0x50  }
0x73: {  	[sflag:s12] =	ssyncset.done $0x0  }
0x74: {  	[sflag:s12] =	ssyncadd.s32 $0xFFFFFFB0  }
0x75: {  	_ =	swait.ge [sflag:s12], $0x50  }
0x76: {  	[sflag:s12] =	ssyncset.done $0x0  }
0x77: {  	[sflag:s12] =	ssyncadd.s32 $0xFFFFFFB0  }
0x78: {  	_ =	swait.ge [sflag:s12], $0x50  }
0x79: {  	[sflag:s12] =	ssyncset.done $0x0  }
0x7a: {  	[sflag:s12] =	ssyncadd.s32 $0xFFFFFFB0  }
.Ltmp0:
0x7b: {  	_ =	swait.ge [sflag:s12], $0x50;
	(pc) =	sbr.rel @p0 .LBB2_2-.Ltmp0, $4  }
0x7c: {  	[sflag:s12] =	ssyncset.done $0x0  }
0x7d: {  	[sflag:s12] =	ssyncadd.s32 $0xFFFFFFB0  }
0x7e: {  	_ =	swait.ge [sflag:s12], $0x50  }
0x7f: {  	s19 =	smov.u32 s21;
	[sflag:s12] =	ssyncset.done $0x0  }
0x80: {  	s18 =	sshra.s32 s18, $0x2;
	[sflag:s12] =	ssyncadd.s32 $0xFFFFFFB0  }
0x81: {  	[spmem:s2] =	stream.indirect.scatter.add.f32 [tilespmem:s11], [sflag:$0x1], $0x1, s18, s10, $0xb8;
	[tilespmem:$0x4580] =	vst v63  }
0x82: {  	s19 =	sadd.s32 $0x80, s18  }
0x83: {  	[spmem:s2] =	stream.indirect.scatter.add.f32 [tilespmem:s11], [sflag:$0x1], $0x1, s19, s10, $0xb8;
	[tilespmem:$0x4580] =	vst v63  }
0x84: {  	s29 =	sadd.s32 $0x100, s18  }
0x85: {  	[spmem:s2] =	stream.indirect.scatter.add.f32 [tilespmem:s11], [sflag:$0x1], $0x1, s29, s10, $0xb8;
	[tilespmem:$0x4580] =	vst v63  }
0x86: {  	s30 =	sadd.s32 $0x180, s18  }
0x87: {  	[spmem:s2] =	stream.indirect.scatter.add.f32 [tilespmem:s11], [sflag:$0x1], $0x1, s30, s10, $0xb8;
	[tilespmem:$0x4580] =	vst v63  }
0x88: {  	s31 =	sadd.s32 $0x200, s18  }
0x89: {  	[spmem:s2] =	stream.indirect.scatter.add.f32 [tilespmem:s11], [sflag:$0x1], $0x1, s31, s10, $0xb8;
	[tilespmem:$0x4580] =	vst v63  }
0x8a: {  	s18 =	sadd.s32 $0x280, s18  }
0x8b: {  	[spmem:s2] =	stream.indirect.scatter.add.f32 [tilespmem:s11], [sflag:$0x1], $0x1, s18, s10, $0xb8;
	[tilespmem:$0x4580] =	vst v63  }
0x8c: {  	_ =	swait.ge [sflag:s12], $0x50  }
0x8d: {  	[sflag:s12] =	ssyncset.done $0x0  }
0x8e: {  	[sflag:s12] =	ssyncadd.s32 $0xFFFFFFB0  }
0x8f: {  	_ =	swait.ge [sflag:s12], $0x50  }
0x90: {  	[sflag:s12] =	ssyncset.done $0x0  }
0x91: {  	[sflag:s12] =	ssyncadd.s32 $0xFFFFFFB0  }
0x92: {  	_ =	swait.ge [sflag:s12], $0x50  }
0x93: {  	[sflag:s12] =	ssyncset.done $0x0  }
0x94: {  	[sflag:s12] =	ssyncadd.s32 $0xFFFFFFB0  }
0x95: {  	_ =	swait.ge [sflag:s12], $0x50  }
0x96: {  	[sflag:s12] =	ssyncset.done $0x0  }
0x97: {  	[sflag:s12] =	ssyncadd.s32 $0xFFFFFFB0  }
0x98: {  	_ =	swait.ge [sflag:s12], $0x50  }
0x99: {  	[sflag:s12] =	ssyncset.done $0x0  }
0x9a: {  	[sflag:s12] =	ssyncadd.s32 $0xFFFFFFB0  }
0x9b: {  	_ =	swait.ge [sflag:s12], $0x50  }
0x9c: {  	s17 =	sadd.s32 $0x1, s17;
	[sflag:s12] =	ssyncset.done $0x0  }
0x9d: {  	p0 =	sne.s32 s17, s7;
	[sflag:s12] =	ssyncadd.s32 $0xFFFFFFB0  }
.Ltmp1:
0x9e: {  	[bflag:$0x0] =	sbarrier.arrive $0xFFFF;
	(pc) =	sbr.rel @p0 .LBB2_1-.Ltmp1, $4  }
0x9f: {  	[hbm:s6@s15], [sflag:s13] =	dma.strided [spmem:s14@s16], $0x50, s12, $0x10   }
0xa0: {  	_ =	swait.ge [sflag:s8], $0x50  }
0xa1: {  	[sflag:s8] =	ssyncset.done $0x0  }
0xa2: {  	[sflag:s8] =	ssyncadd.s32 $0xFFFFFFB0  }
0xa3: {  	_ =	sfence.sel $0x180000  }
0xa4: {  	[bflag:$0x0] =	sbarrier.arrive $0xFFFF  }
0xa5: {  	p0 =	sne.s32 s1, $0x0;
	_ =	strace $0x90000047  }
0xa6: {  	s0 =	sadd.s32 @!p0 $0x100000, s0;
	[bflag:$0x2] =	sbarrier.arrive $0xFFFF  }
0xa7: {  	[sflag:s0] =	ssyncadd.tile.s32 @!p0 $0x1;
	_ =	shalt  }
.Lfunc_end2:
_tile_overlayer_lowered:
.L_overlay_start_2:
0xa8: {  	(tag) =	ssettag $0x2  }
0xa9: {  	s0 =	rddreg [dreg:$0x0];
	s2 =	stileid.u32  }
0xaa: {  	s1 =	rddreg [dreg:$0x1];
	p0 =	sne.s32 s2, $0x0  }
0xab: {  	s3 =	rddreg [dreg:$0x2];
	[bflag:$0x3] =	sbarrier.arrive $0xFFFF;
	s2 =	simm.s32 @!p0 $0x1C02  }
0xac: {  	[timem:s3], [sflag:s2] =	dma.local @!p0 [hbm:s0], s1  }
0xad: {  	s0 =	simm.s32 @!p0 $0x2  }
0xae: {  	_ =	swait.ge @!p0 [sflag:s0], s1  }
0xaf: {  	s1 =	ssub.s32 @!p0 $0x0, s1;
	[sflag:s0] =	ssyncset.done @!p0 $0x0  }
0xb0: {  	[sflag:s0] =	ssyncadd.s32 @!p0 s1  }
0xb1: {  	[bflag:$0x3] =	sbarrier.arrive $0xFFFF  }
0xb2: {  	_ =	shalt  }

// kernel: kernel.13.cloned.1.call-start
scs
__scs_entry_jumppad:
0x0: {  	(pc) =	sbr.rel $0x88, $3  }
0x1: {  	(tag) =	ssettag $0x0;
	lr =	simm.s32 $0x1  }
0x2: {  	[smem:$0x3F9D] =	sst lr;
	_ =	strace $0xD0000000  }
0x3: {  	_ = 	snop  }
0x4: {  	_ = 	snop  }
0x5: {  	_ = 	snop  }
0x6: {  	_ = 	snop  }
0x7: {  	_ = 	snop  }
__scs_overlays_trampoline_lowered:
0x8: {  	[smem:$0x3FAC] =	sst s0  }
0x9: {  	[smem:$0x3FAD] =	sst s1  }
0xa: {  	[smem:$0x3FAE] =	sst s2  }
0xb: {  	[smem:$0x3FAF] =	sst s3  }
0xc: {  	[smem:$0x3FB0] =	sst s4  }
0xd: {  	[smem:$0x3FB1] =	sst s5  }
0xe: {  	[smem:$0x3FB2] =	sst s6  }
0xf: {  	[smem:$0x3FB3] =	sst s7  }
0x10: {  	[smem:$0x3FB4] =	sst s8  }
0x11: {  	[smem:$0x3FB5] =	sst s9;
	s0 =	simm.s32 @!p0 $0x0  }
0x12: {  	s1 =	sld [smem:$0x3F9B];
	s0 =	simm.s32 @p0 $0x1  }
0x13: {  	[smem:$0x3FB6] =	sst s0;
	s0 =	simm.s32 @!p1 $0x0  }
0x14: {  	s2 =	sld [smem:$0x3F9A];
	s0 =	simm.s32 @p1 $0x1  }
0x15: {  	[smem:$0x3FB7] =	sst s0;
	s0 =	simm.s32 @!p2 $0x0  }
0x16: {  	s3 =	sld [smem:$0x3FDB];
	s0 =	simm.s32 @p2 $0x1  }
0x17: {  	s4 =	simm.s32 $0x1BF5;
	[smem:$0x3FB9] =	sst s0  }
0x18: {  	s0 =	sld [smem:$0x3F9C];
	_ =	swait.ge [sflag:s4], $0x0  }
0x19: {  	s7 =	sld [smem:$0x3F9D]  }
0x1a: {  	s8 =	sadd.s32 $0xFFFFE003, lr  }
0x1b: {  	s9 =	sadd.s32 $0xFFFFFEF7, lr;
	s5 =	simm.s32 $0xFFFFFFFF;
	p2 =	slt.u32 s8, $0xFFFFF086  }
0x1c: {  	p1 =	slt.u32 s9, $0xF7A;
	s5 =	simm.s32 @!p2 $0x0  }
0x1d: {  	s5 =	simm.s32 @p1 $0x1;
	p0 =	seq.s32 s7, s2  }
0x1e: {  	s7 =	smul.u32 @!p0 $0xF7A, s2;
	p2 =	seq.s32 @!p0 s5, $0x0  }
0x1f: {  	s9 =	smul.u32 $0xF7A, s1;
	s8 =	simm.s32 @!p0 $0x1BF5;
	p2 =	por !p2, p0  }
0x20: {  	[sflag:s8] =	ssyncset.s32 @!p0 $0xFFFFF086;
	s6 =	sadd.s32 @!p0 s3, s7;
	s7 =	simm.s32 @!p0 $0x108  }
0x21: {  	s3 =	sadd.s32 s3, s9;
	s6 =	sadd.s32 @!p0 $0x88, s6;
	s7 =	simm.s32 @p2 $0x1082  }
0x22: {  	[simem:s7], [sflag:s8] =	dma.local @!p0 [hbm:s6], $0xF7A  }
0x23: {  	s9 =	sor.u32 $0xD0000000, s2;
	s6 =	simm.s32 $0x108;
	_ =	swait.ge @!p0 [sflag:s8], $0x0  }
0x24: {  	s3 =	sadd.s32 $0x88, s3;
	s6 =	simm.s32 @!p1 $0x1082;
	[sflag:s4] =	ssyncset.s32 $0xFFFFF086  }
0x25: {  	[simem:s6], [sflag:s4] =	dma.local [hbm:s3], $0xF7A  }
0x26: {  	[smem:$0x3F9D] =	sst s1;
	(tag) =	ssettag s2;
	_ =	strace s9  }
0x27: {  	s1 =	sld [smem:$0x3FAD]  }
0x28: {  	s2 =	sld [smem:$0x3FAE]  }
0x29: {  	s4 =	sld [smem:$0x3FB0]  }
0x2a: {  	p0 =	seq.s32 s5, $0x0;
	s5 =	sld [smem:$0x3FB1]  }
0x2b: {  	s6 =	sld [smem:$0x3FB2]  }
0x2c: {  	s7 =	sld [smem:$0x3FB3]  }
0x2d: {  	s3 =	simm.s32 $0x108;
	s8 =	sld [smem:$0x3FB4]  }
0x2e: {  	s3 =	simm.s32 @!p0 $0x1082;
	s9 =	sld [smem:$0x3FB5]  }
0x2f: {  	lr =	sadd.s32 s0, s3;
	s0 =	sld [smem:$0x3FAC]  }
0x30: {  	s3 =	sld [smem:$0x3FAF]  }
0x31: {  	[smem:$0x3FB8] =	sst s10  }
0x32: {  	s10 =	sld [smem:$0x3FB6];
	_ =	sdelay $0x3  }
0x33: {  	p0 =	seq.s32 s10, $0x1;
	s10 =	sld [smem:$0x3FB8];
	_ =	sdelay $0x3  }
0x34: {  	[smem:$0x3FB8] =	sst s10  }
0x35: {  	s10 =	sld [smem:$0x3FB7];
	_ =	sdelay $0x3  }
0x36: {  	p1 =	seq.s32 s10, $0x1;
	s10 =	sld [smem:$0x3FB8];
	_ =	sdelay $0x3  }
0x37: {  	[smem:$0x3FB8] =	sst s10  }
0x38: {  	s10 =	sld [smem:$0x3FB9]  }
0x39: {  	_ = 	snop;
	(pc) =	sbr.ind lr, $3  }
0x3a: {  	_ = 	snop  }
0x3b: {  	_ = 	snop  }
0x3c: {  	p2 =	seq.s32 s10, $0x1;
	s10 =	sld [smem:$0x3FB8]  }
0x3d: {  	_ =	shalt  }
0x3e: {  	_ =	shalt  }
0x3f: {  	_ =	shalt  }
0x40: {  	_ =	shalt  }
0x41: {  	_ =	shalt  }
0x42: {  	_ =	shalt  }
0x43: {  	_ =	shalt  }
0x44: {  	_ =	shalt  }
0x45: {  	_ =	shalt  }
0x46: {  	_ =	shalt  }
0x47: {  	_ =	shalt  }
0x48: {  	_ =	shalt  }
0x49: {  	_ =	shalt  }
0x4a: {  	_ =	shalt  }
0x4b: {  	_ =	shalt  }
0x4c: {  	_ =	shalt  }
0x4d: {  	_ =	shalt  }
0x4e: {  	_ =	shalt  }
0x4f: {  	_ =	shalt  }
0x50: {  	_ =	shalt  }
0x51: {  	_ =	shalt  }
0x52: {  	_ =	shalt  }
0x53: {  	_ =	shalt  }
0x54: {  	_ =	shalt  }
0x55: {  	_ =	shalt  }
0x56: {  	_ =	shalt  }
0x57: {  	_ =	shalt  }
0x58: {  	_ =	shalt  }
0x59: {  	_ =	shalt  }
0x5a: {  	_ =	shalt  }
0x5b: {  	_ =	shalt  }
0x5c: {  	_ =	shalt  }
0x5d: {  	_ =	shalt  }
0x5e: {  	_ =	shalt  }
0x5f: {  	_ =	shalt  }
0x60: {  	_ =	shalt  }
0x61: {  	_ =	shalt  }
0x62: {  	_ =	shalt  }
0x63: {  	_ =	shalt  }
0x64: {  	_ =	shalt  }
0x65: {  	_ =	shalt  }
0x66: {  	_ =	shalt  }
0x67: {  	_ =	shalt  }
0x68: {  	_ =	shalt  }
0x69: {  	_ =	shalt  }
0x6a: {  	_ =	shalt  }
0x6b: {  	_ =	shalt  }
0x6c: {  	_ =	shalt  }
0x6d: {  	_ =	shalt  }
0x6e: {  	_ =	shalt  }
0x6f: {  	_ =	shalt  }
0x70: {  	_ =	shalt  }
0x71: {  	_ =	shalt  }
0x72: {  	_ =	shalt  }
0x73: {  	_ =	shalt  }
0x74: {  	_ =	shalt  }
0x75: {  	_ =	shalt  }
0x76: {  	_ =	shalt  }
0x77: {  	_ =	shalt  }
0x78: {  	_ =	shalt  }
0x79: {  	_ =	shalt  }
0x7a: {  	_ =	shalt  }
0x7b: {  	_ =	shalt  }
0x7c: {  	_ =	shalt  }
0x7d: {  	_ =	shalt  }
0x7e: {  	_ =	shalt  }
0x7f: {  	_ =	shalt  }
0x80: {  	_ =	shalt  }
0x81: {  	_ =	shalt  }
0x82: {  	_ =	shalt  }
0x83: {  	_ =	shalt  }
0x84: {  	_ =	shalt  }
0x85: {  	_ =	shalt  }
0x86: {  	_ =	shalt  }
0x87: {  	_ =	shalt  }
.Lfunc_end0:
.L_simem_size_0:
called_computation.1_lowered:
.L_overlay_start_0:
0x88: {  	s2 =	sld [smem:$0x3FD9]  }
0x89: {  	s3 =	sld [smem:$0x3FFE];
	_ =	sdelay $0x1  }
0x8a: {  	s1 =	srdreg.scid  }
0x8b: {  	s0 =	sand.u32 $0x1, s1  }
0x8c: {  	s16 =	sshll.u32 s0, $0xA;
	s2 =	sadd.s32 s3, s2  }
0x8d: {  	s2 =	sadd.s32 s2, s16  }
0x8e: {  	[smem:$0x3FC4] =	sst s2  }
0x8f: {  	_ = 	snop  }
0x90: {  	(tm) =	ssettm $0x1  }
0x91: {  	s17 =	sld [smem:$0x3FFB];
	_ =	sdelay $0x3  }
0x92: {  	_ =	strace s17  }
0x93: {  	s2 =	sld [smem:$0x3FFC];
	_ =	sdelay $0x3  }
0x94: {  	_ =	strace s2  }
0x95: {  	s2 =	sld [smem:$0x3FFD];
	_ =	sdelay $0x3  }
0x96: {  	_ =	strace s2  }
0x97: {  	_ =	strace $0x8FFFFFFF  }
0x98: {  	s18 =	sld [smem:$0x3FDB];
	_ =	sdelay $0x1  }
0x99: {  	s19 =	simm.s32 $_scs_section_size  }
0x9a: {  	s4 =	simm.s32 $_size__tile_overlayer_lowered;
	s5 =	simm.s32 $_tile_overlayer_lowered  }
0x9b: {  	s22 =	simm.s32 $0x1BFF;
	s21 =	sshll.u32 s5, $0x1;
	s2 =	sadd.s32 s19, s18  }
0x9c: {  	s6 =	simm.s32 $0x0;
	s20 =	sshll.u32 s4, $0x1;
	s4 =	sadd.s32 s21, s2  }
0x9d: {  	[timem:s6], [sflag:s22] =	dma.local [hbm:s4], s20  }
0x9e: {  	_ =	swait.ge [sflag:s22], s20  }
0x9f: {  	s3 =	ssub.s32 $0x0, s20;
	[sflag:s22] =	ssyncset.done $0x0  }
0xa0: {  	[sflag:s22] =	ssyncadd.s32 s3;
	_ =	sdelay $0x1  }
0xa1: {  	s23 =	simm.s32 $0x1B8B  }
0xa2: {  	_ =	swait.ge [sflag:s23], $0x1  }
0xa3: {  	[sflag:s23] =	ssyncset.done $0x0  }
0xa4: {  	s25 =	simm.s32 $0x1B8E;
	s24 =	sld [smem:$0x3FFE];
	[sflag:s23] =	ssyncadd.s32 $0xFFFFFFFF  }
0xa5: {  	s26 =	simm.s32 $execute0_lowered;
	[smem:$0x3FD2] =	sst s25  }
0xa6: {  	s4 =	sshll.u32 s26, $0x1;
	_ =	strace $0x80000049;
	[dreg:$0x1] =	wrdreg $0xFFFFFFFF  }
0xa7: {  	s28 =	simm.s32 $_size_execute0_lowered;
	s2 =	sadd.s32 s2, s4;
	[dreg:$0x0] =	wrdreg $0x0  }
0xa8: {  	s4 =	sshll.u32 s28, $0x1;
	[dreg:$0x2] =	wrdreg s2  }
0xa9: {  	[dreg:$0x3] =	wrdreg s4  }
0xaa: {  	[dreg:$0x4] =	wrdreg $0xC0  }
0xab: {  	_ =	task [dreg:s6], $0x5FFFF  }
0xac: {  	[dreg:$0x1] =	wrdreg $0xFFFFFFFF  }
0xad: {  	[dreg:$0x0] =	wrdreg $0x60  }
0xae: {  	[dreg:$0x2] =	wrdreg s24  }
0xaf: {  	[dreg:$0x3] =	wrdreg $0xBF000  }
0xb0: {  	[dreg:$0x4] =	wrdreg $0x9  }
0xb1: {  	_ =	task.clear_ibuf [dreg:s6], $0x5FFFF;
	_ =	strace $0x90000049  }
0xb2: {  	s29 =	simm.s32 $0x9;
	_ =	strace $0x8000004B  }
0xb3: {  	_ =	swait.ge [sflag:s29], $0x1  }
0xb4: {  	[sflag:s29] =	ssyncadd.s32 $0xFFFFFFFF  }
0xb5: {  	_ =	strace $0x9000004B  }
0xb6: {  	_ =	sfence  }
0xb7: {  	s30 =	sld [smem:$0x0];
	_ =	sdelay $0x2  }
0xb8: {  	s31 =	sshll.u32 s1, $0xD;
	s1 =	sshrl.u32 s1, $0x2  }
0xb9: {  	s3 =	sand.u32 $0x4000, s31;
	s1 =	sadd.s32 s1, s30  }
0xba: {  	s0 =	sor.u32 s3, s0;
	s1 =	sshll.u32 s1, $0x11  }
0xbb: {  	s0 =	sor.u32 s1, s0  }
0xbc: {  	s0 =	sadd.s32 $0x8F2B, s0  }
0xbd: {  	[sflag:s0] =	ssyncadd.remote.s32 $0x1  }
0xbe: {  	_ =	sfence.sel $0xFFFF  }
0xbf: {  	[dreg:$0x0] =	wrdreg $0xFFFFFFFF;
	(pc) =	sbr.abs _section_cstart, $3  }
0xc0: {  	[dreg:$0x1] =	wrdreg $0xFFFFFFFF  }
0xc1: {  	_ =	task.clear_ibuf [dreg:s6], $0x2FFFF;
	_ =	strace $0x9FFFFFFF  }
0xc2: {  	(tm) =	ssettm $0x7FFFFFFF  }
0xc3: {  	_ =	shalt  }
tec
execute0_lowered:
.L_overlay_start_1:
0x0: {  	(tag) =	ssettag $0x1  }
0x1: {  	s0 =	rddreg [dreg:$0x0]  }
0x2: {  	s2 =	rddreg [dreg:$0x1];
	s1 =	simm.s32 $0x0;
	s8 =	stileid.u32  }
0x3: {  	s3 =	srdreg.scid;
	s13 =	simm.s32 $0x7;
	s28 =	simm.s32 $0x1  }
0x4: {  	s29 =	simm.s32 $0x4080;
	s30 =	simm.s32 $0x2;
	s31 =	simm.s32 $0x4180  }
0x5: {  	[smem:$0x7FF] =	sst s1;
	s14 =	sshll.u32 s8, $0xB;
	s5 =	smul.u32 $0x50000, s8  }
0x6: {  	s4 =	sadd.s32 $0x22600, s0;
	s3 =	sand.u32 $0x1, s3;
	s8 =	smul.u32 $0x14000, s8  }
0x7: {  	_ =	strace $0x8000004A;
	s1 =	sadd.s32 s14, s0;
	s0 =	sadd.s32 $0x4A600, s0  }
0x8: {  	s6 =	ssub.s32 $0x2, s3;
	s7 =	sshll.u32 s3, $0xF;
	s3 =	smul.u32 $0x140000, s3  }
0x9: {  	s14 =	simm.s32 $0xBB00;
	s9 =	sshrl.u32 s6, $0x1;
	s1 =	sadd.s32 s7, s1  }
0xa: {  	s16 =	sadd.s32 $0x4000, s8;
	s5 =	sshrl.u32 s5, $0x2;
	s21 =	sadd.s32 $0x8000, s8  }
0xb: {  	s23 =	sadd.s32 $0xC000, s8;
	s7 =	simm.s32 $0x0;
	s15 =	ssub.s32 s6, s9  }
0xc: {  	s1 =	sadd.s32 $0x12600, s1;
	s17 =	sadd.s32 s8, s3;
	s10 =	sadd.s32 s3, s16  }
0xd: {  	s6 =	sadd.s32 s5, s2;
	s22 =	sadd.s32 s3, s21;
	s11 =	sadd.s32 s3, s23  }
0xe: {  	s8 =	sadd.s32 $0x10000, s8;
	s25 =	sadd.s32 s23, s2;
	[dreg:$0x3] =	wrdreg s1  }
0xf: {  	s18 =	sshrl.u32 s17, $0x3;
	s19 =	sshrl.u32 s10, $0x3;
	s1 =	sadd.s32 s16, s2  }
0x10: {  	s9 =	sshrl.u32 s22, $0x3;
	s24 =	sshrl.u32 s11, $0x3;
	s3 =	sadd.s32 s3, s8  }
0x11: {  	s26 =	sadd.s32 s8, s2;
	s12 =	smax.u32 s15, $0x1;
	s15 =	simm.s32 $0x4  }
0x12: {  	s16 =	simm.s32 $0x50;
	s17 =	simm.s32 $0x4000;
	s5 =	sadd.s32 s0, s18  }
0x13: {  	s20 =	sadd.s32 s0, s19;
	s9 =	sadd.s32 s0, s9;
	s3 =	sshrl.u32 s3, $0x3  }
0x14: {  	s18 =	simm.s32 $0x4300;
	s19 =	simm.s32 $0x4100;
	[dreg:$0x4] =	wrdreg s5  }
0x15: {  	s22 =	sshrl.u32 s1, $0x3;
	s1 =	simm.s32 $0x5;
	[dreg:$0x5] =	wrdreg s20  }
0x16: {  	[dreg:$0x6] =	wrdreg s9;
	s5 =	sadd.s32 s21, s2;
	s9 =	sadd.s32 s0, s24  }
0x17: {  	s0 =	sadd.s32 s0, s3;
	s20 =	simm.s32 $0x6B00;
	s21 =	simm.s32 $0x4200  }
0x18: {  	s24 =	sshrl.u32 s25, $0x3;
	s25 =	sshrl.u32 s26, $0x3;
	[dreg:$0x7] =	wrdreg s9  }
0x19: {  	s26 =	simm.s32 $0x9300;
	s3 =	simm.s32 $0x4280;
	[dreg:$0x8] =	wrdreg s0  }
0x1a: {  	v0 =	vimm.f32 $0.0e+00;
	s23 =	sshrl.u32 s5, $0x3;
	s0 =	simm.s32 $0x3;
	s5 =	simm.s32 $0x6  }
.LBB2_1:
0x1b: {  	s8 =	simm.s32 $0x0;
	s9 =	rddreg [dreg:$0x3]  }
0x1c: {  	[tilespmem:s8], [sflag:$0x7] =	stream.linear.gather [hbm4b:s9+s8], $0x3F00, $0x38;
	[tilespmem:$0x1FF00] =	vst v63  }
0x1d: {  	_ =	swait.ge [sflag:s13], $0x3F00  }
0x1e: {  	[sflag:s13] =	ssyncset.done $0x0  }
0x1f: {  	[sflag:s13] =	ssyncadd.s32 $0xFFFFC100  }
0x20: {  	[tilespmem:$0xBB00] =	vst v0  }
0x21: {  	[tilespmem:$0xBB10] =	vst v0  }
0x22: {  	[tilespmem:$0xBB20] =	vst v0  }
0x23: {  	[tilespmem:$0xBB30] =	vst v0  }
0x24: {  	[tilespmem:$0xBB40] =	vst v0  }
0x25: {  	[tilespmem:$0xBB50] =	vst v0  }
0x26: {  	[tilespmem:$0xBB60] =	vst v0  }
0x27: {  	[tilespmem:$0xBB70] =	vst v0  }
0x28: {  	[tilespmem:$0xBB80] =	vst v0  }
0x29: {  	[tilespmem:$0xBB90] =	vst v0  }
0x2a: {  	[tilespmem:$0xBBA0] =	vst v0  }
0x2b: {  	[tilespmem:$0xBBB0] =	vst v0  }
0x2c: {  	[tilespmem:$0xBBC0] =	vst v0  }
0x2d: {  	[tilespmem:$0xBBD0] =	vst v0  }
0x2e: {  	[tilespmem:$0xBBE0] =	vst v0  }
0x2f: {  	[tilespmem:$0xBBF0] =	vst v0  }
0x30: {  	[tilespmem:$0xBC00] =	vst v0  }
0x31: {  	[tilespmem:$0xBC10] =	vst v0  }
0x32: {  	[tilespmem:$0xBC20] =	vst v0  }
0x33: {  	[tilespmem:$0xBC30] =	vst v0  }
0x34: {  	[tilespmem:$0xBC40] =	vst v0  }
0x35: {  	[tilespmem:$0xBC50] =	vst v0  }
0x36: {  	[tilespmem:$0xBC60] =	vst v0  }
0x37: {  	[tilespmem:$0xBC70] =	vst v0  }
0x38: {  	[tilespmem:$0xBC80] =	vst v0  }
0x39: {  	[tilespmem:$0xBC90] =	vst v0  }
0x3a: {  	[tilespmem:$0xBCA0] =	vst v0  }
0x3b: {  	[tilespmem:$0xBCB0] =	vst v0  }
0x3c: {  	[tilespmem:$0xBCC0] =	vst v0  }
0x3d: {  	[tilespmem:$0xBCD0] =	vst v0  }
0x3e: {  	[tilespmem:$0xBCE0] =	vst v0  }
0x3f: {  	[tilespmem:$0xBCF0] =	vst v0  }
0x40: {  	[tilespmem:$0xBD00] =	vst v0  }
0x41: {  	[tilespmem:$0xBD10] =	vst v0  }
0x42: {  	[tilespmem:$0xBD20] =	vst v0  }
0x43: {  	[tilespmem:$0xBD30] =	vst v0  }
0x44: {  	[tilespmem:$0xBD40] =	vst v0  }
0x45: {  	[tilespmem:$0xBD50] =	vst v0  }
0x46: {  	[tilespmem:$0xBD60] =	vst v0  }
0x47: {  	[tilespmem:$0xBD70] =	vst v0  }
0x48: {  	[tilespmem:$0xBD80] =	vst v0  }
0x49: {  	[tilespmem:$0xBD90] =	vst v0  }
0x4a: {  	[tilespmem:$0xBDA0] =	vst v0  }
0x4b: {  	[tilespmem:$0xBDB0] =	vst v0  }
0x4c: {  	[tilespmem:$0xBDC0] =	vst v0  }
0x4d: {  	[tilespmem:$0xBDD0] =	vst v0  }
0x4e: {  	[tilespmem:$0xBDE0] =	vst v0  }
0x4f: {  	[tilespmem:$0xBDF0] =	vst v0  }
0x50: {  	[tilespmem:$0xBE00] =	vst v0  }
0x51: {  	[tilespmem:$0xBE10] =	vst v0  }
0x52: {  	[tilespmem:$0xBE20] =	vst v0  }
0x53: {  	[tilespmem:$0xBE30] =	vst v0  }
0x54: {  	[tilespmem:$0xBE40] =	vst v0  }
0x55: {  	[tilespmem:$0xBE50] =	vst v0  }
0x56: {  	[tilespmem:$0xBE60] =	vst v0  }
0x57: {  	[tilespmem:$0xBE70] =	vst v0  }
0x58: {  	[tilespmem:$0xBE80] =	vst v0  }
0x59: {  	[tilespmem:$0xBE90] =	vst v0  }
0x5a: {  	[tilespmem:$0xBEA0] =	vst v0  }
0x5b: {  	[tilespmem:$0xBEB0] =	vst v0  }
0x5c: {  	[tilespmem:$0xBEC0] =	vst v0  }
0x5d: {  	[tilespmem:$0xBED0] =	vst v0  }
0x5e: {  	[tilespmem:$0xBEE0] =	vst v0  }
0x5f: {  	s8 =	sadd.s32 $0x0, s6;
	[tilespmem:$0xBEF0] =	vst v0  }
0x60: {  	[spmem:s8] =	stream.linear.scatter [tilespmem:s14], [sflag:$0x4], $0x400, $0x38;
	[tilespmem:$0x1FF00] =	vst v63  }
0x61: {  	s10 =	sadd.s32 $0x400, s8  }
0x62: {  	[spmem:s10] =	stream.linear.scatter [tilespmem:s14], [sflag:$0x4], $0x400, $0x38;
	[tilespmem:$0x1FF00] =	vst v63  }
0x63: {  	s11 =	sadd.s32 $0x800, s8  }
0x64: {  	[spmem:s11] =	stream.linear.scatter [tilespmem:s14], [sflag:$0x4], $0x400, $0x38;
	[tilespmem:$0x1FF00] =	vst v63  }
0x65: {  	s10 =	sadd.s32 $0xC00, s8  }
0x66: {  	[spmem:s10] =	stream.linear.scatter [tilespmem:s14], [sflag:$0x4], $0x400, $0x38;
	[tilespmem:$0x1FF00] =	vst v63  }
0x67: {  	s11 =	sadd.s32 $0x1000, s8  }
0x68: {  	[spmem:s11] =	stream.linear.scatter [tilespmem:s14], [sflag:$0x4], $0x400, $0x38;
	[tilespmem:$0x1FF00] =	vst v63  }
0x69: {  	s10 =	sadd.s32 $0x1400, s8  }
0x6a: {  	[spmem:s10] =	stream.linear.scatter [tilespmem:s14], [sflag:$0x4], $0x400, $0x38;
	[tilespmem:$0x1FF00] =	vst v63  }
0x6b: {  	s11 =	sadd.s32 $0x1800, s8  }
0x6c: {  	[spmem:s11] =	stream.linear.scatter [tilespmem:s14], [sflag:$0x4], $0x400, $0x38;
	[tilespmem:$0x1FF00] =	vst v63  }
0x6d: {  	s8 =	sadd.s32 $0x1C00, s8  }
0x6e: {  	[spmem:s8] =	stream.linear.scatter [tilespmem:s14], [sflag:$0x4], $0x400, $0x38;
	[tilespmem:$0x1FF00] =	vst v63  }
0x6f: {  	_ =	swait.ge [sflag:s15], $0x400  }
0x70: {  	[sflag:s15] =	ssyncset.done $0x0  }
0x71: {  	[sflag:s15] =	ssyncadd.s32 $0xFFFFFC00  }
0x72: {  	_ =	swait.ge [sflag:s15], $0x400  }
0x73: {  	[sflag:s15] =	ssyncset.done $0x0  }
0x74: {  	[sflag:s15] =	ssyncadd.s32 $0xFFFFFC00  }
0x75: {  	_ =	swait.ge [sflag:s15], $0x400  }
0x76: {  	[sflag:s15] =	ssyncset.done $0x0  }
0x77: {  	[sflag:s15] =	ssyncadd.s32 $0xFFFFFC00  }
0x78: {  	_ =	swait.ge [sflag:s15], $0x400  }
0x79: {  	[sflag:s15] =	ssyncset.done $0x0  }
0x7a: {  	[sflag:s15] =	ssyncadd.s32 $0xFFFFFC00  }
0x7b: {  	_ =	swait.ge [sflag:s15], $0x400  }
0x7c: {  	[sflag:s15] =	ssyncset.done $0x0  }
0x7d: {  	[sflag:s15] =	ssyncadd.s32 $0xFFFFFC00  }
0x7e: {  	_ =	swait.ge [sflag:s15], $0x400  }
0x7f: {  	[sflag:s15] =	ssyncset.done $0x0  }
0x80: {  	[sflag:s15] =	ssyncadd.s32 $0xFFFFFC00  }
0x81: {  	_ =	swait.ge [sflag:s15], $0x400  }
0x82: {  	[sflag:s15] =	ssyncset.done $0x0  }
0x83: {  	[sflag:s15] =	ssyncadd.s32 $0xFFFFFC00  }
0x84: {  	_ =	swait.ge [sflag:s15], $0x400  }
0x85: {  	s9 =	simm.s32 $0x2000;
	s8 =	simm.s32 $0x10000;
	[sflag:s15] =	ssyncset.done $0x0  }
.LBB2_2:
0x86: {  	s11 =	sadd.s32 s9, s6  }
0x87: {  	[sflag:s15] =	ssyncadd.s32 $0xFFFFFC00;
	s9 =	smov.u32 s8;
	s10 =	sadd.s32 $0x8000, s8  }
0x88: {  	[spmem:s11] =	stream.linear.scatter [tilespmem:s14], [sflag:$0x4], $0x400, $0x38;
	[tilespmem:$0x1FF00] =	vst v63  }
0x89: {  	p0 =	sne.s32 s8, $0x48000;
	s8 =	sadd.s32 $0x400, s11  }
0x8a: {  	[spmem:s8] =	stream.linear.scatter [tilespmem:s14], [sflag:$0x4], $0x400, $0x38;
	[tilespmem:$0x1FF00] =	vst v63  }
0x8b: {  	s8 =	sadd.s32 $0x800, s11  }
0x8c: {  	[spmem:s8] =	stream.linear.scatter [tilespmem:s14], [sflag:$0x4], $0x400, $0x38;
	[tilespmem:$0x1FF00] =	vst v63  }
0x8d: {  	s8 =	sadd.s32 $0xC00, s11  }
0x8e: {  	[spmem:s8] =	stream.linear.scatter [tilespmem:s14], [sflag:$0x4], $0x400, $0x38;
	[tilespmem:$0x1FF00] =	vst v63  }
0x8f: {  	s8 =	sadd.s32 $0x1000, s11  }
0x90: {  	[spmem:s8] =	stream.linear.scatter [tilespmem:s14], [sflag:$0x4], $0x400, $0x38;
	[tilespmem:$0x1FF00] =	vst v63  }
0x91: {  	s8 =	sadd.s32 $0x1400, s11  }
0x92: {  	[spmem:s8] =	stream.linear.scatter [tilespmem:s14], [sflag:$0x4], $0x400, $0x38;
	[tilespmem:$0x1FF00] =	vst v63  }
0x93: {  	s8 =	sadd.s32 $0x1800, s11  }
0x94: {  	[spmem:s8] =	stream.linear.scatter [tilespmem:s14], [sflag:$0x4], $0x400, $0x38;
	[tilespmem:$0x1FF00] =	vst v63  }
0x95: {  	s8 =	sadd.s32 $0x1C00, s11  }
0x96: {  	[spmem:s8] =	stream.linear.scatter [tilespmem:s14], [sflag:$0x4], $0x400, $0x38;
	[tilespmem:$0x1FF00] =	vst v63  }
0x97: {  	_ =	swait.ge [sflag:s15], $0x400  }
0x98: {  	[sflag:s15] =	ssyncset.done $0x0  }
0x99: {  	[sflag:s15] =	ssyncadd.s32 $0xFFFFFC00  }
0x9a: {  	_ =	swait.ge [sflag:s15], $0x400  }
0x9b: {  	[sflag:s15] =	ssyncset.done $0x0  }
0x9c: {  	[sflag:s15] =	ssyncadd.s32 $0xFFFFFC00  }
0x9d: {  	_ =	swait.ge [sflag:s15], $0x400  }
0x9e: {  	[sflag:s15] =	ssyncset.done $0x0  }
0x9f: {  	[sflag:s15] =	ssyncadd.s32 $0xFFFFFC00  }
0xa0: {  	_ =	swait.ge [sflag:s15], $0x400  }
0xa1: {  	[sflag:s15] =	ssyncset.done $0x0  }
0xa2: {  	[sflag:s15] =	ssyncadd.s32 $0xFFFFFC00  }
0xa3: {  	_ =	swait.ge [sflag:s15], $0x400  }
0xa4: {  	[sflag:s15] =	ssyncset.done $0x0  }
0xa5: {  	[sflag:s15] =	ssyncadd.s32 $0xFFFFFC00  }
0xa6: {  	_ =	swait.ge [sflag:s15], $0x400  }
0xa7: {  	[sflag:s15] =	ssyncset.done $0x0  }
0xa8: {  	[sflag:s15] =	ssyncadd.s32 $0xFFFFFC00  }
.Ltmp0:
0xa9: {  	_ =	swait.ge [sflag:s15], $0x400;
	(pc) =	sbr.rel @p0 .LBB2_2-.Ltmp0, $4  }
0xaa: {  	[sflag:s15] =	ssyncset.done $0x0  }
0xab: {  	[sflag:s15] =	ssyncadd.s32 $0xFFFFFC00  }
0xac: {  	_ =	swait.ge [sflag:s15], $0x400  }
0xad: {  	s9 =	sshra.s32 s9, $0x2;
	s8 =	smov.u32 s10;
	[sflag:s15] =	ssyncset.done $0x0  }
0xae: {  	s8 =	sadd.s32 s9, s6;
	[sflag:s15] =	ssyncadd.s32 $0xFFFFFC00  }
0xaf: {  	[spmem:s8] =	stream.linear.scatter [tilespmem:s14], [sflag:$0x4], $0x400, $0x38;
	[tilespmem:$0x1FF00] =	vst v63  }
0xb0: {  	s9 =	sadd.s32 $0x400, s8  }
0xb1: {  	[spmem:s9] =	stream.linear.scatter [tilespmem:s14], [sflag:$0x4], $0x400, $0x38;
	[tilespmem:$0x1FF00] =	vst v63  }
0xb2: {  	s11 =	sadd.s32 $0x800, s8  }
0xb3: {  	[spmem:s11] =	stream.linear.scatter [tilespmem:s14], [sflag:$0x4], $0x400, $0x38;
	[tilespmem:$0x1FF00] =	vst v63  }
0xb4: {  	s10 =	sadd.s32 $0xC00, s8  }
0xb5: {  	[spmem:s10] =	stream.linear.scatter [tilespmem:s14], [sflag:$0x4], $0x400, $0x38;
	[tilespmem:$0x1FF00] =	vst v63  }
0xb6: {  	s11 =	sadd.s32 $0x1000, s8  }
0xb7: {  	[spmem:s11] =	stream.linear.scatter [tilespmem:s14], [sflag:$0x4], $0x400, $0x38;
	[tilespmem:$0x1FF00] =	vst v63  }
0xb8: {  	s10 =	sadd.s32 $0x1400, s8  }
0xb9: {  	[spmem:s10] =	stream.linear.scatter [tilespmem:s14], [sflag:$0x4], $0x400, $0x38;
	[tilespmem:$0x1FF00] =	vst v63  }
0xba: {  	s11 =	sadd.s32 $0x1800, s8  }
0xbb: {  	[spmem:s11] =	stream.linear.scatter [tilespmem:s14], [sflag:$0x4], $0x400, $0x38;
	[tilespmem:$0x1FF00] =	vst v63  }
0xbc: {  	s8 =	sadd.s32 $0x1C00, s8  }
0xbd: {  	[spmem:s8] =	stream.linear.scatter [tilespmem:s14], [sflag:$0x4], $0x400, $0x38;
	[tilespmem:$0x1FF00] =	vst v63  }
0xbe: {  	_ =	swait.ge [sflag:s15], $0x400  }
0xbf: {  	[sflag:s15] =	ssyncset.done $0x0  }
0xc0: {  	[sflag:s15] =	ssyncadd.s32 $0xFFFFFC00  }
0xc1: {  	_ =	swait.ge [sflag:s15], $0x400  }
0xc2: {  	[sflag:s15] =	ssyncset.done $0x0  }
0xc3: {  	[sflag:s15] =	ssyncadd.s32 $0xFFFFFC00  }
0xc4: {  	_ =	swait.ge [sflag:s15], $0x400  }
0xc5: {  	[sflag:s15] =	ssyncset.done $0x0  }
0xc6: {  	[sflag:s15] =	ssyncadd.s32 $0xFFFFFC00  }
0xc7: {  	_ =	swait.ge [sflag:s15], $0x400  }
0xc8: {  	[sflag:s15] =	ssyncset.done $0x0  }
0xc9: {  	[sflag:s15] =	ssyncadd.s32 $0xFFFFFC00  }
0xca: {  	_ =	swait.ge [sflag:s15], $0x400  }
0xcb: {  	[sflag:s15] =	ssyncset.done $0x0  }
0xcc: {  	[sflag:s15] =	ssyncadd.s32 $0xFFFFFC00  }
0xcd: {  	_ =	swait.ge [sflag:s15], $0x400  }
0xce: {  	[sflag:s15] =	ssyncset.done $0x0  }
0xcf: {  	[sflag:s15] =	ssyncadd.s32 $0xFFFFFC00  }
0xd0: {  	_ =	swait.ge [sflag:s15], $0x400  }
0xd1: {  	[sflag:s15] =	ssyncset.done $0x0  }
0xd2: {  	[sflag:s15] =	ssyncadd.s32 $0xFFFFFC00  }
0xd3: {  	_ =	swait.ge [sflag:s15], $0x400  }
0xd4: {  	[sflag:s15] =	ssyncset.done $0x0  }
0xd5: {  	[sflag:s15] =	ssyncadd.s32 $0xFFFFFC00  }
0xd6: {  	[bflag:$0x0] =	sbarrier.arrive $0xFFFF  }
0xd7: {  	v1 =	vld [tilespmem:$0x0];
	_ =	sdelay $0x1  }
0xd8: {  	v2 =	vld [tilespmem:$0x10];
	_ =	sdelay $0x1  }
0xd9: {  	v3 =	vld [tilespmem:$0x20]  }
0xda: {  	v4 =	vshrl.u32 v1, $0xE  }
0xdb: {  	v59 =	vld [tilespmem:$0x30];
	v1 =	vand.u32 $0x3FFF, v1;
	[tilespmem:$0x4000] =	vst v4  }
0xdc: {  	[tilespmem:$0x4080] =	vst v1;
	v1 =	vshrl.u32 v2, $0xE  }
0xdd: {  	[tilespmem:$0x4010] =	vst v1;
	v1 =	vand.u32 $0x3FFF, v2;
	v2 =	vld [tilespmem:$0x40]  }
0xde: {  	[tilespmem:$0x4090] =	vst v1;
	v1 =	vshrl.u32 v3, $0xE  }
0xdf: {  	[tilespmem:$0x4020] =	vst v1;
	v1 =	vand.u32 $0x3FFF, v3  }
0xe0: {  	[tilespmem:$0x40A0] =	vst v1;
	v1 =	vshrl.u32 v59, $0xE  }
0xe1: {  	[tilespmem:$0x4030] =	vst v1;
	v1 =	vand.u32 $0x3FFF, v59  }
0xe2: {  	[tilespmem:$0x40B0] =	vst v1;
	v1 =	vshrl.u32 v2, $0xE  }
0xe3: {  	[tilespmem:$0x4040] =	vst v1;
	v1 =	vand.u32 $0x3FFF, v2  }
0xe4: {  	[tilespmem:$0x40C0] =	vst v1  }
0xe5: {  	[tilespmem:s18], [sflag:$0x1] =	stream.indirect.gather [hbm4b:s4+s16], $0x80, s17, s16, $0xb8;
	[tilespmem:$0x1FF00] =	vst v63  }
0xe6: {  	v1 =	vld [tilespmem:$0x80];
	_ =	sdelay $0x1  }
0xe7: {  	v2 =	vld [tilespmem:$0x90];
	_ =	sdelay $0x1  }
0xe8: {  	v3 =	vld [tilespmem:$0xA0]  }
0xe9: {  	v60 =	vshrl.u32 v1, $0xE  }
0xea: {  	v61 =	vld [tilespmem:$0xB0];
	v1 =	vand.u32 $0x3FFF, v1;
	[tilespmem:$0x4100] =	vst v60  }
0xeb: {  	[tilespmem:$0x4180] =	vst v1;
	v1 =	vshrl.u32 v2, $0xE  }
0xec: {  	[tilespmem:$0x4110] =	vst v1;
	v1 =	vand.u32 $0x3FFF, v2;
	v2 =	vld [tilespmem:$0xC0]  }
0xed: {  	[tilespmem:$0x4190] =	vst v1;
	v1 =	vshrl.u32 v3, $0xE  }
0xee: {  	[tilespmem:$0x4120] =	vst v1;
	v1 =	vand.u32 $0x3FFF, v3  }
0xef: {  	[tilespmem:$0x41A0] =	vst v1;
	v1 =	vshrl.u32 v61, $0xE  }
0xf0: {  	[tilespmem:$0x4130] =	vst v1;
	v1 =	vand.u32 $0x3FFF, v61  }
0xf1: {  	[tilespmem:$0x41B0] =	vst v1;
	v1 =	vshrl.u32 v2, $0xE  }
0xf2: {  	[tilespmem:$0x4140] =	vst v1;
	v1 =	vand.u32 $0x3FFF, v2  }
0xf3: {  	[tilespmem:$0x41C0] =	vst v1  }
0xf4: {  	[tilespmem:s20], [sflag:$0x2] =	stream.indirect.gather [hbm4b:s4+s16], $0x80, s19, s16, $0xb8;
	[tilespmem:$0x1FF00] =	vst v63  }
0xf5: {  	v1 =	vld [tilespmem:$0x100];
	_ =	sdelay $0x1  }
0xf6: {  	v2 =	vld [tilespmem:$0x110];
	_ =	sdelay $0x1  }
0xf7: {  	v3 =	vld [tilespmem:$0x120]  }
0xf8: {  	v62 =	vshrl.u32 v1, $0xE  }
0xf9: {  	v63 =	vld [tilespmem:$0x130];
	v1 =	vand.u32 $0x3FFF, v1;
	[tilespmem:$0x4200] =	vst v62  }
0xfa: {  	[tilespmem:$0x4280] =	vst v1;
	v1 =	vshrl.u32 v2, $0xE  }
0xfb: {  	[tilespmem:$0x4210] =	vst v1;
	v1 =	vand.u32 $0x3FFF, v2;
	v2 =	vld [tilespmem:$0x140]  }
0xfc: {  	[tilespmem:$0x4290] =	vst v1;
	v1 =	vshrl.u32 v3, $0xE  }
0xfd: {  	[tilespmem:$0x4220] =	vst v1;
	v1 =	vand.u32 $0x3FFF, v3  }
0xfe: {  	[tilespmem:$0x42A0] =	vst v1;
	v1 =	vshrl.u32 v63, $0xE  }
0xff: {  	[tilespmem:$0x4230] =	vst v1;
	v1 =	vand.u32 $0x3FFF, v63  }
0x100: {  	[tilespmem:$0x42B0] =	vst v1;
	v1 =	vshrl.u32 v2, $0xE  }
0x101: {  	[tilespmem:$0x4240] =	vst v1;
	v1 =	vand.u32 $0x3FFF, v2  }
0x102: {  	[tilespmem:$0x42C0] =	vst v1  }
0x103: {  	[tilespmem:s26], [sflag:$0x3] =	stream.indirect.gather [hbm4b:s4+s16], $0x80, s21, s16, $0xb8;
	[tilespmem:$0x1FF00] =	vst v63  }
0x104: {  	_ =	swait.ge [sflag:s28], $0x2800  }
0x105: {  	[sflag:s28] =	ssyncset.done $0x0  }
0x106: {  	[sflag:s28] =	ssyncadd.s32 $0xFFFFD800  }
0x107: {  	[spmem:s2] =	stream.indirect.scatter.add.f32 [tilespmem:s18], [sflag:$0x4], $0x80, s29, s16, $0xb8;
	[tilespmem:$0x1FF00] =	vst v63  }
0x108: {  	_ =	swait.ge [sflag:s30], $0x2800  }
0x109: {  	[sflag:s30] =	ssyncset.done $0x0  }
0x10a: {  	[sflag:s30] =	ssyncadd.s32 $0xFFFFD800  }
0x10b: {  	[spmem:s2] =	stream.indirect.scatter.add.f32 [tilespmem:s20], [sflag:$0x5], $0x80, s31, s16, $0xb8;
	[tilespmem:$0x1FF00] =	vst v63  }
0x10c: {  	_ =	swait.ge [sflag:s0], $0x2800  }
0x10d: {  	[sflag:s0] =	ssyncset.done $0x0  }
0x10e: {  	[sflag:s0] =	ssyncadd.s32 $0xFFFFD800  }
0x10f: {  	[spmem:s2] =	stream.indirect.scatter.add.f32 [tilespmem:s26], [sflag:$0x6], $0x80, s3, s16, $0xb8;
	[tilespmem:$0x1FF00] =	vst v63  }
0x110: {  	_ =	swait.ge [sflag:s15], $0x2800  }
0x111: {  	[sflag:s15] =	ssyncset.done $0x0  }
0x112: {  	s8 =	simm.s32 $0x0;
	[sflag:s15] =	ssyncadd.s32 $0xFFFFD800  }
0x113: {  	v1 =	vld [tilespmem:s8+$0x180];
	_ =	sdelay $0x4  }
0x114: {  	v2 =	vshrl.u32 v1, $0xE  }
0x115: {  	v1 =	vand.u32 $0x3FFF, v1;
	[tilespmem:$0x4000] =	vst v2  }
0x116: {  	[tilespmem:$0x4080] =	vst v1  }
0x117: {  	v1 =	vld [tilespmem:s8+$0x190];
	_ =	sdelay $0x4  }
0x118: {  	v2 =	vshrl.u32 v1, $0xE  }
0x119: {  	v1 =	vand.u32 $0x3FFF, v1;
	[tilespmem:$0x4010] =	vst v2  }
0x11a: {  	[tilespmem:$0x4090] =	vst v1  }
0x11b: {  	v1 =	vld [tilespmem:s8+$0x1A0];
	_ =	sdelay $0x4  }
0x11c: {  	v2 =	vshrl.u32 v1, $0xE  }
0x11d: {  	v1 =	vand.u32 $0x3FFF, v1;
	[tilespmem:$0x4020] =	vst v2  }
0x11e: {  	[tilespmem:$0x40A0] =	vst v1  }
0x11f: {  	v1 =	vld [tilespmem:s8+$0x1B0];
	_ =	sdelay $0x4  }
0x120: {  	v2 =	vshrl.u32 v1, $0xE  }
0x121: {  	v1 =	vand.u32 $0x3FFF, v1;
	[tilespmem:$0x4030] =	vst v2  }
0x122: {  	[tilespmem:$0x40B0] =	vst v1  }
0x123: {  	v1 =	vld [tilespmem:s8+$0x1C0];
	_ =	sdelay $0x4  }
0x124: {  	v2 =	vshrl.u32 v1, $0xE  }
0x125: {  	v1 =	vand.u32 $0x3FFF, v1;
	[tilespmem:$0x4040] =	vst v2  }
0x126: {  	[tilespmem:$0x40C0] =	vst v1  }
0x127: {  	[tilespmem:s18], [sflag:$0x1] =	stream.indirect.gather [hbm4b:s4+s16], $0x80, s17, s16, $0xb8;
	[tilespmem:$0x1FF00] =	vst v63  }
0x128: {  	_ =	swait.ge [sflag:s1], $0x2800  }
0x129: {  	[sflag:s1] =	ssyncset.done $0x0  }
0x12a: {  	[sflag:s1] =	ssyncadd.s32 $0xFFFFD800  }
0x12b: {  	v1 =	vld [tilespmem:s8+$0x200];
	_ =	sdelay $0x4  }
0x12c: {  	v2 =	vshrl.u32 v1, $0xE  }
0x12d: {  	v1 =	vand.u32 $0x3FFF, v1;
	[tilespmem:$0x4100] =	vst v2  }
0x12e: {  	[tilespmem:$0x4180] =	vst v1  }
0x12f: {  	v1 =	vld [tilespmem:s8+$0x210];
	_ =	sdelay $0x4  }
0x130: {  	v2 =	vshrl.u32 v1, $0xE  }
0x131: {  	v1 =	vand.u32 $0x3FFF, v1;
	[tilespmem:$0x4110] =	vst v2  }
0x132: {  	[tilespmem:$0x4190] =	vst v1  }
0x133: {  	v1 =	vld [tilespmem:s8+$0x220];
	_ =	sdelay $0x4  }
0x134: {  	v2 =	vshrl.u32 v1, $0xE  }
0x135: {  	v1 =	vand.u32 $0x3FFF, v1;
	[tilespmem:$0x4120] =	vst v2  }
0x136: {  	[tilespmem:$0x41A0] =	vst v1  }
0x137: {  	v1 =	vld [tilespmem:s8+$0x230];
	_ =	sdelay $0x4  }
0x138: {  	v2 =	vshrl.u32 v1, $0xE  }
0x139: {  	v1 =	vand.u32 $0x3FFF, v1;
	[tilespmem:$0x4130] =	vst v2  }
0x13a: {  	[tilespmem:$0x41B0] =	vst v1  }
0x13b: {  	v1 =	vld [tilespmem:s8+$0x240];
	_ =	sdelay $0x4  }
0x13c: {  	v2 =	vshrl.u32 v1, $0xE  }
0x13d: {  	v1 =	vand.u32 $0x3FFF, v1;
	[tilespmem:$0x4140] =	vst v2  }
0x13e: {  	[tilespmem:$0x41C0] =	vst v1  }
0x13f: {  	[tilespmem:s20], [sflag:$0x2] =	stream.indirect.gather [hbm4b:s4+s16], $0x80, s19, s16, $0xb8;
	[tilespmem:$0x1FF00] =	vst v63  }
0x140: {  	_ =	swait.ge [sflag:s5], $0x2800  }
0x141: {  	[sflag:s5] =	ssyncset.done $0x0  }
0x142: {  	[sflag:s5] =	ssyncadd.s32 $0xFFFFD800  }
0x143: {  	v1 =	vld [tilespmem:s8+$0x280];
	_ =	sdelay $0x4  }
0x144: {  	v2 =	vshrl.u32 v1, $0xE  }
0x145: {  	v1 =	vand.u32 $0x3FFF, v1;
	[tilespmem:$0x4200] =	vst v2  }
0x146: {  	[tilespmem:$0x4280] =	vst v1  }
0x147: {  	v1 =	vld [tilespmem:s8+$0x290];
	_ =	sdelay $0x4  }
0x148: {  	v2 =	vshrl.u32 v1, $0xE  }
0x149: {  	v1 =	vand.u32 $0x3FFF, v1;
	[tilespmem:$0x4210] =	vst v2  }
0x14a: {  	[tilespmem:$0x4290] =	vst v1  }
0x14b: {  	v1 =	vld [tilespmem:s8+$0x2A0];
	_ =	sdelay $0x4  }
0x14c: {  	v2 =	vshrl.u32 v1, $0xE  }
0x14d: {  	v1 =	vand.u32 $0x3FFF, v1;
	[tilespmem:$0x4220] =	vst v2  }
0x14e: {  	[tilespmem:$0x42A0] =	vst v1  }
0x14f: {  	s9 =	simm.s32 $0x600;
	v1 =	vld [tilespmem:s8+$0x2B0]  }
.LBB2_4:
0x150: {  	p0 =	sne.s32 s9, $0xF000;
	s10 =	smov.u32 s9;
	s9 =	sadd.s32 $0x600, s9  }
0x151: {  	_ =	sdelay $0x2  }
0x152: {  	v2 =	vshrl.u32 v1, $0xE;
	v1 =	vand.u32 $0x3FFF, v1  }
0x153: {  	[tilespmem:$0x4230] =	vst v2  }
0x154: {  	[tilespmem:$0x42B0] =	vst v1  }
0x155: {  	v1 =	vld [tilespmem:s8+$0x2C0];
	_ =	sdelay $0x4  }
0x156: {  	v2 =	vshrl.u32 v1, $0xE;
	v1 =	vand.u32 $0x3FFF, v1  }
0x157: {  	[tilespmem:$0x4240] =	vst v2  }
0x158: {  	[tilespmem:$0x42C0] =	vst v1  }
0x159: {  	[tilespmem:s26], [sflag:$0x3] =	stream.indirect.gather [hbm4b:s4+s16], $0x80, s21, s16, $0xb8;
	[tilespmem:$0x1FF00] =	vst v63  }
0x15a: {  	_ =	swait.ge [sflag:s28], $0x2800  }
0x15b: {  	[sflag:s28] =	ssyncset.done $0x0  }
0x15c: {  	[sflag:s28] =	ssyncadd.s32 $0xFFFFD800  }
0x15d: {  	[spmem:s2] =	stream.indirect.scatter.add.f32 [tilespmem:s18], [sflag:$0x4], $0x80, s29, s16, $0xb8;
	[tilespmem:$0x1FF00] =	vst v63  }
0x15e: {  	_ =	swait.ge [sflag:s30], $0x2800  }
0x15f: {  	[sflag:s30] =	ssyncset.done $0x0  }
0x160: {  	[sflag:s30] =	ssyncadd.s32 $0xFFFFD800  }
0x161: {  	[spmem:s2] =	stream.indirect.scatter.add.f32 [tilespmem:s20], [sflag:$0x5], $0x80, s31, s16, $0xb8;
	[tilespmem:$0x1FF00] =	vst v63  }
0x162: {  	_ =	swait.ge [sflag:s0], $0x2800  }
0x163: {  	[sflag:s0] =	ssyncset.done $0x0  }
0x164: {  	[sflag:s0] =	ssyncadd.s32 $0xFFFFD800  }
0x165: {  	[spmem:s2] =	stream.indirect.scatter.add.f32 [tilespmem:s26], [sflag:$0x6], $0x80, s3, s16, $0xb8;
	[tilespmem:$0x1FF00] =	vst v63  }
0x166: {  	_ =	swait.ge [sflag:s15], $0x2800  }
0x167: {  	[sflag:s15] =	ssyncset.done $0x0  }
0x168: {  	s8 =	sshra.s32 s10, $0x2;
	[sflag:s15] =	ssyncadd.s32 $0xFFFFD800  }
0x169: {  	v1 =	vld [tilespmem:s8+$0x180];
	_ =	sdelay $0x4  }
0x16a: {  	v2 =	vshrl.u32 v1, $0xE;
	v1 =	vand.u32 $0x3FFF, v1  }
0x16b: {  	[tilespmem:$0x4000] =	vst v2  }
0x16c: {  	[tilespmem:$0x4080] =	vst v1  }
0x16d: {  	v1 =	vld [tilespmem:s8+$0x190];
	_ =	sdelay $0x4  }
0x16e: {  	v2 =	vshrl.u32 v1, $0xE;
	v1 =	vand.u32 $0x3FFF, v1  }
0x16f: {  	[tilespmem:$0x4010] =	vst v2  }
0x170: {  	[tilespmem:$0x4090] =	vst v1  }
0x171: {  	v1 =	vld [tilespmem:s8+$0x1A0];
	_ =	sdelay $0x4  }
0x172: {  	v2 =	vshrl.u32 v1, $0xE;
	v1 =	vand.u32 $0x3FFF, v1  }
0x173: {  	[tilespmem:$0x4020] =	vst v2  }
0x174: {  	[tilespmem:$0x40A0] =	vst v1  }
0x175: {  	v1 =	vld [tilespmem:s8+$0x1B0];
	_ =	sdelay $0x4  }
0x176: {  	v2 =	vshrl.u32 v1, $0xE;
	v1 =	vand.u32 $0x3FFF, v1  }
0x177: {  	[tilespmem:$0x4030] =	vst v2  }
0x178: {  	[tilespmem:$0x40B0] =	vst v1  }
0x179: {  	v1 =	vld [tilespmem:s8+$0x1C0];
	_ =	sdelay $0x4  }
0x17a: {  	v2 =	vshrl.u32 v1, $0xE;
	v1 =	vand.u32 $0x3FFF, v1  }
0x17b: {  	[tilespmem:$0x4040] =	vst v2  }
0x17c: {  	[tilespmem:$0x40C0] =	vst v1  }
0x17d: {  	[tilespmem:s18], [sflag:$0x1] =	stream.indirect.gather [hbm4b:s4+s16], $0x80, s17, s16, $0xb8;
	[tilespmem:$0x1FF00] =	vst v63  }
0x17e: {  	_ =	swait.ge [sflag:s1], $0x2800  }
0x17f: {  	[sflag:s1] =	ssyncset.done $0x0  }
0x180: {  	[sflag:s1] =	ssyncadd.s32 $0xFFFFD800  }
0x181: {  	v1 =	vld [tilespmem:s8+$0x200];
	_ =	sdelay $0x4  }
0x182: {  	v2 =	vshrl.u32 v1, $0xE;
	v1 =	vand.u32 $0x3FFF, v1  }
0x183: {  	[tilespmem:$0x4100] =	vst v2  }
0x184: {  	[tilespmem:$0x4180] =	vst v1  }
0x185: {  	v1 =	vld [tilespmem:s8+$0x210];
	_ =	sdelay $0x4  }
0x186: {  	v2 =	vshrl.u32 v1, $0xE;
	v1 =	vand.u32 $0x3FFF, v1  }
0x187: {  	[tilespmem:$0x4110] =	vst v2  }
0x188: {  	[tilespmem:$0x4190] =	vst v1  }
0x189: {  	v1 =	vld [tilespmem:s8+$0x220];
	_ =	sdelay $0x4  }
0x18a: {  	v2 =	vshrl.u32 v1, $0xE;
	v1 =	vand.u32 $0x3FFF, v1  }
0x18b: {  	[tilespmem:$0x4120] =	vst v2  }
0x18c: {  	[tilespmem:$0x41A0] =	vst v1  }
0x18d: {  	v1 =	vld [tilespmem:s8+$0x230];
	_ =	sdelay $0x4  }
0x18e: {  	v2 =	vshrl.u32 v1, $0xE;
	v1 =	vand.u32 $0x3FFF, v1  }
0x18f: {  	[tilespmem:$0x4130] =	vst v2  }
0x190: {  	[tilespmem:$0x41B0] =	vst v1  }
0x191: {  	v1 =	vld [tilespmem:s8+$0x240];
	_ =	sdelay $0x4  }
0x192: {  	v2 =	vshrl.u32 v1, $0xE;
	v1 =	vand.u32 $0x3FFF, v1  }
0x193: {  	[tilespmem:$0x4140] =	vst v2  }
0x194: {  	[tilespmem:$0x41C0] =	vst v1  }
0x195: {  	[tilespmem:s20], [sflag:$0x2] =	stream.indirect.gather [hbm4b:s4+s16], $0x80, s19, s16, $0xb8;
	[tilespmem:$0x1FF00] =	vst v63  }
0x196: {  	_ =	swait.ge [sflag:s5], $0x2800  }
0x197: {  	[sflag:s5] =	ssyncset.done $0x0  }
0x198: {  	[sflag:s5] =	ssyncadd.s32 $0xFFFFD800  }
0x199: {  	v1 =	vld [tilespmem:s8+$0x280];
	_ =	sdelay $0x4  }
0x19a: {  	v2 =	vshrl.u32 v1, $0xE;
	v1 =	vand.u32 $0x3FFF, v1  }
0x19b: {  	[tilespmem:$0x4200] =	vst v2  }
0x19c: {  	[tilespmem:$0x4280] =	vst v1  }
0x19d: {  	v1 =	vld [tilespmem:s8+$0x290];
	_ =	sdelay $0x4  }
0x19e: {  	v2 =	vshrl.u32 v1, $0xE;
	v1 =	vand.u32 $0x3FFF, v1  }
0x19f: {  	[tilespmem:$0x4210] =	vst v2  }
0x1a0: {  	[tilespmem:$0x4290] =	vst v1  }
0x1a1: {  	v1 =	vld [tilespmem:s8+$0x2A0];
	_ =	sdelay $0x3  }
.Ltmp1:
0x1a2: {  	(pc) =	sbr.rel @p0 .LBB2_4-.Ltmp1, $4  }
0x1a3: {  	v2 =	vshrl.u32 v1, $0xE;
	v1 =	vand.u32 $0x3FFF, v1  }
0x1a4: {  	[tilespmem:$0x4220] =	vst v2  }
0x1a5: {  	[tilespmem:$0x42A0] =	vst v1  }
0x1a6: {  	v1 =	vld [tilespmem:s8+$0x2B0]  }
0x1a7: {  	_ =	sdelay $0x3  }
0x1a8: {  	v2 =	vshrl.u32 v1, $0xE  }
0x1a9: {  	v1 =	vand.u32 $0x3FFF, v1;
	[tilespmem:$0x4230] =	vst v2  }
0x1aa: {  	[tilespmem:$0x42B0] =	vst v1  }
0x1ab: {  	v1 =	vld [tilespmem:s8+$0x2C0];
	_ =	sdelay $0x4  }
0x1ac: {  	v2 =	vshrl.u32 v1, $0xE  }
0x1ad: {  	v1 =	vand.u32 $0x3FFF, v1;
	[tilespmem:$0x4240] =	vst v2  }
0x1ae: {  	[tilespmem:$0x42C0] =	vst v1  }
0x1af: {  	[tilespmem:s26], [sflag:$0x3] =	stream.indirect.gather [hbm4b:s4+s16], $0x80, s21, s16, $0xb8;
	[tilespmem:$0x1FF00] =	vst v63  }
0x1b0: {  	_ =	swait.ge [sflag:s28], $0x2800  }
0x1b1: {  	[sflag:s28] =	ssyncset.done $0x0  }
0x1b2: {  	[sflag:s28] =	ssyncadd.s32 $0xFFFFD800  }
0x1b3: {  	[spmem:s2] =	stream.indirect.scatter.add.f32 [tilespmem:s18], [sflag:$0x4], $0x80, s29, s16, $0xb8;
	[tilespmem:$0x1FF00] =	vst v63  }
0x1b4: {  	_ =	swait.ge [sflag:s30], $0x2800  }
0x1b5: {  	[sflag:s30] =	ssyncset.done $0x0  }
0x1b6: {  	[sflag:s30] =	ssyncadd.s32 $0xFFFFD800  }
0x1b7: {  	[spmem:s2] =	stream.indirect.scatter.add.f32 [tilespmem:s20], [sflag:$0x5], $0x80, s31, s16, $0xb8;
	[tilespmem:$0x1FF00] =	vst v63  }
0x1b8: {  	_ =	swait.ge [sflag:s0], $0x2800  }
0x1b9: {  	[sflag:s0] =	ssyncset.done $0x0  }
0x1ba: {  	[sflag:s0] =	ssyncadd.s32 $0xFFFFD800  }
0x1bb: {  	[spmem:s2] =	stream.indirect.scatter.add.f32 [tilespmem:s26], [sflag:$0x6], $0x80, s3, s16, $0xb8;
	[tilespmem:$0x1FF00] =	vst v63  }
0x1bc: {  	_ =	swait.ge [sflag:s15], $0x2800  }
0x1bd: {  	[sflag:s15] =	ssyncset.done $0x0  }
0x1be: {  	[sflag:s15] =	ssyncadd.s32 $0xFFFFD800  }
0x1bf: {  	_ =	swait.ge [sflag:s1], $0x2800  }
0x1c0: {  	[sflag:s1] =	ssyncset.done $0x0  }
0x1c1: {  	[sflag:s1] =	ssyncadd.s32 $0xFFFFD800  }
0x1c2: {  	_ =	swait.ge [sflag:s5], $0x2800  }
0x1c3: {  	[sflag:s5] =	ssyncset.done $0x0  }
0x1c4: {  	s11 =	stileid.u32;
	[sflag:s5] =	ssyncadd.s32 $0xFFFFD800  }
0x1c5: {  	s8 =	sshll.u32 s11, $0x6;
	[bflag:$0x0] =	sbarrier.arrive $0xFFFF  }
0x1c6: {  	s9 =	sshrl.u32 s6, $0x3;
	s8 =	sor.u32 $0x1C01, s8;
	s10 =	rddreg [dreg:$0x4]  }
0x1c7: {  	[hbm:s10], [sflag:s8] =	dma.local [spmem:s9], $0x800  }
0x1c8: {  	s9 =	rddreg [dreg:$0x5]  }
0x1c9: {  	[hbm:s9], [sflag:s8] =	dma.local [spmem:s22], $0x800  }
0x1ca: {  	s9 =	rddreg [dreg:$0x6]  }
0x1cb: {  	[hbm:s9], [sflag:s8] =	dma.local [spmem:s23], $0x800  }
0x1cc: {  	s9 =	rddreg [dreg:$0x7]  }
0x1cd: {  	[hbm:s9], [sflag:s8] =	dma.local [spmem:s24], $0x800  }
0x1ce: {  	s9 =	rddreg [dreg:$0x8]  }
0x1cf: {  	[hbm:s9], [sflag:s8] =	dma.local [spmem:s25], $0x800  }
0x1d0: {  	_ =	swait.ge [sflag:s28], $0x800  }
0x1d1: {  	[sflag:s28] =	ssyncset.done $0x0  }
0x1d2: {  	[sflag:s28] =	ssyncadd.s32 $0xFFFFF800  }
0x1d3: {  	_ =	swait.ge [sflag:s28], $0x800  }
0x1d4: {  	[sflag:s28] =	ssyncset.done $0x0  }
0x1d5: {  	[sflag:s28] =	ssyncadd.s32 $0xFFFFF800  }
0x1d6: {  	_ =	swait.ge [sflag:s28], $0x800  }
0x1d7: {  	[sflag:s28] =	ssyncset.done $0x0  }
0x1d8: {  	s7 =	sadd.s32 $0x1, s7;
	[sflag:s28] =	ssyncadd.s32 $0xFFFFF800  }
0x1d9: {  	p0 =	sne.s32 s7, s12;
	_ =	swait.ge [sflag:s28], $0x800  }
.Ltmp2:
0x1da: {  	[sflag:s28] =	ssyncset.done $0x0;
	(pc) =	sbr.rel @p0 .LBB2_1-.Ltmp2, $4  }
0x1db: {  	[sflag:s28] =	ssyncadd.s32 $0xFFFFF800  }
0x1dc: {  	_ =	swait.ge [sflag:s28], $0x800  }
0x1dd: {  	[sflag:s28] =	ssyncset.done $0x0  }
0x1de: {  	[sflag:s28] =	ssyncadd.s32 $0xFFFFF800  }
0x1df: {  	_ =	sfence.sel $0x180000  }
0x1e0: {  	[bflag:$0x0] =	sbarrier.arrive $0xFFFF  }
0x1e1: {  	_ =	strace $0x9000004A  }
0x1e2: {  	s0 =	stileid.u32;
	[bflag:$0x2] =	sbarrier.arrive $0xFFFF  }
0x1e3: {  	p0 =	sne.s32 s0, $0x0;
	s0 =	rddreg [dreg:$0x2]  }
0x1e4: {  	s0 =	sadd.s32 @!p0 $0x100000, s0  }
0x1e5: {  	[sflag:s0] =	ssyncadd.tile.s32 @!p0 $0x1;
	_ =	shalt  }
.Lfunc_end2:
_tile_overlayer_lowered:
.L_overlay_start_2:
0x1e6: {  	(tag) =	ssettag $0x2  }
0x1e7: {  	s0 =	rddreg [dreg:$0x0];
	s2 =	stileid.u32  }
0x1e8: {  	s1 =	rddreg [dreg:$0x1];
	p0 =	sne.s32 s2, $0x0  }
0x1e9: {  	s3 =	rddreg [dreg:$0x2];
	[bflag:$0x3] =	sbarrier.arrive $0xFFFF;
	s2 =	simm.s32 @!p0 $0x1C07  }
0x1ea: {  	[timem:s3], [sflag:s2] =	dma.local @!p0 [hbm:s0], s1  }
0x1eb: {  	s0 =	simm.s32 @!p0 $0x7  }
0x1ec: {  	_ =	swait.ge @!p0 [sflag:s0], s1  }
0x1ed: {  	s1 =	ssub.s32 @!p0 $0x0, s1;
	[sflag:s0] =	ssyncset.done @!p0 $0x0  }
0x1ee: {  	[sflag:s0] =	ssyncadd.s32 @!p0 s1  }
0x1ef: {  	[bflag:$0x3] =	sbarrier.arrive $0xFFFF  }
0x1f0: {  	_ =	shalt  }

// kernel: kernel.16.cloned.1.call-start
scs
__scs_entry_jumppad:
0x0: {  	(pc) =	sbr.rel $0x88, $3  }
0x1: {  	(tag) =	ssettag $0x0;
	lr =	simm.s32 $0x1  }
0x2: {  	[smem:$0x3F9D] =	sst lr;
	_ =	strace $0xD0000000  }
0x3: {  	_ = 	snop  }
0x4: {  	_ = 	snop  }
0x5: {  	_ = 	snop  }
0x6: {  	_ = 	snop  }
0x7: {  	_ = 	snop  }
__scs_overlays_trampoline_lowered:
0x8: {  	[smem:$0x3FAC] =	sst s0  }
0x9: {  	[smem:$0x3FAD] =	sst s1  }
0xa: {  	[smem:$0x3FAE] =	sst s2  }
0xb: {  	[smem:$0x3FAF] =	sst s3  }
0xc: {  	[smem:$0x3FB0] =	sst s4  }
0xd: {  	[smem:$0x3FB1] =	sst s5  }
0xe: {  	[smem:$0x3FB2] =	sst s6  }
0xf: {  	[smem:$0x3FB3] =	sst s7  }
0x10: {  	[smem:$0x3FB4] =	sst s8  }
0x11: {  	[smem:$0x3FB5] =	sst s9;
	s0 =	simm.s32 @!p0 $0x0  }
0x12: {  	s1 =	sld [smem:$0x3F9B];
	s0 =	simm.s32 @p0 $0x1  }
0x13: {  	[smem:$0x3FB6] =	sst s0;
	s0 =	simm.s32 @!p1 $0x0  }
0x14: {  	s2 =	sld [smem:$0x3F9A];
	s0 =	simm.s32 @p1 $0x1  }
0x15: {  	[smem:$0x3FB7] =	sst s0;
	s0 =	simm.s32 @!p2 $0x0  }
0x16: {  	s3 =	sld [smem:$0x3FDB];
	s0 =	simm.s32 @p2 $0x1  }
0x17: {  	s4 =	simm.s32 $0x1BF5;
	[smem:$0x3FB9] =	sst s0  }
0x18: {  	s0 =	sld [smem:$0x3F9C];
	_ =	swait.ge [sflag:s4], $0x0  }
0x19: {  	s7 =	sld [smem:$0x3F9D]  }
0x1a: {  	s8 =	sadd.s32 $0xFFFFE003, lr  }
0x1b: {  	s9 =	sadd.s32 $0xFFFFFEF7, lr;
	s5 =	simm.s32 $0xFFFFFFFF;
	p2 =	slt.u32 s8, $0xFFFFF086  }
0x1c: {  	p1 =	slt.u32 s9, $0xF7A;
	s5 =	simm.s32 @!p2 $0x0  }
0x1d: {  	s5 =	simm.s32 @p1 $0x1;
	p0 =	seq.s32 s7, s2  }
0x1e: {  	s7 =	smul.u32 @!p0 $0xF7A, s2;
	p2 =	seq.s32 @!p0 s5, $0x0  }
0x1f: {  	s9 =	smul.u32 $0xF7A, s1;
	s8 =	simm.s32 @!p0 $0x1BF5;
	p2 =	por !p2, p0  }
0x20: {  	[sflag:s8] =	ssyncset.s32 @!p0 $0xFFFFF086;
	s6 =	sadd.s32 @!p0 s3, s7;
	s7 =	simm.s32 @!p0 $0x108  }
0x21: {  	s3 =	sadd.s32 s3, s9;
	s6 =	sadd.s32 @!p0 $0x88, s6;
	s7 =	simm.s32 @p2 $0x1082  }
0x22: {  	[simem:s7], [sflag:s8] =	dma.local @!p0 [hbm:s6], $0xF7A  }
0x23: {  	s9 =	sor.u32 $0xD0000000, s2;
	s6 =	simm.s32 $0x108;
	_ =	swait.ge @!p0 [sflag:s8], $0x0  }
0x24: {  	s3 =	sadd.s32 $0x88, s3;
	s6 =	simm.s32 @!p1 $0x1082;
	[sflag:s4] =	ssyncset.s32 $0xFFFFF086  }
0x25: {  	[simem:s6], [sflag:s4] =	dma.local [hbm:s3], $0xF7A  }
0x26: {  	[smem:$0x3F9D] =	sst s1;
	(tag) =	ssettag s2;
	_ =	strace s9  }
0x27: {  	s1 =	sld [smem:$0x3FAD]  }
0x28: {  	s2 =	sld [smem:$0x3FAE]  }
0x29: {  	s4 =	sld [smem:$0x3FB0]  }
0x2a: {  	p0 =	seq.s32 s5, $0x0;
	s5 =	sld [smem:$0x3FB1]  }
0x2b: {  	s6 =	sld [smem:$0x3FB2]  }
0x2c: {  	s7 =	sld [smem:$0x3FB3]  }
0x2d: {  	s3 =	simm.s32 $0x108;
	s8 =	sld [smem:$0x3FB4]  }
0x2e: {  	s3 =	simm.s32 @!p0 $0x1082;
	s9 =	sld [smem:$0x3FB5]  }
0x2f: {  	lr =	sadd.s32 s0, s3;
	s0 =	sld [smem:$0x3FAC]  }
0x30: {  	s3 =	sld [smem:$0x3FAF]  }
0x31: {  	[smem:$0x3FB8] =	sst s10  }
0x32: {  	s10 =	sld [smem:$0x3FB6];
	_ =	sdelay $0x3  }
0x33: {  	p0 =	seq.s32 s10, $0x1;
	s10 =	sld [smem:$0x3FB8];
	_ =	sdelay $0x3  }
0x34: {  	[smem:$0x3FB8] =	sst s10  }
0x35: {  	s10 =	sld [smem:$0x3FB7];
	_ =	sdelay $0x3  }
0x36: {  	p1 =	seq.s32 s10, $0x1;
	s10 =	sld [smem:$0x3FB8];
	_ =	sdelay $0x3  }
0x37: {  	[smem:$0x3FB8] =	sst s10  }
0x38: {  	s10 =	sld [smem:$0x3FB9]  }
0x39: {  	_ = 	snop;
	(pc) =	sbr.ind lr, $3  }
0x3a: {  	_ = 	snop  }
0x3b: {  	_ = 	snop  }
0x3c: {  	p2 =	seq.s32 s10, $0x1;
	s10 =	sld [smem:$0x3FB8]  }
0x3d: {  	_ =	shalt  }
0x3e: {  	_ =	shalt  }
0x3f: {  	_ =	shalt  }
0x40: {  	_ =	shalt  }
0x41: {  	_ =	shalt  }
0x42: {  	_ =	shalt  }
0x43: {  	_ =	shalt  }
0x44: {  	_ =	shalt  }
0x45: {  	_ =	shalt  }
0x46: {  	_ =	shalt  }
0x47: {  	_ =	shalt  }
0x48: {  	_ =	shalt  }
0x49: {  	_ =	shalt  }
0x4a: {  	_ =	shalt  }
0x4b: {  	_ =	shalt  }
0x4c: {  	_ =	shalt  }
0x4d: {  	_ =	shalt  }
0x4e: {  	_ =	shalt  }
0x4f: {  	_ =	shalt  }
0x50: {  	_ =	shalt  }
0x51: {  	_ =	shalt  }
0x52: {  	_ =	shalt  }
0x53: {  	_ =	shalt  }
0x54: {  	_ =	shalt  }
0x55: {  	_ =	shalt  }
0x56: {  	_ =	shalt  }
0x57: {  	_ =	shalt  }
0x58: {  	_ =	shalt  }
0x59: {  	_ =	shalt  }
0x5a: {  	_ =	shalt  }
0x5b: {  	_ =	shalt  }
0x5c: {  	_ =	shalt  }
0x5d: {  	_ =	shalt  }
0x5e: {  	_ =	shalt  }
0x5f: {  	_ =	shalt  }
0x60: {  	_ =	shalt  }
0x61: {  	_ =	shalt  }
0x62: {  	_ =	shalt  }
0x63: {  	_ =	shalt  }
0x64: {  	_ =	shalt  }
0x65: {  	_ =	shalt  }
0x66: {  	_ =	shalt  }
0x67: {  	_ =	shalt  }
0x68: {  	_ =	shalt  }
0x69: {  	_ =	shalt  }
0x6a: {  	_ =	shalt  }
0x6b: {  	_ =	shalt  }
0x6c: {  	_ =	shalt  }
0x6d: {  	_ =	shalt  }
0x6e: {  	_ =	shalt  }
0x6f: {  	_ =	shalt  }
0x70: {  	_ =	shalt  }
0x71: {  	_ =	shalt  }
0x72: {  	_ =	shalt  }
0x73: {  	_ =	shalt  }
0x74: {  	_ =	shalt  }
0x75: {  	_ =	shalt  }
0x76: {  	_ =	shalt  }
0x77: {  	_ =	shalt  }
0x78: {  	_ =	shalt  }
0x79: {  	_ =	shalt  }
0x7a: {  	_ =	shalt  }
0x7b: {  	_ =	shalt  }
0x7c: {  	_ =	shalt  }
0x7d: {  	_ =	shalt  }
0x7e: {  	_ =	shalt  }
0x7f: {  	_ =	shalt  }
0x80: {  	_ =	shalt  }
0x81: {  	_ =	shalt  }
0x82: {  	_ =	shalt  }
0x83: {  	_ =	shalt  }
0x84: {  	_ =	shalt  }
0x85: {  	_ =	shalt  }
0x86: {  	_ =	shalt  }
0x87: {  	_ =	shalt  }
.Lfunc_end0:
.L_simem_size_0:
called_computation.2_lowered:
.L_overlay_start_0:
0x88: {  	s2 =	sld [smem:$0x3FD9]  }
0x89: {  	s3 =	sld [smem:$0x3FFE];
	_ =	sdelay $0x1  }
0x8a: {  	s1 =	srdreg.scid  }
0x8b: {  	s0 =	sand.u32 $0x1, s1  }
0x8c: {  	s16 =	sshll.u32 s0, $0xA;
	s2 =	sadd.s32 s3, s2  }
0x8d: {  	s2 =	sadd.s32 s2, s16  }
0x8e: {  	[smem:$0x3FC4] =	sst s2  }
0x8f: {  	_ = 	snop  }
0x90: {  	(tm) =	ssettm $0x1  }
0x91: {  	s17 =	sld [smem:$0x3FFB];
	_ =	sdelay $0x3  }
0x92: {  	_ =	strace s17  }
0x93: {  	s2 =	sld [smem:$0x3FFC];
	_ =	sdelay $0x3  }
0x94: {  	_ =	strace s2  }
0x95: {  	s2 =	sld [smem:$0x3FFD];
	_ =	sdelay $0x3  }
0x96: {  	_ =	strace s2  }
0x97: {  	_ =	strace $0x8FFFFFFF  }
0x98: {  	s18 =	sld [smem:$0x3FDB];
	_ =	sdelay $0x1  }
0x99: {  	s19 =	simm.s32 $_scs_section_size  }
0x9a: {  	s4 =	simm.s32 $_size__tile_overlayer_lowered;
	s5 =	simm.s32 $_tile_overlayer_lowered  }
0x9b: {  	s22 =	simm.s32 $0x1BFF;
	s21 =	sshll.u32 s5, $0x1;
	s2 =	sadd.s32 s19, s18  }
0x9c: {  	s6 =	simm.s32 $0x0;
	s20 =	sshll.u32 s4, $0x1;
	s4 =	sadd.s32 s21, s2  }
0x9d: {  	[timem:s6], [sflag:s22] =	dma.local [hbm:s4], s20  }
0x9e: {  	_ =	swait.ge [sflag:s22], s20  }
0x9f: {  	s3 =	ssub.s32 $0x0, s20;
	[sflag:s22] =	ssyncset.done $0x0  }
0xa0: {  	[sflag:s22] =	ssyncadd.s32 s3;
	_ =	sdelay $0x1  }
0xa1: {  	s23 =	simm.s32 $0x1B8B  }
0xa2: {  	_ =	swait.ge [sflag:s23], $0x1  }
0xa3: {  	[sflag:s23] =	ssyncset.done $0x0  }
0xa4: {  	s25 =	simm.s32 $0x1B8E;
	s24 =	sld [smem:$0x3FFE];
	[sflag:s23] =	ssyncadd.s32 $0xFFFFFFFF  }
0xa5: {  	s26 =	simm.s32 $execute0_lowered;
	[smem:$0x3FD2] =	sst s25  }
0xa6: {  	s4 =	sshll.u32 s26, $0x1;
	_ =	strace $0x8000004C;
	[dreg:$0x1] =	wrdreg $0xFFFFFFFF  }
0xa7: {  	s28 =	simm.s32 $_size_execute0_lowered;
	s2 =	sadd.s32 s2, s4;
	[dreg:$0x0] =	wrdreg $0x0  }
0xa8: {  	s4 =	sshll.u32 s28, $0x1;
	[dreg:$0x2] =	wrdreg s2  }
0xa9: {  	[dreg:$0x3] =	wrdreg s4  }
0xaa: {  	[dreg:$0x4] =	wrdreg $0xC0  }
0xab: {  	_ =	task [dreg:s6], $0x5FFFF  }
0xac: {  	[dreg:$0x1] =	wrdreg $0xFFFFFFFF  }
0xad: {  	[dreg:$0x0] =	wrdreg $0x60  }
0xae: {  	[dreg:$0x2] =	wrdreg s24  }
0xaf: {  	[dreg:$0x3] =	wrdreg $0xBF000  }
0xb0: {  	[dreg:$0x4] =	wrdreg $0x9  }
0xb1: {  	_ =	task.clear_ibuf [dreg:s6], $0x5FFFF;
	_ =	strace $0x9000004C  }
0xb2: {  	s29 =	simm.s32 $0x9;
	_ =	strace $0x8000004E  }
0xb3: {  	_ =	swait.ge [sflag:s29], $0x1  }
0xb4: {  	[sflag:s29] =	ssyncadd.s32 $0xFFFFFFFF  }
0xb5: {  	_ =	strace $0x9000004E  }
0xb6: {  	_ =	sfence  }
0xb7: {  	s30 =	sld [smem:$0x0];
	_ =	sdelay $0x2  }
0xb8: {  	s31 =	sshll.u32 s1, $0xD;
	s1 =	sshrl.u32 s1, $0x2  }
0xb9: {  	s3 =	sand.u32 $0x4000, s31;
	s1 =	sadd.s32 s1, s30  }
0xba: {  	s0 =	sor.u32 s3, s0;
	s1 =	sshll.u32 s1, $0x11  }
0xbb: {  	s0 =	sor.u32 s1, s0  }
0xbc: {  	s0 =	sadd.s32 $0x8F2B, s0  }
0xbd: {  	[sflag:s0] =	ssyncadd.remote.s32 $0x1  }
0xbe: {  	_ =	sfence.sel $0xFFFF  }
0xbf: {  	[dreg:$0x0] =	wrdreg $0xFFFFFFFF;
	(pc) =	sbr.abs _section_cstart, $3  }
0xc0: {  	[dreg:$0x1] =	wrdreg $0xFFFFFFFF  }
0xc1: {  	_ =	task.clear_ibuf [dreg:s6], $0x2FFFF;
	_ =	strace $0x9FFFFFFF  }
0xc2: {  	(tm) =	ssettm $0x7FFFFFFF  }
0xc3: {  	_ =	shalt  }
tec
execute0_lowered:
.L_overlay_start_1:
0x0: {  	(tag) =	ssettag $0x1  }
0x1: {  	s0 =	rddreg [dreg:$0x0]  }
0x2: {  	s2 =	rddreg [dreg:$0x1];
	s1 =	simm.s32 $0x0;
	s8 =	stileid.u32  }
0x3: {  	s3 =	srdreg.scid;
	s13 =	simm.s32 $0x7;
	s28 =	simm.s32 $0x1  }
0x4: {  	s29 =	simm.s32 $0x4080;
	s30 =	simm.s32 $0x2;
	s31 =	simm.s32 $0x4180  }
0x5: {  	[smem:$0x7FF] =	sst s1;
	s14 =	sshll.u32 s8, $0xB;
	s5 =	smul.u32 $0x50000, s8  }
0x6: {  	s4 =	sadd.s32 $0x22600, s0;
	s3 =	sand.u32 $0x1, s3;
	s8 =	smul.u32 $0x14000, s8  }
0x7: {  	_ =	strace $0x8000004D;
	s1 =	sadd.s32 s14, s0;
	s0 =	sadd.s32 $0x9A600, s0  }
0x8: {  	s6 =	ssub.s32 $0x2, s3;
	s7 =	sshll.u32 s3, $0xF;
	s3 =	smul.u32 $0x140000, s3  }
0x9: {  	s14 =	simm.s32 $0xBB00;
	s9 =	sshrl.u32 s6, $0x1;
	s1 =	sadd.s32 s7, s1  }
0xa: {  	s16 =	sadd.s32 $0x4000, s8;
	s5 =	sshrl.u32 s5, $0x2;
	s21 =	sadd.s32 $0x8000, s8  }
0xb: {  	s23 =	sadd.s32 $0xC000, s8;
	s7 =	simm.s32 $0x0;
	s15 =	ssub.s32 s6, s9  }
0xc: {  	s1 =	sadd.s32 $0x12600, s1;
	s17 =	sadd.s32 s8, s3;
	s10 =	sadd.s32 s3, s16  }
0xd: {  	s6 =	sadd.s32 s5, s2;
	s22 =	sadd.s32 s3, s21;
	s11 =	sadd.s32 s3, s23  }
0xe: {  	s8 =	sadd.s32 $0x10000, s8;
	s25 =	sadd.s32 s23, s2;
	[dreg:$0x3] =	wrdreg s1  }
0xf: {  	s18 =	sshrl.u32 s17, $0x3;
	s19 =	sshrl.u32 s10, $0x3;
	s1 =	sadd.s32 s16, s2  }
0x10: {  	s9 =	sshrl.u32 s22, $0x3;
	s24 =	sshrl.u32 s11, $0x3;
	s3 =	sadd.s32 s3, s8  }
0x11: {  	s26 =	sadd.s32 s8, s2;
	s12 =	smax.u32 s15, $0x1;
	s15 =	simm.s32 $0x4  }
0x12: {  	s16 =	simm.s32 $0x50;
	s17 =	simm.s32 $0x4000;
	s5 =	sadd.s32 s0, s18  }
0x13: {  	s20 =	sadd.s32 s0, s19;
	s9 =	sadd.s32 s0, s9;
	s3 =	sshrl.u32 s3, $0x3  }
0x14: {  	s18 =	simm.s32 $0x4300;
	s19 =	simm.s32 $0x4100;
	[dreg:$0x4] =	wrdreg s5  }
0x15: {  	s22 =	sshrl.u32 s1, $0x3;
	s1 =	simm.s32 $0x5;
	[dreg:$0x5] =	wrdreg s20  }
0x16: {  	[dreg:$0x6] =	wrdreg s9;
	s5 =	sadd.s32 s21, s2;
	s9 =	sadd.s32 s0, s24  }
0x17: {  	s0 =	sadd.s32 s0, s3;
	s20 =	simm.s32 $0x6B00;
	s21 =	simm.s32 $0x4200  }
0x18: {  	s24 =	sshrl.u32 s25, $0x3;
	s25 =	sshrl.u32 s26, $0x3;
	[dreg:$0x7] =	wrdreg s9  }
0x19: {  	s26 =	simm.s32 $0x9300;
	s3 =	simm.s32 $0x4280;
	[dreg:$0x8] =	wrdreg s0  }
0x1a: {  	v0 =	vimm.f32 $0.0e+00;
	s23 =	sshrl.u32 s5, $0x3;
	s0 =	simm.s32 $0x3;
	s5 =	simm.s32 $0x6  }
.LBB2_1:
0x1b: {  	s8 =	simm.s32 $0x0;
	s9 =	rddreg [dreg:$0x3]  }
0x1c: {  	[tilespmem:s8], [sflag:$0x7] =	stream.linear.gather [hbm4b:s9+s8], $0x3F00, $0x38;
	[tilespmem:$0x1FF00] =	vst v63  }
0x1d: {  	_ =	swait.ge [sflag:s13], $0x3F00  }
0x1e: {  	[sflag:s13] =	ssyncset.done $0x0  }
0x1f: {  	[sflag:s13] =	ssyncadd.s32 $0xFFFFC100  }
0x20: {  	[tilespmem:$0xBB00] =	vst v0  }
0x21: {  	[tilespmem:$0xBB10] =	vst v0  }
0x22: {  	[tilespmem:$0xBB20] =	vst v0  }
0x23: {  	[tilespmem:$0xBB30] =	vst v0  }
0x24: {  	[tilespmem:$0xBB40] =	vst v0  }
0x25: {  	[tilespmem:$0xBB50] =	vst v0  }
0x26: {  	[tilespmem:$0xBB60] =	vst v0  }
0x27: {  	[tilespmem:$0xBB70] =	vst v0  }
0x28: {  	[tilespmem:$0xBB80] =	vst v0  }
0x29: {  	[tilespmem:$0xBB90] =	vst v0  }
0x2a: {  	[tilespmem:$0xBBA0] =	vst v0  }
0x2b: {  	[tilespmem:$0xBBB0] =	vst v0  }
0x2c: {  	[tilespmem:$0xBBC0] =	vst v0  }
0x2d: {  	[tilespmem:$0xBBD0] =	vst v0  }
0x2e: {  	[tilespmem:$0xBBE0] =	vst v0  }
0x2f: {  	[tilespmem:$0xBBF0] =	vst v0  }
0x30: {  	[tilespmem:$0xBC00] =	vst v0  }
0x31: {  	[tilespmem:$0xBC10] =	vst v0  }
0x32: {  	[tilespmem:$0xBC20] =	vst v0  }
0x33: {  	[tilespmem:$0xBC30] =	vst v0  }
0x34: {  	[tilespmem:$0xBC40] =	vst v0  }
0x35: {  	[tilespmem:$0xBC50] =	vst v0  }
0x36: {  	[tilespmem:$0xBC60] =	vst v0  }
0x37: {  	[tilespmem:$0xBC70] =	vst v0  }
0x38: {  	[tilespmem:$0xBC80] =	vst v0  }
0x39: {  	[tilespmem:$0xBC90] =	vst v0  }
0x3a: {  	[tilespmem:$0xBCA0] =	vst v0  }
0x3b: {  	[tilespmem:$0xBCB0] =	vst v0  }
0x3c: {  	[tilespmem:$0xBCC0] =	vst v0  }
0x3d: {  	[tilespmem:$0xBCD0] =	vst v0  }
0x3e: {  	[tilespmem:$0xBCE0] =	vst v0  }
0x3f: {  	[tilespmem:$0xBCF0] =	vst v0  }
0x40: {  	[tilespmem:$0xBD00] =	vst v0  }
0x41: {  	[tilespmem:$0xBD10] =	vst v0  }
0x42: {  	[tilespmem:$0xBD20] =	vst v0  }
0x43: {  	[tilespmem:$0xBD30] =	vst v0  }
0x44: {  	[tilespmem:$0xBD40] =	vst v0  }
0x45: {  	[tilespmem:$0xBD50] =	vst v0  }
0x46: {  	[tilespmem:$0xBD60] =	vst v0  }
0x47: {  	[tilespmem:$0xBD70] =	vst v0  }
0x48: {  	[tilespmem:$0xBD80] =	vst v0  }
0x49: {  	[tilespmem:$0xBD90] =	vst v0  }
0x4a: {  	[tilespmem:$0xBDA0] =	vst v0  }
0x4b: {  	[tilespmem:$0xBDB0] =	vst v0  }
0x4c: {  	[tilespmem:$0xBDC0] =	vst v0  }
0x4d: {  	[tilespmem:$0xBDD0] =	vst v0  }
0x4e: {  	[tilespmem:$0xBDE0] =	vst v0  }
0x4f: {  	[tilespmem:$0xBDF0] =	vst v0  }
0x50: {  	[tilespmem:$0xBE00] =	vst v0  }
0x51: {  	[tilespmem:$0xBE10] =	vst v0  }
0x52: {  	[tilespmem:$0xBE20] =	vst v0  }
0x53: {  	[tilespmem:$0xBE30] =	vst v0  }
0x54: {  	[tilespmem:$0xBE40] =	vst v0  }
0x55: {  	[tilespmem:$0xBE50] =	vst v0  }
0x56: {  	[tilespmem:$0xBE60] =	vst v0  }
0x57: {  	[tilespmem:$0xBE70] =	vst v0  }
0x58: {  	[tilespmem:$0xBE80] =	vst v0  }
0x59: {  	[tilespmem:$0xBE90] =	vst v0  }
0x5a: {  	[tilespmem:$0xBEA0] =	vst v0  }
0x5b: {  	[tilespmem:$0xBEB0] =	vst v0  }
0x5c: {  	[tilespmem:$0xBEC0] =	vst v0  }
0x5d: {  	[tilespmem:$0xBED0] =	vst v0  }
0x5e: {  	[tilespmem:$0xBEE0] =	vst v0  }
0x5f: {  	s8 =	sadd.s32 $0x0, s6;
	[tilespmem:$0xBEF0] =	vst v0  }
0x60: {  	[spmem:s8] =	stream.linear.scatter [tilespmem:s14], [sflag:$0x4], $0x400, $0x38;
	[tilespmem:$0x1FF00] =	vst v63  }
0x61: {  	s10 =	sadd.s32 $0x400, s8  }
0x62: {  	[spmem:s10] =	stream.linear.scatter [tilespmem:s14], [sflag:$0x4], $0x400, $0x38;
	[tilespmem:$0x1FF00] =	vst v63  }
0x63: {  	s11 =	sadd.s32 $0x800, s8  }
0x64: {  	[spmem:s11] =	stream.linear.scatter [tilespmem:s14], [sflag:$0x4], $0x400, $0x38;
	[tilespmem:$0x1FF00] =	vst v63  }
0x65: {  	s10 =	sadd.s32 $0xC00, s8  }
0x66: {  	[spmem:s10] =	stream.linear.scatter [tilespmem:s14], [sflag:$0x4], $0x400, $0x38;
	[tilespmem:$0x1FF00] =	vst v63  }
0x67: {  	s11 =	sadd.s32 $0x1000, s8  }
0x68: {  	[spmem:s11] =	stream.linear.scatter [tilespmem:s14], [sflag:$0x4], $0x400, $0x38;
	[tilespmem:$0x1FF00] =	vst v63  }
0x69: {  	s10 =	sadd.s32 $0x1400, s8  }
0x6a: {  	[spmem:s10] =	stream.linear.scatter [tilespmem:s14], [sflag:$0x4], $0x400, $0x38;
	[tilespmem:$0x1FF00] =	vst v63  }
0x6b: {  	s11 =	sadd.s32 $0x1800, s8  }
0x6c: {  	[spmem:s11] =	stream.linear.scatter [tilespmem:s14], [sflag:$0x4], $0x400, $0x38;
	[tilespmem:$0x1FF00] =	vst v63  }
0x6d: {  	s8 =	sadd.s32 $0x1C00, s8  }
0x6e: {  	[spmem:s8] =	stream.linear.scatter [tilespmem:s14], [sflag:$0x4], $0x400, $0x38;
	[tilespmem:$0x1FF00] =	vst v63  }
0x6f: {  	_ =	swait.ge [sflag:s15], $0x400  }
0x70: {  	[sflag:s15] =	ssyncset.done $0x0  }
0x71: {  	[sflag:s15] =	ssyncadd.s32 $0xFFFFFC00  }
0x72: {  	_ =	swait.ge [sflag:s15], $0x400  }
0x73: {  	[sflag:s15] =	ssyncset.done $0x0  }
0x74: {  	[sflag:s15] =	ssyncadd.s32 $0xFFFFFC00  }
0x75: {  	_ =	swait.ge [sflag:s15], $0x400  }
0x76: {  	[sflag:s15] =	ssyncset.done $0x0  }
0x77: {  	[sflag:s15] =	ssyncadd.s32 $0xFFFFFC00  }
0x78: {  	_ =	swait.ge [sflag:s15], $0x400  }
0x79: {  	[sflag:s15] =	ssyncset.done $0x0  }
0x7a: {  	[sflag:s15] =	ssyncadd.s32 $0xFFFFFC00  }
0x7b: {  	_ =	swait.ge [sflag:s15], $0x400  }
0x7c: {  	[sflag:s15] =	ssyncset.done $0x0  }
0x7d: {  	[sflag:s15] =	ssyncadd.s32 $0xFFFFFC00  }
0x7e: {  	_ =	swait.ge [sflag:s15], $0x400  }
0x7f: {  	[sflag:s15] =	ssyncset.done $0x0  }
0x80: {  	[sflag:s15] =	ssyncadd.s32 $0xFFFFFC00  }
0x81: {  	_ =	swait.ge [sflag:s15], $0x400  }
0x82: {  	[sflag:s15] =	ssyncset.done $0x0  }
0x83: {  	[sflag:s15] =	ssyncadd.s32 $0xFFFFFC00  }
0x84: {  	_ =	swait.ge [sflag:s15], $0x400  }
0x85: {  	s9 =	simm.s32 $0x2000;
	s8 =	simm.s32 $0x10000;
	[sflag:s15] =	ssyncset.done $0x0  }
.LBB2_2:
0x86: {  	s11 =	sadd.s32 s9, s6  }
0x87: {  	[sflag:s15] =	ssyncadd.s32 $0xFFFFFC00;
	s9 =	smov.u32 s8;
	s10 =	sadd.s32 $0x8000, s8  }
0x88: {  	[spmem:s11] =	stream.linear.scatter [tilespmem:s14], [sflag:$0x4], $0x400, $0x38;
	[tilespmem:$0x1FF00] =	vst v63  }
0x89: {  	p0 =	sne.s32 s8, $0x48000;
	s8 =	sadd.s32 $0x400, s11  }
0x8a: {  	[spmem:s8] =	stream.linear.scatter [tilespmem:s14], [sflag:$0x4], $0x400, $0x38;
	[tilespmem:$0x1FF00] =	vst v63  }
0x8b: {  	s8 =	sadd.s32 $0x800, s11  }
0x8c: {  	[spmem:s8] =	stream.linear.scatter [tilespmem:s14], [sflag:$0x4], $0x400, $0x38;
	[tilespmem:$0x1FF00] =	vst v63  }
0x8d: {  	s8 =	sadd.s32 $0xC00, s11  }
0x8e: {  	[spmem:s8] =	stream.linear.scatter [tilespmem:s14], [sflag:$0x4], $0x400, $0x38;
	[tilespmem:$0x1FF00] =	vst v63  }
0x8f: {  	s8 =	sadd.s32 $0x1000, s11  }
0x90: {  	[spmem:s8] =	stream.linear.scatter [tilespmem:s14], [sflag:$0x4], $0x400, $0x38;
	[tilespmem:$0x1FF00] =	vst v63  }
0x91: {  	s8 =	sadd.s32 $0x1400, s11  }
0x92: {  	[spmem:s8] =	stream.linear.scatter [tilespmem:s14], [sflag:$0x4], $0x400, $0x38;
	[tilespmem:$0x1FF00] =	vst v63  }
0x93: {  	s8 =	sadd.s32 $0x1800, s11  }
0x94: {  	[spmem:s8] =	stream.linear.scatter [tilespmem:s14], [sflag:$0x4], $0x400, $0x38;
	[tilespmem:$0x1FF00] =	vst v63  }
0x95: {  	s8 =	sadd.s32 $0x1C00, s11  }
0x96: {  	[spmem:s8] =	stream.linear.scatter [tilespmem:s14], [sflag:$0x4], $0x400, $0x38;
	[tilespmem:$0x1FF00] =	vst v63  }
0x97: {  	_ =	swait.ge [sflag:s15], $0x400  }
0x98: {  	[sflag:s15] =	ssyncset.done $0x0  }
0x99: {  	[sflag:s15] =	ssyncadd.s32 $0xFFFFFC00  }
0x9a: {  	_ =	swait.ge [sflag:s15], $0x400  }
0x9b: {  	[sflag:s15] =	ssyncset.done $0x0  }
0x9c: {  	[sflag:s15] =	ssyncadd.s32 $0xFFFFFC00  }
0x9d: {  	_ =	swait.ge [sflag:s15], $0x400  }
0x9e: {  	[sflag:s15] =	ssyncset.done $0x0  }
0x9f: {  	[sflag:s15] =	ssyncadd.s32 $0xFFFFFC00  }
0xa0: {  	_ =	swait.ge [sflag:s15], $0x400  }
0xa1: {  	[sflag:s15] =	ssyncset.done $0x0  }
0xa2: {  	[sflag:s15] =	ssyncadd.s32 $0xFFFFFC00  }
0xa3: {  	_ =	swait.ge [sflag:s15], $0x400  }
0xa4: {  	[sflag:s15] =	ssyncset.done $0x0  }
0xa5: {  	[sflag:s15] =	ssyncadd.s32 $0xFFFFFC00  }
0xa6: {  	_ =	swait.ge [sflag:s15], $0x400  }
0xa7: {  	[sflag:s15] =	ssyncset.done $0x0  }
0xa8: {  	[sflag:s15] =	ssyncadd.s32 $0xFFFFFC00  }
.Ltmp0:
0xa9: {  	_ =	swait.ge [sflag:s15], $0x400;
	(pc) =	sbr.rel @p0 .LBB2_2-.Ltmp0, $4  }
0xaa: {  	[sflag:s15] =	ssyncset.done $0x0  }
0xab: {  	[sflag:s15] =	ssyncadd.s32 $0xFFFFFC00  }
0xac: {  	_ =	swait.ge [sflag:s15], $0x400  }
0xad: {  	s9 =	sshra.s32 s9, $0x2;
	s8 =	smov.u32 s10;
	[sflag:s15] =	ssyncset.done $0x0  }
0xae: {  	s8 =	sadd.s32 s9, s6;
	[sflag:s15] =	ssyncadd.s32 $0xFFFFFC00  }
0xaf: {  	[spmem:s8] =	stream.linear.scatter [tilespmem:s14], [sflag:$0x4], $0x400, $0x38;
	[tilespmem:$0x1FF00] =	vst v63  }
0xb0: {  	s9 =	sadd.s32 $0x400, s8  }
0xb1: {  	[spmem:s9] =	stream.linear.scatter [tilespmem:s14], [sflag:$0x4], $0x400, $0x38;
	[tilespmem:$0x1FF00] =	vst v63  }
0xb2: {  	s11 =	sadd.s32 $0x800, s8  }
0xb3: {  	[spmem:s11] =	stream.linear.scatter [tilespmem:s14], [sflag:$0x4], $0x400, $0x38;
	[tilespmem:$0x1FF00] =	vst v63  }
0xb4: {  	s10 =	sadd.s32 $0xC00, s8  }
0xb5: {  	[spmem:s10] =	stream.linear.scatter [tilespmem:s14], [sflag:$0x4], $0x400, $0x38;
	[tilespmem:$0x1FF00] =	vst v63  }
0xb6: {  	s11 =	sadd.s32 $0x1000, s8  }
0xb7: {  	[spmem:s11] =	stream.linear.scatter [tilespmem:s14], [sflag:$0x4], $0x400, $0x38;
	[tilespmem:$0x1FF00] =	vst v63  }
0xb8: {  	s10 =	sadd.s32 $0x1400, s8  }
0xb9: {  	[spmem:s10] =	stream.linear.scatter [tilespmem:s14], [sflag:$0x4], $0x400, $0x38;
	[tilespmem:$0x1FF00] =	vst v63  }
0xba: {  	s11 =	sadd.s32 $0x1800, s8  }
0xbb: {  	[spmem:s11] =	stream.linear.scatter [tilespmem:s14], [sflag:$0x4], $0x400, $0x38;
	[tilespmem:$0x1FF00] =	vst v63  }
0xbc: {  	s8 =	sadd.s32 $0x1C00, s8  }
0xbd: {  	[spmem:s8] =	stream.linear.scatter [tilespmem:s14], [sflag:$0x4], $0x400, $0x38;
	[tilespmem:$0x1FF00] =	vst v63  }
0xbe: {  	_ =	swait.ge [sflag:s15], $0x400  }
0xbf: {  	[sflag:s15] =	ssyncset.done $0x0  }
0xc0: {  	[sflag:s15] =	ssyncadd.s32 $0xFFFFFC00  }
0xc1: {  	_ =	swait.ge [sflag:s15], $0x400  }
0xc2: {  	[sflag:s15] =	ssyncset.done $0x0  }
0xc3: {  	[sflag:s15] =	ssyncadd.s32 $0xFFFFFC00  }
0xc4: {  	_ =	swait.ge [sflag:s15], $0x400  }
0xc5: {  	[sflag:s15] =	ssyncset.done $0x0  }
0xc6: {  	[sflag:s15] =	ssyncadd.s32 $0xFFFFFC00  }
0xc7: {  	_ =	swait.ge [sflag:s15], $0x400  }
0xc8: {  	[sflag:s15] =	ssyncset.done $0x0  }
0xc9: {  	[sflag:s15] =	ssyncadd.s32 $0xFFFFFC00  }
0xca: {  	_ =	swait.ge [sflag:s15], $0x400  }
0xcb: {  	[sflag:s15] =	ssyncset.done $0x0  }
0xcc: {  	[sflag:s15] =	ssyncadd.s32 $0xFFFFFC00  }
0xcd: {  	_ =	swait.ge [sflag:s15], $0x400  }
0xce: {  	[sflag:s15] =	ssyncset.done $0x0  }
0xcf: {  	[sflag:s15] =	ssyncadd.s32 $0xFFFFFC00  }
0xd0: {  	_ =	swait.ge [sflag:s15], $0x400  }
0xd1: {  	[sflag:s15] =	ssyncset.done $0x0  }
0xd2: {  	[sflag:s15] =	ssyncadd.s32 $0xFFFFFC00  }
0xd3: {  	_ =	swait.ge [sflag:s15], $0x400  }
0xd4: {  	[sflag:s15] =	ssyncset.done $0x0  }
0xd5: {  	[sflag:s15] =	ssyncadd.s32 $0xFFFFFC00  }
0xd6: {  	[bflag:$0x0] =	sbarrier.arrive $0xFFFF  }
0xd7: {  	v1 =	vld [tilespmem:$0x0];
	_ =	sdelay $0x1  }
0xd8: {  	v2 =	vld [tilespmem:$0x10];
	_ =	sdelay $0x1  }
0xd9: {  	v3 =	vld [tilespmem:$0x20]  }
0xda: {  	v4 =	vshrl.u32 v1, $0xE  }
0xdb: {  	v59 =	vld [tilespmem:$0x30];
	v1 =	vand.u32 $0x3FFF, v1;
	[tilespmem:$0x4000] =	vst v4  }
0xdc: {  	[tilespmem:$0x4080] =	vst v1;
	v1 =	vshrl.u32 v2, $0xE  }
0xdd: {  	[tilespmem:$0x4010] =	vst v1;
	v1 =	vand.u32 $0x3FFF, v2;
	v2 =	vld [tilespmem:$0x40]  }
0xde: {  	[tilespmem:$0x4090] =	vst v1;
	v1 =	vshrl.u32 v3, $0xE  }
0xdf: {  	[tilespmem:$0x4020] =	vst v1;
	v1 =	vand.u32 $0x3FFF, v3  }
0xe0: {  	[tilespmem:$0x40A0] =	vst v1;
	v1 =	vshrl.u32 v59, $0xE  }
0xe1: {  	[tilespmem:$0x4030] =	vst v1;
	v1 =	vand.u32 $0x3FFF, v59  }
0xe2: {  	[tilespmem:$0x40B0] =	vst v1;
	v1 =	vshrl.u32 v2, $0xE  }
0xe3: {  	[tilespmem:$0x4040] =	vst v1;
	v1 =	vand.u32 $0x3FFF, v2  }
0xe4: {  	[tilespmem:$0x40C0] =	vst v1  }
0xe5: {  	[tilespmem:s18], [sflag:$0x1] =	stream.indirect.gather [hbm4b:s4+s16], $0x80, s17, s16, $0xb8;
	[tilespmem:$0x1FF00] =	vst v63  }
0xe6: {  	v1 =	vld [tilespmem:$0x80];
	_ =	sdelay $0x1  }
0xe7: {  	v2 =	vld [tilespmem:$0x90];
	_ =	sdelay $0x1  }
0xe8: {  	v3 =	vld [tilespmem:$0xA0]  }
0xe9: {  	v60 =	vshrl.u32 v1, $0xE  }
0xea: {  	v61 =	vld [tilespmem:$0xB0];
	v1 =	vand.u32 $0x3FFF, v1;
	[tilespmem:$0x4100] =	vst v60  }
0xeb: {  	[tilespmem:$0x4180] =	vst v1;
	v1 =	vshrl.u32 v2, $0xE  }
0xec: {  	[tilespmem:$0x4110] =	vst v1;
	v1 =	vand.u32 $0x3FFF, v2;
	v2 =	vld [tilespmem:$0xC0]  }
0xed: {  	[tilespmem:$0x4190] =	vst v1;
	v1 =	vshrl.u32 v3, $0xE  }
0xee: {  	[tilespmem:$0x4120] =	vst v1;
	v1 =	vand.u32 $0x3FFF, v3  }
0xef: {  	[tilespmem:$0x41A0] =	vst v1;
	v1 =	vshrl.u32 v61, $0xE  }
0xf0: {  	[tilespmem:$0x4130] =	vst v1;
	v1 =	vand.u32 $0x3FFF, v61  }
0xf1: {  	[tilespmem:$0x41B0] =	vst v1;
	v1 =	vshrl.u32 v2, $0xE  }
0xf2: {  	[tilespmem:$0x4140] =	vst v1;
	v1 =	vand.u32 $0x3FFF, v2  }
0xf3: {  	[tilespmem:$0x41C0] =	vst v1  }
0xf4: {  	[tilespmem:s20], [sflag:$0x2] =	stream.indirect.gather [hbm4b:s4+s16], $0x80, s19, s16, $0xb8;
	[tilespmem:$0x1FF00] =	vst v63  }
0xf5: {  	v1 =	vld [tilespmem:$0x100];
	_ =	sdelay $0x1  }
0xf6: {  	v2 =	vld [tilespmem:$0x110];
	_ =	sdelay $0x1  }
0xf7: {  	v3 =	vld [tilespmem:$0x120]  }
0xf8: {  	v62 =	vshrl.u32 v1, $0xE  }
0xf9: {  	v63 =	vld [tilespmem:$0x130];
	v1 =	vand.u32 $0x3FFF, v1;
	[tilespmem:$0x4200] =	vst v62  }
0xfa: {  	[tilespmem:$0x4280] =	vst v1;
	v1 =	vshrl.u32 v2, $0xE  }
0xfb: {  	[tilespmem:$0x4210] =	vst v1;
	v1 =	vand.u32 $0x3FFF, v2;
	v2 =	vld [tilespmem:$0x140]  }
0xfc: {  	[tilespmem:$0x4290] =	vst v1;
	v1 =	vshrl.u32 v3, $0xE  }
0xfd: {  	[tilespmem:$0x4220] =	vst v1;
	v1 =	vand.u32 $0x3FFF, v3  }
0xfe: {  	[tilespmem:$0x42A0] =	vst v1;
	v1 =	vshrl.u32 v63, $0xE  }
0xff: {  	[tilespmem:$0x4230] =	vst v1;
	v1 =	vand.u32 $0x3FFF, v63  }
0x100: {  	[tilespmem:$0x42B0] =	vst v1;
	v1 =	vshrl.u32 v2, $0xE  }
0x101: {  	[tilespmem:$0x4240] =	vst v1;
	v1 =	vand.u32 $0x3FFF, v2  }
0x102: {  	[tilespmem:$0x42C0] =	vst v1  }
0x103: {  	[tilespmem:s26], [sflag:$0x3] =	stream.indirect.gather [hbm4b:s4+s16], $0x80, s21, s16, $0xb8;
	[tilespmem:$0x1FF00] =	vst v63  }
0x104: {  	_ =	swait.ge [sflag:s28], $0x2800  }
0x105: {  	[sflag:s28] =	ssyncset.done $0x0  }
0x106: {  	[sflag:s28] =	ssyncadd.s32 $0xFFFFD800  }
0x107: {  	[spmem:s2] =	stream.indirect.scatter.add.f32 [tilespmem:s18], [sflag:$0x4], $0x80, s29, s16, $0xb8;
	[tilespmem:$0x1FF00] =	vst v63  }
0x108: {  	_ =	swait.ge [sflag:s30], $0x2800  }
0x109: {  	[sflag:s30] =	ssyncset.done $0x0  }
0x10a: {  	[sflag:s30] =	ssyncadd.s32 $0xFFFFD800  }
0x10b: {  	[spmem:s2] =	stream.indirect.scatter.add.f32 [tilespmem:s20], [sflag:$0x5], $0x80, s31, s16, $0xb8;
	[tilespmem:$0x1FF00] =	vst v63  }
0x10c: {  	_ =	swait.ge [sflag:s0], $0x2800  }
0x10d: {  	[sflag:s0] =	ssyncset.done $0x0  }
0x10e: {  	[sflag:s0] =	ssyncadd.s32 $0xFFFFD800  }
0x10f: {  	[spmem:s2] =	stream.indirect.scatter.add.f32 [tilespmem:s26], [sflag:$0x6], $0x80, s3, s16, $0xb8;
	[tilespmem:$0x1FF00] =	vst v63  }
0x110: {  	_ =	swait.ge [sflag:s15], $0x2800  }
0x111: {  	[sflag:s15] =	ssyncset.done $0x0  }
0x112: {  	s8 =	simm.s32 $0x0;
	[sflag:s15] =	ssyncadd.s32 $0xFFFFD800  }
0x113: {  	v1 =	vld [tilespmem:s8+$0x180];
	_ =	sdelay $0x4  }
0x114: {  	v2 =	vshrl.u32 v1, $0xE  }
0x115: {  	v1 =	vand.u32 $0x3FFF, v1;
	[tilespmem:$0x4000] =	vst v2  }
0x116: {  	[tilespmem:$0x4080] =	vst v1  }
0x117: {  	v1 =	vld [tilespmem:s8+$0x190];
	_ =	sdelay $0x4  }
0x118: {  	v2 =	vshrl.u32 v1, $0xE  }
0x119: {  	v1 =	vand.u32 $0x3FFF, v1;
	[tilespmem:$0x4010] =	vst v2  }
0x11a: {  	[tilespmem:$0x4090] =	vst v1  }
0x11b: {  	v1 =	vld [tilespmem:s8+$0x1A0];
	_ =	sdelay $0x4  }
0x11c: {  	v2 =	vshrl.u32 v1, $0xE  }
0x11d: {  	v1 =	vand.u32 $0x3FFF, v1;
	[tilespmem:$0x4020] =	vst v2  }
0x11e: {  	[tilespmem:$0x40A0] =	vst v1  }
0x11f: {  	v1 =	vld [tilespmem:s8+$0x1B0];
	_ =	sdelay $0x4  }
0x120: {  	v2 =	vshrl.u32 v1, $0xE  }
0x121: {  	v1 =	vand.u32 $0x3FFF, v1;
	[tilespmem:$0x4030] =	vst v2  }
0x122: {  	[tilespmem:$0x40B0] =	vst v1  }
0x123: {  	v1 =	vld [tilespmem:s8+$0x1C0];
	_ =	sdelay $0x4  }
0x124: {  	v2 =	vshrl.u32 v1, $0xE  }
0x125: {  	v1 =	vand.u32 $0x3FFF, v1;
	[tilespmem:$0x4040] =	vst v2  }
0x126: {  	[tilespmem:$0x40C0] =	vst v1  }
0x127: {  	[tilespmem:s18], [sflag:$0x1] =	stream.indirect.gather [hbm4b:s4+s16], $0x80, s17, s16, $0xb8;
	[tilespmem:$0x1FF00] =	vst v63  }
0x128: {  	_ =	swait.ge [sflag:s1], $0x2800  }
0x129: {  	[sflag:s1] =	ssyncset.done $0x0  }
0x12a: {  	[sflag:s1] =	ssyncadd.s32 $0xFFFFD800  }
0x12b: {  	v1 =	vld [tilespmem:s8+$0x200];
	_ =	sdelay $0x4  }
0x12c: {  	v2 =	vshrl.u32 v1, $0xE  }
0x12d: {  	v1 =	vand.u32 $0x3FFF, v1;
	[tilespmem:$0x4100] =	vst v2  }
0x12e: {  	[tilespmem:$0x4180] =	vst v1  }
0x12f: {  	v1 =	vld [tilespmem:s8+$0x210];
	_ =	sdelay $0x4  }
0x130: {  	v2 =	vshrl.u32 v1, $0xE  }
0x131: {  	v1 =	vand.u32 $0x3FFF, v1;
	[tilespmem:$0x4110] =	vst v2  }
0x132: {  	[tilespmem:$0x4190] =	vst v1  }
0x133: {  	v1 =	vld [tilespmem:s8+$0x220];
	_ =	sdelay $0x4  }
0x134: {  	v2 =	vshrl.u32 v1, $0xE  }
0x135: {  	v1 =	vand.u32 $0x3FFF, v1;
	[tilespmem:$0x4120] =	vst v2  }
0x136: {  	[tilespmem:$0x41A0] =	vst v1  }
0x137: {  	v1 =	vld [tilespmem:s8+$0x230];
	_ =	sdelay $0x4  }
0x138: {  	v2 =	vshrl.u32 v1, $0xE  }
0x139: {  	v1 =	vand.u32 $0x3FFF, v1;
	[tilespmem:$0x4130] =	vst v2  }
0x13a: {  	[tilespmem:$0x41B0] =	vst v1  }
0x13b: {  	v1 =	vld [tilespmem:s8+$0x240];
	_ =	sdelay $0x4  }
0x13c: {  	v2 =	vshrl.u32 v1, $0xE  }
0x13d: {  	v1 =	vand.u32 $0x3FFF, v1;
	[tilespmem:$0x4140] =	vst v2  }
0x13e: {  	[tilespmem:$0x41C0] =	vst v1  }
0x13f: {  	[tilespmem:s20], [sflag:$0x2] =	stream.indirect.gather [hbm4b:s4+s16], $0x80, s19, s16, $0xb8;
	[tilespmem:$0x1FF00] =	vst v63  }
0x140: {  	_ =	swait.ge [sflag:s5], $0x2800  }
0x141: {  	[sflag:s5] =	ssyncset.done $0x0  }
0x142: {  	[sflag:s5] =	ssyncadd.s32 $0xFFFFD800  }
0x143: {  	v1 =	vld [tilespmem:s8+$0x280];
	_ =	sdelay $0x4  }
0x144: {  	v2 =	vshrl.u32 v1, $0xE  }
0x145: {  	v1 =	vand.u32 $0x3FFF, v1;
	[tilespmem:$0x4200] =	vst v2  }
0x146: {  	[tilespmem:$0x4280] =	vst v1  }
0x147: {  	v1 =	vld [tilespmem:s8+$0x290];
	_ =	sdelay $0x4  }
0x148: {  	v2 =	vshrl.u32 v1, $0xE  }
0x149: {  	v1 =	vand.u32 $0x3FFF, v1;
	[tilespmem:$0x4210] =	vst v2  }
0x14a: {  	[tilespmem:$0x4290] =	vst v1  }
0x14b: {  	v1 =	vld [tilespmem:s8+$0x2A0];
	_ =	sdelay $0x4  }
0x14c: {  	v2 =	vshrl.u32 v1, $0xE  }
0x14d: {  	v1 =	vand.u32 $0x3FFF, v1;
	[tilespmem:$0x4220] =	vst v2  }
0x14e: {  	[tilespmem:$0x42A0] =	vst v1  }
0x14f: {  	s9 =	simm.s32 $0x600;
	v1 =	vld [tilespmem:s8+$0x2B0]  }
.LBB2_4:
0x150: {  	p0 =	sne.s32 s9, $0xF000;
	s10 =	smov.u32 s9;
	s9 =	sadd.s32 $0x600, s9  }
0x151: {  	_ =	sdelay $0x2  }
0x152: {  	v2 =	vshrl.u32 v1, $0xE;
	v1 =	vand.u32 $0x3FFF, v1  }
0x153: {  	[tilespmem:$0x4230] =	vst v2  }
0x154: {  	[tilespmem:$0x42B0] =	vst v1  }
0x155: {  	v1 =	vld [tilespmem:s8+$0x2C0];
	_ =	sdelay $0x4  }
0x156: {  	v2 =	vshrl.u32 v1, $0xE;
	v1 =	vand.u32 $0x3FFF, v1  }
0x157: {  	[tilespmem:$0x4240] =	vst v2  }
0x158: {  	[tilespmem:$0x42C0] =	vst v1  }
0x159: {  	[tilespmem:s26], [sflag:$0x3] =	stream.indirect.gather [hbm4b:s4+s16], $0x80, s21, s16, $0xb8;
	[tilespmem:$0x1FF00] =	vst v63  }
0x15a: {  	_ =	swait.ge [sflag:s28], $0x2800  }
0x15b: {  	[sflag:s28] =	ssyncset.done $0x0  }
0x15c: {  	[sflag:s28] =	ssyncadd.s32 $0xFFFFD800  }
0x15d: {  	[spmem:s2] =	stream.indirect.scatter.add.f32 [tilespmem:s18], [sflag:$0x4], $0x80, s29, s16, $0xb8;
	[tilespmem:$0x1FF00] =	vst v63  }
0x15e: {  	_ =	swait.ge [sflag:s30], $0x2800  }
0x15f: {  	[sflag:s30] =	ssyncset.done $0x0  }
0x160: {  	[sflag:s30] =	ssyncadd.s32 $0xFFFFD800  }
0x161: {  	[spmem:s2] =	stream.indirect.scatter.add.f32 [tilespmem:s20], [sflag:$0x5], $0x80, s31, s16, $0xb8;
	[tilespmem:$0x1FF00] =	vst v63  }
0x162: {  	_ =	swait.ge [sflag:s0], $0x2800  }
0x163: {  	[sflag:s0] =	ssyncset.done $0x0  }
0x164: {  	[sflag:s0] =	ssyncadd.s32 $0xFFFFD800  }
0x165: {  	[spmem:s2] =	stream.indirect.scatter.add.f32 [tilespmem:s26], [sflag:$0x6], $0x80, s3, s16, $0xb8;
	[tilespmem:$0x1FF00] =	vst v63  }
0x166: {  	_ =	swait.ge [sflag:s15], $0x2800  }
0x167: {  	[sflag:s15] =	ssyncset.done $0x0  }
0x168: {  	s8 =	sshra.s32 s10, $0x2;
	[sflag:s15] =	ssyncadd.s32 $0xFFFFD800  }
0x169: {  	v1 =	vld [tilespmem:s8+$0x180];
	_ =	sdelay $0x4  }
0x16a: {  	v2 =	vshrl.u32 v1, $0xE;
	v1 =	vand.u32 $0x3FFF, v1  }
0x16b: {  	[tilespmem:$0x4000] =	vst v2  }
0x16c: {  	[tilespmem:$0x4080] =	vst v1  }
0x16d: {  	v1 =	vld [tilespmem:s8+$0x190];
	_ =	sdelay $0x4  }
0x16e: {  	v2 =	vshrl.u32 v1, $0xE;
	v1 =	vand.u32 $0x3FFF, v1  }
0x16f: {  	[tilespmem:$0x4010] =	vst v2  }
0x170: {  	[tilespmem:$0x4090] =	vst v1  }
0x171: {  	v1 =	vld [tilespmem:s8+$0x1A0];
	_ =	sdelay $0x4  }
0x172: {  	v2 =	vshrl.u32 v1, $0xE;
	v1 =	vand.u32 $0x3FFF, v1  }
0x173: {  	[tilespmem:$0x4020] =	vst v2  }
0x174: {  	[tilespmem:$0x40A0] =	vst v1  }
0x175: {  	v1 =	vld [tilespmem:s8+$0x1B0];
	_ =	sdelay $0x4  }
0x176: {  	v2 =	vshrl.u32 v1, $0xE;
	v1 =	vand.u32 $0x3FFF, v1  }
0x177: {  	[tilespmem:$0x4030] =	vst v2  }
0x178: {  	[tilespmem:$0x40B0] =	vst v1  }
0x179: {  	v1 =	vld [tilespmem:s8+$0x1C0];
	_ =	sdelay $0x4  }
0x17a: {  	v2 =	vshrl.u32 v1, $0xE;
	v1 =	vand.u32 $0x3FFF, v1  }
0x17b: {  	[tilespmem:$0x4040] =	vst v2  }
0x17c: {  	[tilespmem:$0x40C0] =	vst v1  }
0x17d: {  	[tilespmem:s18], [sflag:$0x1] =	stream.indirect.gather [hbm4b:s4+s16], $0x80, s17, s16, $0xb8;
	[tilespmem:$0x1FF00] =	vst v63  }
0x17e: {  	_ =	swait.ge [sflag:s1], $0x2800  }
0x17f: {  	[sflag:s1] =	ssyncset.done $0x0  }
0x180: {  	[sflag:s1] =	ssyncadd.s32 $0xFFFFD800  }
0x181: {  	v1 =	vld [tilespmem:s8+$0x200];
	_ =	sdelay $0x4  }
0x182: {  	v2 =	vshrl.u32 v1, $0xE;
	v1 =	vand.u32 $0x3FFF, v1  }
0x183: {  	[tilespmem:$0x4100] =	vst v2  }
0x184: {  	[tilespmem:$0x4180] =	vst v1  }
0x185: {  	v1 =	vld [tilespmem:s8+$0x210];
	_ =	sdelay $0x4  }
0x186: {  	v2 =	vshrl.u32 v1, $0xE;
	v1 =	vand.u32 $0x3FFF, v1  }
0x187: {  	[tilespmem:$0x4110] =	vst v2  }
0x188: {  	[tilespmem:$0x4190] =	vst v1  }
0x189: {  	v1 =	vld [tilespmem:s8+$0x220];
	_ =	sdelay $0x4  }
0x18a: {  	v2 =	vshrl.u32 v1, $0xE;
	v1 =	vand.u32 $0x3FFF, v1  }
0x18b: {  	[tilespmem:$0x4120] =	vst v2  }
0x18c: {  	[tilespmem:$0x41A0] =	vst v1  }
0x18d: {  	v1 =	vld [tilespmem:s8+$0x230];
	_ =	sdelay $0x4  }
0x18e: {  	v2 =	vshrl.u32 v1, $0xE;
	v1 =	vand.u32 $0x3FFF, v1  }
0x18f: {  	[tilespmem:$0x4130] =	vst v2  }
0x190: {  	[tilespmem:$0x41B0] =	vst v1  }
0x191: {  	v1 =	vld [tilespmem:s8+$0x240];
	_ =	sdelay $0x4  }
0x192: {  	v2 =	vshrl.u32 v1, $0xE;
	v1 =	vand.u32 $0x3FFF, v1  }
0x193: {  	[tilespmem:$0x4140] =	vst v2  }
0x194: {  	[tilespmem:$0x41C0] =	vst v1  }
0x195: {  	[tilespmem:s20], [sflag:$0x2] =	stream.indirect.gather [hbm4b:s4+s16], $0x80, s19, s16, $0xb8;
	[tilespmem:$0x1FF00] =	vst v63  }
0x196: {  	_ =	swait.ge [sflag:s5], $0x2800  }
0x197: {  	[sflag:s5] =	ssyncset.done $0x0  }
0x198: {  	[sflag:s5] =	ssyncadd.s32 $0xFFFFD800  }
0x199: {  	v1 =	vld [tilespmem:s8+$0x280];
	_ =	sdelay $0x4  }
0x19a: {  	v2 =	vshrl.u32 v1, $0xE;
	v1 =	vand.u32 $0x3FFF, v1  }
0x19b: {  	[tilespmem:$0x4200] =	vst v2  }
0x19c: {  	[tilespmem:$0x4280] =	vst v1  }
0x19d: {  	v1 =	vld [tilespmem:s8+$0x290];
	_ =	sdelay $0x4  }
0x19e: {  	v2 =	vshrl.u32 v1, $0xE;
	v1 =	vand.u32 $0x3FFF, v1  }
0x19f: {  	[tilespmem:$0x4210] =	vst v2  }
0x1a0: {  	[tilespmem:$0x4290] =	vst v1  }
0x1a1: {  	v1 =	vld [tilespmem:s8+$0x2A0];
	_ =	sdelay $0x3  }
.Ltmp1:
0x1a2: {  	(pc) =	sbr.rel @p0 .LBB2_4-.Ltmp1, $4  }
0x1a3: {  	v2 =	vshrl.u32 v1, $0xE;
	v1 =	vand.u32 $0x3FFF, v1  }
0x1a4: {  	[tilespmem:$0x4220] =	vst v2  }
0x1a5: {  	[tilespmem:$0x42A0] =	vst v1  }
0x1a6: {  	v1 =	vld [tilespmem:s8+$0x2B0]  }
0x1a7: {  	_ =	sdelay $0x3  }
0x1a8: {  	v2 =	vshrl.u32 v1, $0xE  }
0x1a9: {  	v1 =	vand.u32 $0x3FFF, v1;
	[tilespmem:$0x4230] =	vst v2  }
0x1aa: {  	[tilespmem:$0x42B0] =	vst v1  }
0x1ab: {  	v1 =	vld [tilespmem:s8+$0x2C0];
	_ =	sdelay $0x4  }
0x1ac: {  	v2 =	vshrl.u32 v1, $0xE  }
0x1ad: {  	v1 =	vand.u32 $0x3FFF, v1;
	[tilespmem:$0x4240] =	vst v2  }
0x1ae: {  	[tilespmem:$0x42C0] =	vst v1  }
0x1af: {  	[tilespmem:s26], [sflag:$0x3] =	stream.indirect.gather [hbm4b:s4+s16], $0x80, s21, s16, $0xb8;
	[tilespmem:$0x1FF00] =	vst v63  }
0x1b0: {  	_ =	swait.ge [sflag:s28], $0x2800  }
0x1b1: {  	[sflag:s28] =	ssyncset.done $0x0  }
0x1b2: {  	[sflag:s28] =	ssyncadd.s32 $0xFFFFD800  }
0x1b3: {  	[spmem:s2] =	stream.indirect.scatter.add.f32 [tilespmem:s18], [sflag:$0x4], $0x80, s29, s16, $0xb8;
	[tilespmem:$0x1FF00] =	vst v63  }
0x1b4: {  	_ =	swait.ge [sflag:s30], $0x2800  }
0x1b5: {  	[sflag:s30] =	ssyncset.done $0x0  }
0x1b6: {  	[sflag:s30] =	ssyncadd.s32 $0xFFFFD800  }
0x1b7: {  	[spmem:s2] =	stream.indirect.scatter.add.f32 [tilespmem:s20], [sflag:$0x5], $0x80, s31, s16, $0xb8;
	[tilespmem:$0x1FF00] =	vst v63  }
0x1b8: {  	_ =	swait.ge [sflag:s0], $0x2800  }
0x1b9: {  	[sflag:s0] =	ssyncset.done $0x0  }
0x1ba: {  	[sflag:s0] =	ssyncadd.s32 $0xFFFFD800  }
0x1bb: {  	[spmem:s2] =	stream.indirect.scatter.add.f32 [tilespmem:s26], [sflag:$0x6], $0x80, s3, s16, $0xb8;
	[tilespmem:$0x1FF00] =	vst v63  }
0x1bc: {  	_ =	swait.ge [sflag:s15], $0x2800  }
0x1bd: {  	[sflag:s15] =	ssyncset.done $0x0  }
0x1be: {  	[sflag:s15] =	ssyncadd.s32 $0xFFFFD800  }
0x1bf: {  	_ =	swait.ge [sflag:s1], $0x2800  }
0x1c0: {  	[sflag:s1] =	ssyncset.done $0x0  }
0x1c1: {  	[sflag:s1] =	ssyncadd.s32 $0xFFFFD800  }
0x1c2: {  	_ =	swait.ge [sflag:s5], $0x2800  }
0x1c3: {  	[sflag:s5] =	ssyncset.done $0x0  }
0x1c4: {  	s11 =	stileid.u32;
	[sflag:s5] =	ssyncadd.s32 $0xFFFFD800  }
0x1c5: {  	s8 =	sshll.u32 s11, $0x6;
	[bflag:$0x0] =	sbarrier.arrive $0xFFFF  }
0x1c6: {  	s9 =	sshrl.u32 s6, $0x3;
	s8 =	sor.u32 $0x1C01, s8;
	s10 =	rddreg [dreg:$0x4]  }
0x1c7: {  	[hbm:s10], [sflag:s8] =	dma.local [spmem:s9], $0x800  }
0x1c8: {  	s9 =	rddreg [dreg:$0x5]  }
0x1c9: {  	[hbm:s9], [sflag:s8] =	dma.local [spmem:s22], $0x800  }
0x1ca: {  	s9 =	rddreg [dreg:$0x6]  }
0x1cb: {  	[hbm:s9], [sflag:s8] =	dma.local [spmem:s23], $0x800  }
0x1cc: {  	s9 =	rddreg [dreg:$0x7]  }
0x1cd: {  	[hbm:s9], [sflag:s8] =	dma.local [spmem:s24], $0x800  }
0x1ce: {  	s9 =	rddreg [dreg:$0x8]  }
0x1cf: {  	[hbm:s9], [sflag:s8] =	dma.local [spmem:s25], $0x800  }
0x1d0: {  	_ =	swait.ge [sflag:s28], $0x800  }
0x1d1: {  	[sflag:s28] =	ssyncset.done $0x0  }
0x1d2: {  	[sflag:s28] =	ssyncadd.s32 $0xFFFFF800  }
0x1d3: {  	_ =	swait.ge [sflag:s28], $0x800  }
0x1d4: {  	[sflag:s28] =	ssyncset.done $0x0  }
0x1d5: {  	[sflag:s28] =	ssyncadd.s32 $0xFFFFF800  }
0x1d6: {  	_ =	swait.ge [sflag:s28], $0x800  }
0x1d7: {  	[sflag:s28] =	ssyncset.done $0x0  }
0x1d8: {  	s7 =	sadd.s32 $0x1, s7;
	[sflag:s28] =	ssyncadd.s32 $0xFFFFF800  }
0x1d9: {  	p0 =	sne.s32 s7, s12;
	_ =	swait.ge [sflag:s28], $0x800  }
.Ltmp2:
0x1da: {  	[sflag:s28] =	ssyncset.done $0x0;
	(pc) =	sbr.rel @p0 .LBB2_1-.Ltmp2, $4  }
0x1db: {  	[sflag:s28] =	ssyncadd.s32 $0xFFFFF800  }
0x1dc: {  	_ =	swait.ge [sflag:s28], $0x800  }
0x1dd: {  	[sflag:s28] =	ssyncset.done $0x0  }
0x1de: {  	[sflag:s28] =	ssyncadd.s32 $0xFFFFF800  }
0x1df: {  	_ =	sfence.sel $0x180000  }
0x1e0: {  	[bflag:$0x0] =	sbarrier.arrive $0xFFFF  }
0x1e1: {  	_ =	strace $0x9000004D  }
0x1e2: {  	s0 =	stileid.u32;
	[bflag:$0x2] =	sbarrier.arrive $0xFFFF  }
0x1e3: {  	p0 =	sne.s32 s0, $0x0;
	s0 =	rddreg [dreg:$0x2]  }
0x1e4: {  	s0 =	sadd.s32 @!p0 $0x100000, s0  }
0x1e5: {  	[sflag:s0] =	ssyncadd.tile.s32 @!p0 $0x1;
	_ =	shalt  }
.Lfunc_end2:
_tile_overlayer_lowered:
.L_overlay_start_2:
0x1e6: {  	(tag) =	ssettag $0x2  }
0x1e7: {  	s0 =	rddreg [dreg:$0x0];
	s2 =	stileid.u32  }
0x1e8: {  	s1 =	rddreg [dreg:$0x1];
	p0 =	sne.s32 s2, $0x0  }
0x1e9: {  	s3 =	rddreg [dreg:$0x2];
	[bflag:$0x3] =	sbarrier.arrive $0xFFFF;
	s2 =	simm.s32 @!p0 $0x1C07  }
0x1ea: {  	[timem:s3], [sflag:s2] =	dma.local @!p0 [hbm:s0], s1  }
0x1eb: {  	s0 =	simm.s32 @!p0 $0x7  }
0x1ec: {  	_ =	swait.ge @!p0 [sflag:s0], s1  }
0x1ed: {  	s1 =	ssub.s32 @!p0 $0x0, s1;
	[sflag:s0] =	ssyncset.done @!p0 $0x0  }
0x1ee: {  	[sflag:s0] =	ssyncadd.s32 @!p0 s1  }
0x1ef: {  	[bflag:$0x3] =	sbarrier.arrive $0xFFFF  }
0x1f0: {  	_ =	shalt  }

// kernel: kernel.19.cloned.1.call-start
scs
__scs_entry_jumppad:
0x0: {  	(pc) =	sbr.rel $0x88, $3  }
0x1: {  	(tag) =	ssettag $0x0;
	lr =	simm.s32 $0x1  }
0x2: {  	[smem:$0x3F9D] =	sst lr;
	_ =	strace $0xD0000000  }
0x3: {  	_ = 	snop  }
0x4: {  	_ = 	snop  }
0x5: {  	_ = 	snop  }
0x6: {  	_ = 	snop  }
0x7: {  	_ = 	snop  }
__scs_overlays_trampoline_lowered:
0x8: {  	[smem:$0x3FAC] =	sst s0  }
0x9: {  	[smem:$0x3FAD] =	sst s1  }
0xa: {  	[smem:$0x3FAE] =	sst s2  }
0xb: {  	[smem:$0x3FAF] =	sst s3  }
0xc: {  	[smem:$0x3FB0] =	sst s4  }
0xd: {  	[smem:$0x3FB1] =	sst s5  }
0xe: {  	[smem:$0x3FB2] =	sst s6  }
0xf: {  	[smem:$0x3FB3] =	sst s7  }
0x10: {  	[smem:$0x3FB4] =	sst s8  }
0x11: {  	[smem:$0x3FB5] =	sst s9;
	s0 =	simm.s32 @!p0 $0x0  }
0x12: {  	s1 =	sld [smem:$0x3F9B];
	s0 =	simm.s32 @p0 $0x1  }
0x13: {  	[smem:$0x3FB6] =	sst s0;
	s0 =	simm.s32 @!p1 $0x0  }
0x14: {  	s2 =	sld [smem:$0x3F9A];
	s0 =	simm.s32 @p1 $0x1  }
0x15: {  	[smem:$0x3FB7] =	sst s0;
	s0 =	simm.s32 @!p2 $0x0  }
0x16: {  	s3 =	sld [smem:$0x3FDB];
	s0 =	simm.s32 @p2 $0x1  }
0x17: {  	s4 =	simm.s32 $0x1BF5;
	[smem:$0x3FB9] =	sst s0  }
0x18: {  	s0 =	sld [smem:$0x3F9C];
	_ =	swait.ge [sflag:s4], $0x0  }
0x19: {  	s7 =	sld [smem:$0x3F9D]  }
0x1a: {  	s8 =	sadd.s32 $0xFFFFE003, lr  }
0x1b: {  	s9 =	sadd.s32 $0xFFFFFEF7, lr;
	s5 =	simm.s32 $0xFFFFFFFF;
	p2 =	slt.u32 s8, $0xFFFFF086  }
0x1c: {  	p1 =	slt.u32 s9, $0xF7A;
	s5 =	simm.s32 @!p2 $0x0  }
0x1d: {  	s5 =	simm.s32 @p1 $0x1;
	p0 =	seq.s32 s7, s2  }
0x1e: {  	s7 =	smul.u32 @!p0 $0xF7A, s2;
	p2 =	seq.s32 @!p0 s5, $0x0  }
0x1f: {  	s9 =	smul.u32 $0xF7A, s1;
	s8 =	simm.s32 @!p0 $0x1BF5;
	p2 =	por !p2, p0  }
0x20: {  	[sflag:s8] =	ssyncset.s32 @!p0 $0xFFFFF086;
	s6 =	sadd.s32 @!p0 s3, s7;
	s7 =	simm.s32 @!p0 $0x108  }
0x21: {  	s3 =	sadd.s32 s3, s9;
	s6 =	sadd.s32 @!p0 $0x88, s6;
	s7 =	simm.s32 @p2 $0x1082  }
0x22: {  	[simem:s7], [sflag:s8] =	dma.local @!p0 [hbm:s6], $0xF7A  }
0x23: {  	s9 =	sor.u32 $0xD0000000, s2;
	s6 =	simm.s32 $0x108;
	_ =	swait.ge @!p0 [sflag:s8], $0x0  }
0x24: {  	s3 =	sadd.s32 $0x88, s3;
	s6 =	simm.s32 @!p1 $0x1082;
	[sflag:s4] =	ssyncset.s32 $0xFFFFF086  }
0x25: {  	[simem:s6], [sflag:s4] =	dma.local [hbm:s3], $0xF7A  }
0x26: {  	[smem:$0x3F9D] =	sst s1;
	(tag) =	ssettag s2;
	_ =	strace s9  }
0x27: {  	s1 =	sld [smem:$0x3FAD]  }
0x28: {  	s2 =	sld [smem:$0x3FAE]  }
0x29: {  	s4 =	sld [smem:$0x3FB0]  }
0x2a: {  	p0 =	seq.s32 s5, $0x0;
	s5 =	sld [smem:$0x3FB1]  }
0x2b: {  	s6 =	sld [smem:$0x3FB2]  }
0x2c: {  	s7 =	sld [smem:$0x3FB3]  }
0x2d: {  	s3 =	simm.s32 $0x108;
	s8 =	sld [smem:$0x3FB4]  }
0x2e: {  	s3 =	simm.s32 @!p0 $0x1082;
	s9 =	sld [smem:$0x3FB5]  }
0x2f: {  	lr =	sadd.s32 s0, s3;
	s0 =	sld [smem:$0x3FAC]  }
0x30: {  	s3 =	sld [smem:$0x3FAF]  }
0x31: {  	[smem:$0x3FB8] =	sst s10  }
0x32: {  	s10 =	sld [smem:$0x3FB6];
	_ =	sdelay $0x3  }
0x33: {  	p0 =	seq.s32 s10, $0x1;
	s10 =	sld [smem:$0x3FB8];
	_ =	sdelay $0x3  }
0x34: {  	[smem:$0x3FB8] =	sst s10  }
0x35: {  	s10 =	sld [smem:$0x3FB7];
	_ =	sdelay $0x3  }
0x36: {  	p1 =	seq.s32 s10, $0x1;
	s10 =	sld [smem:$0x3FB8];
	_ =	sdelay $0x3  }
0x37: {  	[smem:$0x3FB8] =	sst s10  }
0x38: {  	s10 =	sld [smem:$0x3FB9]  }
0x39: {  	_ = 	snop;
	(pc) =	sbr.ind lr, $3  }
0x3a: {  	_ = 	snop  }
0x3b: {  	_ = 	snop  }
0x3c: {  	p2 =	seq.s32 s10, $0x1;
	s10 =	sld [smem:$0x3FB8]  }
0x3d: {  	_ =	shalt  }
0x3e: {  	_ =	shalt  }
0x3f: {  	_ =	shalt  }
0x40: {  	_ =	shalt  }
0x41: {  	_ =	shalt  }
0x42: {  	_ =	shalt  }
0x43: {  	_ =	shalt  }
0x44: {  	_ =	shalt  }
0x45: {  	_ =	shalt  }
0x46: {  	_ =	shalt  }
0x47: {  	_ =	shalt  }
0x48: {  	_ =	shalt  }
0x49: {  	_ =	shalt  }
0x4a: {  	_ =	shalt  }
0x4b: {  	_ =	shalt  }
0x4c: {  	_ =	shalt  }
0x4d: {  	_ =	shalt  }
0x4e: {  	_ =	shalt  }
0x4f: {  	_ =	shalt  }
0x50: {  	_ =	shalt  }
0x51: {  	_ =	shalt  }
0x52: {  	_ =	shalt  }
0x53: {  	_ =	shalt  }
0x54: {  	_ =	shalt  }
0x55: {  	_ =	shalt  }
0x56: {  	_ =	shalt  }
0x57: {  	_ =	shalt  }
0x58: {  	_ =	shalt  }
0x59: {  	_ =	shalt  }
0x5a: {  	_ =	shalt  }
0x5b: {  	_ =	shalt  }
0x5c: {  	_ =	shalt  }
0x5d: {  	_ =	shalt  }
0x5e: {  	_ =	shalt  }
0x5f: {  	_ =	shalt  }
0x60: {  	_ =	shalt  }
0x61: {  	_ =	shalt  }
0x62: {  	_ =	shalt  }
0x63: {  	_ =	shalt  }
0x64: {  	_ =	shalt  }
0x65: {  	_ =	shalt  }
0x66: {  	_ =	shalt  }
0x67: {  	_ =	shalt  }
0x68: {  	_ =	shalt  }
0x69: {  	_ =	shalt  }
0x6a: {  	_ =	shalt  }
0x6b: {  	_ =	shalt  }
0x6c: {  	_ =	shalt  }
0x6d: {  	_ =	shalt  }
0x6e: {  	_ =	shalt  }
0x6f: {  	_ =	shalt  }
0x70: {  	_ =	shalt  }
0x71: {  	_ =	shalt  }
0x72: {  	_ =	shalt  }
0x73: {  	_ =	shalt  }
0x74: {  	_ =	shalt  }
0x75: {  	_ =	shalt  }
0x76: {  	_ =	shalt  }
0x77: {  	_ =	shalt  }
0x78: {  	_ =	shalt  }
0x79: {  	_ =	shalt  }
0x7a: {  	_ =	shalt  }
0x7b: {  	_ =	shalt  }
0x7c: {  	_ =	shalt  }
0x7d: {  	_ =	shalt  }
0x7e: {  	_ =	shalt  }
0x7f: {  	_ =	shalt  }
0x80: {  	_ =	shalt  }
0x81: {  	_ =	shalt  }
0x82: {  	_ =	shalt  }
0x83: {  	_ =	shalt  }
0x84: {  	_ =	shalt  }
0x85: {  	_ =	shalt  }
0x86: {  	_ =	shalt  }
0x87: {  	_ =	shalt  }
.Lfunc_end0:
.L_simem_size_0:
called_computation.3_lowered:
.L_overlay_start_0:
0x88: {  	s2 =	sld [smem:$0x3FD9]  }
0x89: {  	s3 =	sld [smem:$0x3FFE];
	_ =	sdelay $0x1  }
0x8a: {  	s1 =	srdreg.scid  }
0x8b: {  	s0 =	sand.u32 $0x1, s1  }
0x8c: {  	s17 =	sshll.u32 s0, $0xA;
	s2 =	sadd.s32 s3, s2  }
0x8d: {  	s2 =	sadd.s32 s2, s17  }
0x8e: {  	[smem:$0x3FC4] =	sst s2  }
0x8f: {  	_ = 	snop  }
0x90: {  	s2 =	sld [smem:$0x3FD0];
	(tm) =	ssettm $0x1  }
0x91: {  	s18 =	sld [smem:$0x3FFB];
	_ =	sdelay $0x3  }
0x92: {  	_ =	strace s18  }
0x93: {  	s3 =	sld [smem:$0x3FFC];
	_ =	sdelay $0x3  }
0x94: {  	_ =	strace s3  }
0x95: {  	s3 =	sld [smem:$0x3FFD];
	_ =	sdelay $0x3  }
0x96: {  	_ =	strace s3  }
0x97: {  	_ =	strace $0x8FFFFFFF  }
0x98: {  	s19 =	sld [smem:$0x3FDB];
	_ =	sdelay $0x1  }
0x99: {  	s4 =	simm.s32 $_scs_section_size  }
0x9a: {  	s5 =	simm.s32 $_size__tile_overlayer_lowered;
	s6 =	simm.s32 $_tile_overlayer_lowered  }
0x9b: {  	s22 =	simm.s32 $0x1BFF;
	s21 =	sshll.u32 s6, $0x1;
	s3 =	sadd.s32 s4, s19  }
0x9c: {  	s7 =	simm.s32 $0x0;
	s20 =	sshll.u32 s5, $0x1;
	s5 =	sadd.s32 s21, s3  }
0x9d: {  	[timem:s7], [sflag:s22] =	dma.local [hbm:s5], s20  }
0x9e: {  	_ =	swait.ge [sflag:s22], s20  }
0x9f: {  	s4 =	ssub.s32 $0x0, s20;
	[sflag:s22] =	ssyncset.done $0x0  }
0xa0: {  	[sflag:s22] =	ssyncadd.s32 s4;
	_ =	sdelay $0x1  }
0xa1: {  	s23 =	simm.s32 $0x1B8B  }
0xa2: {  	_ =	swait.ge [sflag:s23], $0x1  }
0xa3: {  	[sflag:s23] =	ssyncset.done $0x0  }
0xa4: {  	s25 =	simm.s32 $0x1B8E;
	s24 =	sld [smem:$0x3FFE];
	[sflag:s23] =	ssyncadd.s32 $0xFFFFFFFF  }
0xa5: {  	s26 =	simm.s32 $execute0_lowered;
	[smem:$0x3FD2] =	sst s25  }
0xa6: {  	s5 =	sshll.u32 s26, $0x1;
	_ =	strace $0x8000004F;
	[dreg:$0x1] =	wrdreg $0xFFFFFFFF  }
0xa7: {  	s28 =	simm.s32 $_size_execute0_lowered;
	s3 =	sadd.s32 s3, s5;
	[dreg:$0x0] =	wrdreg $0x0  }
0xa8: {  	s5 =	sshll.u32 s28, $0x1;
	[dreg:$0x2] =	wrdreg s3  }
0xa9: {  	[dreg:$0x3] =	wrdreg s5  }
0xaa: {  	[dreg:$0x4] =	wrdreg $0xC0  }
0xab: {  	_ =	task [dreg:s7], $0x5FFFF  }
0xac: {  	[dreg:$0x1] =	wrdreg $0xFFFFFFFF  }
0xad: {  	[dreg:$0x0] =	wrdreg $0x60  }
0xae: {  	[dreg:$0x2] =	wrdreg s24  }
0xaf: {  	[dreg:$0x3] =	wrdreg s2  }
0xb0: {  	[dreg:$0x4] =	wrdreg $0x9  }
0xb1: {  	_ =	task.clear_ibuf [dreg:s7], $0x5FFFF;
	_ =	strace $0x9000004F  }
0xb2: {  	s29 =	simm.s32 $0x9;
	_ =	strace $0x80000051  }
0xb3: {  	_ =	swait.ge [sflag:s29], $0x1  }
0xb4: {  	[sflag:s29] =	ssyncadd.s32 $0xFFFFFFFF  }
0xb5: {  	_ =	strace $0x90000051  }
0xb6: {  	_ =	sfence  }
0xb7: {  	s30 =	sld [smem:$0x0];
	_ =	sdelay $0x2  }
0xb8: {  	s31 =	sshll.u32 s1, $0xD;
	s1 =	sshrl.u32 s1, $0x2  }
0xb9: {  	s3 =	sand.u32 $0x4000, s31;
	s1 =	sadd.s32 s1, s30  }
0xba: {  	s0 =	sor.u32 s3, s0;
	s1 =	sshll.u32 s1, $0x11  }
0xbb: {  	s0 =	sor.u32 s1, s0  }
0xbc: {  	s0 =	sadd.s32 $0x8F2B, s0  }
0xbd: {  	[sflag:s0] =	ssyncadd.remote.s32 $0x1  }
0xbe: {  	_ =	sfence.sel $0xFFFF  }
0xbf: {  	[dreg:$0x0] =	wrdreg $0xFFFFFFFF;
	(pc) =	sbr.abs _section_cstart, $3  }
0xc0: {  	[dreg:$0x1] =	wrdreg $0xFFFFFFFF  }
0xc1: {  	_ =	task.clear_ibuf [dreg:s7], $0x2FFFF;
	_ =	strace $0x9FFFFFFF  }
0xc2: {  	(tm) =	ssettm $0x7FFFFFFF  }
0xc3: {  	_ =	shalt  }
tec
execute0_lowered:
.L_overlay_start_1:
0x0: {  	(tag) =	ssettag $0x1  }
0x1: {  	s4 =	rddreg [dreg:$0x0]  }
0x2: {  	s5 =	rddreg [dreg:$0x1]  }
0x3: {  	s0 =	rddreg [dreg:$0x2]  }
0x4: {  	s3 =	srdreg.scid;
	s2 =	simm.s32 $0x0;
	s1 =	stileid.u32  }
0x5: {  	s11 =	simm.s32 $0x80;
	s12 =	simm.s32 $0x200;
	s13 =	simm.s32 $0x4200  }
0x6: {  	s14 =	simm.s32 $0x8200;
	s15 =	simm.s32 $0x180;
	s16 =	simm.s32 $0xC200  }
0x7: {  	s17 =	simm.s32 $0x1;
	s18 =	simm.s32 $0x2;
	s19 =	simm.s32 $0x10200  }
0x8: {  	s20 =	simm.s32 $0x3;
	s21 =	simm.s32 $0x4;
	s22 =	simm.s32 $0x0  }
0x9: {  	s6 =	sand.u32 $0x1, s3;
	[smem:$0x7FF] =	sst s2;
	s7 =	sshll.u32 s1, $0x8  }
0xa: {  	s3 =	sshll.u32 s6, $0xC;
	_ =	strace $0x80000050;
	s6 =	ssub.s32 $0x2, s6  }
0xb: {  	s7 =	sor.u32 s7, s3;
	s3 =	sadd.s32 $0x2000, s4;
	s10 =	sshrl.u32 s6, $0x1  }
0xc: {  	s8 =	sshrl.u32 s7, $0x3;
	s7 =	sshll.u32 s7, $0x4;
	s10 =	ssub.s32 s6, s10  }
0xd: {  	s9 =	sadd.s32 s8, s4;
	s7 =	sadd.s32 s7, s4;
	s5 =	sadd.s32 s5, s8  }
0xe: {  	s8 =	smax.u32 s10, $0x1;
	s10 =	simm.s32 $0x100;
	s4 =	sadd.s32 $0x1C00, s9  }
0xf: {  	s6 =	sadd.s32 $0x2A000, s7;
	s7 =	sadd.s32 $0x2A800, s7;
	s9 =	simm.s32 $0x5  }
.LBB2_1:
0x10: {  	[tilespmem:s2], [sflag:$0x5] =	stream.linear.gather [hbm4b:s4+s2], $0x100, $0x38;
	[tilespmem:$0x14200] =	vst v63  }
0x11: {  	_ =	swait.ge [sflag:s9], $0x100  }
0x12: {  	[sflag:s9] =	ssyncset.done $0x0  }
0x13: {  	[sflag:s9] =	ssyncadd.s32 $0xFFFFFF00  }
0x14: {  	[tilespmem:s10], [sflag:$0x5] =	stream.linear.gather [hbm4b:s5+s2], $0x100, $0x38;
	[tilespmem:$0x14200] =	vst v63  }
0x15: {  	_ =	swait.ge [sflag:s9], $0x100  }
0x16: {  	[sflag:s9] =	ssyncset.done $0x0  }
0x17: {  	[sflag:s9] =	ssyncadd.s32 $0xFFFFFF00  }
0x18: {  	[tilespmem:s12], [sflag:$0x1] =	stream.indirect.gather [hbm4b:s3+s11], $0x80, s2, s11, $0xb8;
	[tilespmem:$0x14200] =	vst v63  }
0x19: {  	_ = 	snop  }
0x1a: {  	[tilespmem:s13], [sflag:$0x2] =	stream.indirect.gather [hbm4b:s3+s11], $0x80, s10, s11, $0xb8;
	[tilespmem:$0x14200] =	vst v63  }
0x1b: {  	_ = 	snop  }
0x1c: {  	[tilespmem:s14], [sflag:$0x3] =	stream.indirect.gather [hbm4b:s3+s11], $0x80, s11, s11, $0xb8;
	[tilespmem:$0x14200] =	vst v63  }
0x1d: {  	_ = 	snop  }
0x1e: {  	[tilespmem:s16], [sflag:$0x4] =	stream.indirect.gather [hbm4b:s3+s11], $0x80, s15, s11, $0xb8;
	[tilespmem:$0x14200] =	vst v63  }
0x1f: {  	_ =	swait.ge [sflag:s17], $0x4000  }
0x20: {  	[sflag:s17] =	ssyncset.done $0x0  }
0x21: {  	[sflag:s17] =	ssyncadd.s32 $0xFFFFC000  }
0x22: {  	_ =	swait.ge [sflag:s18], $0x4000  }
0x23: {  	[sflag:s18] =	ssyncset.done $0x0  }
0x24: {  	s23 =	simm.s32 $0x0;
	[sflag:s18] =	ssyncadd.s32 $0xFFFFC000  }
0x25: {  	v0 =	vld [tilespmem:s23+$0x200]  }
0x26: {  	v1 =	vld [tilespmem:s23+$0x4200]  }
0x27: {  	v2 =	vld [tilespmem:s23+$0x210]  }
0x28: {  	v3 =	vld [tilespmem:s23+$0x4210]  }
0x29: {  	v4 =	vld [tilespmem:s23+$0x220]  }
0x2a: {  	v5 =	vld [tilespmem:s23+$0x4220]  }
0x2b: {  	v6 =	vld [tilespmem:s23+$0x230]  }
0x2c: {  	v7 =	vld [tilespmem:s23+$0x4230]  }
0x2d: {  	v0 =	vmul.f32 v1, v0;
	v1 =	vmul.f32 v3, v2;
	v2 =	vld [tilespmem:s23+$0x240]  }
0x2e: {  	v3 =	vld [tilespmem:s23+$0x4240]  }
0x2f: {  	v8 =	vld [tilespmem:s23+$0x4250];
	v0 =	vadd.f32 v1, v0;
	v1 =	vmul.f32 v5, v4  }
0x30: {  	v5 =	vld [tilespmem:s23+$0x250]  }
0x31: {  	v0 =	vadd.f32 v1, v0;
	v1 =	vmul.f32 v7, v6;
	v6 =	vld [tilespmem:s23+$0x260]  }
0x32: {  	v7 =	vld [tilespmem:s23+$0x4260]  }
0x33: {  	v4 =	vld [tilespmem:s23+$0x4270];
	v2 =	vmul.f32 v3, v2;
	v9 =	vadd.f32 v1, v0  }
0x34: {  	s24 =	simm.s32 $0x80;
	v1 =	vld [tilespmem:s23+$0x270]  }
0x35: {  	v3 =	vld [tilespmem:s24+$0x210];
	v5 =	vmul.f32 v8, v5;
	v9 =	vadd.f32 v2, v9  }
0x36: {  	v0 =	vld [tilespmem:s24+$0x200]  }
0x37: {  	s25 =	simm.s32 $0x400;
	v2 =	vld [tilespmem:s24+$0x4200];
	v6 =	vmul.f32 v7, v6;
	v5 =	vadd.f32 v5, v9  }
.LBB2_2:
0x38: {  	p0 =	sne.s32 s25, $0xFE00;
	v7 =	vld [tilespmem:s24+$0x4210]  }
0x39: {  	v8 =	vld [tilespmem:s24+$0x220];
	v5 =	vadd.f32 v6, v5;
	v1 =	vmul.f32 v4, v1  }
0x3a: {  	v4 =	vld [tilespmem:s24+$0x4220]  }
0x3b: {  	v6 =	vld [tilespmem:s24+$0x230];
	v1 =	vadd.f32 v1, v5  }
0x3c: {  	v5 =	vld [tilespmem:s24+$0x4230]  }
0x3d: {  	v0 =	vmul.f32 v2, v0;
	v2 =	vmul.f32 v7, v3;
	v3 =	vld [tilespmem:s24+$0x240];
	[tilespmem:s23+$0x10200] =	vst v1;
	s23 =	smov.u32 s24  }
0x3e: {  	v1 =	vld [tilespmem:s23+$0x4240]  }
0x3f: {  	v0 =	vadd.f32 v2, v0;
	v2 =	vmul.f32 v4, v8;
	v7 =	vld [tilespmem:s23+$0x250]  }
0x40: {  	v8 =	vld [tilespmem:s23+$0x4250]  }
0x41: {  	v0 =	vadd.f32 v2, v0;
	v2 =	vmul.f32 v5, v6;
	v6 =	vld [tilespmem:s23+$0x260]  }
0x42: {  	v9 =	vld [tilespmem:s23+$0x4260]  }
.Ltmp0:
0x43: {  	v2 =	vadd.f32 v2, v0;
	v3 =	vmul.f32 v1, v3;
	v1 =	vld [tilespmem:s23+$0x270];
	(pc) =	sbr.rel @p0 .LBB2_2-.Ltmp0, $4  }
0x44: {  	s24 =	sshra.s32 s25, $0x2;
	v4 =	vld [tilespmem:s23+$0x4270]  }
0x45: {  	v0 =	vld [tilespmem:s24+$0x200];
	v5 =	vadd.f32 v3, v2;
	v7 =	vmul.f32 v8, v7  }
0x46: {  	v2 =	vld [tilespmem:s24+$0x4200]  }
0x47: {  	s25 =	sadd.s32 $0x200, s25;
	v3 =	vld [tilespmem:s24+$0x210];
	v5 =	vadd.f32 v7, v5;
	v6 =	vmul.f32 v9, v6  }
0x48: {  	v7 =	vld [tilespmem:s24+$0x4210]  }
0x49: {  	v8 =	vld [tilespmem:s24+$0x220];
	v5 =	vadd.f32 v6, v5;
	v1 =	vmul.f32 v4, v1  }
0x4a: {  	v4 =	vld [tilespmem:s24+$0x4220]  }
0x4b: {  	v6 =	vld [tilespmem:s24+$0x230];
	v1 =	vadd.f32 v1, v5  }
0x4c: {  	v5 =	vld [tilespmem:s24+$0x4230]  }
0x4d: {  	v9 =	vld [tilespmem:s24+$0x240];
	v0 =	vmul.f32 v2, v0;
	v2 =	vmul.f32 v7, v3;
	[tilespmem:s23+$0x10200] =	vst v1  }
0x4e: {  	v1 =	vld [tilespmem:s24+$0x4240]  }
0x4f: {  	v3 =	vld [tilespmem:s24+$0x250];
	v0 =	vadd.f32 v2, v0;
	v2 =	vmul.f32 v4, v8  }
0x50: {  	v4 =	vld [tilespmem:s24+$0x4250]  }
0x51: {  	v0 =	vadd.f32 v2, v0;
	v2 =	vmul.f32 v5, v6;
	v5 =	vld [tilespmem:s24+$0x260]  }
0x52: {  	v6 =	vld [tilespmem:s24+$0x4260]  }
0x53: {  	v7 =	vld [tilespmem:s24+$0x4270];
	v0 =	vadd.f32 v2, v0;
	v1 =	vmul.f32 v1, v9  }
0x54: {  	v2 =	vld [tilespmem:s24+$0x270]  }
0x55: {  	v0 =	vadd.f32 v1, v0;
	v1 =	vmul.f32 v4, v3;
	_ =	sdelay $0x1  }
0x56: {  	v0 =	vadd.f32 v1, v0;
	v1 =	vmul.f32 v6, v5;
	_ =	sdelay $0x1  }
0x57: {  	v0 =	vadd.f32 v1, v0;
	v1 =	vmul.f32 v7, v2;
	_ =	sdelay $0x1  }
0x58: {  	v0 =	vadd.f32 v1, v0;
	_ =	sdelay $0x1  }
0x59: {  	s31 =	simm.s32 $0x0;
	[tilespmem:s24+$0x10200] =	vst v0  }
0x5a: {  	[hbm4b:s6+s31] =	stream.linear.scatter [tilespmem:s19], [sflag:$0x5], $0x4000, $0x38;
	[tilespmem:$0x14200] =	vst v63  }
0x5b: {  	_ =	swait.ge [sflag:s9], $0x4000  }
0x5c: {  	[sflag:s9] =	ssyncset.done $0x0  }
0x5d: {  	[sflag:s9] =	ssyncadd.s32 $0xFFFFC000  }
0x5e: {  	_ =	swait.ge [sflag:s20], $0x4000  }
0x5f: {  	[sflag:s20] =	ssyncset.done $0x0  }
0x60: {  	[sflag:s20] =	ssyncadd.s32 $0xFFFFC000  }
0x61: {  	_ =	swait.ge [sflag:s21], $0x4000  }
0x62: {  	[sflag:s21] =	ssyncset.done $0x0  }
0x63: {  	s23 =	simm.s32 $0x0;
	[sflag:s21] =	ssyncadd.s32 $0xFFFFC000  }
0x64: {  	v0 =	vld [tilespmem:s23+$0x8200]  }
0x65: {  	v1 =	vld [tilespmem:s23+$0xC200]  }
0x66: {  	v2 =	vld [tilespmem:s23+$0x8210]  }
0x67: {  	v3 =	vld [tilespmem:s23+$0xC210]  }
0x68: {  	v4 =	vld [tilespmem:s23+$0x8220]  }
0x69: {  	v5 =	vld [tilespmem:s23+$0xC220]  }
0x6a: {  	v6 =	vld [tilespmem:s23+$0x8230]  }
0x6b: {  	v7 =	vld [tilespmem:s23+$0xC230]  }
0x6c: {  	v0 =	vmul.f32 v1, v0;
	v1 =	vmul.f32 v3, v2;
	v2 =	vld [tilespmem:s23+$0x8240]  }
0x6d: {  	v3 =	vld [tilespmem:s23+$0xC240]  }
0x6e: {  	v8 =	vld [tilespmem:s23+$0xC250];
	v0 =	vadd.f32 v1, v0;
	v1 =	vmul.f32 v5, v4  }
0x6f: {  	v5 =	vld [tilespmem:s23+$0x8250]  }
0x70: {  	v0 =	vadd.f32 v1, v0;
	v1 =	vmul.f32 v7, v6;
	v6 =	vld [tilespmem:s23+$0x8260]  }
0x71: {  	v7 =	vld [tilespmem:s23+$0xC260]  }
0x72: {  	v4 =	vld [tilespmem:s23+$0xC270];
	v2 =	vmul.f32 v3, v2;
	v63 =	vadd.f32 v1, v0  }
0x73: {  	s24 =	simm.s32 $0x80;
	v1 =	vld [tilespmem:s23+$0x8270]  }
0x74: {  	v3 =	vld [tilespmem:s24+$0x8210];
	v5 =	vmul.f32 v8, v5;
	v9 =	vadd.f32 v2, v63  }
0x75: {  	v0 =	vld [tilespmem:s24+$0x8200]  }
0x76: {  	s25 =	simm.s32 $0x400;
	v2 =	vld [tilespmem:s24+$0xC200];
	v6 =	vmul.f32 v7, v6;
	v5 =	vadd.f32 v5, v9  }
.LBB2_4:
0x77: {  	p0 =	sne.s32 s25, $0xFE00;
	v7 =	vld [tilespmem:s24+$0xC210]  }
0x78: {  	v8 =	vld [tilespmem:s24+$0x8220];
	v5 =	vadd.f32 v6, v5;
	v1 =	vmul.f32 v4, v1  }
0x79: {  	v4 =	vld [tilespmem:s24+$0xC220]  }
0x7a: {  	v6 =	vld [tilespmem:s24+$0x8230];
	v1 =	vadd.f32 v1, v5  }
0x7b: {  	v5 =	vld [tilespmem:s24+$0xC230]  }
0x7c: {  	v0 =	vmul.f32 v2, v0;
	v2 =	vmul.f32 v7, v3;
	v3 =	vld [tilespmem:s24+$0x8240];
	[tilespmem:s23+$0x10200] =	vst v1;
	s23 =	smov.u32 s24  }
0x7d: {  	v1 =	vld [tilespmem:s23+$0xC240]  }
0x7e: {  	v0 =	vadd.f32 v2, v0;
	v2 =	vmul.f32 v4, v8;
	v7 =	vld [tilespmem:s23+$0x8250]  }
0x7f: {  	v8 =	vld [tilespmem:s23+$0xC250]  }
0x80: {  	v0 =	vadd.f32 v2, v0;
	v2 =	vmul.f32 v5, v6;
	v6 =	vld [tilespmem:s23+$0x8260]  }
0x81: {  	v9 =	vld [tilespmem:s23+$0xC260]  }
.Ltmp1:
0x82: {  	v2 =	vadd.f32 v2, v0;
	v3 =	vmul.f32 v1, v3;
	v1 =	vld [tilespmem:s23+$0x8270];
	(pc) =	sbr.rel @p0 .LBB2_4-.Ltmp1, $4  }
0x83: {  	s24 =	sshra.s32 s25, $0x2;
	v4 =	vld [tilespmem:s23+$0xC270]  }
0x84: {  	v0 =	vld [tilespmem:s24+$0x8200];
	v5 =	vadd.f32 v3, v2;
	v7 =	vmul.f32 v8, v7  }
0x85: {  	v2 =	vld [tilespmem:s24+$0xC200]  }
0x86: {  	s25 =	sadd.s32 $0x200, s25;
	v3 =	vld [tilespmem:s24+$0x8210];
	v5 =	vadd.f32 v7, v5;
	v6 =	vmul.f32 v9, v6  }
0x87: {  	v7 =	vld [tilespmem:s24+$0xC210]  }
0x88: {  	v8 =	vld [tilespmem:s24+$0x8220];
	v5 =	vadd.f32 v6, v5;
	v1 =	vmul.f32 v4, v1  }
0x89: {  	v49 =	vld [tilespmem:s24+$0xC220]  }
0x8a: {  	v50 =	vld [tilespmem:s24+$0x8230];
	v1 =	vadd.f32 v1, v5  }
0x8b: {  	v51 =	vld [tilespmem:s24+$0xC230]  }
0x8c: {  	v9 =	vld [tilespmem:s24+$0x8240];
	v0 =	vmul.f32 v2, v0;
	v52 =	vmul.f32 v7, v3;
	[tilespmem:s23+$0x10200] =	vst v1  }
0x8d: {  	v1 =	vld [tilespmem:s24+$0xC240]  }
0x8e: {  	v53 =	vmul.f32 v49, v8;
	v54 =	vld [tilespmem:s24+$0x8250];
	v0 =	vadd.f32 v52, v0  }
0x8f: {  	v55 =	vld [tilespmem:s24+$0xC250]  }
0x90: {  	v56 =	vmul.f32 v51, v50;
	v57 =	vld [tilespmem:s24+$0x8260];
	v0 =	vadd.f32 v53, v0  }
0x91: {  	v58 =	vld [tilespmem:s24+$0xC260]  }
0x92: {  	v59 =	vld [tilespmem:s24+$0x8270];
	v0 =	vadd.f32 v56, v0;
	v1 =	vmul.f32 v1, v9  }
0x93: {  	v60 =	vld [tilespmem:s24+$0xC270]  }
0x94: {  	v61 =	vmul.f32 v55, v54;
	v0 =	vadd.f32 v1, v0;
	_ =	sdelay $0x1  }
0x95: {  	v62 =	vmul.f32 v58, v57;
	v0 =	vadd.f32 v61, v0;
	_ =	sdelay $0x1  }
0x96: {  	v63 =	vmul.f32 v60, v59;
	v0 =	vadd.f32 v62, v0;
	_ =	sdelay $0x1  }
0x97: {  	s22 =	sadd.s32 $0x1, s22;
	v0 =	vadd.f32 v63, v0  }
0x98: {  	p0 =	sne.s32 s22, s8  }
.Ltmp2:
0x99: {  	[tilespmem:s24+$0x10200] =	vst v0;
	(pc) =	sbr.rel @p0 .LBB2_1-.Ltmp2, $4  }
0x9a: {  	[hbm4b:s7+s2] =	stream.linear.scatter [tilespmem:s19], [sflag:$0x5], $0x4000, $0x38;
	[tilespmem:$0x14200] =	vst v63  }
0x9b: {  	_ =	swait.ge [sflag:s9], $0x4000  }
0x9c: {  	[sflag:s9] =	ssyncset.done $0x0  }
0x9d: {  	[sflag:s9] =	ssyncadd.s32 $0xFFFFC000  }
0x9e: {  	_ =	sfence.sel $0x180000  }
0x9f: {  	[bflag:$0x0] =	sbarrier.arrive $0xFFFF  }
0xa0: {  	p0 =	sne.s32 s1, $0x0;
	_ =	strace $0x90000050  }
0xa1: {  	s0 =	sadd.s32 @!p0 $0x100000, s0;
	[bflag:$0x2] =	sbarrier.arrive $0xFFFF  }
0xa2: {  	[sflag:s0] =	ssyncadd.tile.s32 @!p0 $0x1;
	_ =	shalt  }
.Lfunc_end2:
_tile_overlayer_lowered:
.L_overlay_start_2:
0xa3: {  	(tag) =	ssettag $0x2  }
0xa4: {  	s0 =	rddreg [dreg:$0x0];
	s2 =	stileid.u32  }
0xa5: {  	s1 =	rddreg [dreg:$0x1];
	p0 =	sne.s32 s2, $0x0  }
0xa6: {  	s3 =	rddreg [dreg:$0x2];
	[bflag:$0x3] =	sbarrier.arrive $0xFFFF;
	s2 =	simm.s32 @!p0 $0x1C05  }
0xa7: {  	[timem:s3], [sflag:s2] =	dma.local @!p0 [hbm:s0], s1  }
0xa8: {  	s0 =	simm.s32 @!p0 $0x5  }
0xa9: {  	_ =	swait.ge @!p0 [sflag:s0], s1  }
0xaa: {  	s1 =	ssub.s32 @!p0 $0x0, s1;
	[sflag:s0] =	ssyncset.done @!p0 $0x0  }
0xab: {  	[sflag:s0] =	ssyncadd.s32 @!p0 s1  }
0xac: {  	[bflag:$0x3] =	sbarrier.arrive $0xFFFF  }
0xad: {  	_ =	shalt  }

</sc_bundles>
